<compile_context>
chip_gen: v7x
topology: tpu7x:2x2x1
jax: 0.10.2.dev20260603
libtpu: 0.0.44.dev20260713+nightly
codegen_flags: <defaults>
</compile_context>

<pallas_src>
import functools

import jax
import jax.numpy as jnp
from jax import lax
from jax.experimental import pallas as pl
from jax.experimental.pallas import tpu as pltpu
from jax.experimental.pallas import tpu_sc as plsc

N = 20000
ROWS = 64
NC, NS = 2, 16
NW = NC * NS
RPW = ROWS // NW
NCHUNK = N // 16
OFF = 16
CMAX = N // 2
PADC = 16
KMAX = 2048
DIST = 10

BIG = 1_000_000
HEIGHT_F = 0.1
PROM_F = 0.05
KEY_HEIGHT = 0x3DCCCCCD
INF_BITS = 0x7F800000


def _key(b):
    return b ^ (lax.shift_right_arithmetic(b, 31) & 0x7FFFFFFF)


def _worker_id():
    return lax.axis_index("s") * NC + lax.axis_index("c")


def _ld(ref, i):
    return ref[pl.ds(i, 16)][0]


def _st(ref, i, val):
    lane = lax.iota(jnp.int32, 16)
    plsc.store_scatter(ref, [jnp.broadcast_to(i, (16,))],
                       jnp.broadcast_to(val, (16,)), mask=lane == 0)


NCH64 = (OFF + N + 16) // 64


def _peak_body(x_hbm, out_hbm, keyv, outv, posv, valv, stv,
               kposv, kvv, cmaxv, cminv):
    wid = _worker_id()

    def row_fn(r, _):
        row = wid * RPW + r
        pltpu.sync_copy(x_hbm.at[row], outv)
        keyv[pl.ds(0, 16)] = jnp.full((16,), INF_BITS, jnp.int32)
        keyv[pl.ds(OFF + N, 16)] = jnp.full((16,), INF_BITS, jnp.int32)

        def mm(k, acc):
            mn, mx = acc
            c = outv[pl.ds(k * 16, 16)]
            return jnp.minimum(mn, c), jnp.maximum(mx, c)
        mn16, mx16 = lax.fori_loop(
            0, NCHUNK, mm,
            (jnp.full((16,), jnp.inf, jnp.float32),
             jnp.full((16,), -jnp.inf, jnp.float32)), unroll=4)
        mnv = jnp.broadcast_to(jnp.min(mn16), (16,))
        mxv = jnp.broadcast_to(jnp.max(mx16), (16,))
        dnv = mxv - mnv + jnp.float32(1e-5)

        def nrm(k, _):
            c = outv[pl.ds(k * 16, 16)]
            xnc = (c - mnv) / dnv
            keyv[pl.ds(OFF + k * 16, 16)] = plsc.bitcast(xnc, jnp.int32)
            return 0
        lax.fori_loop(0, NCHUNK, nrm, 0, unroll=4)

        def cand(k, carry):
            cnt, eq = carry
            base = k * 16
            cc = plsc.bitcast(keyv[pl.ds(OFF + base, 16)], jnp.float32)
            ll = plsc.bitcast(keyv[pl.ds(OFF + base - 1, 16)], jnp.float32)
            rr = plsc.bitcast(keyv[pl.ds(OFF + base + 1, 16)], jnp.float32)
            m = (ll < cc) & (rr < cc) & (cc >= HEIGHT_F)
            eq = eq | jnp.int32(jnp.any(cc == rr))
            mi = m.astype(jnp.int32)
            s = jnp.cumsum(mi)
            idx = PADC + cnt + s - 1
            posvec = base + lax.iota(jnp.int32, 16)
            plsc.store_scatter(posv, [idx], posvec, mask=m)
            plsc.store_scatter(valv, [idx],
                               _key(plsc.bitcast(cc, jnp.int32)), mask=m)
            outv[pl.ds(base, 16)] = jnp.zeros((16,), jnp.float32)
            return cnt + jnp.sum(mi), eq
        cnt0, eqany = lax.fori_loop(0, NCHUNK, cand,
                                    (jnp.int32(0), jnp.int32(0)), unroll=4)

        def summ(ch, _):
            b = ch * 64
            vs = []
            for i in range(4):
                v = _key(keyv[pl.ds(b + 16 * i, 16)])
                keyv[pl.ds(b + 16 * i, 16)] = v
                vs.append(v)
            hi = jnp.maximum(jnp.maximum(vs[0], vs[1]),
                             jnp.maximum(vs[2], vs[3]))
            lo = jnp.minimum(jnp.minimum(vs[0], vs[1]),
                             jnp.minimum(vs[2], vs[3]))
            _st(cmaxv, ch, jnp.max(hi))
            _st(cminv, ch, jnp.min(lo))
            return 0
        lax.fori_loop(0, NCH64, summ, 0, unroll=2)

        def rescan():
            def outer_cond(s):
                return s[0] < N - 1
            def outer(s):
                i, cnt = s
                ci = _ld(keyv, OFF + i)
                li = _ld(keyv, OFF + i - 1)
                def rising(cnt):
                    def pcond(t):
                        return t[1] == 0
                    def pbody(t):
                        ia, _ = t
                        ka = _ld(keyv, OFF + ia)
                        stop = (ia >= N - 1) | (ka != ci)
                        return jnp.where(stop, ia, ia + 1), stop.astype(jnp.int32)
                    ia, _ = lax.while_loop(pcond, pbody,
                                           (i + 1, jnp.int32(0)))
                    va = _ld(keyv, OFF + ia)
                    is_peak = va < ci
                    store_it = is_peak & (ci >= KEY_HEIGHT)
                    mid = lax.shift_right_arithmetic(i + ia - 1, 1)
                    @pl.when(store_it)
                    def _():
                        _st(posv, PADC + cnt, mid)
                        _st(valv, PADC + cnt, ci)
                    return (jnp.where(is_peak, ia, i) + 1,
                            cnt + store_it.astype(jnp.int32))
                def flat(cnt):
                    return i + 1, cnt
                i2, cnt2 = lax.cond(li < ci, rising, flat, cnt)
                return i2, cnt2
            _, cntr = lax.while_loop(outer_cond, outer,
                                     (jnp.int32(1), jnp.int32(0)))
            return cntr
        cnt = lax.cond(eqany != 0, rescan, lambda: cnt0)

        posv[pl.ds(0, 16)] = jnp.full((16,), -BIG, jnp.int32)
        stv[pl.ds(0, 16)] = jnp.full((16,), jnp.int32(2), jnp.int32)
        nchc = lax.shift_right_arithmetic(cnt + 15, 4)
        def zst(k, _):
            stv[pl.ds(PADC + k * 16, 16)] = jnp.zeros((16,), jnp.int32)
            return 0
        lax.fori_loop(0, nchc, zst, 0)
        for extra in (0, 16):
            posv[pl.ds(PADC + cnt + extra, 16)] = jnp.full((16,), BIG, jnp.int32)
            stv[pl.ds(PADC + cnt + extra, 16)] = jnp.full((16,), jnp.int32(2), jnp.int32)

        def nms_pass(_):
            def chunk(k, changed):
                base = PADC + k * 16
                si = stv[pl.ds(base, 16)]
                return lax.cond(jnp.any(si == 0), _work, lambda c, *_: c,
                                changed, base, si)
            def _work(changed, base, si):
                pi = posv[pl.ds(base, 16)]
                vi = valv[pl.ds(base, 16)]
                dom = jnp.zeros((16,), jnp.bool_)
                kn = jnp.zeros((16,), jnp.bool_)
                for d in (1, 2, 3, 4):
                    pL = posv[pl.ds(base - d, 16)]
                    vL = valv[pl.ds(base - d, 16)]
                    sL = stv[pl.ds(base - d, 16)]
                    nearL = (pi - pL) < DIST
                    dom = dom | (nearL & (sL != 2) & (vL > vi))
                    kn = kn | (nearL & (sL == 1))
                    pR = posv[pl.ds(base + d, 16)]
                    vR = valv[pl.ds(base + d, 16)]
                    sR = stv[pl.ds(base + d, 16)]
                    nearR = (pR - pi) < DIST
                    dom = dom | (nearR & (sR != 2) & (vR >= vi))
                    kn = kn | (nearR & (sR == 1))
                und = si == 0
                snew = jnp.where(und & kn, jnp.int32(2),
                                 jnp.where(und & (~dom), jnp.int32(1), si))
                stv[pl.ds(base, 16)] = snew
                return changed | jnp.int32(jnp.any(snew != si))
            return lax.fori_loop(0, nchc, chunk, jnp.int32(0))
        lax.while_loop(lambda ch: ch != 0, nms_pass, jnp.int32(1))

        def keptc(k, nk):
            base = PADC + k * 16
            m = stv[pl.ds(base, 16)] == 1
            mi = m.astype(jnp.int32)
            idx = nk + jnp.cumsum(mi) - 1
            plsc.store_scatter(kposv, [idx], posv[pl.ds(base, 16)], mask=m)
            plsc.store_scatter(kvv, [idx], valv[pl.ds(base, 16)], mask=m)
            return nk + jnp.sum(mi)
        nk = lax.fori_loop(0, nchc, keptc, jnp.int32(0))

        def prom_batch(b, _):
            lane = lax.iota(jnp.int32, 16)
            valid = (b * 16 + lane) < nk
            p = kposv[pl.ds(b * 16, 16)]
            vk = kvv[pl.ds(b * 16, 16)]

            def side(left):
                J0 = OFF + p
                cs = lax.shift_right_arithmetic(J0, 6) * 64
                cedge = cs if left else cs + 63
                mstate = (J0, vk, jnp.zeros((16,), jnp.bool_))

                def acond(s):
                    J, m, stopped = s
                    inch = (J >= cedge) if left else (J <= cedge)
                    return jnp.any(valid & (~stopped) & inch)
                def abody(s):
                    J, m, stopped = s
                    step = -1 if left else 1
                    for _ in range(4):
                        inch = (J >= cedge) if left else (J <= cedge)
                        act = valid & (~stopped) & inch
                        kj = plsc.load_gather(keyv, [J], mask=act)
                        stp = kj > vk
                        m = jnp.where(act & (~stp), jnp.minimum(m, kj), m)
                        stopped = stopped | (act & stp)
                        J = jnp.where(act & (~stp), J + step, J)
                    return J, m, stopped
                J, m, stopped = lax.while_loop(acond, abody, mstate)

                ch0 = lax.shift_right_arithmetic(J, 6)
                bdone = jnp.zeros((16,), jnp.bool_)
                def bcond(s):
                    ch, m, bd = s
                    return jnp.any(valid & (~stopped) & (~bd))
                def bbody(s):
                    ch, m, bd = s
                    step = -1 if left else 1
                    for _ in range(2):
                        act = valid & (~stopped) & (~bd)
                        cm = plsc.load_gather(cmaxv, [ch], mask=act)
                        cn = plsc.load_gather(cminv, [ch], mask=act)
                        ok = cm <= vk
                        m = jnp.where(act & ok, jnp.minimum(m, cn), m)
                        ch = jnp.where(act & ok, ch + step, ch)
                        bd = bd | (act & (~ok))
                    return ch, m, bd
                ch, m, _ = lax.while_loop(bcond, bbody, (ch0, m, bdone))

                Jc = ch * 64 + (63 if left else 0)
                def ccond(s):
                    J, m, act = s
                    return jnp.any(act)
                def cbody(s):
                    J, m, act = s
                    step = -1 if left else 1
                    for _ in range(4):
                        kj = plsc.load_gather(keyv, [J], mask=act)
                        stp = kj > vk
                        m = jnp.where(act & (~stp), jnp.minimum(m, kj), m)
                        J = jnp.where(act & (~stp), J + step, J)
                        act = act & (~stp)
                    return J, m, act
                _, m, _ = lax.while_loop(
                    ccond, cbody, (Jc, m, valid & (~stopped)))
                return m

            lmk = side(True)
            rmk = side(False)
            v = plsc.bitcast(_key(vk), jnp.float32)
            lm = plsc.bitcast(_key(lmk), jnp.float32)
            rm = plsc.bitcast(_key(rmk), jnp.float32)
            ok = valid & ((v - jnp.maximum(lm, rm)) >= PROM_F)
            plsc.store_scatter(outv, [p],
                               jnp.full((16,), 1.0, jnp.float32), mask=ok)
            return 0
        nbat = lax.shift_right_arithmetic(nk + 15, 4)
        lax.fori_loop(0, nbat, prom_batch, 0)

        pltpu.sync_copy(outv, out_hbm.at[row])
        return 0

    lax.fori_loop(0, RPW, row_fn, 0)


_mesh = plsc.VectorSubcoreMesh(core_axis_name="c", subcore_axis_name="s",
                               num_cores=NC, num_subcores=NS)

_peaks = pl.kernel(
    _peak_body,
    out_type=jax.ShapeDtypeStruct((ROWS, N), jnp.float32),
    mesh=_mesh,
    compiler_params=pltpu.CompilerParams(needs_layout_passes=False),
    scratch_types=[
        pltpu.VMEM((OFF + N + 16,), jnp.int32),
        pltpu.VMEM((N,), jnp.float32),
        pltpu.VMEM((PADC + CMAX + 32,), jnp.int32),
        pltpu.VMEM((PADC + CMAX + 32,), jnp.int32),
        pltpu.VMEM((PADC + CMAX + 32,), jnp.int32),
        pltpu.VMEM((KMAX,), jnp.int32),
        pltpu.VMEM((KMAX,), jnp.int32),
        pltpu.VMEM((320,), jnp.int32),
        pltpu.VMEM((320,), jnp.int32),
    ],
)


@jax.jit
def kernel(x, dummy):
    del dummy
    return _peaks(x)

# --- scband reference (transcript-rebuilt; emitter-appended) ---
"""Pipeline reference for scband-peak-detector-8263517077714 (READ-ONLY COPY).

The authoritative reference and input builder live on the scoring server;
editing this copy changes nothing except your own understanding.
"""

import jax, jax.numpy as jnp
import numpy as np
import math

HEIGHT = 0.1
DISTANCE = 10
PROMINENCE = 0.05


def _local_maxima_1d(x):
    # faithful port of scipy.signal._peak_finding_utils._local_maxima_1d
    midpoints = []
    i = 1
    i_max = x.shape[0] - 1
    while i < i_max:
        if x[i - 1] < x[i]:
            i_ahead = i + 1
            while i_ahead < i_max and x[i_ahead] == x[i]:
                i_ahead += 1
            if x[i_ahead] < x[i]:
                left_edge = i
                right_edge = i_ahead - 1
                midpoints.append((left_edge + right_edge) // 2)
                i = i_ahead
        i += 1
    return np.asarray(midpoints, dtype=np.int64)


def _select_by_peak_distance(peaks, priority, distance):
    peaks_size = peaks.shape[0]
    distance_ = math.ceil(distance)
    keep = np.ones(peaks_size, dtype=bool)
    priority_to_position = np.argsort(priority, kind='stable')
    for i in range(peaks_size - 1, -1, -1):
        j = priority_to_position[i]
        if not keep[j]:
            continue
        k = j - 1
        while 0 <= k and peaks[j] - peaks[k] < distance_:
            keep[k] = False
            k -= 1
        k = j + 1
        while k < peaks_size and peaks[k] - peaks[j] < distance_:
            keep[k] = False
            k += 1
    return keep


def _peak_prominences(x, peaks):
    # faithful port of scipy _peak_prominences with wlen disabled
    prominences = np.empty(peaks.shape[0], dtype=np.float64)
    n = x.shape[0]
    for pn in range(peaks.shape[0]):
        peak = int(peaks[pn])
        i_min = 0
        i_max = n - 1
        left_min = x[peak]
        i = peak
        while i_min <= i and x[i] <= x[peak]:
            if x[i] < left_min:
                left_min = x[i]
            i -= 1
        right_min = x[peak]
        i = peak
        while i <= i_max and x[i] <= x[peak]:
            if x[i] < right_min:
                right_min = x[i]
            i += 1
        prominences[pn] = x[peak] - max(left_min, right_min)
    return prominences


def find_peaks_np(x, height, distance, prominence):
    peaks = _local_maxima_1d(x)
    if peaks.size:
        keep = x[peaks] >= height
        peaks = peaks[keep]
    if peaks.size:
        keep = _select_by_peak_distance(peaks, x[peaks], distance)
        peaks = peaks[keep]
    if peaks.size:
        prom = _peak_prominences(x, peaks)
        keep = prom >= prominence
        peaks = peaks[keep]
    return peaks


def _chain_min(xr):
    n = xr.shape[0]

    def step(carry, p):
        pg, lmin = carry
        xp = xr[p]

        def cond_fun(state):
            cand, m = state
            return (cand >= 0) & (xr[cand] <= xp)

        def body_fun(state):
            cand, m = state
            return pg[cand], jnp.minimum(m, lmin[cand])

        cand, m = jax.lax.while_loop(cond_fun, body_fun, (p - 1, xp))
        return (pg.at[p].set(cand), lmin.at[p].set(m)), None

    pg0 = jnp.full((n,), -1, dtype=jnp.int32)
    lmin0 = jnp.zeros((n,), dtype=xr.dtype)
    (pg, lmin), _ = jax.lax.scan(step, (pg0, lmin0), jnp.arange(n, dtype=jnp.int32))
    return lmin


def _find_peaks_row(xr):
    n = xr.shape[0]
    pos = jnp.arange(n)
    change = xr[1:] != xr[:-1]
    cpos = jnp.where(change, jnp.arange(1, n), n)
    nd = jnp.concatenate([jnp.flip(jax.lax.cummin(jnp.flip(cpos))),
                          jnp.full((1,), n, dtype=cpos.dtype)])
    i_ahead = jnp.minimum(nd, n - 1)
    left_ok = jnp.concatenate([jnp.zeros((1,), dtype=bool), xr[:-1] < xr[1:]])
    cond = (pos >= 1) & (pos <= n - 2) & left_ok & (xr[i_ahead] < xr)
    mid = (pos + i_ahead - 1) // 2
    cand = jnp.zeros((n,), dtype=jnp.int32).at[mid].add(cond.astype(jnp.int32)) > 0
    cand = cand & (xr >= HEIGHT)
    distance_ = math.ceil(DISTANCE)
    w = 2 * distance_ - 1
    order = jnp.argsort(jnp.where(cand, xr, -jnp.inf), stable=True)
    center = jnp.arange(w) == distance_ - 1
    keep_p = jnp.zeros((n + w - 1,), dtype=bool)
    keep_p = keep_p.at[distance_ - 1:distance_ - 1 + n].set(cand)

    def body(t, kp):
        j = order[n - 1 - t]
        active = kp[j + distance_ - 1]
        win = jax.lax.dynamic_slice(kp, (j,), (w,))
        kp_new = jax.lax.dynamic_update_slice(kp, win & center, (j,))
        return jnp.where(active, kp_new, kp)

    keep_p = jax.lax.fori_loop(0, n // 2, body, keep_p)
    keep = keep_p[distance_ - 1:distance_ - 1 + n]
    lmin = _chain_min(xr)
    rmin = jnp.flip(_chain_min(jnp.flip(xr)))
    prom = xr - jnp.maximum(lmin, rmin)
    return keep & (prom >= PROMINENCE)


def setup_inputs(seed: int = 0):
    key = jax.random.key(seed)
    x = jax.random.normal(key, (64, 20000), dtype=jnp.float32)
    dummy = jnp.zeros((1,), dtype=jnp.float32)
    return {"x": x, "dummy": dummy}


def reference(x, dummy):
    x_min = jnp.min(x, axis=-1, keepdims=True)
    x_max = jnp.max(x, axis=-1, keepdims=True)
    x_normalized = (x - x_min) / (x_max - x_min + 1e-05)
    xn = x_normalized.astype(jnp.float64)
    # mirrors the torch module: spectrum detached to CPU, scipy-style find_peaks,
    # results scattered as constant 1.0 into a zeros tensor
    keep = jax.vmap(_find_peaks_row)(xn)
    return keep.astype(jnp.float32) + 0.0 * dummy[0]

if __name__ == "__main__":
    import jax
    _d = setup_inputs()
    print(jax.jit(kernel)(*tuple(_d.values())))

</pallas_src>

<mosaic_0001>
#map = affine_map<(d0, d1) -> (0, 0)>
module attributes {stable_mosaic.version = 14 : i64} {
  func.func @_peak_body(%arg0: i32, %arg1: i32, %arg2: memref<64x20000xf32, #tpu.memory_space<hbm>>, %arg3: memref<64x20000xf32, #tpu.memory_space<hbm>>, %arg4: memref<20032xi32, #tpu.memory_space<vmem>>, %arg5: memref<20000xf32, #tpu.memory_space<vmem>>, %arg6: memref<10048xi32, #tpu.memory_space<vmem>>, %arg7: memref<10048xi32, #tpu.memory_space<vmem>>, %arg8: memref<10048xi32, #tpu.memory_space<vmem>>, %arg9: memref<2048xi32, #tpu.memory_space<vmem>>, %arg10: memref<2048xi32, #tpu.memory_space<vmem>>, %arg11: memref<320xi32, #tpu.memory_space<vmem>>, %arg12: memref<320xi32, #tpu.memory_space<vmem>>) attributes {dimension_semantics = [#tpu.dimension_semantics<core_parallel>, #tpu.dimension_semantics<subcore_parallel>], iteration_bounds = array<i64: 2, 16>, scalar_prefetch = 0 : i64, scratch_operands = 9 : i64, tpu.core_type = #tpu.core_type<sc_vector_subcore>, window_params = [{transform_indices = #map}, {transform_indices = #map}]} {
    %mul3A = arith.constant 2 : i32
    %mul3A_0 = arith.muli %arg1, %mul3A : i32
    %add3A = arith.addi %mul3A_0, %arg0 : i32
    %scan3A = arith.constant 0 : i32
    %scan3A_1 = arith.constant 0 : i32
    %scan3A_2 = arith.constant 2 : i32
    %scan3A_3 = arith.addi %scan3A_1, %scan3A_2 : i32
    %scan3A_4 = arith.constant 1 : i32
    %scan3A_5 = scf.for %scan3A_7 = %scan3A_1 to %scan3A_3 step %scan3A_4 iter_args(%scan3A_8 = %scan3A) -> (i32)  : i32 {
      %mul3A_9 = arith.constant 2 : i32
      %mul3A_10 = arith.muli %add3A, %mul3A_9 : i32
      %add3A_11 = arith.addi %mul3A_10, %scan3A_7 : i32
      "tpu.region"() ({
        %run_scoped3A = tpu.sem_alloc : memref<!tpu.dma_semaphore, #tpu.memory_space<semaphore_mem>>
        %dma_start3A = arith.constant 0 : i32
        %dma_start3A_431 = tpu.memref_slice %arg2[%add3A_11, %dma_start3A] : memref<64x20000xf32, #tpu.memory_space<hbm>> -> memref<1x20000xf32, #tpu.memory_space<hbm>>
        %dma_start3A_432 = tpu.memref_squeeze %dma_start3A_431 : memref<1x20000xf32, #tpu.memory_space<hbm>> -> memref<20000xf32, #tpu.memory_space<hbm>>
        %dma_start3A_433 = arith.constant 0 : i32
        %dma_start3A_434 = tpu.memref_slice %arg2[%add3A_11, %dma_start3A_433] : memref<64x20000xf32, #tpu.memory_space<hbm>> -> memref<1x20000xf32, #tpu.memory_space<hbm>>
        %dma_start3A_435 = tpu.memref_squeeze %dma_start3A_434 : memref<1x20000xf32, #tpu.memory_space<hbm>> -> memref<20000xf32, #tpu.memory_space<hbm>>
        tpu.enqueue_dma source(%dma_start3A_435 : memref<20000xf32, #tpu.memory_space<hbm>>) target(%arg5 : memref<20000xf32, #tpu.memory_space<vmem>>) target_semaphore(%run_scoped3A : memref<!tpu.dma_semaphore, #tpu.memory_space<semaphore_mem>>)
        %dma_wait3A = arith.constant 0 : i32
        %dma_wait3A_436 = tpu.memref_slice %arg2[%add3A_11, %dma_wait3A] : memref<64x20000xf32, #tpu.memory_space<hbm>> -> memref<1x20000xf32, #tpu.memory_space<hbm>>
        %dma_wait3A_437 = tpu.memref_squeeze %dma_wait3A_436 : memref<1x20000xf32, #tpu.memory_space<hbm>> -> memref<20000xf32, #tpu.memory_space<hbm>>
        %dma_wait3A_438 = arith.constant 0 : i32
        %dma_wait3A_439 = tpu.memref_slice %arg2[%add3A_11, %dma_wait3A_438] : memref<64x20000xf32, #tpu.memory_space<hbm>> -> memref<1x20000xf32, #tpu.memory_space<hbm>>
        %dma_wait3A_440 = tpu.memref_squeeze %dma_wait3A_439 : memref<1x20000xf32, #tpu.memory_space<hbm>> -> memref<20000xf32, #tpu.memory_space<hbm>>
        tpu.wait_dma2 semaphore(%run_scoped3A : memref<!tpu.dma_semaphore, #tpu.memory_space<semaphore_mem>>) src(%dma_wait3A_440 : memref<20000xf32, #tpu.memory_space<hbm>>) dst(%arg5 : memref<20000xf32, #tpu.memory_space<vmem>>)
        tpu.yield
      }) : () -> ()
      %broadcast_in_dim3A = arith.constant 2139095040 : i32
      %broadcast_in_dim3A_12 = vector.broadcast %broadcast_in_dim3A : i32 to vector<16xi32>
      %swap3A = arith.constant 0 : index
      %swap3A_13 = tpu.vector_load %arg4[%swap3A] {strides = array<i32>} : memref<20032xi32, #tpu.memory_space<vmem>>, vector<16xi32>,
      tpu.vector_store %arg4[%swap3A], %broadcast_in_dim3A_12 {strides = array<i32>} : memref<20032xi32, #tpu.memory_space<vmem>>, vector<16xi32>,
      %broadcast_in_dim3A_14 = arith.constant 2139095040 : i32
      %broadcast_in_dim3A_15 = vector.broadcast %broadcast_in_dim3A_14 : i32 to vector<16xi32>
      %swap3A_16 = arith.constant 20016 : index
      %swap3A_17 = tpu.vector_load %arg4[%swap3A_16] {strides = array<i32>} : memref<20032xi32, #tpu.memory_space<vmem>>, vector<16xi32>,
      tpu.vector_store %arg4[%swap3A_16], %broadcast_in_dim3A_15 {strides = array<i32>} : memref<20032xi32, #tpu.memory_space<vmem>>, vector<16xi32>,
      %broadcast_in_dim3A_18 = arith.constant 0x7F800000 : f32
      %broadcast_in_dim3A_19 = vector.broadcast %broadcast_in_dim3A_18 : f32 to vector<16xf32>
      %broadcast_in_dim3A_20 = arith.constant 0xFF800000 : f32
      %broadcast_in_dim3A_21 = vector.broadcast %broadcast_in_dim3A_20 : f32 to vector<16xf32>
      %scan3A_22 = arith.constant 0 : i32
      %scan3A_23 = arith.constant 1248 : i32
      %scan3A_24 = arith.addi %scan3A_22, %scan3A_23 : i32
      %scan3A_25 = arith.constant 4 : i32
      %scan3A_26:2 = scf.for %scan3A_431 = %scan3A_22 to %scan3A_24 step %scan3A_25 iter_args(%scan3A_432 = %broadcast_in_dim3A_19, %scan3A_433 = %broadcast_in_dim3A_21) -> (vector<16xf32>, vector<16xf32>)  : i32 {
        %mul3A_434 = arith.constant 16 : i32
        %mul3A_435 = arith.muli %scan3A_431, %mul3A_434 : i32
        %get3A_436 = arith.index_cast %mul3A_435 : i32 to index
        %get3A_437 = tpu.vector_load %arg5[%get3A_436] {strides = array<i32>} : memref<20000xf32, #tpu.memory_space<vmem>>, vector<16xf32>,
        %min3A_438 = arith.minimumf %scan3A_432, %get3A_437 : vector<16xf32>
        %max3A_439 = arith.maximumf %scan3A_433, %get3A_437 : vector<16xf32>
        %scan3A_440 = arith.constant 1 : i32
        %scan3A_441 = arith.addi %scan3A_431, %scan3A_440 : i32
        %mul3A_442 = arith.constant 16 : i32
        %mul3A_443 = arith.muli %scan3A_441, %mul3A_442 : i32
        %get3A_444 = arith.index_cast %mul3A_443 : i32 to index
        %get3A_445 = tpu.vector_load %arg5[%get3A_444] {strides = array<i32>} : memref<20000xf32, #tpu.memory_space<vmem>>, vector<16xf32>,
        %min3A_446 = arith.minimumf %min3A_438, %get3A_445 : vector<16xf32>
        %max3A_447 = arith.maximumf %max3A_439, %get3A_445 : vector<16xf32>
        %scan3A_448 = arith.constant 2 : i32
        %scan3A_449 = arith.addi %scan3A_431, %scan3A_448 : i32
        %mul3A_450 = arith.constant 16 : i32
        %mul3A_451 = arith.muli %scan3A_449, %mul3A_450 : i32
        %get3A_452 = arith.index_cast %mul3A_451 : i32 to index
        %get3A_453 = tpu.vector_load %arg5[%get3A_452] {strides = array<i32>} : memref<20000xf32, #tpu.memory_space<vmem>>, vector<16xf32>,
        %min3A_454 = arith.minimumf %min3A_446, %get3A_453 : vector<16xf32>
        %max3A_455 = arith.maximumf %max3A_447, %get3A_453 : vector<16xf32>
        %scan3A_456 = arith.constant 3 : i32
        %scan3A_457 = arith.addi %scan3A_431, %scan3A_456 : i32
        %mul3A_458 = arith.constant 16 : i32
        %mul3A_459 = arith.muli %scan3A_457, %mul3A_458 : i32
        %get3A_460 = arith.index_cast %mul3A_459 : i32 to index
        %get3A_461 = tpu.vector_load %arg5[%get3A_460] {strides = array<i32>} : memref<20000xf32, #tpu.memory_space<vmem>>, vector<16xf32>,
        %min3A_462 = arith.minimumf %min3A_454, %get3A_461 : vector<16xf32>
        %max3A_463 = arith.maximumf %max3A_455, %get3A_461 : vector<16xf32>
        scf.yield %min3A_462, %max3A_463 : vector<16xf32>, vector<16xf32>
      }
      %scan3A_27 = arith.constant 1248 : i32
      %scan3A_28 = arith.addi %scan3A_22, %scan3A_27 : i32
      %mul3A_29 = arith.constant 16 : i32
      %mul3A_30 = arith.muli %scan3A_28, %mul3A_29 : i32
      %get3A = arith.index_cast %mul3A_30 : i32 to index
      %get3A_31 = tpu.vector_load %arg5[%get3A] {strides = array<i32>} : memref<20000xf32, #tpu.memory_space<vmem>>, vector<16xf32>,
      %min3A = arith.minimumf %scan3A_26#0, %get3A_31 : vector<16xf32>
      %max3A = arith.maximumf %scan3A_26#1, %get3A_31 : vector<16xf32>
      %scan3A_32 = arith.constant 1249 : i32
      %scan3A_33 = arith.addi %scan3A_22, %scan3A_32 : i32
      %mul3A_34 = arith.constant 16 : i32
      %mul3A_35 = arith.muli %scan3A_33, %mul3A_34 : i32
      %get3A_36 = arith.index_cast %mul3A_35 : i32 to index
      %get3A_37 = tpu.vector_load %arg5[%get3A_36] {strides = array<i32>} : memref<20000xf32, #tpu.memory_space<vmem>>, vector<16xf32>,
      %min3A_38 = arith.minimumf %min3A, %get3A_37 : vector<16xf32>
      %max3A_39 = arith.maximumf %max3A, %get3A_37 : vector<16xf32>
      %scan3A_40 = arith.constant 1250 : i32
      %reduce_min3A = arith.constant true
      %reduce_min3A_41 = vector.broadcast %reduce_min3A : i1 to vector<16xi1>
      %reduce_min3A_42 = tpu.scan <min>, %min3A_38 masked %reduce_min3A_41 : vector<16xf32>, vector<16xi1> -> vector<16xf32>
      %reduce_min3A_43 = vector.extract %reduce_min3A_42[15] : f32 from vector<16xf32>
      %broadcast_in_dim3A_44 = vector.broadcast %reduce_min3A_43 : f32 to vector<16xf32>
      %reduce_max3A = arith.constant true
      %reduce_max3A_45 = vector.broadcast %reduce_max3A : i1 to vector<16xi1>
      %reduce_max3A_46 = tpu.scan <max>, %max3A_39 masked %reduce_max3A_45 : vector<16xf32>, vector<16xi1> -> vector<16xf32>
      %reduce_max3A_47 = vector.extract %reduce_max3A_46[15] : f32 from vector<16xf32>
      %broadcast_in_dim3A_48 = vector.broadcast %reduce_max3A_47 : f32 to vector<16xf32>
      %sub3A = arith.subf %broadcast_in_dim3A_48, %broadcast_in_dim3A_44 : vector<16xf32>
      %add3A_49 = arith.constant 9.99999974E-6 : f32
      %add3A_50 = vector.broadcast %add3A_49 : f32 to vector<16xf32>
      %add3A_51 = arith.addf %sub3A, %add3A_50 : vector<16xf32>
      %scan3A_52 = arith.constant 0 : i32
      %scan3A_53 = arith.constant 0 : i32
      %scan3A_54 = arith.constant 1248 : i32
      %scan3A_55 = arith.addi %scan3A_53, %scan3A_54 : i32
      %scan3A_56 = arith.constant 4 : i32
      %scan3A_57 = scf.for %scan3A_431 = %scan3A_53 to %scan3A_55 step %scan3A_56 iter_args(%scan3A_432 = %scan3A_52) -> (i32)  : i32 {
        %mul3A_433 = arith.constant 16 : i32
        %mul3A_434 = arith.muli %scan3A_431, %mul3A_433 : i32
        %get3A_435 = arith.index_cast %mul3A_434 : i32 to index
        %get3A_436 = tpu.vector_load %arg5[%get3A_435] {strides = array<i32>} : memref<20000xf32, #tpu.memory_space<vmem>>, vector<16xf32>,
        %sub3A_437 = arith.subf %get3A_436, %broadcast_in_dim3A_44 : vector<16xf32>
        %div3A_438 = arith.divf %sub3A_437, %add3A_51 : vector<16xf32>
        %bitcast3A_439 = vector.bitcast %div3A_438 : vector<16xf32> to vector<16xi32>
        %mul3A_440 = arith.constant 16 : i32
        %mul3A_441 = arith.muli %scan3A_431, %mul3A_440 : i32
        %add3A_442 = arith.constant 16 : i32
        %add3A_443 = arith.addi %add3A_442, %mul3A_441 : i32
        %swap3A_444 = arith.index_cast %add3A_443 : i32 to index
        %swap3A_445 = tpu.vector_load %arg4[%swap3A_444] {strides = array<i32>} : memref<20032xi32, #tpu.memory_space<vmem>>, vector<16xi32>,
        tpu.vector_store %arg4[%swap3A_444], %bitcast3A_439 {strides = array<i32>} : memref<20032xi32, #tpu.memory_space<vmem>>, vector<16xi32>,
        %scan3A_446 = arith.constant 0 : i32
        %scan3A_447 = arith.constant 1 : i32
        %scan3A_448 = arith.addi %scan3A_431, %scan3A_447 : i32
        %mul3A_449 = arith.constant 16 : i32
        %mul3A_450 = arith.muli %scan3A_448, %mul3A_449 : i32
        %get3A_451 = arith.index_cast %mul3A_450 : i32 to index
        %get3A_452 = tpu.vector_load %arg5[%get3A_451] {strides = array<i32>} : memref<20000xf32, #tpu.memory_space<vmem>>, vector<16xf32>,
        %sub3A_453 = arith.subf %get3A_452, %broadcast_in_dim3A_44 : vector<16xf32>
        %div3A_454 = arith.divf %sub3A_453, %add3A_51 : vector<16xf32>
        %bitcast3A_455 = vector.bitcast %div3A_454 : vector<16xf32> to vector<16xi32>
        %mul3A_456 = arith.constant 16 : i32
        %mul3A_457 = arith.muli %scan3A_448, %mul3A_456 : i32
        %add3A_458 = arith.constant 16 : i32
        %add3A_459 = arith.addi %add3A_458, %mul3A_457 : i32
        %swap3A_460 = arith.index_cast %add3A_459 : i32 to index
        %swap3A_461 = tpu.vector_load %arg4[%swap3A_460] {strides = array<i32>} : memref<20032xi32, #tpu.memory_space<vmem>>, vector<16xi32>,
        tpu.vector_store %arg4[%swap3A_460], %bitcast3A_455 {strides = array<i32>} : memref<20032xi32, #tpu.memory_space<vmem>>, vector<16xi32>,
        %scan3A_462 = arith.constant 0 : i32
        %scan3A_463 = arith.constant 2 : i32
        %scan3A_464 = arith.addi %scan3A_431, %scan3A_463 : i32
        %mul3A_465 = arith.constant 16 : i32
        %mul3A_466 = arith.muli %scan3A_464, %mul3A_465 : i32
        %get3A_467 = arith.index_cast %mul3A_466 : i32 to index
        %get3A_468 = tpu.vector_load %arg5[%get3A_467] {strides = array<i32>} : memref<20000xf32, #tpu.memory_space<vmem>>, vector<16xf32>,
        %sub3A_469 = arith.subf %get3A_468, %broadcast_in_dim3A_44 : vector<16xf32>
        %div3A_470 = arith.divf %sub3A_469, %add3A_51 : vector<16xf32>
        %bitcast3A_471 = vector.bitcast %div3A_470 : vector<16xf32> to vector<16xi32>
        %mul3A_472 = arith.constant 16 : i32
        %mul3A_473 = arith.muli %scan3A_464, %mul3A_472 : i32
        %add3A_474 = arith.constant 16 : i32
        %add3A_475 = arith.addi %add3A_474, %mul3A_473 : i32
        %swap3A_476 = arith.index_cast %add3A_475 : i32 to index
        %swap3A_477 = tpu.vector_load %arg4[%swap3A_476] {strides = array<i32>} : memref<20032xi32, #tpu.memory_space<vmem>>, vector<16xi32>,
        tpu.vector_store %arg4[%swap3A_476], %bitcast3A_471 {strides = array<i32>} : memref<20032xi32, #tpu.memory_space<vmem>>, vector<16xi32>,
        %scan3A_478 = arith.constant 0 : i32
        %scan3A_479 = arith.constant 3 : i32
        %scan3A_480 = arith.addi %scan3A_431, %scan3A_479 : i32
        %mul3A_481 = arith.constant 16 : i32
        %mul3A_482 = arith.muli %scan3A_480, %mul3A_481 : i32
        %get3A_483 = arith.index_cast %mul3A_482 : i32 to index
        %get3A_484 = tpu.vector_load %arg5[%get3A_483] {strides = array<i32>} : memref<20000xf32, #tpu.memory_space<vmem>>, vector<16xf32>,
        %sub3A_485 = arith.subf %get3A_484, %broadcast_in_dim3A_44 : vector<16xf32>
        %div3A_486 = arith.divf %sub3A_485, %add3A_51 : vector<16xf32>
        %bitcast3A_487 = vector.bitcast %div3A_486 : vector<16xf32> to vector<16xi32>
        %mul3A_488 = arith.constant 16 : i32
        %mul3A_489 = arith.muli %scan3A_480, %mul3A_488 : i32
        %add3A_490 = arith.constant 16 : i32
        %add3A_491 = arith.addi %add3A_490, %mul3A_489 : i32
        %swap3A_492 = arith.index_cast %add3A_491 : i32 to index
        %swap3A_493 = tpu.vector_load %arg4[%swap3A_492] {strides = array<i32>} : memref<20032xi32, #tpu.memory_space<vmem>>, vector<16xi32>,
        tpu.vector_store %arg4[%swap3A_492], %bitcast3A_487 {strides = array<i32>} : memref<20032xi32, #tpu.memory_space<vmem>>, vector<16xi32>,
        %scan3A_494 = arith.constant 0 : i32
        scf.yield %scan3A_494 : i32
      }
      %scan3A_58 = arith.constant 1248 : i32
      %scan3A_59 = arith.addi %scan3A_53, %scan3A_58 : i32
      %mul3A_60 = arith.constant 16 : i32
      %mul3A_61 = arith.muli %scan3A_59, %mul3A_60 : i32
      %get3A_62 = arith.index_cast %mul3A_61 : i32 to index
      %get3A_63 = tpu.vector_load %arg5[%get3A_62] {strides = array<i32>} : memref<20000xf32, #tpu.memory_space<vmem>>, vector<16xf32>,
      %sub3A_64 = arith.subf %get3A_63, %broadcast_in_dim3A_44 : vector<16xf32>
      %div3A = arith.divf %sub3A_64, %add3A_51 : vector<16xf32>
      %bitcast3A = vector.bitcast %div3A : vector<16xf32> to vector<16xi32>
      %mul3A_65 = arith.constant 16 : i32
      %mul3A_66 = arith.muli %scan3A_59, %mul3A_65 : i32
      %add3A_67 = arith.constant 16 : i32
      %add3A_68 = arith.addi %add3A_67, %mul3A_66 : i32
      %swap3A_69 = arith.index_cast %add3A_68 : i32 to index
      %swap3A_70 = tpu.vector_load %arg4[%swap3A_69] {strides = array<i32>} : memref<20032xi32, #tpu.memory_space<vmem>>, vector<16xi32>,
      tpu.vector_store %arg4[%swap3A_69], %bitcast3A {strides = array<i32>} : memref<20032xi32, #tpu.memory_space<vmem>>, vector<16xi32>,
      %scan3A_71 = arith.constant 0 : i32
      %scan3A_72 = arith.constant 1249 : i32
      %scan3A_73 = arith.addi %scan3A_53, %scan3A_72 : i32
      %mul3A_74 = arith.constant 16 : i32
      %mul3A_75 = arith.muli %scan3A_73, %mul3A_74 : i32
      %get3A_76 = arith.index_cast %mul3A_75 : i32 to index
      %get3A_77 = tpu.vector_load %arg5[%get3A_76] {strides = array<i32>} : memref<20000xf32, #tpu.memory_space<vmem>>, vector<16xf32>,
      %sub3A_78 = arith.subf %get3A_77, %broadcast_in_dim3A_44 : vector<16xf32>
      %div3A_79 = arith.divf %sub3A_78, %add3A_51 : vector<16xf32>
      %bitcast3A_80 = vector.bitcast %div3A_79 : vector<16xf32> to vector<16xi32>
      %mul3A_81 = arith.constant 16 : i32
      %mul3A_82 = arith.muli %scan3A_73, %mul3A_81 : i32
      %add3A_83 = arith.constant 16 : i32
      %add3A_84 = arith.addi %add3A_83, %mul3A_82 : i32
      %swap3A_85 = arith.index_cast %add3A_84 : i32 to index
      %swap3A_86 = tpu.vector_load %arg4[%swap3A_85] {strides = array<i32>} : memref<20032xi32, #tpu.memory_space<vmem>>, vector<16xi32>,
      tpu.vector_store %arg4[%swap3A_85], %bitcast3A_80 {strides = array<i32>} : memref<20032xi32, #tpu.memory_space<vmem>>, vector<16xi32>,
      %scan3A_87 = arith.constant 0 : i32
      %scan3A_88 = arith.constant 1250 : i32
      %scan3A_89 = arith.constant 0 : i32
      %scan3A_90 = arith.constant 0 : i32
      %scan3A_91 = arith.constant 0 : i32
      %scan3A_92 = arith.constant 1248 : i32
      %scan3A_93 = arith.addi %scan3A_91, %scan3A_92 : i32
      %scan3A_94 = arith.constant 4 : i32
      %scan3A_95:2 = scf.for %scan3A_431 = %scan3A_91 to %scan3A_93 step %scan3A_94 iter_args(%scan3A_432 = %scan3A_89, %scan3A_433 = %scan3A_90) -> (i32, i32)  : i32 {
        %mul3A_434 = arith.constant 16 : i32
        %mul3A_435 = arith.muli %scan3A_431, %mul3A_434 : i32
        %add3A_436 = arith.constant 16 : i32
        %add3A_437 = arith.addi %add3A_436, %mul3A_435 : i32
        %get3A_438 = arith.index_cast %add3A_437 : i32 to index
        %get3A_439 = tpu.vector_load %arg4[%get3A_438] {strides = array<i32>} : memref<20032xi32, #tpu.memory_space<vmem>>, vector<16xi32>,
        %bitcast3A_440 = vector.bitcast %get3A_439 : vector<16xi32> to vector<16xf32>
        %add3A_441 = arith.constant 16 : i32
        %add3A_442 = arith.addi %add3A_441, %mul3A_435 : i32
        %sub3A_443 = arith.constant 1 : i32
        %sub3A_444 = arith.subi %add3A_442, %sub3A_443 : i32
        %get3A_445 = arith.index_cast %sub3A_444 : i32 to index
        %get3A_446 = tpu.vector_load %arg4[%get3A_445] {strides = array<i32>} : memref<20032xi32, #tpu.memory_space<vmem>>, vector<16xi32>,
        %bitcast3A_447 = vector.bitcast %get3A_446 : vector<16xi32> to vector<16xf32>
        %add3A_448 = arith.constant 16 : i32
        %add3A_449 = arith.addi %add3A_448, %mul3A_435 : i32
        %add3A_450 = arith.constant 1 : i32
        %add3A_451 = arith.addi %add3A_449, %add3A_450 : i32
        %get3A_452 = arith.index_cast %add3A_451 : i32 to index
        %get3A_453 = tpu.vector_load %arg4[%get3A_452] {strides = array<i32>} : memref<20032xi32, #tpu.memory_space<vmem>>, vector<16xi32>,
        %bitcast3A_454 = vector.bitcast %get3A_453 : vector<16xi32> to vector<16xf32>
        %lt3A_455 = arith.cmpf olt, %bitcast3A_447, %bitcast3A_440 : vector<16xf32>
        %lt3A_456 = arith.cmpf olt, %bitcast3A_454, %bitcast3A_440 : vector<16xf32>
        %and3A_457 = arith.andi %lt3A_455, %lt3A_456 : vector<16xi1>
        %ge3A_458 = arith.constant 1.000000e-01 : f32
        %ge3A_459 = vector.broadcast %ge3A_458 : f32 to vector<16xf32>
        %ge3A_460 = arith.cmpf oge, %bitcast3A_440, %ge3A_459 : vector<16xf32>
        %and3A_461 = arith.andi %and3A_457, %ge3A_460 : vector<16xi1>
        %eq3A_462 = arith.cmpf oeq, %bitcast3A_440, %bitcast3A_454 : vector<16xf32>
        %reduce_or3A_463 = arith.constant 1.000000e+00 : f32
        %reduce_or3A_464 = arith.constant 0.000000e+00 : f32
        %reduce_or3A_465 = vector.broadcast %reduce_or3A_463 : f32 to vector<16xf32>
        %reduce_or3A_466 = vector.broadcast %reduce_or3A_464 : f32 to vector<16xf32>
        %reduce_or3A_467 = arith.select %eq3A_462, %reduce_or3A_465, %reduce_or3A_466 : vector<16xi1>, vector<16xf32>
        %reduce_or3A_468 = arith.constant true
        %reduce_or3A_469 = vector.broadcast %reduce_or3A_468 : i1 to vector<16xi1>
        %reduce_or3A_470 = tpu.scan <max>, %reduce_or3A_467 masked %reduce_or3A_469 : vector<16xf32>, vector<16xi1> -> vector<16xf32>
        %reduce_or3A_471 = vector.extract %reduce_or3A_470[15] : f32 from vector<16xf32>
        %reduce_or3A_472 = arith.constant 0.000000e+00 : f32
        %reduce_or3A_473 = arith.cmpf ogt, %reduce_or3A_471, %reduce_or3A_472 : f32
        %convert_element_type3A_474 = arith.extui %reduce_or3A_473 : i1 to i32
        %or3A_475 = arith.ori %scan3A_433, %convert_element_type3A_474 : i32
        %convert_element_type3A_476 = arith.extui %and3A_461 : vector<16xi1> to vector<16xi32>
        %cumsum3A_477 = arith.constant true
        %cumsum3A_478 = vector.broadcast %cumsum3A_477 : i1 to vector<16xi1>
        %cumsum3A_479 = tpu.scan <sum>, %convert_element_type3A_476 masked %cumsum3A_478 : vector<16xi32>, vector<16xi1> -> vector<16xi32>
        %add3A_480 = arith.constant 16 : i32
        %add3A_481 = arith.addi %add3A_480, %scan3A_432 : i32
        %add3A_482 = vector.broadcast %add3A_481 : i32 to vector<16xi32>
        %add3A_483 = arith.addi %add3A_482, %cumsum3A_479 : vector<16xi32>
        %sub3A_484 = arith.constant 1 : i32
        %sub3A_485 = vector.broadcast %sub3A_484 : i32 to vector<16xi32>
        %sub3A_486 = arith.subi %add3A_483, %sub3A_485 : vector<16xi32>
        %iota3A_487 = tpu.iota {dimensions = array<i32: 0>} : vector<16xi32>
        %add3A_488 = vector.broadcast %mul3A_435 : i32 to vector<16xi32>
        %add3A_489 = arith.addi %add3A_488, %iota3A_487 : vector<16xi32>
        tpu.vector_store_idx %arg6[%sub3A_486], %add3A_489 masked %and3A_461 : memref<10048xi32, #tpu.memory_space<vmem>>[vector<16xi32>], vector<16xi32>, vector<16xi1>
        %bitcast3A_490 = vector.bitcast %bitcast3A_440 : vector<16xf32> to vector<16xi32>
        %shift_right_arithmetic3A_491 = arith.constant 31 : i32
        %shift_right_arithmetic3A_492 = vector.broadcast %shift_right_arithmetic3A_491 : i32 to vector<16xi32>
        %shift_right_arithmetic3A_493 = arith.shrsi %bitcast3A_490, %shift_right_arithmetic3A_492 : vector<16xi32>
        %and3A_494 = arith.constant 2147483647 : i32
        %and3A_495 = vector.broadcast %and3A_494 : i32 to vector<16xi32>
        %and3A_496 = arith.andi %shift_right_arithmetic3A_493, %and3A_495 : vector<16xi32>
        %xor3A_497 = arith.xori %bitcast3A_490, %and3A_496 : vector<16xi32>
        tpu.vector_store_idx %arg7[%sub3A_486], %xor3A_497 masked %and3A_461 : memref<10048xi32, #tpu.memory_space<vmem>>[vector<16xi32>], vector<16xi32>, vector<16xi1>
        %broadcast_in_dim3A_498 = arith.constant 0.000000e+00 : f32
        %broadcast_in_dim3A_499 = vector.broadcast %broadcast_in_dim3A_498 : f32 to vector<16xf32>
        %swap3A_500 = arith.index_cast %mul3A_435 : i32 to index
        %swap3A_501 = tpu.vector_load %arg5[%swap3A_500] {strides = array<i32>} : memref<20000xf32, #tpu.memory_space<vmem>>, vector<16xf32>,
        tpu.vector_store %arg5[%swap3A_500], %broadcast_in_dim3A_499 {strides = array<i32>} : memref<20000xf32, #tpu.memory_space<vmem>>, vector<16xf32>,
        %reduce_sum3A_502 = arith.constant true
        %reduce_sum3A_503 = vector.broadcast %reduce_sum3A_502 : i1 to vector<16xi1>
        %reduce_sum3A_504 = tpu.scan <sum>, %convert_element_type3A_476 masked %reduce_sum3A_503 : vector<16xi32>, vector<16xi1> -> vector<16xi32>
        %reduce_sum3A_505 = vector.extract %reduce_sum3A_504[15] : i32 from vector<16xi32>
        %add3A_506 = arith.addi %scan3A_432, %reduce_sum3A_505 : i32
        %scan3A_507 = arith.constant 1 : i32
        %scan3A_508 = arith.addi %scan3A_431, %scan3A_507 : i32
        %mul3A_509 = arith.constant 16 : i32
        %mul3A_510 = arith.muli %scan3A_508, %mul3A_509 : i32
        %add3A_511 = arith.constant 16 : i32
        %add3A_512 = arith.addi %add3A_511, %mul3A_510 : i32
        %get3A_513 = arith.index_cast %add3A_512 : i32 to index
        %get3A_514 = tpu.vector_load %arg4[%get3A_513] {strides = array<i32>} : memref<20032xi32, #tpu.memory_space<vmem>>, vector<16xi32>,
        %bitcast3A_515 = vector.bitcast %get3A_514 : vector<16xi32> to vector<16xf32>
        %add3A_516 = arith.constant 16 : i32
        %add3A_517 = arith.addi %add3A_516, %mul3A_510 : i32
        %sub3A_518 = arith.constant 1 : i32
        %sub3A_519 = arith.subi %add3A_517, %sub3A_518 : i32
        %get3A_520 = arith.index_cast %sub3A_519 : i32 to index
        %get3A_521 = tpu.vector_load %arg4[%get3A_520] {strides = array<i32>} : memref<20032xi32, #tpu.memory_space<vmem>>, vector<16xi32>,
        %bitcast3A_522 = vector.bitcast %get3A_521 : vector<16xi32> to vector<16xf32>
        %add3A_523 = arith.constant 16 : i32
        %add3A_524 = arith.addi %add3A_523, %mul3A_510 : i32
        %add3A_525 = arith.constant 1 : i32
        %add3A_526 = arith.addi %add3A_524, %add3A_525 : i32
        %get3A_527 = arith.index_cast %add3A_526 : i32 to index
        %get3A_528 = tpu.vector_load %arg4[%get3A_527] {strides = array<i32>} : memref<20032xi32, #tpu.memory_space<vmem>>, vector<16xi32>,
        %bitcast3A_529 = vector.bitcast %get3A_528 : vector<16xi32> to vector<16xf32>
        %lt3A_530 = arith.cmpf olt, %bitcast3A_522, %bitcast3A_515 : vector<16xf32>
        %lt3A_531 = arith.cmpf olt, %bitcast3A_529, %bitcast3A_515 : vector<16xf32>
        %and3A_532 = arith.andi %lt3A_530, %lt3A_531 : vector<16xi1>
        %ge3A_533 = arith.constant 1.000000e-01 : f32
        %ge3A_534 = vector.broadcast %ge3A_533 : f32 to vector<16xf32>
        %ge3A_535 = arith.cmpf oge, %bitcast3A_515, %ge3A_534 : vector<16xf32>
        %and3A_536 = arith.andi %and3A_532, %ge3A_535 : vector<16xi1>
        %eq3A_537 = arith.cmpf oeq, %bitcast3A_515, %bitcast3A_529 : vector<16xf32>
        %reduce_or3A_538 = arith.constant 1.000000e+00 : f32
        %reduce_or3A_539 = arith.constant 0.000000e+00 : f32
        %reduce_or3A_540 = vector.broadcast %reduce_or3A_538 : f32 to vector<16xf32>
        %reduce_or3A_541 = vector.broadcast %reduce_or3A_539 : f32 to vector<16xf32>
        %reduce_or3A_542 = arith.select %eq3A_537, %reduce_or3A_540, %reduce_or3A_541 : vector<16xi1>, vector<16xf32>
        %reduce_or3A_543 = arith.constant true
        %reduce_or3A_544 = vector.broadcast %reduce_or3A_543 : i1 to vector<16xi1>
        %reduce_or3A_545 = tpu.scan <max>, %reduce_or3A_542 masked %reduce_or3A_544 : vector<16xf32>, vector<16xi1> -> vector<16xf32>
        %reduce_or3A_546 = vector.extract %reduce_or3A_545[15] : f32 from vector<16xf32>
        %reduce_or3A_547 = arith.constant 0.000000e+00 : f32
        %reduce_or3A_548 = arith.cmpf ogt, %reduce_or3A_546, %reduce_or3A_547 : f32
        %convert_element_type3A_549 = arith.extui %reduce_or3A_548 : i1 to i32
        %or3A_550 = arith.ori %or3A_475, %convert_element_type3A_549 : i32
        %convert_element_type3A_551 = arith.extui %and3A_536 : vector<16xi1> to vector<16xi32>
        %cumsum3A_552 = arith.constant true
        %cumsum3A_553 = vector.broadcast %cumsum3A_552 : i1 to vector<16xi1>
        %cumsum3A_554 = tpu.scan <sum>, %convert_element_type3A_551 masked %cumsum3A_553 : vector<16xi32>, vector<16xi1> -> vector<16xi32>
        %add3A_555 = arith.constant 16 : i32
        %add3A_556 = arith.addi %add3A_555, %add3A_506 : i32
        %add3A_557 = vector.broadcast %add3A_556 : i32 to vector<16xi32>
        %add3A_558 = arith.addi %add3A_557, %cumsum3A_554 : vector<16xi32>
        %sub3A_559 = arith.constant 1 : i32
        %sub3A_560 = vector.broadcast %sub3A_559 : i32 to vector<16xi32>
        %sub3A_561 = arith.subi %add3A_558, %sub3A_560 : vector<16xi32>
        %iota3A_562 = tpu.iota {dimensions = array<i32: 0>} : vector<16xi32>
        %add3A_563 = vector.broadcast %mul3A_510 : i32 to vector<16xi32>
        %add3A_564 = arith.addi %add3A_563, %iota3A_562 : vector<16xi32>
        tpu.vector_store_idx %arg6[%sub3A_561], %add3A_564 masked %and3A_536 : memref<10048xi32, #tpu.memory_space<vmem>>[vector<16xi32>], vector<16xi32>, vector<16xi1>
        %bitcast3A_565 = vector.bitcast %bitcast3A_515 : vector<16xf32> to vector<16xi32>
        %shift_right_arithmetic3A_566 = arith.constant 31 : i32
        %shift_right_arithmetic3A_567 = vector.broadcast %shift_right_arithmetic3A_566 : i32 to vector<16xi32>
        %shift_right_arithmetic3A_568 = arith.shrsi %bitcast3A_565, %shift_right_arithmetic3A_567 : vector<16xi32>
        %and3A_569 = arith.constant 2147483647 : i32
        %and3A_570 = vector.broadcast %and3A_569 : i32 to vector<16xi32>
        %and3A_571 = arith.andi %shift_right_arithmetic3A_568, %and3A_570 : vector<16xi32>
        %xor3A_572 = arith.xori %bitcast3A_565, %and3A_571 : vector<16xi32>
        tpu.vector_store_idx %arg7[%sub3A_561], %xor3A_572 masked %and3A_536 : memref<10048xi32, #tpu.memory_space<vmem>>[vector<16xi32>], vector<16xi32>, vector<16xi1>
        %broadcast_in_dim3A_573 = arith.constant 0.000000e+00 : f32
        %broadcast_in_dim3A_574 = vector.broadcast %broadcast_in_dim3A_573 : f32 to vector<16xf32>
        %swap3A_575 = arith.index_cast %mul3A_510 : i32 to index
        %swap3A_576 = tpu.vector_load %arg5[%swap3A_575] {strides = array<i32>} : memref<20000xf32, #tpu.memory_space<vmem>>, vector<16xf32>,
        tpu.vector_store %arg5[%swap3A_575], %broadcast_in_dim3A_574 {strides = array<i32>} : memref<20000xf32, #tpu.memory_space<vmem>>, vector<16xf32>,
        %reduce_sum3A_577 = arith.constant true
        %reduce_sum3A_578 = vector.broadcast %reduce_sum3A_577 : i1 to vector<16xi1>
        %reduce_sum3A_579 = tpu.scan <sum>, %convert_element_type3A_551 masked %reduce_sum3A_578 : vector<16xi32>, vector<16xi1> -> vector<16xi32>
        %reduce_sum3A_580 = vector.extract %reduce_sum3A_579[15] : i32 from vector<16xi32>
        %add3A_581 = arith.addi %add3A_506, %reduce_sum3A_580 : i32
        %scan3A_582 = arith.constant 2 : i32
        %scan3A_583 = arith.addi %scan3A_431, %scan3A_582 : i32
        %mul3A_584 = arith.constant 16 : i32
        %mul3A_585 = arith.muli %scan3A_583, %mul3A_584 : i32
        %add3A_586 = arith.constant 16 : i32
        %add3A_587 = arith.addi %add3A_586, %mul3A_585 : i32
        %get3A_588 = arith.index_cast %add3A_587 : i32 to index
        %get3A_589 = tpu.vector_load %arg4[%get3A_588] {strides = array<i32>} : memref<20032xi32, #tpu.memory_space<vmem>>, vector<16xi32>,
        %bitcast3A_590 = vector.bitcast %get3A_589 : vector<16xi32> to vector<16xf32>
        %add3A_591 = arith.constant 16 : i32
        %add3A_592 = arith.addi %add3A_591, %mul3A_585 : i32
        %sub3A_593 = arith.constant 1 : i32
        %sub3A_594 = arith.subi %add3A_592, %sub3A_593 : i32
        %get3A_595 = arith.index_cast %sub3A_594 : i32 to index
        %get3A_596 = tpu.vector_load %arg4[%get3A_595] {strides = array<i32>} : memref<20032xi32, #tpu.memory_space<vmem>>, vector<16xi32>,
        %bitcast3A_597 = vector.bitcast %get3A_596 : vector<16xi32> to vector<16xf32>
        %add3A_598 = arith.constant 16 : i32
        %add3A_599 = arith.addi %add3A_598, %mul3A_585 : i32
        %add3A_600 = arith.constant 1 : i32
        %add3A_601 = arith.addi %add3A_599, %add3A_600 : i32
        %get3A_602 = arith.index_cast %add3A_601 : i32 to index
        %get3A_603 = tpu.vector_load %arg4[%get3A_602] {strides = array<i32>} : memref<20032xi32, #tpu.memory_space<vmem>>, vector<16xi32>,
        %bitcast3A_604 = vector.bitcast %get3A_603 : vector<16xi32> to vector<16xf32>
        %lt3A_605 = arith.cmpf olt, %bitcast3A_597, %bitcast3A_590 : vector<16xf32>
        %lt3A_606 = arith.cmpf olt, %bitcast3A_604, %bitcast3A_590 : vector<16xf32>
        %and3A_607 = arith.andi %lt3A_605, %lt3A_606 : vector<16xi1>
        %ge3A_608 = arith.constant 1.000000e-01 : f32
        %ge3A_609 = vector.broadcast %ge3A_608 : f32 to vector<16xf32>
        %ge3A_610 = arith.cmpf oge, %bitcast3A_590, %ge3A_609 : vector<16xf32>
        %and3A_611 = arith.andi %and3A_607, %ge3A_610 : vector<16xi1>
        %eq3A_612 = arith.cmpf oeq, %bitcast3A_590, %bitcast3A_604 : vector<16xf32>
        %reduce_or3A_613 = arith.constant 1.000000e+00 : f32
        %reduce_or3A_614 = arith.constant 0.000000e+00 : f32
        %reduce_or3A_615 = vector.broadcast %reduce_or3A_613 : f32 to vector<16xf32>
        %reduce_or3A_616 = vector.broadcast %reduce_or3A_614 : f32 to vector<16xf32>
        %reduce_or3A_617 = arith.select %eq3A_612, %reduce_or3A_615, %reduce_or3A_616 : vector<16xi1>, vector<16xf32>
        %reduce_or3A_618 = arith.constant true
        %reduce_or3A_619 = vector.broadcast %reduce_or3A_618 : i1 to vector<16xi1>
        %reduce_or3A_620 = tpu.scan <max>, %reduce_or3A_617 masked %reduce_or3A_619 : vector<16xf32>, vector<16xi1> -> vector<16xf32>
        %reduce_or3A_621 = vector.extract %reduce_or3A_620[15] : f32 from vector<16xf32>
        %reduce_or3A_622 = arith.constant 0.000000e+00 : f32
        %reduce_or3A_623 = arith.cmpf ogt, %reduce_or3A_621, %reduce_or3A_622 : f32
        %convert_element_type3A_624 = arith.extui %reduce_or3A_623 : i1 to i32
        %or3A_625 = arith.ori %or3A_550, %convert_element_type3A_624 : i32
        %convert_element_type3A_626 = arith.extui %and3A_611 : vector<16xi1> to vector<16xi32>
        %cumsum3A_627 = arith.constant true
        %cumsum3A_628 = vector.broadcast %cumsum3A_627 : i1 to vector<16xi1>
        %cumsum3A_629 = tpu.scan <sum>, %convert_element_type3A_626 masked %cumsum3A_628 : vector<16xi32>, vector<16xi1> -> vector<16xi32>
        %add3A_630 = arith.constant 16 : i32
        %add3A_631 = arith.addi %add3A_630, %add3A_581 : i32
        %add3A_632 = vector.broadcast %add3A_631 : i32 to vector<16xi32>
        %add3A_633 = arith.addi %add3A_632, %cumsum3A_629 : vector<16xi32>
        %sub3A_634 = arith.constant 1 : i32
        %sub3A_635 = vector.broadcast %sub3A_634 : i32 to vector<16xi32>
        %sub3A_636 = arith.subi %add3A_633, %sub3A_635 : vector<16xi32>
        %iota3A_637 = tpu.iota {dimensions = array<i32: 0>} : vector<16xi32>
        %add3A_638 = vector.broadcast %mul3A_585 : i32 to vector<16xi32>
        %add3A_639 = arith.addi %add3A_638, %iota3A_637 : vector<16xi32>
        tpu.vector_store_idx %arg6[%sub3A_636], %add3A_639 masked %and3A_611 : memref<10048xi32, #tpu.memory_space<vmem>>[vector<16xi32>], vector<16xi32>, vector<16xi1>
        %bitcast3A_640 = vector.bitcast %bitcast3A_590 : vector<16xf32> to vector<16xi32>
        %shift_right_arithmetic3A_641 = arith.constant 31 : i32
        %shift_right_arithmetic3A_642 = vector.broadcast %shift_right_arithmetic3A_641 : i32 to vector<16xi32>
        %shift_right_arithmetic3A_643 = arith.shrsi %bitcast3A_640, %shift_right_arithmetic3A_642 : vector<16xi32>
        %and3A_644 = arith.constant 2147483647 : i32
        %and3A_645 = vector.broadcast %and3A_644 : i32 to vector<16xi32>
        %and3A_646 = arith.andi %shift_right_arithmetic3A_643, %and3A_645 : vector<16xi32>
        %xor3A_647 = arith.xori %bitcast3A_640, %and3A_646 : vector<16xi32>
        tpu.vector_store_idx %arg7[%sub3A_636], %xor3A_647 masked %and3A_611 : memref<10048xi32, #tpu.memory_space<vmem>>[vector<16xi32>], vector<16xi32>, vector<16xi1>
        %broadcast_in_dim3A_648 = arith.constant 0.000000e+00 : f32
        %broadcast_in_dim3A_649 = vector.broadcast %broadcast_in_dim3A_648 : f32 to vector<16xf32>
        %swap3A_650 = arith.index_cast %mul3A_585 : i32 to index
        %swap3A_651 = tpu.vector_load %arg5[%swap3A_650] {strides = array<i32>} : memref<20000xf32, #tpu.memory_space<vmem>>, vector<16xf32>,
        tpu.vector_store %arg5[%swap3A_650], %broadcast_in_dim3A_649 {strides = array<i32>} : memref<20000xf32, #tpu.memory_space<vmem>>, vector<16xf32>,
        %reduce_sum3A_652 = arith.constant true
        %reduce_sum3A_653 = vector.broadcast %reduce_sum3A_652 : i1 to vector<16xi1>
        %reduce_sum3A_654 = tpu.scan <sum>, %convert_element_type3A_626 masked %reduce_sum3A_653 : vector<16xi32>, vector<16xi1> -> vector<16xi32>
        %reduce_sum3A_655 = vector.extract %reduce_sum3A_654[15] : i32 from vector<16xi32>
        %add3A_656 = arith.addi %add3A_581, %reduce_sum3A_655 : i32
        %scan3A_657 = arith.constant 3 : i32
        %scan3A_658 = arith.addi %scan3A_431, %scan3A_657 : i32
        %mul3A_659 = arith.constant 16 : i32
        %mul3A_660 = arith.muli %scan3A_658, %mul3A_659 : i32
        %add3A_661 = arith.constant 16 : i32
        %add3A_662 = arith.addi %add3A_661, %mul3A_660 : i32
        %get3A_663 = arith.index_cast %add3A_662 : i32 to index
        %get3A_664 = tpu.vector_load %arg4[%get3A_663] {strides = array<i32>} : memref<20032xi32, #tpu.memory_space<vmem>>, vector<16xi32>,
        %bitcast3A_665 = vector.bitcast %get3A_664 : vector<16xi32> to vector<16xf32>
        %add3A_666 = arith.constant 16 : i32
        %add3A_667 = arith.addi %add3A_666, %mul3A_660 : i32
        %sub3A_668 = arith.constant 1 : i32
        %sub3A_669 = arith.subi %add3A_667, %sub3A_668 : i32
        %get3A_670 = arith.index_cast %sub3A_669 : i32 to index
        %get3A_671 = tpu.vector_load %arg4[%get3A_670] {strides = array<i32>} : memref<20032xi32, #tpu.memory_space<vmem>>, vector<16xi32>,
        %bitcast3A_672 = vector.bitcast %get3A_671 : vector<16xi32> to vector<16xf32>
        %add3A_673 = arith.constant 16 : i32
        %add3A_674 = arith.addi %add3A_673, %mul3A_660 : i32
        %add3A_675 = arith.constant 1 : i32
        %add3A_676 = arith.addi %add3A_674, %add3A_675 : i32
        %get3A_677 = arith.index_cast %add3A_676 : i32 to index
        %get3A_678 = tpu.vector_load %arg4[%get3A_677] {strides = array<i32>} : memref<20032xi32, #tpu.memory_space<vmem>>, vector<16xi32>,
        %bitcast3A_679 = vector.bitcast %get3A_678 : vector<16xi32> to vector<16xf32>
        %lt3A_680 = arith.cmpf olt, %bitcast3A_672, %bitcast3A_665 : vector<16xf32>
        %lt3A_681 = arith.cmpf olt, %bitcast3A_679, %bitcast3A_665 : vector<16xf32>
        %and3A_682 = arith.andi %lt3A_680, %lt3A_681 : vector<16xi1>
        %ge3A_683 = arith.constant 1.000000e-01 : f32
        %ge3A_684 = vector.broadcast %ge3A_683 : f32 to vector<16xf32>
        %ge3A_685 = arith.cmpf oge, %bitcast3A_665, %ge3A_684 : vector<16xf32>
        %and3A_686 = arith.andi %and3A_682, %ge3A_685 : vector<16xi1>
        %eq3A_687 = arith.cmpf oeq, %bitcast3A_665, %bitcast3A_679 : vector<16xf32>
        %reduce_or3A_688 = arith.constant 1.000000e+00 : f32
        %reduce_or3A_689 = arith.constant 0.000000e+00 : f32
        %reduce_or3A_690 = vector.broadcast %reduce_or3A_688 : f32 to vector<16xf32>
        %reduce_or3A_691 = vector.broadcast %reduce_or3A_689 : f32 to vector<16xf32>
        %reduce_or3A_692 = arith.select %eq3A_687, %reduce_or3A_690, %reduce_or3A_691 : vector<16xi1>, vector<16xf32>
        %reduce_or3A_693 = arith.constant true
        %reduce_or3A_694 = vector.broadcast %reduce_or3A_693 : i1 to vector<16xi1>
        %reduce_or3A_695 = tpu.scan <max>, %reduce_or3A_692 masked %reduce_or3A_694 : vector<16xf32>, vector<16xi1> -> vector<16xf32>
        %reduce_or3A_696 = vector.extract %reduce_or3A_695[15] : f32 from vector<16xf32>
        %reduce_or3A_697 = arith.constant 0.000000e+00 : f32
        %reduce_or3A_698 = arith.cmpf ogt, %reduce_or3A_696, %reduce_or3A_697 : f32
        %convert_element_type3A_699 = arith.extui %reduce_or3A_698 : i1 to i32
        %or3A_700 = arith.ori %or3A_625, %convert_element_type3A_699 : i32
        %convert_element_type3A_701 = arith.extui %and3A_686 : vector<16xi1> to vector<16xi32>
        %cumsum3A_702 = arith.constant true
        %cumsum3A_703 = vector.broadcast %cumsum3A_702 : i1 to vector<16xi1>
        %cumsum3A_704 = tpu.scan <sum>, %convert_element_type3A_701 masked %cumsum3A_703 : vector<16xi32>, vector<16xi1> -> vector<16xi32>
        %add3A_705 = arith.constant 16 : i32
        %add3A_706 = arith.addi %add3A_705, %add3A_656 : i32
        %add3A_707 = vector.broadcast %add3A_706 : i32 to vector<16xi32>
        %add3A_708 = arith.addi %add3A_707, %cumsum3A_704 : vector<16xi32>
        %sub3A_709 = arith.constant 1 : i32
        %sub3A_710 = vector.broadcast %sub3A_709 : i32 to vector<16xi32>
        %sub3A_711 = arith.subi %add3A_708, %sub3A_710 : vector<16xi32>
        %iota3A_712 = tpu.iota {dimensions = array<i32: 0>} : vector<16xi32>
        %add3A_713 = vector.broadcast %mul3A_660 : i32 to vector<16xi32>
        %add3A_714 = arith.addi %add3A_713, %iota3A_712 : vector<16xi32>
        tpu.vector_store_idx %arg6[%sub3A_711], %add3A_714 masked %and3A_686 : memref<10048xi32, #tpu.memory_space<vmem>>[vector<16xi32>], vector<16xi32>, vector<16xi1>
        %bitcast3A_715 = vector.bitcast %bitcast3A_665 : vector<16xf32> to vector<16xi32>
        %shift_right_arithmetic3A_716 = arith.constant 31 : i32
        %shift_right_arithmetic3A_717 = vector.broadcast %shift_right_arithmetic3A_716 : i32 to vector<16xi32>
        %shift_right_arithmetic3A_718 = arith.shrsi %bitcast3A_715, %shift_right_arithmetic3A_717 : vector<16xi32>
        %and3A_719 = arith.constant 2147483647 : i32
        %and3A_720 = vector.broadcast %and3A_719 : i32 to vector<16xi32>
        %and3A_721 = arith.andi %shift_right_arithmetic3A_718, %and3A_720 : vector<16xi32>
        %xor3A_722 = arith.xori %bitcast3A_715, %and3A_721 : vector<16xi32>
        tpu.vector_store_idx %arg7[%sub3A_711], %xor3A_722 masked %and3A_686 : memref<10048xi32, #tpu.memory_space<vmem>>[vector<16xi32>], vector<16xi32>, vector<16xi1>
        %broadcast_in_dim3A_723 = arith.constant 0.000000e+00 : f32
        %broadcast_in_dim3A_724 = vector.broadcast %broadcast_in_dim3A_723 : f32 to vector<16xf32>
        %swap3A_725 = arith.index_cast %mul3A_660 : i32 to index
        %swap3A_726 = tpu.vector_load %arg5[%swap3A_725] {strides = array<i32>} : memref<20000xf32, #tpu.memory_space<vmem>>, vector<16xf32>,
        tpu.vector_store %arg5[%swap3A_725], %broadcast_in_dim3A_724 {strides = array<i32>} : memref<20000xf32, #tpu.memory_space<vmem>>, vector<16xf32>,
        %reduce_sum3A_727 = arith.constant true
        %reduce_sum3A_728 = vector.broadcast %reduce_sum3A_727 : i1 to vector<16xi1>
        %reduce_sum3A_729 = tpu.scan <sum>, %convert_element_type3A_701 masked %reduce_sum3A_728 : vector<16xi32>, vector<16xi1> -> vector<16xi32>
        %reduce_sum3A_730 = vector.extract %reduce_sum3A_729[15] : i32 from vector<16xi32>
        %add3A_731 = arith.addi %add3A_656, %reduce_sum3A_730 : i32
        scf.yield %add3A_731, %or3A_700 : i32, i32
      }
      %scan3A_96 = arith.constant 1248 : i32
      %scan3A_97 = arith.addi %scan3A_91, %scan3A_96 : i32
      %mul3A_98 = arith.constant 16 : i32
      %mul3A_99 = arith.muli %scan3A_97, %mul3A_98 : i32
      %add3A_100 = arith.constant 16 : i32
      %add3A_101 = arith.addi %add3A_100, %mul3A_99 : i32
      %get3A_102 = arith.index_cast %add3A_101 : i32 to index
      %get3A_103 = tpu.vector_load %arg4[%get3A_102] {strides = array<i32>} : memref<20032xi32, #tpu.memory_space<vmem>>, vector<16xi32>,
      %bitcast3A_104 = vector.bitcast %get3A_103 : vector<16xi32> to vector<16xf32>
      %add3A_105 = arith.constant 16 : i32
      %add3A_106 = arith.addi %add3A_105, %mul3A_99 : i32
      %sub3A_107 = arith.constant 1 : i32
      %sub3A_108 = arith.subi %add3A_106, %sub3A_107 : i32
      %get3A_109 = arith.index_cast %sub3A_108 : i32 to index
      %get3A_110 = tpu.vector_load %arg4[%get3A_109] {strides = array<i32>} : memref<20032xi32, #tpu.memory_space<vmem>>, vector<16xi32>,
      %bitcast3A_111 = vector.bitcast %get3A_110 : vector<16xi32> to vector<16xf32>
      %add3A_112 = arith.constant 16 : i32
      %add3A_113 = arith.addi %add3A_112, %mul3A_99 : i32
      %add3A_114 = arith.constant 1 : i32
      %add3A_115 = arith.addi %add3A_113, %add3A_114 : i32
      %get3A_116 = arith.index_cast %add3A_115 : i32 to index
      %get3A_117 = tpu.vector_load %arg4[%get3A_116] {strides = array<i32>} : memref<20032xi32, #tpu.memory_space<vmem>>, vector<16xi32>,
      %bitcast3A_118 = vector.bitcast %get3A_117 : vector<16xi32> to vector<16xf32>
      %lt3A = arith.cmpf olt, %bitcast3A_111, %bitcast3A_104 : vector<16xf32>
      %lt3A_119 = arith.cmpf olt, %bitcast3A_118, %bitcast3A_104 : vector<16xf32>
      %and3A = arith.andi %lt3A, %lt3A_119 : vector<16xi1>
      %ge3A = arith.constant 1.000000e-01 : f32
      %ge3A_120 = vector.broadcast %ge3A : f32 to vector<16xf32>
      %ge3A_121 = arith.cmpf oge, %bitcast3A_104, %ge3A_120 : vector<16xf32>
      %and3A_122 = arith.andi %and3A, %ge3A_121 : vector<16xi1>
      %eq3A = arith.cmpf oeq, %bitcast3A_104, %bitcast3A_118 : vector<16xf32>
      %reduce_or3A = arith.constant 1.000000e+00 : f32
      %reduce_or3A_123 = arith.constant 0.000000e+00 : f32
      %reduce_or3A_124 = vector.broadcast %reduce_or3A : f32 to vector<16xf32>
      %reduce_or3A_125 = vector.broadcast %reduce_or3A_123 : f32 to vector<16xf32>
      %reduce_or3A_126 = arith.select %eq3A, %reduce_or3A_124, %reduce_or3A_125 : vector<16xi1>, vector<16xf32>
      %reduce_or3A_127 = arith.constant true
      %reduce_or3A_128 = vector.broadcast %reduce_or3A_127 : i1 to vector<16xi1>
      %reduce_or3A_129 = tpu.scan <max>, %reduce_or3A_126 masked %reduce_or3A_128 : vector<16xf32>, vector<16xi1> -> vector<16xf32>
      %reduce_or3A_130 = vector.extract %reduce_or3A_129[15] : f32 from vector<16xf32>
      %reduce_or3A_131 = arith.constant 0.000000e+00 : f32
      %reduce_or3A_132 = arith.cmpf ogt, %reduce_or3A_130, %reduce_or3A_131 : f32
      %convert_element_type3A = arith.extui %reduce_or3A_132 : i1 to i32
      %or3A = arith.ori %scan3A_95#1, %convert_element_type3A : i32
      %convert_element_type3A_133 = arith.extui %and3A_122 : vector<16xi1> to vector<16xi32>
      %cumsum3A = arith.constant true
      %cumsum3A_134 = vector.broadcast %cumsum3A : i1 to vector<16xi1>
      %cumsum3A_135 = tpu.scan <sum>, %convert_element_type3A_133 masked %cumsum3A_134 : vector<16xi32>, vector<16xi1> -> vector<16xi32>
      %add3A_136 = arith.constant 16 : i32
      %add3A_137 = arith.addi %add3A_136, %scan3A_95#0 : i32
      %add3A_138 = vector.broadcast %add3A_137 : i32 to vector<16xi32>
      %add3A_139 = arith.addi %add3A_138, %cumsum3A_135 : vector<16xi32>
      %sub3A_140 = arith.constant 1 : i32
      %sub3A_141 = vector.broadcast %sub3A_140 : i32 to vector<16xi32>
      %sub3A_142 = arith.subi %add3A_139, %sub3A_141 : vector<16xi32>
      %iota3A = tpu.iota {dimensions = array<i32: 0>} : vector<16xi32>
      %add3A_143 = vector.broadcast %mul3A_99 : i32 to vector<16xi32>
      %add3A_144 = arith.addi %add3A_143, %iota3A : vector<16xi32>
      tpu.vector_store_idx %arg6[%sub3A_142], %add3A_144 masked %and3A_122 : memref<10048xi32, #tpu.memory_space<vmem>>[vector<16xi32>], vector<16xi32>, vector<16xi1>
      %bitcast3A_145 = vector.bitcast %bitcast3A_104 : vector<16xf32> to vector<16xi32>
      %shift_right_arithmetic3A = arith.constant 31 : i32
      %shift_right_arithmetic3A_146 = vector.broadcast %shift_right_arithmetic3A : i32 to vector<16xi32>
      %shift_right_arithmetic3A_147 = arith.shrsi %bitcast3A_145, %shift_right_arithmetic3A_146 : vector<16xi32>
      %and3A_148 = arith.constant 2147483647 : i32
      %and3A_149 = vector.broadcast %and3A_148 : i32 to vector<16xi32>
      %and3A_150 = arith.andi %shift_right_arithmetic3A_147, %and3A_149 : vector<16xi32>
      %xor3A = arith.xori %bitcast3A_145, %and3A_150 : vector<16xi32>
      tpu.vector_store_idx %arg7[%sub3A_142], %xor3A masked %and3A_122 : memref<10048xi32, #tpu.memory_space<vmem>>[vector<16xi32>], vector<16xi32>, vector<16xi1>
      %broadcast_in_dim3A_151 = arith.constant 0.000000e+00 : f32
      %broadcast_in_dim3A_152 = vector.broadcast %broadcast_in_dim3A_151 : f32 to vector<16xf32>
      %swap3A_153 = arith.index_cast %mul3A_99 : i32 to index
      %swap3A_154 = tpu.vector_load %arg5[%swap3A_153] {strides = array<i32>} : memref<20000xf32, #tpu.memory_space<vmem>>, vector<16xf32>,
      tpu.vector_store %arg5[%swap3A_153], %broadcast_in_dim3A_152 {strides = array<i32>} : memref<20000xf32, #tpu.memory_space<vmem>>, vector<16xf32>,
      %reduce_sum3A = arith.constant true
      %reduce_sum3A_155 = vector.broadcast %reduce_sum3A : i1 to vector<16xi1>
      %reduce_sum3A_156 = tpu.scan <sum>, %convert_element_type3A_133 masked %reduce_sum3A_155 : vector<16xi32>, vector<16xi1> -> vector<16xi32>
      %reduce_sum3A_157 = vector.extract %reduce_sum3A_156[15] : i32 from vector<16xi32>
      %add3A_158 = arith.addi %scan3A_95#0, %reduce_sum3A_157 : i32
      %scan3A_159 = arith.constant 1249 : i32
      %scan3A_160 = arith.addi %scan3A_91, %scan3A_159 : i32
      %mul3A_161 = arith.constant 16 : i32
      %mul3A_162 = arith.muli %scan3A_160, %mul3A_161 : i32
      %add3A_163 = arith.constant 16 : i32
      %add3A_164 = arith.addi %add3A_163, %mul3A_162 : i32
      %get3A_165 = arith.index_cast %add3A_164 : i32 to index
      %get3A_166 = tpu.vector_load %arg4[%get3A_165] {strides = array<i32>} : memref<20032xi32, #tpu.memory_space<vmem>>, vector<16xi32>,
      %bitcast3A_167 = vector.bitcast %get3A_166 : vector<16xi32> to vector<16xf32>
      %add3A_168 = arith.constant 16 : i32
      %add3A_169 = arith.addi %add3A_168, %mul3A_162 : i32
      %sub3A_170 = arith.constant 1 : i32
      %sub3A_171 = arith.subi %add3A_169, %sub3A_170 : i32
      %get3A_172 = arith.index_cast %sub3A_171 : i32 to index
      %get3A_173 = tpu.vector_load %arg4[%get3A_172] {strides = array<i32>} : memref<20032xi32, #tpu.memory_space<vmem>>, vector<16xi32>,
      %bitcast3A_174 = vector.bitcast %get3A_173 : vector<16xi32> to vector<16xf32>
      %add3A_175 = arith.constant 16 : i32
      %add3A_176 = arith.addi %add3A_175, %mul3A_162 : i32
      %add3A_177 = arith.constant 1 : i32
      %add3A_178 = arith.addi %add3A_176, %add3A_177 : i32
      %get3A_179 = arith.index_cast %add3A_178 : i32 to index
      %get3A_180 = tpu.vector_load %arg4[%get3A_179] {strides = array<i32>} : memref<20032xi32, #tpu.memory_space<vmem>>, vector<16xi32>,
      %bitcast3A_181 = vector.bitcast %get3A_180 : vector<16xi32> to vector<16xf32>
      %lt3A_182 = arith.cmpf olt, %bitcast3A_174, %bitcast3A_167 : vector<16xf32>
      %lt3A_183 = arith.cmpf olt, %bitcast3A_181, %bitcast3A_167 : vector<16xf32>
      %and3A_184 = arith.andi %lt3A_182, %lt3A_183 : vector<16xi1>
      %ge3A_185 = arith.constant 1.000000e-01 : f32
      %ge3A_186 = vector.broadcast %ge3A_185 : f32 to vector<16xf32>
      %ge3A_187 = arith.cmpf oge, %bitcast3A_167, %ge3A_186 : vector<16xf32>
      %and3A_188 = arith.andi %and3A_184, %ge3A_187 : vector<16xi1>
      %eq3A_189 = arith.cmpf oeq, %bitcast3A_167, %bitcast3A_181 : vector<16xf32>
      %reduce_or3A_190 = arith.constant 1.000000e+00 : f32
      %reduce_or3A_191 = arith.constant 0.000000e+00 : f32
      %reduce_or3A_192 = vector.broadcast %reduce_or3A_190 : f32 to vector<16xf32>
      %reduce_or3A_193 = vector.broadcast %reduce_or3A_191 : f32 to vector<16xf32>
      %reduce_or3A_194 = arith.select %eq3A_189, %reduce_or3A_192, %reduce_or3A_193 : vector<16xi1>, vector<16xf32>
      %reduce_or3A_195 = arith.constant true
      %reduce_or3A_196 = vector.broadcast %reduce_or3A_195 : i1 to vector<16xi1>
      %reduce_or3A_197 = tpu.scan <max>, %reduce_or3A_194 masked %reduce_or3A_196 : vector<16xf32>, vector<16xi1> -> vector<16xf32>
      %reduce_or3A_198 = vector.extract %reduce_or3A_197[15] : f32 from vector<16xf32>
      %reduce_or3A_199 = arith.constant 0.000000e+00 : f32
      %reduce_or3A_200 = arith.cmpf ogt, %reduce_or3A_198, %reduce_or3A_199 : f32
      %convert_element_type3A_201 = arith.extui %reduce_or3A_200 : i1 to i32
      %or3A_202 = arith.ori %or3A, %convert_element_type3A_201 : i32
      %convert_element_type3A_203 = arith.extui %and3A_188 : vector<16xi1> to vector<16xi32>
      %cumsum3A_204 = arith.constant true
      %cumsum3A_205 = vector.broadcast %cumsum3A_204 : i1 to vector<16xi1>
      %cumsum3A_206 = tpu.scan <sum>, %convert_element_type3A_203 masked %cumsum3A_205 : vector<16xi32>, vector<16xi1> -> vector<16xi32>
      %add3A_207 = arith.constant 16 : i32
      %add3A_208 = arith.addi %add3A_207, %add3A_158 : i32
      %add3A_209 = vector.broadcast %add3A_208 : i32 to vector<16xi32>
      %add3A_210 = arith.addi %add3A_209, %cumsum3A_206 : vector<16xi32>
      %sub3A_211 = arith.constant 1 : i32
      %sub3A_212 = vector.broadcast %sub3A_211 : i32 to vector<16xi32>
      %sub3A_213 = arith.subi %add3A_210, %sub3A_212 : vector<16xi32>
      %iota3A_214 = tpu.iota {dimensions = array<i32: 0>} : vector<16xi32>
      %add3A_215 = vector.broadcast %mul3A_162 : i32 to vector<16xi32>
      %add3A_216 = arith.addi %add3A_215, %iota3A_214 : vector<16xi32>
      tpu.vector_store_idx %arg6[%sub3A_213], %add3A_216 masked %and3A_188 : memref<10048xi32, #tpu.memory_space<vmem>>[vector<16xi32>], vector<16xi32>, vector<16xi1>
      %bitcast3A_217 = vector.bitcast %bitcast3A_167 : vector<16xf32> to vector<16xi32>
      %shift_right_arithmetic3A_218 = arith.constant 31 : i32
      %shift_right_arithmetic3A_219 = vector.broadcast %shift_right_arithmetic3A_218 : i32 to vector<16xi32>
      %shift_right_arithmetic3A_220 = arith.shrsi %bitcast3A_217, %shift_right_arithmetic3A_219 : vector<16xi32>
      %and3A_221 = arith.constant 2147483647 : i32
      %and3A_222 = vector.broadcast %and3A_221 : i32 to vector<16xi32>
      %and3A_223 = arith.andi %shift_right_arithmetic3A_220, %and3A_222 : vector<16xi32>
      %xor3A_224 = arith.xori %bitcast3A_217, %and3A_223 : vector<16xi32>
      tpu.vector_store_idx %arg7[%sub3A_213], %xor3A_224 masked %and3A_188 : memref<10048xi32, #tpu.memory_space<vmem>>[vector<16xi32>], vector<16xi32>, vector<16xi1>
      %broadcast_in_dim3A_225 = arith.constant 0.000000e+00 : f32
      %broadcast_in_dim3A_226 = vector.broadcast %broadcast_in_dim3A_225 : f32 to vector<16xf32>
      %swap3A_227 = arith.index_cast %mul3A_162 : i32 to index
      %swap3A_228 = tpu.vector_load %arg5[%swap3A_227] {strides = array<i32>} : memref<20000xf32, #tpu.memory_space<vmem>>, vector<16xf32>,
      tpu.vector_store %arg5[%swap3A_227], %broadcast_in_dim3A_226 {strides = array<i32>} : memref<20000xf32, #tpu.memory_space<vmem>>, vector<16xf32>,
      %reduce_sum3A_229 = arith.constant true
      %reduce_sum3A_230 = vector.broadcast %reduce_sum3A_229 : i1 to vector<16xi1>
      %reduce_sum3A_231 = tpu.scan <sum>, %convert_element_type3A_203 masked %reduce_sum3A_230 : vector<16xi32>, vector<16xi1> -> vector<16xi32>
      %reduce_sum3A_232 = vector.extract %reduce_sum3A_231[15] : i32 from vector<16xi32>
      %add3A_233 = arith.addi %add3A_158, %reduce_sum3A_232 : i32
      %scan3A_234 = arith.constant 1250 : i32
      %scan3A_235 = arith.constant 0 : i32
      %scan3A_236 = arith.constant 0 : i32
      %scan3A_237 = arith.constant 312 : i32
      %scan3A_238 = arith.addi %scan3A_236, %scan3A_237 : i32
      %scan3A_239 = arith.constant 2 : i32
      %scan3A_240 = scf.for %scan3A_431 = %scan3A_236 to %scan3A_238 step %scan3A_239 iter_args(%scan3A_432 = %scan3A_235) -> (i32)  : i32 {
        %mul3A_433 = arith.constant 64 : i32
        %mul3A_434 = arith.muli %scan3A_431, %mul3A_433 : i32
        %add3A_435 = arith.constant 0 : i32
        %add3A_436 = arith.addi %mul3A_434, %add3A_435 : i32
        %get3A_437 = arith.index_cast %add3A_436 : i32 to index
        %get3A_438 = tpu.vector_load %arg4[%get3A_437] {strides = array<i32>} : memref<20032xi32, #tpu.memory_space<vmem>>, vector<16xi32>,
        %shift_right_arithmetic3A_439 = arith.constant 31 : i32
        %shift_right_arithmetic3A_440 = vector.broadcast %shift_right_arithmetic3A_439 : i32 to vector<16xi32>
        %shift_right_arithmetic3A_441 = arith.shrsi %get3A_438, %shift_right_arithmetic3A_440 : vector<16xi32>
        %and3A_442 = arith.constant 2147483647 : i32
        %and3A_443 = vector.broadcast %and3A_442 : i32 to vector<16xi32>
        %and3A_444 = arith.andi %shift_right_arithmetic3A_441, %and3A_443 : vector<16xi32>
        %xor3A_445 = arith.xori %get3A_438, %and3A_444 : vector<16xi32>
        %add3A_446 = arith.constant 0 : i32
        %add3A_447 = arith.addi %mul3A_434, %add3A_446 : i32
        %swap3A_448 = arith.index_cast %add3A_447 : i32 to index
        %swap3A_449 = tpu.vector_load %arg4[%swap3A_448] {strides = array<i32>} : memref<20032xi32, #tpu.memory_space<vmem>>, vector<16xi32>,
        tpu.vector_store %arg4[%swap3A_448], %xor3A_445 {strides = array<i32>} : memref<20032xi32, #tpu.memory_space<vmem>>, vector<16xi32>,
        %add3A_450 = arith.constant 16 : i32
        %add3A_451 = arith.addi %mul3A_434, %add3A_450 : i32
        %get3A_452 = arith.index_cast %add3A_451 : i32 to index
        %get3A_453 = tpu.vector_load %arg4[%get3A_452] {strides = array<i32>} : memref<20032xi32, #tpu.memory_space<vmem>>, vector<16xi32>,
        %shift_right_arithmetic3A_454 = arith.constant 31 : i32
        %shift_right_arithmetic3A_455 = vector.broadcast %shift_right_arithmetic3A_454 : i32 to vector<16xi32>
        %shift_right_arithmetic3A_456 = arith.shrsi %get3A_453, %shift_right_arithmetic3A_455 : vector<16xi32>
        %and3A_457 = arith.constant 2147483647 : i32
        %and3A_458 = vector.broadcast %and3A_457 : i32 to vector<16xi32>
        %and3A_459 = arith.andi %shift_right_arithmetic3A_456, %and3A_458 : vector<16xi32>
        %xor3A_460 = arith.xori %get3A_453, %and3A_459 : vector<16xi32>
        %add3A_461 = arith.constant 16 : i32
        %add3A_462 = arith.addi %mul3A_434, %add3A_461 : i32
        %swap3A_463 = arith.index_cast %add3A_462 : i32 to index
        %swap3A_464 = tpu.vector_load %arg4[%swap3A_463] {strides = array<i32>} : memref<20032xi32, #tpu.memory_space<vmem>>, vector<16xi32>,
        tpu.vector_store %arg4[%swap3A_463], %xor3A_460 {strides = array<i32>} : memref<20032xi32, #tpu.memory_space<vmem>>, vector<16xi32>,
        %add3A_465 = arith.constant 32 : i32
        %add3A_466 = arith.addi %mul3A_434, %add3A_465 : i32
        %get3A_467 = arith.index_cast %add3A_466 : i32 to index
        %get3A_468 = tpu.vector_load %arg4[%get3A_467] {strides = array<i32>} : memref<20032xi32, #tpu.memory_space<vmem>>, vector<16xi32>,
        %shift_right_arithmetic3A_469 = arith.constant 31 : i32
        %shift_right_arithmetic3A_470 = vector.broadcast %shift_right_arithmetic3A_469 : i32 to vector<16xi32>
        %shift_right_arithmetic3A_471 = arith.shrsi %get3A_468, %shift_right_arithmetic3A_470 : vector<16xi32>
        %and3A_472 = arith.constant 2147483647 : i32
        %and3A_473 = vector.broadcast %and3A_472 : i32 to vector<16xi32>
        %and3A_474 = arith.andi %shift_right_arithmetic3A_471, %and3A_473 : vector<16xi32>
        %xor3A_475 = arith.xori %get3A_468, %and3A_474 : vector<16xi32>
        %add3A_476 = arith.constant 32 : i32
        %add3A_477 = arith.addi %mul3A_434, %add3A_476 : i32
        %swap3A_478 = arith.index_cast %add3A_477 : i32 to index
        %swap3A_479 = tpu.vector_load %arg4[%swap3A_478] {strides = array<i32>} : memref<20032xi32, #tpu.memory_space<vmem>>, vector<16xi32>,
        tpu.vector_store %arg4[%swap3A_478], %xor3A_475 {strides = array<i32>} : memref<20032xi32, #tpu.memory_space<vmem>>, vector<16xi32>,
        %add3A_480 = arith.constant 48 : i32
        %add3A_481 = arith.addi %mul3A_434, %add3A_480 : i32
        %get3A_482 = arith.index_cast %add3A_481 : i32 to index
        %get3A_483 = tpu.vector_load %arg4[%get3A_482] {strides = array<i32>} : memref<20032xi32, #tpu.memory_space<vmem>>, vector<16xi32>,
        %shift_right_arithmetic3A_484 = arith.constant 31 : i32
        %shift_right_arithmetic3A_485 = vector.broadcast %shift_right_arithmetic3A_484 : i32 to vector<16xi32>
        %shift_right_arithmetic3A_486 = arith.shrsi %get3A_483, %shift_right_arithmetic3A_485 : vector<16xi32>
        %and3A_487 = arith.constant 2147483647 : i32
        %and3A_488 = vector.broadcast %and3A_487 : i32 to vector<16xi32>
        %and3A_489 = arith.andi %shift_right_arithmetic3A_486, %and3A_488 : vector<16xi32>
        %xor3A_490 = arith.xori %get3A_483, %and3A_489 : vector<16xi32>
        %add3A_491 = arith.constant 48 : i32
        %add3A_492 = arith.addi %mul3A_434, %add3A_491 : i32
        %swap3A_493 = arith.index_cast %add3A_492 : i32 to index
        %swap3A_494 = tpu.vector_load %arg4[%swap3A_493] {strides = array<i32>} : memref<20032xi32, #tpu.memory_space<vmem>>, vector<16xi32>,
        tpu.vector_store %arg4[%swap3A_493], %xor3A_490 {strides = array<i32>} : memref<20032xi32, #tpu.memory_space<vmem>>, vector<16xi32>,
        %max3A_495 = arith.maxsi %xor3A_445, %xor3A_460 : vector<16xi32>
        %max3A_496 = arith.maxsi %xor3A_475, %xor3A_490 : vector<16xi32>
        %max3A_497 = arith.maxsi %max3A_495, %max3A_496 : vector<16xi32>
        %min3A_498 = arith.minsi %xor3A_445, %xor3A_460 : vector<16xi32>
        %min3A_499 = arith.minsi %xor3A_475, %xor3A_490 : vector<16xi32>
        %min3A_500 = arith.minsi %min3A_498, %min3A_499 : vector<16xi32>
        %reduce_max3A_501 = arith.constant true
        %reduce_max3A_502 = vector.broadcast %reduce_max3A_501 : i1 to vector<16xi1>
        %reduce_max3A_503 = arith.constant -2147483648 : i32
        %reduce_max3A_504 = vector.broadcast %reduce_max3A_503 : i32 to vector<16xi32>
        %reduce_max3A_505 = arith.xori %max3A_497, %reduce_max3A_504 : vector<16xi32>
        %reduce_max3A_506 = tpu.scan <max>, %reduce_max3A_505 masked %reduce_max3A_502 : vector<16xi32>, vector<16xi1> -> vector<16xi32>
        %reduce_max3A_507 = arith.xori %reduce_max3A_506, %reduce_max3A_504 : vector<16xi32>
        %reduce_max3A_508 = vector.extract %reduce_max3A_507[15] : i32 from vector<16xi32>
        %iota3A_509 = tpu.iota {dimensions = array<i32: 0>} : vector<16xi32>
        %broadcast_in_dim3A_510 = vector.broadcast %scan3A_431 : i32 to vector<16xi32>
        %broadcast_in_dim3A_511 = vector.broadcast %reduce_max3A_508 : i32 to vector<16xi32>
        %eq3A_512 = arith.constant 0 : i32
        %eq3A_513 = vector.broadcast %eq3A_512 : i32 to vector<16xi32>
        %eq3A_514 = arith.cmpi eq, %iota3A_509, %eq3A_513 : vector<16xi32>
        tpu.vector_store_idx %arg11[%broadcast_in_dim3A_510], %broadcast_in_dim3A_511 masked %eq3A_514 : memref<320xi32, #tpu.memory_space<vmem>>[vector<16xi32>], vector<16xi32>, vector<16xi1>
        %reduce_min3A_515 = arith.constant true
        %reduce_min3A_516 = vector.broadcast %reduce_min3A_515 : i1 to vector<16xi1>
        %reduce_min3A_517 = arith.constant -2147483648 : i32
        %reduce_min3A_518 = vector.broadcast %reduce_min3A_517 : i32 to vector<16xi32>
        %reduce_min3A_519 = arith.xori %min3A_500, %reduce_min3A_518 : vector<16xi32>
        %reduce_min3A_520 = tpu.scan <min>, %reduce_min3A_519 masked %reduce_min3A_516 : vector<16xi32>, vector<16xi1> -> vector<16xi32>
        %reduce_min3A_521 = arith.xori %reduce_min3A_520, %reduce_min3A_518 : vector<16xi32>
        %reduce_min3A_522 = vector.extract %reduce_min3A_521[15] : i32 from vector<16xi32>
        %iota3A_523 = tpu.iota {dimensions = array<i32: 0>} : vector<16xi32>
        %broadcast_in_dim3A_524 = vector.broadcast %scan3A_431 : i32 to vector<16xi32>
        %broadcast_in_dim3A_525 = vector.broadcast %reduce_min3A_522 : i32 to vector<16xi32>
        %eq3A_526 = arith.constant 0 : i32
        %eq3A_527 = vector.broadcast %eq3A_526 : i32 to vector<16xi32>
        %eq3A_528 = arith.cmpi eq, %iota3A_523, %eq3A_527 : vector<16xi32>
        tpu.vector_store_idx %arg12[%broadcast_in_dim3A_524], %broadcast_in_dim3A_525 masked %eq3A_528 : memref<320xi32, #tpu.memory_space<vmem>>[vector<16xi32>], vector<16xi32>, vector<16xi1>
        %scan3A_529 = arith.constant 0 : i32
        %scan3A_530 = arith.constant 1 : i32
        %scan3A_531 = arith.addi %scan3A_431, %scan3A_530 : i32
        %mul3A_532 = arith.constant 64 : i32
        %mul3A_533 = arith.muli %scan3A_531, %mul3A_532 : i32
        %add3A_534 = arith.constant 0 : i32
        %add3A_535 = arith.addi %mul3A_533, %add3A_534 : i32
        %get3A_536 = arith.index_cast %add3A_535 : i32 to index
        %get3A_537 = tpu.vector_load %arg4[%get3A_536] {strides = array<i32>} : memref<20032xi32, #tpu.memory_space<vmem>>, vector<16xi32>,
        %shift_right_arithmetic3A_538 = arith.constant 31 : i32
        %shift_right_arithmetic3A_539 = vector.broadcast %shift_right_arithmetic3A_538 : i32 to vector<16xi32>
        %shift_right_arithmetic3A_540 = arith.shrsi %get3A_537, %shift_right_arithmetic3A_539 : vector<16xi32>
        %and3A_541 = arith.constant 2147483647 : i32
        %and3A_542 = vector.broadcast %and3A_541 : i32 to vector<16xi32>
        %and3A_543 = arith.andi %shift_right_arithmetic3A_540, %and3A_542 : vector<16xi32>
        %xor3A_544 = arith.xori %get3A_537, %and3A_543 : vector<16xi32>
        %add3A_545 = arith.constant 0 : i32
        %add3A_546 = arith.addi %mul3A_533, %add3A_545 : i32
        %swap3A_547 = arith.index_cast %add3A_546 : i32 to index
        %swap3A_548 = tpu.vector_load %arg4[%swap3A_547] {strides = array<i32>} : memref<20032xi32, #tpu.memory_space<vmem>>, vector<16xi32>,
        tpu.vector_store %arg4[%swap3A_547], %xor3A_544 {strides = array<i32>} : memref<20032xi32, #tpu.memory_space<vmem>>, vector<16xi32>,
        %add3A_549 = arith.constant 16 : i32
        %add3A_550 = arith.addi %mul3A_533, %add3A_549 : i32
        %get3A_551 = arith.index_cast %add3A_550 : i32 to index
        %get3A_552 = tpu.vector_load %arg4[%get3A_551] {strides = array<i32>} : memref<20032xi32, #tpu.memory_space<vmem>>, vector<16xi32>,
        %shift_right_arithmetic3A_553 = arith.constant 31 : i32
        %shift_right_arithmetic3A_554 = vector.broadcast %shift_right_arithmetic3A_553 : i32 to vector<16xi32>
        %shift_right_arithmetic3A_555 = arith.shrsi %get3A_552, %shift_right_arithmetic3A_554 : vector<16xi32>
        %and3A_556 = arith.constant 2147483647 : i32
        %and3A_557 = vector.broadcast %and3A_556 : i32 to vector<16xi32>
        %and3A_558 = arith.andi %shift_right_arithmetic3A_555, %and3A_557 : vector<16xi32>
        %xor3A_559 = arith.xori %get3A_552, %and3A_558 : vector<16xi32>
        %add3A_560 = arith.constant 16 : i32
        %add3A_561 = arith.addi %mul3A_533, %add3A_560 : i32
        %swap3A_562 = arith.index_cast %add3A_561 : i32 to index
        %swap3A_563 = tpu.vector_load %arg4[%swap3A_562] {strides = array<i32>} : memref<20032xi32, #tpu.memory_space<vmem>>, vector<16xi32>,
        tpu.vector_store %arg4[%swap3A_562], %xor3A_559 {strides = array<i32>} : memref<20032xi32, #tpu.memory_space<vmem>>, vector<16xi32>,
        %add3A_564 = arith.constant 32 : i32
        %add3A_565 = arith.addi %mul3A_533, %add3A_564 : i32
        %get3A_566 = arith.index_cast %add3A_565 : i32 to index
        %get3A_567 = tpu.vector_load %arg4[%get3A_566] {strides = array<i32>} : memref<20032xi32, #tpu.memory_space<vmem>>, vector<16xi32>,
        %shift_right_arithmetic3A_568 = arith.constant 31 : i32
        %shift_right_arithmetic3A_569 = vector.broadcast %shift_right_arithmetic3A_568 : i32 to vector<16xi32>
        %shift_right_arithmetic3A_570 = arith.shrsi %get3A_567, %shift_right_arithmetic3A_569 : vector<16xi32>
        %and3A_571 = arith.constant 2147483647 : i32
        %and3A_572 = vector.broadcast %and3A_571 : i32 to vector<16xi32>
        %and3A_573 = arith.andi %shift_right_arithmetic3A_570, %and3A_572 : vector<16xi32>
        %xor3A_574 = arith.xori %get3A_567, %and3A_573 : vector<16xi32>
        %add3A_575 = arith.constant 32 : i32
        %add3A_576 = arith.addi %mul3A_533, %add3A_575 : i32
        %swap3A_577 = arith.index_cast %add3A_576 : i32 to index
        %swap3A_578 = tpu.vector_load %arg4[%swap3A_577] {strides = array<i32>} : memref<20032xi32, #tpu.memory_space<vmem>>, vector<16xi32>,
        tpu.vector_store %arg4[%swap3A_577], %xor3A_574 {strides = array<i32>} : memref<20032xi32, #tpu.memory_space<vmem>>, vector<16xi32>,
        %add3A_579 = arith.constant 48 : i32
        %add3A_580 = arith.addi %mul3A_533, %add3A_579 : i32
        %get3A_581 = arith.index_cast %add3A_580 : i32 to index
        %get3A_582 = tpu.vector_load %arg4[%get3A_581] {strides = array<i32>} : memref<20032xi32, #tpu.memory_space<vmem>>, vector<16xi32>,
        %shift_right_arithmetic3A_583 = arith.constant 31 : i32
        %shift_right_arithmetic3A_584 = vector.broadcast %shift_right_arithmetic3A_583 : i32 to vector<16xi32>
        %shift_right_arithmetic3A_585 = arith.shrsi %get3A_582, %shift_right_arithmetic3A_584 : vector<16xi32>
        %and3A_586 = arith.constant 2147483647 : i32
        %and3A_587 = vector.broadcast %and3A_586 : i32 to vector<16xi32>
        %and3A_588 = arith.andi %shift_right_arithmetic3A_585, %and3A_587 : vector<16xi32>
        %xor3A_589 = arith.xori %get3A_582, %and3A_588 : vector<16xi32>
        %add3A_590 = arith.constant 48 : i32
        %add3A_591 = arith.addi %mul3A_533, %add3A_590 : i32
        %swap3A_592 = arith.index_cast %add3A_591 : i32 to index
        %swap3A_593 = tpu.vector_load %arg4[%swap3A_592] {strides = array<i32>} : memref<20032xi32, #tpu.memory_space<vmem>>, vector<16xi32>,
        tpu.vector_store %arg4[%swap3A_592], %xor3A_589 {strides = array<i32>} : memref<20032xi32, #tpu.memory_space<vmem>>, vector<16xi32>,
        %max3A_594 = arith.maxsi %xor3A_544, %xor3A_559 : vector<16xi32>
        %max3A_595 = arith.maxsi %xor3A_574, %xor3A_589 : vector<16xi32>
        %max3A_596 = arith.maxsi %max3A_594, %max3A_595 : vector<16xi32>
        %min3A_597 = arith.minsi %xor3A_544, %xor3A_559 : vector<16xi32>
        %min3A_598 = arith.minsi %xor3A_574, %xor3A_589 : vector<16xi32>
        %min3A_599 = arith.minsi %min3A_597, %min3A_598 : vector<16xi32>
        %reduce_max3A_600 = arith.constant true
        %reduce_max3A_601 = vector.broadcast %reduce_max3A_600 : i1 to vector<16xi1>
        %reduce_max3A_602 = arith.constant -2147483648 : i32
        %reduce_max3A_603 = vector.broadcast %reduce_max3A_602 : i32 to vector<16xi32>
        %reduce_max3A_604 = arith.xori %max3A_596, %reduce_max3A_603 : vector<16xi32>
        %reduce_max3A_605 = tpu.scan <max>, %reduce_max3A_604 masked %reduce_max3A_601 : vector<16xi32>, vector<16xi1> -> vector<16xi32>
        %reduce_max3A_606 = arith.xori %reduce_max3A_605, %reduce_max3A_603 : vector<16xi32>
        %reduce_max3A_607 = vector.extract %reduce_max3A_606[15] : i32 from vector<16xi32>
        %iota3A_608 = tpu.iota {dimensions = array<i32: 0>} : vector<16xi32>
        %broadcast_in_dim3A_609 = vector.broadcast %scan3A_531 : i32 to vector<16xi32>
        %broadcast_in_dim3A_610 = vector.broadcast %reduce_max3A_607 : i32 to vector<16xi32>
        %eq3A_611 = arith.constant 0 : i32
        %eq3A_612 = vector.broadcast %eq3A_611 : i32 to vector<16xi32>
        %eq3A_613 = arith.cmpi eq, %iota3A_608, %eq3A_612 : vector<16xi32>
        tpu.vector_store_idx %arg11[%broadcast_in_dim3A_609], %broadcast_in_dim3A_610 masked %eq3A_613 : memref<320xi32, #tpu.memory_space<vmem>>[vector<16xi32>], vector<16xi32>, vector<16xi1>
        %reduce_min3A_614 = arith.constant true
        %reduce_min3A_615 = vector.broadcast %reduce_min3A_614 : i1 to vector<16xi1>
        %reduce_min3A_616 = arith.constant -2147483648 : i32
        %reduce_min3A_617 = vector.broadcast %reduce_min3A_616 : i32 to vector<16xi32>
        %reduce_min3A_618 = arith.xori %min3A_599, %reduce_min3A_617 : vector<16xi32>
        %reduce_min3A_619 = tpu.scan <min>, %reduce_min3A_618 masked %reduce_min3A_615 : vector<16xi32>, vector<16xi1> -> vector<16xi32>
        %reduce_min3A_620 = arith.xori %reduce_min3A_619, %reduce_min3A_617 : vector<16xi32>
        %reduce_min3A_621 = vector.extract %reduce_min3A_620[15] : i32 from vector<16xi32>
        %iota3A_622 = tpu.iota {dimensions = array<i32: 0>} : vector<16xi32>
        %broadcast_in_dim3A_623 = vector.broadcast %scan3A_531 : i32 to vector<16xi32>
        %broadcast_in_dim3A_624 = vector.broadcast %reduce_min3A_621 : i32 to vector<16xi32>
        %eq3A_625 = arith.constant 0 : i32
        %eq3A_626 = vector.broadcast %eq3A_625 : i32 to vector<16xi32>
        %eq3A_627 = arith.cmpi eq, %iota3A_622, %eq3A_626 : vector<16xi32>
        tpu.vector_store_idx %arg12[%broadcast_in_dim3A_623], %broadcast_in_dim3A_624 masked %eq3A_627 : memref<320xi32, #tpu.memory_space<vmem>>[vector<16xi32>], vector<16xi32>, vector<16xi1>
        %scan3A_628 = arith.constant 0 : i32
        scf.yield %scan3A_628 : i32
      }
      %scan3A_241 = arith.constant 312 : i32
      %scan3A_242 = arith.addi %scan3A_236, %scan3A_241 : i32
      %mul3A_243 = arith.constant 64 : i32
      %mul3A_244 = arith.muli %scan3A_242, %mul3A_243 : i32
      %add3A_245 = arith.constant 0 : i32
      %add3A_246 = arith.addi %mul3A_244, %add3A_245 : i32
      %get3A_247 = arith.index_cast %add3A_246 : i32 to index
      %get3A_248 = tpu.vector_load %arg4[%get3A_247] {strides = array<i32>} : memref<20032xi32, #tpu.memory_space<vmem>>, vector<16xi32>,
      %shift_right_arithmetic3A_249 = arith.constant 31 : i32
      %shift_right_arithmetic3A_250 = vector.broadcast %shift_right_arithmetic3A_249 : i32 to vector<16xi32>
      %shift_right_arithmetic3A_251 = arith.shrsi %get3A_248, %shift_right_arithmetic3A_250 : vector<16xi32>
      %and3A_252 = arith.constant 2147483647 : i32
      %and3A_253 = vector.broadcast %and3A_252 : i32 to vector<16xi32>
      %and3A_254 = arith.andi %shift_right_arithmetic3A_251, %and3A_253 : vector<16xi32>
      %xor3A_255 = arith.xori %get3A_248, %and3A_254 : vector<16xi32>
      %add3A_256 = arith.constant 0 : i32
      %add3A_257 = arith.addi %mul3A_244, %add3A_256 : i32
      %swap3A_258 = arith.index_cast %add3A_257 : i32 to index
      %swap3A_259 = tpu.vector_load %arg4[%swap3A_258] {strides = array<i32>} : memref<20032xi32, #tpu.memory_space<vmem>>, vector<16xi32>,
      tpu.vector_store %arg4[%swap3A_258], %xor3A_255 {strides = array<i32>} : memref<20032xi32, #tpu.memory_space<vmem>>, vector<16xi32>,
      %add3A_260 = arith.constant 16 : i32
      %add3A_261 = arith.addi %mul3A_244, %add3A_260 : i32
      %get3A_262 = arith.index_cast %add3A_261 : i32 to index
      %get3A_263 = tpu.vector_load %arg4[%get3A_262] {strides = array<i32>} : memref<20032xi32, #tpu.memory_space<vmem>>, vector<16xi32>,
      %shift_right_arithmetic3A_264 = arith.constant 31 : i32
      %shift_right_arithmetic3A_265 = vector.broadcast %shift_right_arithmetic3A_264 : i32 to vector<16xi32>
      %shift_right_arithmetic3A_266 = arith.shrsi %get3A_263, %shift_right_arithmetic3A_265 : vector<16xi32>
      %and3A_267 = arith.constant 2147483647 : i32
      %and3A_268 = vector.broadcast %and3A_267 : i32 to vector<16xi32>
      %and3A_269 = arith.andi %shift_right_arithmetic3A_266, %and3A_268 : vector<16xi32>
      %xor3A_270 = arith.xori %get3A_263, %and3A_269 : vector<16xi32>
      %add3A_271 = arith.constant 16 : i32
      %add3A_272 = arith.addi %mul3A_244, %add3A_271 : i32
      %swap3A_273 = arith.index_cast %add3A_272 : i32 to index
      %swap3A_274 = tpu.vector_load %arg4[%swap3A_273] {strides = array<i32>} : memref<20032xi32, #tpu.memory_space<vmem>>, vector<16xi32>,
      tpu.vector_store %arg4[%swap3A_273], %xor3A_270 {strides = array<i32>} : memref<20032xi32, #tpu.memory_space<vmem>>, vector<16xi32>,
      %add3A_275 = arith.constant 32 : i32
      %add3A_276 = arith.addi %mul3A_244, %add3A_275 : i32
      %get3A_277 = arith.index_cast %add3A_276 : i32 to index
      %get3A_278 = tpu.vector_load %arg4[%get3A_277] {strides = array<i32>} : memref<20032xi32, #tpu.memory_space<vmem>>, vector<16xi32>,
      %shift_right_arithmetic3A_279 = arith.constant 31 : i32
      %shift_right_arithmetic3A_280 = vector.broadcast %shift_right_arithmetic3A_279 : i32 to vector<16xi32>
      %shift_right_arithmetic3A_281 = arith.shrsi %get3A_278, %shift_right_arithmetic3A_280 : vector<16xi32>
      %and3A_282 = arith.constant 2147483647 : i32
      %and3A_283 = vector.broadcast %and3A_282 : i32 to vector<16xi32>
      %and3A_284 = arith.andi %shift_right_arithmetic3A_281, %and3A_283 : vector<16xi32>
      %xor3A_285 = arith.xori %get3A_278, %and3A_284 : vector<16xi32>
      %add3A_286 = arith.constant 32 : i32
      %add3A_287 = arith.addi %mul3A_244, %add3A_286 : i32
      %swap3A_288 = arith.index_cast %add3A_287 : i32 to index
      %swap3A_289 = tpu.vector_load %arg4[%swap3A_288] {strides = array<i32>} : memref<20032xi32, #tpu.memory_space<vmem>>, vector<16xi32>,
      tpu.vector_store %arg4[%swap3A_288], %xor3A_285 {strides = array<i32>} : memref<20032xi32, #tpu.memory_space<vmem>>, vector<16xi32>,
      %add3A_290 = arith.constant 48 : i32
      %add3A_291 = arith.addi %mul3A_244, %add3A_290 : i32
      %get3A_292 = arith.index_cast %add3A_291 : i32 to index
      %get3A_293 = tpu.vector_load %arg4[%get3A_292] {strides = array<i32>} : memref<20032xi32, #tpu.memory_space<vmem>>, vector<16xi32>,
      %shift_right_arithmetic3A_294 = arith.constant 31 : i32
      %shift_right_arithmetic3A_295 = vector.broadcast %shift_right_arithmetic3A_294 : i32 to vector<16xi32>
      %shift_right_arithmetic3A_296 = arith.shrsi %get3A_293, %shift_right_arithmetic3A_295 : vector<16xi32>
      %and3A_297 = arith.constant 2147483647 : i32
      %and3A_298 = vector.broadcast %and3A_297 : i32 to vector<16xi32>
      %and3A_299 = arith.andi %shift_right_arithmetic3A_296, %and3A_298 : vector<16xi32>
      %xor3A_300 = arith.xori %get3A_293, %and3A_299 : vector<16xi32>
      %add3A_301 = arith.constant 48 : i32
      %add3A_302 = arith.addi %mul3A_244, %add3A_301 : i32
      %swap3A_303 = arith.index_cast %add3A_302 : i32 to index
      %swap3A_304 = tpu.vector_load %arg4[%swap3A_303] {strides = array<i32>} : memref<20032xi32, #tpu.memory_space<vmem>>, vector<16xi32>,
      tpu.vector_store %arg4[%swap3A_303], %xor3A_300 {strides = array<i32>} : memref<20032xi32, #tpu.memory_space<vmem>>, vector<16xi32>,
      %max3A_305 = arith.maxsi %xor3A_255, %xor3A_270 : vector<16xi32>
      %max3A_306 = arith.maxsi %xor3A_285, %xor3A_300 : vector<16xi32>
      %max3A_307 = arith.maxsi %max3A_305, %max3A_306 : vector<16xi32>
      %min3A_308 = arith.minsi %xor3A_255, %xor3A_270 : vector<16xi32>
      %min3A_309 = arith.minsi %xor3A_285, %xor3A_300 : vector<16xi32>
      %min3A_310 = arith.minsi %min3A_308, %min3A_309 : vector<16xi32>
      %reduce_max3A_311 = arith.constant true
      %reduce_max3A_312 = vector.broadcast %reduce_max3A_311 : i1 to vector<16xi1>
      %reduce_max3A_313 = arith.constant -2147483648 : i32
      %reduce_max3A_314 = vector.broadcast %reduce_max3A_313 : i32 to vector<16xi32>
      %reduce_max3A_315 = arith.xori %max3A_307, %reduce_max3A_314 : vector<16xi32>
      %reduce_max3A_316 = tpu.scan <max>, %reduce_max3A_315 masked %reduce_max3A_312 : vector<16xi32>, vector<16xi1> -> vector<16xi32>
      %reduce_max3A_317 = arith.xori %reduce_max3A_316, %reduce_max3A_314 : vector<16xi32>
      %reduce_max3A_318 = vector.extract %reduce_max3A_317[15] : i32 from vector<16xi32>
      %iota3A_319 = tpu.iota {dimensions = array<i32: 0>} : vector<16xi32>
      %broadcast_in_dim3A_320 = vector.broadcast %scan3A_242 : i32 to vector<16xi32>
      %broadcast_in_dim3A_321 = vector.broadcast %reduce_max3A_318 : i32 to vector<16xi32>
      %eq3A_322 = arith.constant 0 : i32
      %eq3A_323 = vector.broadcast %eq3A_322 : i32 to vector<16xi32>
      %eq3A_324 = arith.cmpi eq, %iota3A_319, %eq3A_323 : vector<16xi32>
      tpu.vector_store_idx %arg11[%broadcast_in_dim3A_320], %broadcast_in_dim3A_321 masked %eq3A_324 : memref<320xi32, #tpu.memory_space<vmem>>[vector<16xi32>], vector<16xi32>, vector<16xi1>
      %reduce_min3A_325 = arith.constant true
      %reduce_min3A_326 = vector.broadcast %reduce_min3A_325 : i1 to vector<16xi1>
      %reduce_min3A_327 = arith.constant -2147483648 : i32
      %reduce_min3A_328 = vector.broadcast %reduce_min3A_327 : i32 to vector<16xi32>
      %reduce_min3A_329 = arith.xori %min3A_310, %reduce_min3A_328 : vector<16xi32>
      %reduce_min3A_330 = tpu.scan <min>, %reduce_min3A_329 masked %reduce_min3A_326 : vector<16xi32>, vector<16xi1> -> vector<16xi32>
      %reduce_min3A_331 = arith.xori %reduce_min3A_330, %reduce_min3A_328 : vector<16xi32>
      %reduce_min3A_332 = vector.extract %reduce_min3A_331[15] : i32 from vector<16xi32>
      %iota3A_333 = tpu.iota {dimensions = array<i32: 0>} : vector<16xi32>
      %broadcast_in_dim3A_334 = vector.broadcast %scan3A_242 : i32 to vector<16xi32>
      %broadcast_in_dim3A_335 = vector.broadcast %reduce_min3A_332 : i32 to vector<16xi32>
      %eq3A_336 = arith.constant 0 : i32
      %eq3A_337 = vector.broadcast %eq3A_336 : i32 to vector<16xi32>
      %eq3A_338 = arith.cmpi eq, %iota3A_333, %eq3A_337 : vector<16xi32>
      tpu.vector_store_idx %arg12[%broadcast_in_dim3A_334], %broadcast_in_dim3A_335 masked %eq3A_338 : memref<320xi32, #tpu.memory_space<vmem>>[vector<16xi32>], vector<16xi32>, vector<16xi1>
      %scan3A_339 = arith.constant 0 : i32
      %scan3A_340 = arith.constant 313 : i32
      %ne3A = arith.constant 0 : i32
      %ne3A_341 = arith.cmpi ne, %or3A_202, %ne3A : i32
      %convert_element_type3A_342 = arith.extui %ne3A_341 : i1 to i32
      %cond3A = arith.constant 0 : i32
      %cond3A_343 = arith.cmpi ne, %convert_element_type3A_342, %cond3A : i32
      %cond3A_344 = scf.if %cond3A_343 -> (i32) {
        %while3A_431 = arith.constant 1 : i32
        %while3A_432 = arith.constant 0 : i32
        %while3A_433:2 = scf.while (%while3A_434 = %while3A_431, %while3A_435 = %while3A_432) : (i32, i32) -> (i32, i32) {
          %lt3A_436 = arith.constant 19999 : i32
          %lt3A_437 = arith.cmpi slt, %while3A_434, %lt3A_436 : i32
          scf.condition(%lt3A_437) %while3A_434, %while3A_435 : i32, i32
        } do {
        ^bb0(%while3A_434: i32, %while3A_435: i32):
          %add3A_436 = arith.constant 16 : i32
          %add3A_437 = arith.addi %add3A_436, %while3A_434 : i32
          %get3A_438 = arith.index_cast %add3A_437 : i32 to index
          %get3A_439 = tpu.vector_load %arg4[%get3A_438] {strides = array<i32>} : memref<20032xi32, #tpu.memory_space<vmem>>, vector<16xi32>,
          %slice3A = vector.extract_strided_slice %get3A_439 {offsets = [0], sizes = [1], strides = [1]} : vector<16xi32> to vector<1xi32>
          %squeeze3A = vector.extract %slice3A[0] : i32 from vector<1xi32>
          %add3A_440 = arith.constant 16 : i32
          %add3A_441 = arith.addi %add3A_440, %while3A_434 : i32
          %sub3A_442 = arith.constant 1 : i32
          %sub3A_443 = arith.subi %add3A_441, %sub3A_442 : i32
          %get3A_444 = arith.index_cast %sub3A_443 : i32 to index
          %get3A_445 = tpu.vector_load %arg4[%get3A_444] {strides = array<i32>} : memref<20032xi32, #tpu.memory_space<vmem>>, vector<16xi32>,
          %slice3A_446 = vector.extract_strided_slice %get3A_445 {offsets = [0], sizes = [1], strides = [1]} : vector<16xi32> to vector<1xi32>
          %squeeze3A_447 = vector.extract %slice3A_446[0] : i32 from vector<1xi32>
          %lt3A_448 = arith.cmpi slt, %squeeze3A_447, %squeeze3A : i32
          %convert_element_type3A_449 = arith.extui %lt3A_448 : i1 to i32
          %cond3A_450 = arith.constant 0 : i32
          %cond3A_451 = arith.cmpi ne, %convert_element_type3A_449, %cond3A_450 : i32
          %cond3A_452:2 = scf.if %cond3A_451 -> (i32, i32) {
            %add3A_453 = arith.constant 1 : i32
            %add3A_454 = arith.addi %while3A_434, %add3A_453 : i32
            %while3A_455 = arith.constant 0 : i32
            %while3A_456:2 = scf.while (%while3A_479 = %add3A_454, %while3A_480 = %while3A_455) : (i32, i32) -> (i32, i32) {
              %eq3A_481 = arith.constant 0 : i32
              %eq3A_482 = arith.cmpi eq, %while3A_480, %eq3A_481 : i32
              scf.condition(%eq3A_482) %while3A_479, %while3A_480 : i32, i32
            } do {
            ^bb0(%while3A_479: i32, %while3A_480: i32):
              %add3A_481 = arith.constant 16 : i32
              %add3A_482 = arith.addi %add3A_481, %while3A_479 : i32
              %get3A_483 = arith.index_cast %add3A_482 : i32 to index
              %get3A_484 = tpu.vector_load %arg4[%get3A_483] {strides = array<i32>} : memref<20032xi32, #tpu.memory_space<vmem>>, vector<16xi32>,
              %slice3A_485 = vector.extract_strided_slice %get3A_484 {offsets = [0], sizes = [1], strides = [1]} : vector<16xi32> to vector<1xi32>
              %squeeze3A_486 = vector.extract %slice3A_485[0] : i32 from vector<1xi32>
              %ge3A_487 = arith.constant 19999 : i32
              %ge3A_488 = arith.cmpi sge, %while3A_479, %ge3A_487 : i32
              %ne3A_489 = arith.cmpi ne, %squeeze3A_486, %squeeze3A : i32
              %or3A_490 = arith.ori %ge3A_488, %ne3A_489 : i1
              %add3A_491 = arith.constant 1 : i32
              %add3A_492 = arith.addi %while3A_479, %add3A_491 : i32
              %select_n3A_493 = arith.select %or3A_490, %while3A_479, %add3A_492 : i32
              %convert_element_type3A_494 = arith.extui %or3A_490 : i1 to i32
              scf.yield %select_n3A_493, %convert_element_type3A_494 : i32, i32
            }
            %add3A_457 = arith.constant 16 : i32
            %add3A_458 = arith.addi %add3A_457, %while3A_456#0 : i32
            %get3A_459 = arith.index_cast %add3A_458 : i32 to index
            %get3A_460 = tpu.vector_load %arg4[%get3A_459] {strides = array<i32>} : memref<20032xi32, #tpu.memory_space<vmem>>, vector<16xi32>,
            %slice3A_461 = vector.extract_strided_slice %get3A_460 {offsets = [0], sizes = [1], strides = [1]} : vector<16xi32> to vector<1xi32>
            %squeeze3A_462 = vector.extract %slice3A_461[0] : i32 from vector<1xi32>
            %lt3A_463 = arith.cmpi slt, %squeeze3A_462, %squeeze3A : i32
            %ge3A_464 = arith.constant 1036831949 : i32
            %ge3A_465 = arith.cmpi sge, %squeeze3A, %ge3A_464 : i32
            %and3A_466 = arith.andi %lt3A_463, %ge3A_465 : i1
            %add3A_467 = arith.addi %while3A_434, %while3A_456#0 : i32
            %sub3A_468 = arith.constant 1 : i32
            %sub3A_469 = arith.subi %add3A_467, %sub3A_468 : i32
            %shift_right_arithmetic3A_470 = arith.constant 1 : i32
            %shift_right_arithmetic3A_471 = arith.shrsi %sub3A_469, %shift_right_arithmetic3A_470 : i32
            %convert_element_type3A_472 = arith.extui %and3A_466 : i1 to i32
            %cond3A_473 = arith.constant 0 : i32
            %cond3A_474 = arith.cmpi ne, %convert_element_type3A_472, %cond3A_473 : i32
            scf.if %cond3A_474 {
              %add3A_479 = arith.constant 16 : i32
              %add3A_480 = arith.addi %add3A_479, %while3A_435 : i32
              %iota3A_481 = tpu.iota {dimensions = array<i32: 0>} : vector<16xi32>
              %broadcast_in_dim3A_482 = vector.broadcast %add3A_480 : i32 to vector<16xi32>
              %broadcast_in_dim3A_483 = vector.broadcast %shift_right_arithmetic3A_471 : i32 to vector<16xi32>
              %eq3A_484 = arith.constant 0 : i32
              %eq3A_485 = vector.broadcast %eq3A_484 : i32 to vector<16xi32>
              %eq3A_486 = arith.cmpi eq, %iota3A_481, %eq3A_485 : vector<16xi32>
              tpu.vector_store_idx %arg6[%broadcast_in_dim3A_482], %broadcast_in_dim3A_483 masked %eq3A_486 : memref<10048xi32, #tpu.memory_space<vmem>>[vector<16xi32>], vector<16xi32>, vector<16xi1>
              %add3A_487 = arith.constant 16 : i32
              %add3A_488 = arith.addi %add3A_487, %while3A_435 : i32
              %iota3A_489 = tpu.iota {dimensions = array<i32: 0>} : vector<16xi32>
              %broadcast_in_dim3A_490 = vector.broadcast %add3A_488 : i32 to vector<16xi32>
              %broadcast_in_dim3A_491 = vector.broadcast %squeeze3A : i32 to vector<16xi32>
              %eq3A_492 = arith.constant 0 : i32
              %eq3A_493 = vector.broadcast %eq3A_492 : i32 to vector<16xi32>
              %eq3A_494 = arith.cmpi eq, %iota3A_489, %eq3A_493 : vector<16xi32>
              tpu.vector_store_idx %arg7[%broadcast_in_dim3A_490], %broadcast_in_dim3A_491 masked %eq3A_494 : memref<10048xi32, #tpu.memory_space<vmem>>[vector<16xi32>], vector<16xi32>, vector<16xi1>
            } else {
            }
            %select_n3A = arith.select %lt3A_463, %while3A_456#0, %while3A_434 : i32
            %add3A_475 = arith.constant 1 : i32
            %add3A_476 = arith.addi %select_n3A, %add3A_475 : i32
            %convert_element_type3A_477 = arith.extui %and3A_466 : i1 to i32
            %add3A_478 = arith.addi %while3A_435, %convert_element_type3A_477 : i32
            scf.yield %add3A_476, %add3A_478 : i32, i32
          } else {
            %add3A_453 = arith.constant 1 : i32
            %add3A_454 = arith.addi %while3A_434, %add3A_453 : i32
            scf.yield %add3A_454, %while3A_435 : i32, i32
          }
          scf.yield %cond3A_452#0, %cond3A_452#1 : i32, i32
        }
        scf.yield %while3A_433#1 : i32
      } else {
        scf.yield %add3A_233 : i32
      }
      %broadcast_in_dim3A_345 = arith.constant -1000000 : i32
      %broadcast_in_dim3A_346 = vector.broadcast %broadcast_in_dim3A_345 : i32 to vector<16xi32>
      %swap3A_347 = arith.constant 0 : index
      %swap3A_348 = tpu.vector_load %arg6[%swap3A_347] {strides = array<i32>} : memref<10048xi32, #tpu.memory_space<vmem>>, vector<16xi32>,
      tpu.vector_store %arg6[%swap3A_347], %broadcast_in_dim3A_346 {strides = array<i32>} : memref<10048xi32, #tpu.memory_space<vmem>>, vector<16xi32>,
      %broadcast_in_dim3A_349 = arith.constant 2 : i32
      %broadcast_in_dim3A_350 = vector.broadcast %broadcast_in_dim3A_349 : i32 to vector<16xi32>
      %swap3A_351 = arith.constant 0 : index
      %swap3A_352 = tpu.vector_load %arg8[%swap3A_351] {strides = array<i32>} : memref<10048xi32, #tpu.memory_space<vmem>>, vector<16xi32>,
      tpu.vector_store %arg8[%swap3A_351], %broadcast_in_dim3A_350 {strides = array<i32>} : memref<10048xi32, #tpu.memory_space<vmem>>, vector<16xi32>,
      %add3A_353 = arith.constant 15 : i32
      %add3A_354 = arith.addi %cond3A_344, %add3A_353 : i32
      %shift_right_arithmetic3A_355 = arith.constant 4 : i32
      %shift_right_arithmetic3A_356 = arith.shrsi %add3A_354, %shift_right_arithmetic3A_355 : i32
      %while3A = arith.constant 0 : i32
      %while3A_357 = arith.constant 0 : i32
      %while3A_358 = arith.subi %shift_right_arithmetic3A_356, %while3A : i32
      %while3A_359 = arith.addi %while3A, %while3A_358 : i32
      %while3A_360 = arith.constant 1 : i32
      %while3A_361 = arith.divsi %while3A_358, %while3A_360 : i32
      %while3A_362 = arith.muli %while3A_361, %while3A_360 : i32
      %while3A_363 = arith.addi %while3A, %while3A_362 : i32
      %while3A_364 = arith.constant 1 : i32
      %while3A_365 = scf.for %while3A_431 = %while3A to %while3A_363 step %while3A_364 iter_args(%while3A_432 = %while3A_357) -> (i32)  : i32 {
        %broadcast_in_dim3A_433 = arith.constant 0 : i32
        %broadcast_in_dim3A_434 = vector.broadcast %broadcast_in_dim3A_433 : i32 to vector<16xi32>
        %mul3A_435 = arith.constant 16 : i32
        %mul3A_436 = arith.muli %while3A_431, %mul3A_435 : i32
        %add3A_437 = arith.constant 16 : i32
        %add3A_438 = arith.addi %add3A_437, %mul3A_436 : i32
        %swap3A_439 = arith.index_cast %add3A_438 : i32 to index
        %swap3A_440 = tpu.vector_load %arg8[%swap3A_439] {strides = array<i32>} : memref<10048xi32, #tpu.memory_space<vmem>>, vector<16xi32>,
        tpu.vector_store %arg8[%swap3A_439], %broadcast_in_dim3A_434 {strides = array<i32>} : memref<10048xi32, #tpu.memory_space<vmem>>, vector<16xi32>,
        %while3A_441 = arith.constant 0 : i32
        scf.yield %while3A_441 : i32
      }
      %while3A_366 = arith.constant 1 : i32
      %while3A_367 = scf.for %while3A_431 = %while3A_363 to %while3A_359 step %while3A_366 iter_args(%while3A_432 = %while3A_365) -> (i32)  : i32 {
        %broadcast_in_dim3A_433 = arith.constant 0 : i32
        %broadcast_in_dim3A_434 = vector.broadcast %broadcast_in_dim3A_433 : i32 to vector<16xi32>
        %mul3A_435 = arith.constant 16 : i32
        %mul3A_436 = arith.muli %while3A_431, %mul3A_435 : i32
        %add3A_437 = arith.constant 16 : i32
        %add3A_438 = arith.addi %add3A_437, %mul3A_436 : i32
        %swap3A_439 = arith.index_cast %add3A_438 : i32 to index
        %swap3A_440 = tpu.vector_load %arg8[%swap3A_439] {strides = array<i32>} : memref<10048xi32, #tpu.memory_space<vmem>>, vector<16xi32>,
        tpu.vector_store %arg8[%swap3A_439], %broadcast_in_dim3A_434 {strides = array<i32>} : memref<10048xi32, #tpu.memory_space<vmem>>, vector<16xi32>,
        %while3A_441 = arith.constant 0 : i32
        scf.yield %while3A_441 : i32
      }
      %broadcast_in_dim3A_368 = arith.constant 1000000 : i32
      %broadcast_in_dim3A_369 = vector.broadcast %broadcast_in_dim3A_368 : i32 to vector<16xi32>
      %add3A_370 = arith.constant 16 : i32
      %add3A_371 = arith.addi %add3A_370, %cond3A_344 : i32
      %add3A_372 = arith.constant 0 : i32
      %add3A_373 = arith.addi %add3A_371, %add3A_372 : i32
      %swap3A_374 = arith.index_cast %add3A_373 : i32 to index
      %swap3A_375 = tpu.vector_load %arg6[%swap3A_374] {strides = array<i32>} : memref<10048xi32, #tpu.memory_space<vmem>>, vector<16xi32>,
      tpu.vector_store %arg6[%swap3A_374], %broadcast_in_dim3A_369 {strides = array<i32>} : memref<10048xi32, #tpu.memory_space<vmem>>, vector<16xi32>,
      %broadcast_in_dim3A_376 = arith.constant 2 : i32
      %broadcast_in_dim3A_377 = vector.broadcast %broadcast_in_dim3A_376 : i32 to vector<16xi32>
      %add3A_378 = arith.constant 16 : i32
      %add3A_379 = arith.addi %add3A_378, %cond3A_344 : i32
      %add3A_380 = arith.constant 0 : i32
      %add3A_381 = arith.addi %add3A_379, %add3A_380 : i32
      %swap3A_382 = arith.index_cast %add3A_381 : i32 to index
      %swap3A_383 = tpu.vector_load %arg8[%swap3A_382] {strides = array<i32>} : memref<10048xi32, #tpu.memory_space<vmem>>, vector<16xi32>,
      tpu.vector_store %arg8[%swap3A_382], %broadcast_in_dim3A_377 {strides = array<i32>} : memref<10048xi32, #tpu.memory_space<vmem>>, vector<16xi32>,
      %broadcast_in_dim3A_384 = arith.constant 1000000 : i32
      %broadcast_in_dim3A_385 = vector.broadcast %broadcast_in_dim3A_384 : i32 to vector<16xi32>
      %add3A_386 = arith.constant 16 : i32
      %add3A_387 = arith.addi %add3A_386, %cond3A_344 : i32
      %add3A_388 = arith.constant 16 : i32
      %add3A_389 = arith.addi %add3A_387, %add3A_388 : i32
      %swap3A_390 = arith.index_cast %add3A_389 : i32 to index
      %swap3A_391 = tpu.vector_load %arg6[%swap3A_390] {strides = array<i32>} : memref<10048xi32, #tpu.memory_space<vmem>>, vector<16xi32>,
      tpu.vector_store %arg6[%swap3A_390], %broadcast_in_dim3A_385 {strides = array<i32>} : memref<10048xi32, #tpu.memory_space<vmem>>, vector<16xi32>,
      %broadcast_in_dim3A_392 = arith.constant 2 : i32
      %broadcast_in_dim3A_393 = vector.broadcast %broadcast_in_dim3A_392 : i32 to vector<16xi32>
      %add3A_394 = arith.constant 16 : i32
      %add3A_395 = arith.addi %add3A_394, %cond3A_344 : i32
      %add3A_396 = arith.constant 16 : i32
      %add3A_397 = arith.addi %add3A_395, %add3A_396 : i32
      %swap3A_398 = arith.index_cast %add3A_397 : i32 to index
      %swap3A_399 = tpu.vector_load %arg8[%swap3A_398] {strides = array<i32>} : memref<10048xi32, #tpu.memory_space<vmem>>, vector<16xi32>,
      tpu.vector_store %arg8[%swap3A_398], %broadcast_in_dim3A_393 {strides = array<i32>} : memref<10048xi32, #tpu.memory_space<vmem>>, vector<16xi32>,
      %while3A_400 = arith.constant 1 : i32
      %while3A_401 = scf.while (%while3A_431 = %while3A_400) : (i32) -> i32 {
        %ne3A_432 = arith.constant 0 : i32
        %ne3A_433 = arith.cmpi ne, %while3A_431, %ne3A_432 : i32
        scf.condition(%ne3A_433) %while3A_431 : i32
      } do {
      ^bb0(%while3A_431: i32):
        %while3A_432 = arith.constant 0 : i32
        %while3A_433 = arith.constant 0 : i32
        %while3A_434 = arith.subi %shift_right_arithmetic3A_356, %while3A_432 : i32
        %while3A_435 = arith.addi %while3A_432, %while3A_434 : i32
        %while3A_436 = arith.constant 1 : i32
        %while3A_437 = arith.divsi %while3A_434, %while3A_436 : i32
        %while3A_438 = arith.muli %while3A_437, %while3A_436 : i32
        %while3A_439 = arith.addi %while3A_432, %while3A_438 : i32
        %while3A_440 = arith.constant 1 : i32
        %while3A_441 = scf.for %while3A_444 = %while3A_432 to %while3A_439 step %while3A_440 iter_args(%while3A_445 = %while3A_433) -> (i32)  : i32 {
          %mul3A_446 = arith.constant 16 : i32
          %mul3A_447 = arith.muli %while3A_444, %mul3A_446 : i32
          %add3A_448 = arith.constant 16 : i32
          %add3A_449 = arith.addi %add3A_448, %mul3A_447 : i32
          %get3A_450 = arith.index_cast %add3A_449 : i32 to index
          %get3A_451 = tpu.vector_load %arg8[%get3A_450] {strides = array<i32>} : memref<10048xi32, #tpu.memory_space<vmem>>, vector<16xi32>,
          %eq3A_452 = arith.constant 0 : i32
          %eq3A_453 = vector.broadcast %eq3A_452 : i32 to vector<16xi32>
          %eq3A_454 = arith.cmpi eq, %get3A_451, %eq3A_453 : vector<16xi32>
          %reduce_or3A_455 = arith.constant 1.000000e+00 : f32
          %reduce_or3A_456 = arith.constant 0.000000e+00 : f32
          %reduce_or3A_457 = vector.broadcast %reduce_or3A_455 : f32 to vector<16xf32>
          %reduce_or3A_458 = vector.broadcast %reduce_or3A_456 : f32 to vector<16xf32>
          %reduce_or3A_459 = arith.select %eq3A_454, %reduce_or3A_457, %reduce_or3A_458 : vector<16xi1>, vector<16xf32>
          %reduce_or3A_460 = arith.constant true
          %reduce_or3A_461 = vector.broadcast %reduce_or3A_460 : i1 to vector<16xi1>
          %reduce_or3A_462 = tpu.scan <max>, %reduce_or3A_459 masked %reduce_or3A_461 : vector<16xf32>, vector<16xi1> -> vector<16xf32>
          %reduce_or3A_463 = vector.extract %reduce_or3A_462[15] : f32 from vector<16xf32>
          %reduce_or3A_464 = arith.constant 0.000000e+00 : f32
          %reduce_or3A_465 = arith.cmpf ogt, %reduce_or3A_463, %reduce_or3A_464 : f32
          %convert_element_type3A_466 = arith.extui %reduce_or3A_465 : i1 to i32
          %cond3A_467 = arith.constant 0 : i32
          %cond3A_468 = arith.cmpi ne, %convert_element_type3A_466, %cond3A_467 : i32
          %cond3A_469 = scf.if %cond3A_468 -> (i32) {
            %get3A_470 = arith.index_cast %add3A_449 : i32 to index
            %get3A_471 = tpu.vector_load %arg6[%get3A_470] {strides = array<i32>} : memref<10048xi32, #tpu.memory_space<vmem>>, vector<16xi32>,
            %get3A_472 = arith.index_cast %add3A_449 : i32 to index
            %get3A_473 = tpu.vector_load %arg7[%get3A_472] {strides = array<i32>} : memref<10048xi32, #tpu.memory_space<vmem>>, vector<16xi32>,
            %broadcast_in_dim3A_474 = arith.constant false
            %broadcast_in_dim3A_475 = vector.broadcast %broadcast_in_dim3A_474 : i1 to vector<16xi1>
            %broadcast_in_dim3A_476 = arith.constant false
            %broadcast_in_dim3A_477 = vector.broadcast %broadcast_in_dim3A_476 : i1 to vector<16xi1>
            %sub3A_478 = arith.constant 1 : i32
            %sub3A_479 = arith.subi %add3A_449, %sub3A_478 : i32
            %get3A_480 = arith.index_cast %sub3A_479 : i32 to index
            %get3A_481 = tpu.vector_load %arg6[%get3A_480] {strides = array<i32>} : memref<10048xi32, #tpu.memory_space<vmem>>, vector<16xi32>,
            %sub3A_482 = arith.constant 1 : i32
            %sub3A_483 = arith.subi %add3A_449, %sub3A_482 : i32
            %get3A_484 = arith.index_cast %sub3A_483 : i32 to index
            %get3A_485 = tpu.vector_load %arg7[%get3A_484] {strides = array<i32>} : memref<10048xi32, #tpu.memory_space<vmem>>, vector<16xi32>,
            %sub3A_486 = arith.constant 1 : i32
            %sub3A_487 = arith.subi %add3A_449, %sub3A_486 : i32
            %get3A_488 = arith.index_cast %sub3A_487 : i32 to index
            %get3A_489 = tpu.vector_load %arg8[%get3A_488] {strides = array<i32>} : memref<10048xi32, #tpu.memory_space<vmem>>, vector<16xi32>,
            %sub3A_490 = arith.subi %get3A_471, %get3A_481 : vector<16xi32>
            %lt3A_491 = arith.constant 10 : i32
            %lt3A_492 = vector.broadcast %lt3A_491 : i32 to vector<16xi32>
            %lt3A_493 = arith.cmpi slt, %sub3A_490, %lt3A_492 : vector<16xi32>
            %ne3A_494 = arith.constant 2 : i32
            %ne3A_495 = vector.broadcast %ne3A_494 : i32 to vector<16xi32>
            %ne3A_496 = arith.cmpi ne, %get3A_489, %ne3A_495 : vector<16xi32>
            %and3A_497 = arith.andi %lt3A_493, %ne3A_496 : vector<16xi1>
            %gt3A = arith.cmpi sgt, %get3A_485, %get3A_473 : vector<16xi32>
            %and3A_498 = arith.andi %and3A_497, %gt3A : vector<16xi1>
            %or3A_499 = arith.ori %broadcast_in_dim3A_475, %and3A_498 : vector<16xi1>
            %eq3A_500 = arith.constant 1 : i32
            %eq3A_501 = vector.broadcast %eq3A_500 : i32 to vector<16xi32>
            %eq3A_502 = arith.cmpi eq, %get3A_489, %eq3A_501 : vector<16xi32>
            %and3A_503 = arith.andi %lt3A_493, %eq3A_502 : vector<16xi1>
            %or3A_504 = arith.ori %broadcast_in_dim3A_477, %and3A_503 : vector<16xi1>
            %add3A_505 = arith.constant 1 : i32
            %add3A_506 = arith.addi %add3A_449, %add3A_505 : i32
            %get3A_507 = arith.index_cast %add3A_506 : i32 to index
            %get3A_508 = tpu.vector_load %arg6[%get3A_507] {strides = array<i32>} : memref<10048xi32, #tpu.memory_space<vmem>>, vector<16xi32>,
            %add3A_509 = arith.constant 1 : i32
            %add3A_510 = arith.addi %add3A_449, %add3A_509 : i32
            %get3A_511 = arith.index_cast %add3A_510 : i32 to index
            %get3A_512 = tpu.vector_load %arg7[%get3A_511] {strides = array<i32>} : memref<10048xi32, #tpu.memory_space<vmem>>, vector<16xi32>,
            %add3A_513 = arith.constant 1 : i32
            %add3A_514 = arith.addi %add3A_449, %add3A_513 : i32
            %get3A_515 = arith.index_cast %add3A_514 : i32 to index
            %get3A_516 = tpu.vector_load %arg8[%get3A_515] {strides = array<i32>} : memref<10048xi32, #tpu.memory_space<vmem>>, vector<16xi32>,
            %sub3A_517 = arith.subi %get3A_508, %get3A_471 : vector<16xi32>
            %lt3A_518 = arith.constant 10 : i32
            %lt3A_519 = vector.broadcast %lt3A_518 : i32 to vector<16xi32>
            %lt3A_520 = arith.cmpi slt, %sub3A_517, %lt3A_519 : vector<16xi32>
            %ne3A_521 = arith.constant 2 : i32
            %ne3A_522 = vector.broadcast %ne3A_521 : i32 to vector<16xi32>
            %ne3A_523 = arith.cmpi ne, %get3A_516, %ne3A_522 : vector<16xi32>
            %and3A_524 = arith.andi %lt3A_520, %ne3A_523 : vector<16xi1>
            %ge3A_525 = arith.cmpi sge, %get3A_512, %get3A_473 : vector<16xi32>
            %and3A_526 = arith.andi %and3A_524, %ge3A_525 : vector<16xi1>
            %or3A_527 = arith.ori %or3A_499, %and3A_526 : vector<16xi1>
            %eq3A_528 = arith.constant 1 : i32
            %eq3A_529 = vector.broadcast %eq3A_528 : i32 to vector<16xi32>
            %eq3A_530 = arith.cmpi eq, %get3A_516, %eq3A_529 : vector<16xi32>
            %and3A_531 = arith.andi %lt3A_520, %eq3A_530 : vector<16xi1>
            %or3A_532 = arith.ori %or3A_504, %and3A_531 : vector<16xi1>
            %sub3A_533 = arith.constant 2 : i32
            %sub3A_534 = arith.subi %add3A_449, %sub3A_533 : i32
            %get3A_535 = arith.index_cast %sub3A_534 : i32 to index
            %get3A_536 = tpu.vector_load %arg6[%get3A_535] {strides = array<i32>} : memref<10048xi32, #tpu.memory_space<vmem>>, vector<16xi32>,
            %sub3A_537 = arith.constant 2 : i32
            %sub3A_538 = arith.subi %add3A_449, %sub3A_537 : i32
            %get3A_539 = arith.index_cast %sub3A_538 : i32 to index
            %get3A_540 = tpu.vector_load %arg7[%get3A_539] {strides = array<i32>} : memref<10048xi32, #tpu.memory_space<vmem>>, vector<16xi32>,
            %sub3A_541 = arith.constant 2 : i32
            %sub3A_542 = arith.subi %add3A_449, %sub3A_541 : i32
            %get3A_543 = arith.index_cast %sub3A_542 : i32 to index
            %get3A_544 = tpu.vector_load %arg8[%get3A_543] {strides = array<i32>} : memref<10048xi32, #tpu.memory_space<vmem>>, vector<16xi32>,
            %sub3A_545 = arith.subi %get3A_471, %get3A_536 : vector<16xi32>
            %lt3A_546 = arith.constant 10 : i32
            %lt3A_547 = vector.broadcast %lt3A_546 : i32 to vector<16xi32>
            %lt3A_548 = arith.cmpi slt, %sub3A_545, %lt3A_547 : vector<16xi32>
            %ne3A_549 = arith.constant 2 : i32
            %ne3A_550 = vector.broadcast %ne3A_549 : i32 to vector<16xi32>
            %ne3A_551 = arith.cmpi ne, %get3A_544, %ne3A_550 : vector<16xi32>
            %and3A_552 = arith.andi %lt3A_548, %ne3A_551 : vector<16xi1>
            %gt3A_553 = arith.cmpi sgt, %get3A_540, %get3A_473 : vector<16xi32>
            %and3A_554 = arith.andi %and3A_552, %gt3A_553 : vector<16xi1>
            %or3A_555 = arith.ori %or3A_527, %and3A_554 : vector<16xi1>
            %eq3A_556 = arith.constant 1 : i32
            %eq3A_557 = vector.broadcast %eq3A_556 : i32 to vector<16xi32>
            %eq3A_558 = arith.cmpi eq, %get3A_544, %eq3A_557 : vector<16xi32>
            %and3A_559 = arith.andi %lt3A_548, %eq3A_558 : vector<16xi1>
            %or3A_560 = arith.ori %or3A_532, %and3A_559 : vector<16xi1>
            %add3A_561 = arith.constant 2 : i32
            %add3A_562 = arith.addi %add3A_449, %add3A_561 : i32
            %get3A_563 = arith.index_cast %add3A_562 : i32 to index
            %get3A_564 = tpu.vector_load %arg6[%get3A_563] {strides = array<i32>} : memref<10048xi32, #tpu.memory_space<vmem>>, vector<16xi32>,
            %add3A_565 = arith.constant 2 : i32
            %add3A_566 = arith.addi %add3A_449, %add3A_565 : i32
            %get3A_567 = arith.index_cast %add3A_566 : i32 to index
            %get3A_568 = tpu.vector_load %arg7[%get3A_567] {strides = array<i32>} : memref<10048xi32, #tpu.memory_space<vmem>>, vector<16xi32>,
            %add3A_569 = arith.constant 2 : i32
            %add3A_570 = arith.addi %add3A_449, %add3A_569 : i32
            %get3A_571 = arith.index_cast %add3A_570 : i32 to index
            %get3A_572 = tpu.vector_load %arg8[%get3A_571] {strides = array<i32>} : memref<10048xi32, #tpu.memory_space<vmem>>, vector<16xi32>,
            %sub3A_573 = arith.subi %get3A_564, %get3A_471 : vector<16xi32>
            %lt3A_574 = arith.constant 10 : i32
            %lt3A_575 = vector.broadcast %lt3A_574 : i32 to vector<16xi32>
            %lt3A_576 = arith.cmpi slt, %sub3A_573, %lt3A_575 : vector<16xi32>
            %ne3A_577 = arith.constant 2 : i32
            %ne3A_578 = vector.broadcast %ne3A_577 : i32 to vector<16xi32>
            %ne3A_579 = arith.cmpi ne, %get3A_572, %ne3A_578 : vector<16xi32>
            %and3A_580 = arith.andi %lt3A_576, %ne3A_579 : vector<16xi1>
            %ge3A_581 = arith.cmpi sge, %get3A_568, %get3A_473 : vector<16xi32>
            %and3A_582 = arith.andi %and3A_580, %ge3A_581 : vector<16xi1>
            %or3A_583 = arith.ori %or3A_555, %and3A_582 : vector<16xi1>
            %eq3A_584 = arith.constant 1 : i32
            %eq3A_585 = vector.broadcast %eq3A_584 : i32 to vector<16xi32>
            %eq3A_586 = arith.cmpi eq, %get3A_572, %eq3A_585 : vector<16xi32>
            %and3A_587 = arith.andi %lt3A_576, %eq3A_586 : vector<16xi1>
            %or3A_588 = arith.ori %or3A_560, %and3A_587 : vector<16xi1>
            %sub3A_589 = arith.constant 3 : i32
            %sub3A_590 = arith.subi %add3A_449, %sub3A_589 : i32
            %get3A_591 = arith.index_cast %sub3A_590 : i32 to index
            %get3A_592 = tpu.vector_load %arg6[%get3A_591] {strides = array<i32>} : memref<10048xi32, #tpu.memory_space<vmem>>, vector<16xi32>,
            %sub3A_593 = arith.constant 3 : i32
            %sub3A_594 = arith.subi %add3A_449, %sub3A_593 : i32
            %get3A_595 = arith.index_cast %sub3A_594 : i32 to index
            %get3A_596 = tpu.vector_load %arg7[%get3A_595] {strides = array<i32>} : memref<10048xi32, #tpu.memory_space<vmem>>, vector<16xi32>,
            %sub3A_597 = arith.constant 3 : i32
            %sub3A_598 = arith.subi %add3A_449, %sub3A_597 : i32
            %get3A_599 = arith.index_cast %sub3A_598 : i32 to index
            %get3A_600 = tpu.vector_load %arg8[%get3A_599] {strides = array<i32>} : memref<10048xi32, #tpu.memory_space<vmem>>, vector<16xi32>,
            %sub3A_601 = arith.subi %get3A_471, %get3A_592 : vector<16xi32>
            %lt3A_602 = arith.constant 10 : i32
            %lt3A_603 = vector.broadcast %lt3A_602 : i32 to vector<16xi32>
            %lt3A_604 = arith.cmpi slt, %sub3A_601, %lt3A_603 : vector<16xi32>
            %ne3A_605 = arith.constant 2 : i32
            %ne3A_606 = vector.broadcast %ne3A_605 : i32 to vector<16xi32>
            %ne3A_607 = arith.cmpi ne, %get3A_600, %ne3A_606 : vector<16xi32>
            %and3A_608 = arith.andi %lt3A_604, %ne3A_607 : vector<16xi1>
            %gt3A_609 = arith.cmpi sgt, %get3A_596, %get3A_473 : vector<16xi32>
            %and3A_610 = arith.andi %and3A_608, %gt3A_609 : vector<16xi1>
            %or3A_611 = arith.ori %or3A_583, %and3A_610 : vector<16xi1>
            %eq3A_612 = arith.constant 1 : i32
            %eq3A_613 = vector.broadcast %eq3A_612 : i32 to vector<16xi32>
            %eq3A_614 = arith.cmpi eq, %get3A_600, %eq3A_613 : vector<16xi32>
            %and3A_615 = arith.andi %lt3A_604, %eq3A_614 : vector<16xi1>
            %or3A_616 = arith.ori %or3A_588, %and3A_615 : vector<16xi1>
            %add3A_617 = arith.constant 3 : i32
            %add3A_618 = arith.addi %add3A_449, %add3A_617 : i32
            %get3A_619 = arith.index_cast %add3A_618 : i32 to index
            %get3A_620 = tpu.vector_load %arg6[%get3A_619] {strides = array<i32>} : memref<10048xi32, #tpu.memory_space<vmem>>, vector<16xi32>,
            %add3A_621 = arith.constant 3 : i32
            %add3A_622 = arith.addi %add3A_449, %add3A_621 : i32
            %get3A_623 = arith.index_cast %add3A_622 : i32 to index
            %get3A_624 = tpu.vector_load %arg7[%get3A_623] {strides = array<i32>} : memref<10048xi32, #tpu.memory_space<vmem>>, vector<16xi32>,
            %add3A_625 = arith.constant 3 : i32
            %add3A_626 = arith.addi %add3A_449, %add3A_625 : i32
            %get3A_627 = arith.index_cast %add3A_626 : i32 to index
            %get3A_628 = tpu.vector_load %arg8[%get3A_627] {strides = array<i32>} : memref<10048xi32, #tpu.memory_space<vmem>>, vector<16xi32>,
            %sub3A_629 = arith.subi %get3A_620, %get3A_471 : vector<16xi32>
            %lt3A_630 = arith.constant 10 : i32
            %lt3A_631 = vector.broadcast %lt3A_630 : i32 to vector<16xi32>
            %lt3A_632 = arith.cmpi slt, %sub3A_629, %lt3A_631 : vector<16xi32>
            %ne3A_633 = arith.constant 2 : i32
            %ne3A_634 = vector.broadcast %ne3A_633 : i32 to vector<16xi32>
            %ne3A_635 = arith.cmpi ne, %get3A_628, %ne3A_634 : vector<16xi32>
            %and3A_636 = arith.andi %lt3A_632, %ne3A_635 : vector<16xi1>
            %ge3A_637 = arith.cmpi sge, %get3A_624, %get3A_473 : vector<16xi32>
            %and3A_638 = arith.andi %and3A_636, %ge3A_637 : vector<16xi1>
            %or3A_639 = arith.ori %or3A_611, %and3A_638 : vector<16xi1>
            %eq3A_640 = arith.constant 1 : i32
            %eq3A_641 = vector.broadcast %eq3A_640 : i32 to vector<16xi32>
            %eq3A_642 = arith.cmpi eq, %get3A_628, %eq3A_641 : vector<16xi32>
            %and3A_643 = arith.andi %lt3A_632, %eq3A_642 : vector<16xi1>
            %or3A_644 = arith.ori %or3A_616, %and3A_643 : vector<16xi1>
            %sub3A_645 = arith.constant 4 : i32
            %sub3A_646 = arith.subi %add3A_449, %sub3A_645 : i32
            %get3A_647 = arith.index_cast %sub3A_646 : i32 to index
            %get3A_648 = tpu.vector_load %arg6[%get3A_647] {strides = array<i32>} : memref<10048xi32, #tpu.memory_space<vmem>>, vector<16xi32>,
            %sub3A_649 = arith.constant 4 : i32
            %sub3A_650 = arith.subi %add3A_449, %sub3A_649 : i32
            %get3A_651 = arith.index_cast %sub3A_650 : i32 to index
            %get3A_652 = tpu.vector_load %arg7[%get3A_651] {strides = array<i32>} : memref<10048xi32, #tpu.memory_space<vmem>>, vector<16xi32>,
            %sub3A_653 = arith.constant 4 : i32
            %sub3A_654 = arith.subi %add3A_449, %sub3A_653 : i32
            %get3A_655 = arith.index_cast %sub3A_654 : i32 to index
            %get3A_656 = tpu.vector_load %arg8[%get3A_655] {strides = array<i32>} : memref<10048xi32, #tpu.memory_space<vmem>>, vector<16xi32>,
            %sub3A_657 = arith.subi %get3A_471, %get3A_648 : vector<16xi32>
            %lt3A_658 = arith.constant 10 : i32
            %lt3A_659 = vector.broadcast %lt3A_658 : i32 to vector<16xi32>
            %lt3A_660 = arith.cmpi slt, %sub3A_657, %lt3A_659 : vector<16xi32>
            %ne3A_661 = arith.constant 2 : i32
            %ne3A_662 = vector.broadcast %ne3A_661 : i32 to vector<16xi32>
            %ne3A_663 = arith.cmpi ne, %get3A_656, %ne3A_662 : vector<16xi32>
            %and3A_664 = arith.andi %lt3A_660, %ne3A_663 : vector<16xi1>
            %gt3A_665 = arith.cmpi sgt, %get3A_652, %get3A_473 : vector<16xi32>
            %and3A_666 = arith.andi %and3A_664, %gt3A_665 : vector<16xi1>
            %or3A_667 = arith.ori %or3A_639, %and3A_666 : vector<16xi1>
            %eq3A_668 = arith.constant 1 : i32
            %eq3A_669 = vector.broadcast %eq3A_668 : i32 to vector<16xi32>
            %eq3A_670 = arith.cmpi eq, %get3A_656, %eq3A_669 : vector<16xi32>
            %and3A_671 = arith.andi %lt3A_660, %eq3A_670 : vector<16xi1>
            %or3A_672 = arith.ori %or3A_644, %and3A_671 : vector<16xi1>
            %add3A_673 = arith.constant 4 : i32
            %add3A_674 = arith.addi %add3A_449, %add3A_673 : i32
            %get3A_675 = arith.index_cast %add3A_674 : i32 to index
            %get3A_676 = tpu.vector_load %arg6[%get3A_675] {strides = array<i32>} : memref<10048xi32, #tpu.memory_space<vmem>>, vector<16xi32>,
            %add3A_677 = arith.constant 4 : i32
            %add3A_678 = arith.addi %add3A_449, %add3A_677 : i32
            %get3A_679 = arith.index_cast %add3A_678 : i32 to index
            %get3A_680 = tpu.vector_load %arg7[%get3A_679] {strides = array<i32>} : memref<10048xi32, #tpu.memory_space<vmem>>, vector<16xi32>,
            %add3A_681 = arith.constant 4 : i32
            %add3A_682 = arith.addi %add3A_449, %add3A_681 : i32
            %get3A_683 = arith.index_cast %add3A_682 : i32 to index
            %get3A_684 = tpu.vector_load %arg8[%get3A_683] {strides = array<i32>} : memref<10048xi32, #tpu.memory_space<vmem>>, vector<16xi32>,
            %sub3A_685 = arith.subi %get3A_676, %get3A_471 : vector<16xi32>
            %lt3A_686 = arith.constant 10 : i32
            %lt3A_687 = vector.broadcast %lt3A_686 : i32 to vector<16xi32>
            %lt3A_688 = arith.cmpi slt, %sub3A_685, %lt3A_687 : vector<16xi32>
            %ne3A_689 = arith.constant 2 : i32
            %ne3A_690 = vector.broadcast %ne3A_689 : i32 to vector<16xi32>
            %ne3A_691 = arith.cmpi ne, %get3A_684, %ne3A_690 : vector<16xi32>
            %and3A_692 = arith.andi %lt3A_688, %ne3A_691 : vector<16xi1>
            %ge3A_693 = arith.cmpi sge, %get3A_680, %get3A_473 : vector<16xi32>
            %and3A_694 = arith.andi %and3A_692, %ge3A_693 : vector<16xi1>
            %or3A_695 = arith.ori %or3A_667, %and3A_694 : vector<16xi1>
            %eq3A_696 = arith.constant 1 : i32
            %eq3A_697 = vector.broadcast %eq3A_696 : i32 to vector<16xi32>
            %eq3A_698 = arith.cmpi eq, %get3A_684, %eq3A_697 : vector<16xi32>
            %and3A_699 = arith.andi %lt3A_688, %eq3A_698 : vector<16xi1>
            %or3A_700 = arith.ori %or3A_672, %and3A_699 : vector<16xi1>
            %eq3A_701 = arith.constant 0 : i32
            %eq3A_702 = vector.broadcast %eq3A_701 : i32 to vector<16xi32>
            %eq3A_703 = arith.cmpi eq, %get3A_451, %eq3A_702 : vector<16xi32>
            %and3A_704 = arith.andi %eq3A_703, %or3A_700 : vector<16xi1>
            %not3A = arith.constant dense<true> : vector<16xi1>
            %not3A_705 = arith.xori %or3A_695, %not3A : vector<16xi1>
            %and3A_706 = arith.andi %eq3A_703, %not3A_705 : vector<16xi1>
            %jit3A = arith.constant 1 : i32
            %broadcast_in_dim3A_707 = vector.broadcast %jit3A : i32 to vector<16xi32>
            %select_n3A = arith.select %and3A_706, %broadcast_in_dim3A_707, %get3A_451 : vector<16xi1>, vector<16xi32>
            %jit3A_708 = arith.constant 2 : i32
            %broadcast_in_dim3A_709 = vector.broadcast %jit3A_708 : i32 to vector<16xi32>
            %select_n3A_710 = arith.select %and3A_704, %broadcast_in_dim3A_709, %select_n3A : vector<16xi1>, vector<16xi32>
            %swap3A_711 = arith.index_cast %add3A_449 : i32 to index
            %swap3A_712 = tpu.vector_load %arg8[%swap3A_711] {strides = array<i32>} : memref<10048xi32, #tpu.memory_space<vmem>>, vector<16xi32>,
            tpu.vector_store %arg8[%swap3A_711], %select_n3A_710 {strides = array<i32>} : memref<10048xi32, #tpu.memory_space<vmem>>, vector<16xi32>,
            %ne3A_713 = arith.cmpi ne, %select_n3A_710, %get3A_451 : vector<16xi32>
            %reduce_or3A_714 = arith.constant 1.000000e+00 : f32
            %reduce_or3A_715 = arith.constant 0.000000e+00 : f32
            %reduce_or3A_716 = vector.broadcast %reduce_or3A_714 : f32 to vector<16xf32>
            %reduce_or3A_717 = vector.broadcast %reduce_or3A_715 : f32 to vector<16xf32>
            %reduce_or3A_718 = arith.select %ne3A_713, %reduce_or3A_716, %reduce_or3A_717 : vector<16xi1>, vector<16xf32>
            %reduce_or3A_719 = arith.constant true
            %reduce_or3A_720 = vector.broadcast %reduce_or3A_719 : i1 to vector<16xi1>
            %reduce_or3A_721 = tpu.scan <max>, %reduce_or3A_718 masked %reduce_or3A_720 : vector<16xf32>, vector<16xi1> -> vector<16xf32>
            %reduce_or3A_722 = vector.extract %reduce_or3A_721[15] : f32 from vector<16xf32>
            %reduce_or3A_723 = arith.constant 0.000000e+00 : f32
            %reduce_or3A_724 = arith.cmpf ogt, %reduce_or3A_722, %reduce_or3A_723 : f32
            %convert_element_type3A_725 = arith.extui %reduce_or3A_724 : i1 to i32
            %or3A_726 = arith.ori %while3A_445, %convert_element_type3A_725 : i32
            scf.yield %or3A_726 : i32
          } else {
            scf.yield %while3A_445 : i32
          }
          scf.yield %cond3A_469 : i32
        }
        %while3A_442 = arith.constant 1 : i32
        %while3A_443 = scf.for %while3A_444 = %while3A_439 to %while3A_435 step %while3A_442 iter_args(%while3A_445 = %while3A_441) -> (i32)  : i32 {
          %mul3A_446 = arith.constant 16 : i32
          %mul3A_447 = arith.muli %while3A_444, %mul3A_446 : i32
          %add3A_448 = arith.constant 16 : i32
          %add3A_449 = arith.addi %add3A_448, %mul3A_447 : i32
          %get3A_450 = arith.index_cast %add3A_449 : i32 to index
          %get3A_451 = tpu.vector_load %arg8[%get3A_450] {strides = array<i32>} : memref<10048xi32, #tpu.memory_space<vmem>>, vector<16xi32>,
          %eq3A_452 = arith.constant 0 : i32
          %eq3A_453 = vector.broadcast %eq3A_452 : i32 to vector<16xi32>
          %eq3A_454 = arith.cmpi eq, %get3A_451, %eq3A_453 : vector<16xi32>
          %reduce_or3A_455 = arith.constant 1.000000e+00 : f32
          %reduce_or3A_456 = arith.constant 0.000000e+00 : f32
          %reduce_or3A_457 = vector.broadcast %reduce_or3A_455 : f32 to vector<16xf32>
          %reduce_or3A_458 = vector.broadcast %reduce_or3A_456 : f32 to vector<16xf32>
          %reduce_or3A_459 = arith.select %eq3A_454, %reduce_or3A_457, %reduce_or3A_458 : vector<16xi1>, vector<16xf32>
          %reduce_or3A_460 = arith.constant true
          %reduce_or3A_461 = vector.broadcast %reduce_or3A_460 : i1 to vector<16xi1>
          %reduce_or3A_462 = tpu.scan <max>, %reduce_or3A_459 masked %reduce_or3A_461 : vector<16xf32>, vector<16xi1> -> vector<16xf32>
          %reduce_or3A_463 = vector.extract %reduce_or3A_462[15] : f32 from vector<16xf32>
          %reduce_or3A_464 = arith.constant 0.000000e+00 : f32
          %reduce_or3A_465 = arith.cmpf ogt, %reduce_or3A_463, %reduce_or3A_464 : f32
          %convert_element_type3A_466 = arith.extui %reduce_or3A_465 : i1 to i32
          %cond3A_467 = arith.constant 0 : i32
          %cond3A_468 = arith.cmpi ne, %convert_element_type3A_466, %cond3A_467 : i32
          %cond3A_469 = scf.if %cond3A_468 -> (i32) {
            %get3A_470 = arith.index_cast %add3A_449 : i32 to index
            %get3A_471 = tpu.vector_load %arg6[%get3A_470] {strides = array<i32>} : memref<10048xi32, #tpu.memory_space<vmem>>, vector<16xi32>,
            %get3A_472 = arith.index_cast %add3A_449 : i32 to index
            %get3A_473 = tpu.vector_load %arg7[%get3A_472] {strides = array<i32>} : memref<10048xi32, #tpu.memory_space<vmem>>, vector<16xi32>,
            %broadcast_in_dim3A_474 = arith.constant false
            %broadcast_in_dim3A_475 = vector.broadcast %broadcast_in_dim3A_474 : i1 to vector<16xi1>
            %broadcast_in_dim3A_476 = arith.constant false
            %broadcast_in_dim3A_477 = vector.broadcast %broadcast_in_dim3A_476 : i1 to vector<16xi1>
            %sub3A_478 = arith.constant 1 : i32
            %sub3A_479 = arith.subi %add3A_449, %sub3A_478 : i32
            %get3A_480 = arith.index_cast %sub3A_479 : i32 to index
            %get3A_481 = tpu.vector_load %arg6[%get3A_480] {strides = array<i32>} : memref<10048xi32, #tpu.memory_space<vmem>>, vector<16xi32>,
            %sub3A_482 = arith.constant 1 : i32
            %sub3A_483 = arith.subi %add3A_449, %sub3A_482 : i32
            %get3A_484 = arith.index_cast %sub3A_483 : i32 to index
            %get3A_485 = tpu.vector_load %arg7[%get3A_484] {strides = array<i32>} : memref<10048xi32, #tpu.memory_space<vmem>>, vector<16xi32>,
            %sub3A_486 = arith.constant 1 : i32
            %sub3A_487 = arith.subi %add3A_449, %sub3A_486 : i32
            %get3A_488 = arith.index_cast %sub3A_487 : i32 to index
            %get3A_489 = tpu.vector_load %arg8[%get3A_488] {strides = array<i32>} : memref<10048xi32, #tpu.memory_space<vmem>>, vector<16xi32>,
            %sub3A_490 = arith.subi %get3A_471, %get3A_481 : vector<16xi32>
            %lt3A_491 = arith.constant 10 : i32
            %lt3A_492 = vector.broadcast %lt3A_491 : i32 to vector<16xi32>
            %lt3A_493 = arith.cmpi slt, %sub3A_490, %lt3A_492 : vector<16xi32>
            %ne3A_494 = arith.constant 2 : i32
            %ne3A_495 = vector.broadcast %ne3A_494 : i32 to vector<16xi32>
            %ne3A_496 = arith.cmpi ne, %get3A_489, %ne3A_495 : vector<16xi32>
            %and3A_497 = arith.andi %lt3A_493, %ne3A_496 : vector<16xi1>
            %gt3A = arith.cmpi sgt, %get3A_485, %get3A_473 : vector<16xi32>
            %and3A_498 = arith.andi %and3A_497, %gt3A : vector<16xi1>
            %or3A_499 = arith.ori %broadcast_in_dim3A_475, %and3A_498 : vector<16xi1>
            %eq3A_500 = arith.constant 1 : i32
            %eq3A_501 = vector.broadcast %eq3A_500 : i32 to vector<16xi32>
            %eq3A_502 = arith.cmpi eq, %get3A_489, %eq3A_501 : vector<16xi32>
            %and3A_503 = arith.andi %lt3A_493, %eq3A_502 : vector<16xi1>
            %or3A_504 = arith.ori %broadcast_in_dim3A_477, %and3A_503 : vector<16xi1>
            %add3A_505 = arith.constant 1 : i32
            %add3A_506 = arith.addi %add3A_449, %add3A_505 : i32
            %get3A_507 = arith.index_cast %add3A_506 : i32 to index
            %get3A_508 = tpu.vector_load %arg6[%get3A_507] {strides = array<i32>} : memref<10048xi32, #tpu.memory_space<vmem>>, vector<16xi32>,
            %add3A_509 = arith.constant 1 : i32
            %add3A_510 = arith.addi %add3A_449, %add3A_509 : i32
            %get3A_511 = arith.index_cast %add3A_510 : i32 to index
            %get3A_512 = tpu.vector_load %arg7[%get3A_511] {strides = array<i32>} : memref<10048xi32, #tpu.memory_space<vmem>>, vector<16xi32>,
            %add3A_513 = arith.constant 1 : i32
            %add3A_514 = arith.addi %add3A_449, %add3A_513 : i32
            %get3A_515 = arith.index_cast %add3A_514 : i32 to index
            %get3A_516 = tpu.vector_load %arg8[%get3A_515] {strides = array<i32>} : memref<10048xi32, #tpu.memory_space<vmem>>, vector<16xi32>,
            %sub3A_517 = arith.subi %get3A_508, %get3A_471 : vector<16xi32>
            %lt3A_518 = arith.constant 10 : i32
            %lt3A_519 = vector.broadcast %lt3A_518 : i32 to vector<16xi32>
            %lt3A_520 = arith.cmpi slt, %sub3A_517, %lt3A_519 : vector<16xi32>
            %ne3A_521 = arith.constant 2 : i32
            %ne3A_522 = vector.broadcast %ne3A_521 : i32 to vector<16xi32>
            %ne3A_523 = arith.cmpi ne, %get3A_516, %ne3A_522 : vector<16xi32>
            %and3A_524 = arith.andi %lt3A_520, %ne3A_523 : vector<16xi1>
            %ge3A_525 = arith.cmpi sge, %get3A_512, %get3A_473 : vector<16xi32>
            %and3A_526 = arith.andi %and3A_524, %ge3A_525 : vector<16xi1>
            %or3A_527 = arith.ori %or3A_499, %and3A_526 : vector<16xi1>
            %eq3A_528 = arith.constant 1 : i32
            %eq3A_529 = vector.broadcast %eq3A_528 : i32 to vector<16xi32>
            %eq3A_530 = arith.cmpi eq, %get3A_516, %eq3A_529 : vector<16xi32>
            %and3A_531 = arith.andi %lt3A_520, %eq3A_530 : vector<16xi1>
            %or3A_532 = arith.ori %or3A_504, %and3A_531 : vector<16xi1>
            %sub3A_533 = arith.constant 2 : i32
            %sub3A_534 = arith.subi %add3A_449, %sub3A_533 : i32
            %get3A_535 = arith.index_cast %sub3A_534 : i32 to index
            %get3A_536 = tpu.vector_load %arg6[%get3A_535] {strides = array<i32>} : memref<10048xi32, #tpu.memory_space<vmem>>, vector<16xi32>,
            %sub3A_537 = arith.constant 2 : i32
            %sub3A_538 = arith.subi %add3A_449, %sub3A_537 : i32
            %get3A_539 = arith.index_cast %sub3A_538 : i32 to index
            %get3A_540 = tpu.vector_load %arg7[%get3A_539] {strides = array<i32>} : memref<10048xi32, #tpu.memory_space<vmem>>, vector<16xi32>,
            %sub3A_541 = arith.constant 2 : i32
            %sub3A_542 = arith.subi %add3A_449, %sub3A_541 : i32
            %get3A_543 = arith.index_cast %sub3A_542 : i32 to index
            %get3A_544 = tpu.vector_load %arg8[%get3A_543] {strides = array<i32>} : memref<10048xi32, #tpu.memory_space<vmem>>, vector<16xi32>,
            %sub3A_545 = arith.subi %get3A_471, %get3A_536 : vector<16xi32>
            %lt3A_546 = arith.constant 10 : i32
            %lt3A_547 = vector.broadcast %lt3A_546 : i32 to vector<16xi32>
            %lt3A_548 = arith.cmpi slt, %sub3A_545, %lt3A_547 : vector<16xi32>
            %ne3A_549 = arith.constant 2 : i32
            %ne3A_550 = vector.broadcast %ne3A_549 : i32 to vector<16xi32>
            %ne3A_551 = arith.cmpi ne, %get3A_544, %ne3A_550 : vector<16xi32>
            %and3A_552 = arith.andi %lt3A_548, %ne3A_551 : vector<16xi1>
            %gt3A_553 = arith.cmpi sgt, %get3A_540, %get3A_473 : vector<16xi32>
            %and3A_554 = arith.andi %and3A_552, %gt3A_553 : vector<16xi1>
            %or3A_555 = arith.ori %or3A_527, %and3A_554 : vector<16xi1>
            %eq3A_556 = arith.constant 1 : i32
            %eq3A_557 = vector.broadcast %eq3A_556 : i32 to vector<16xi32>
            %eq3A_558 = arith.cmpi eq, %get3A_544, %eq3A_557 : vector<16xi32>
            %and3A_559 = arith.andi %lt3A_548, %eq3A_558 : vector<16xi1>
            %or3A_560 = arith.ori %or3A_532, %and3A_559 : vector<16xi1>
            %add3A_561 = arith.constant 2 : i32
            %add3A_562 = arith.addi %add3A_449, %add3A_561 : i32
            %get3A_563 = arith.index_cast %add3A_562 : i32 to index
            %get3A_564 = tpu.vector_load %arg6[%get3A_563] {strides = array<i32>} : memref<10048xi32, #tpu.memory_space<vmem>>, vector<16xi32>,
            %add3A_565 = arith.constant 2 : i32
            %add3A_566 = arith.addi %add3A_449, %add3A_565 : i32
            %get3A_567 = arith.index_cast %add3A_566 : i32 to index
            %get3A_568 = tpu.vector_load %arg7[%get3A_567] {strides = array<i32>} : memref<10048xi32, #tpu.memory_space<vmem>>, vector<16xi32>,
            %add3A_569 = arith.constant 2 : i32
            %add3A_570 = arith.addi %add3A_449, %add3A_569 : i32
            %get3A_571 = arith.index_cast %add3A_570 : i32 to index
            %get3A_572 = tpu.vector_load %arg8[%get3A_571] {strides = array<i32>} : memref<10048xi32, #tpu.memory_space<vmem>>, vector<16xi32>,
            %sub3A_573 = arith.subi %get3A_564, %get3A_471 : vector<16xi32>
            %lt3A_574 = arith.constant 10 : i32
            %lt3A_575 = vector.broadcast %lt3A_574 : i32 to vector<16xi32>
            %lt3A_576 = arith.cmpi slt, %sub3A_573, %lt3A_575 : vector<16xi32>
            %ne3A_577 = arith.constant 2 : i32
            %ne3A_578 = vector.broadcast %ne3A_577 : i32 to vector<16xi32>
            %ne3A_579 = arith.cmpi ne, %get3A_572, %ne3A_578 : vector<16xi32>
            %and3A_580 = arith.andi %lt3A_576, %ne3A_579 : vector<16xi1>
            %ge3A_581 = arith.cmpi sge, %get3A_568, %get3A_473 : vector<16xi32>
            %and3A_582 = arith.andi %and3A_580, %ge3A_581 : vector<16xi1>
            %or3A_583 = arith.ori %or3A_555, %and3A_582 : vector<16xi1>
            %eq3A_584 = arith.constant 1 : i32
            %eq3A_585 = vector.broadcast %eq3A_584 : i32 to vector<16xi32>
            %eq3A_586 = arith.cmpi eq, %get3A_572, %eq3A_585 : vector<16xi32>
            %and3A_587 = arith.andi %lt3A_576, %eq3A_586 : vector<16xi1>
            %or3A_588 = arith.ori %or3A_560, %and3A_587 : vector<16xi1>
            %sub3A_589 = arith.constant 3 : i32
            %sub3A_590 = arith.subi %add3A_449, %sub3A_589 : i32
            %get3A_591 = arith.index_cast %sub3A_590 : i32 to index
            %get3A_592 = tpu.vector_load %arg6[%get3A_591] {strides = array<i32>} : memref<10048xi32, #tpu.memory_space<vmem>>, vector<16xi32>,
            %sub3A_593 = arith.constant 3 : i32
            %sub3A_594 = arith.subi %add3A_449, %sub3A_593 : i32
            %get3A_595 = arith.index_cast %sub3A_594 : i32 to index
            %get3A_596 = tpu.vector_load %arg7[%get3A_595] {strides = array<i32>} : memref<10048xi32, #tpu.memory_space<vmem>>, vector<16xi32>,
            %sub3A_597 = arith.constant 3 : i32
            %sub3A_598 = arith.subi %add3A_449, %sub3A_597 : i32
            %get3A_599 = arith.index_cast %sub3A_598 : i32 to index
            %get3A_600 = tpu.vector_load %arg8[%get3A_599] {strides = array<i32>} : memref<10048xi32, #tpu.memory_space<vmem>>, vector<16xi32>,
            %sub3A_601 = arith.subi %get3A_471, %get3A_592 : vector<16xi32>
            %lt3A_602 = arith.constant 10 : i32
            %lt3A_603 = vector.broadcast %lt3A_602 : i32 to vector<16xi32>
            %lt3A_604 = arith.cmpi slt, %sub3A_601, %lt3A_603 : vector<16xi32>
            %ne3A_605 = arith.constant 2 : i32
            %ne3A_606 = vector.broadcast %ne3A_605 : i32 to vector<16xi32>
            %ne3A_607 = arith.cmpi ne, %get3A_600, %ne3A_606 : vector<16xi32>
            %and3A_608 = arith.andi %lt3A_604, %ne3A_607 : vector<16xi1>
            %gt3A_609 = arith.cmpi sgt, %get3A_596, %get3A_473 : vector<16xi32>
            %and3A_610 = arith.andi %and3A_608, %gt3A_609 : vector<16xi1>
            %or3A_611 = arith.ori %or3A_583, %and3A_610 : vector<16xi1>
            %eq3A_612 = arith.constant 1 : i32
            %eq3A_613 = vector.broadcast %eq3A_612 : i32 to vector<16xi32>
            %eq3A_614 = arith.cmpi eq, %get3A_600, %eq3A_613 : vector<16xi32>
            %and3A_615 = arith.andi %lt3A_604, %eq3A_614 : vector<16xi1>
            %or3A_616 = arith.ori %or3A_588, %and3A_615 : vector<16xi1>
            %add3A_617 = arith.constant 3 : i32
            %add3A_618 = arith.addi %add3A_449, %add3A_617 : i32
            %get3A_619 = arith.index_cast %add3A_618 : i32 to index
            %get3A_620 = tpu.vector_load %arg6[%get3A_619] {strides = array<i32>} : memref<10048xi32, #tpu.memory_space<vmem>>, vector<16xi32>,
            %add3A_621 = arith.constant 3 : i32
            %add3A_622 = arith.addi %add3A_449, %add3A_621 : i32
            %get3A_623 = arith.index_cast %add3A_622 : i32 to index
            %get3A_624 = tpu.vector_load %arg7[%get3A_623] {strides = array<i32>} : memref<10048xi32, #tpu.memory_space<vmem>>, vector<16xi32>,
            %add3A_625 = arith.constant 3 : i32
            %add3A_626 = arith.addi %add3A_449, %add3A_625 : i32
            %get3A_627 = arith.index_cast %add3A_626 : i32 to index
            %get3A_628 = tpu.vector_load %arg8[%get3A_627] {strides = array<i32>} : memref<10048xi32, #tpu.memory_space<vmem>>, vector<16xi32>,
            %sub3A_629 = arith.subi %get3A_620, %get3A_471 : vector<16xi32>
            %lt3A_630 = arith.constant 10 : i32
            %lt3A_631 = vector.broadcast %lt3A_630 : i32 to vector<16xi32>
            %lt3A_632 = arith.cmpi slt, %sub3A_629, %lt3A_631 : vector<16xi32>
            %ne3A_633 = arith.constant 2 : i32
            %ne3A_634 = vector.broadcast %ne3A_633 : i32 to vector<16xi32>
            %ne3A_635 = arith.cmpi ne, %get3A_628, %ne3A_634 : vector<16xi32>
            %and3A_636 = arith.andi %lt3A_632, %ne3A_635 : vector<16xi1>
            %ge3A_637 = arith.cmpi sge, %get3A_624, %get3A_473 : vector<16xi32>
            %and3A_638 = arith.andi %and3A_636, %ge3A_637 : vector<16xi1>
            %or3A_639 = arith.ori %or3A_611, %and3A_638 : vector<16xi1>
            %eq3A_640 = arith.constant 1 : i32
            %eq3A_641 = vector.broadcast %eq3A_640 : i32 to vector<16xi32>
            %eq3A_642 = arith.cmpi eq, %get3A_628, %eq3A_641 : vector<16xi32>
            %and3A_643 = arith.andi %lt3A_632, %eq3A_642 : vector<16xi1>
            %or3A_644 = arith.ori %or3A_616, %and3A_643 : vector<16xi1>
            %sub3A_645 = arith.constant 4 : i32
            %sub3A_646 = arith.subi %add3A_449, %sub3A_645 : i32
            %get3A_647 = arith.index_cast %sub3A_646 : i32 to index
            %get3A_648 = tpu.vector_load %arg6[%get3A_647] {strides = array<i32>} : memref<10048xi32, #tpu.memory_space<vmem>>, vector<16xi32>,
            %sub3A_649 = arith.constant 4 : i32
            %sub3A_650 = arith.subi %add3A_449, %sub3A_649 : i32
            %get3A_651 = arith.index_cast %sub3A_650 : i32 to index
            %get3A_652 = tpu.vector_load %arg7[%get3A_651] {strides = array<i32>} : memref<10048xi32, #tpu.memory_space<vmem>>, vector<16xi32>,
            %sub3A_653 = arith.constant 4 : i32
            %sub3A_654 = arith.subi %add3A_449, %sub3A_653 : i32
            %get3A_655 = arith.index_cast %sub3A_654 : i32 to index
            %get3A_656 = tpu.vector_load %arg8[%get3A_655] {strides = array<i32>} : memref<10048xi32, #tpu.memory_space<vmem>>, vector<16xi32>,
            %sub3A_657 = arith.subi %get3A_471, %get3A_648 : vector<16xi32>
            %lt3A_658 = arith.constant 10 : i32
            %lt3A_659 = vector.broadcast %lt3A_658 : i32 to vector<16xi32>
            %lt3A_660 = arith.cmpi slt, %sub3A_657, %lt3A_659 : vector<16xi32>
            %ne3A_661 = arith.constant 2 : i32
            %ne3A_662 = vector.broadcast %ne3A_661 : i32 to vector<16xi32>
            %ne3A_663 = arith.cmpi ne, %get3A_656, %ne3A_662 : vector<16xi32>
            %and3A_664 = arith.andi %lt3A_660, %ne3A_663 : vector<16xi1>
            %gt3A_665 = arith.cmpi sgt, %get3A_652, %get3A_473 : vector<16xi32>
            %and3A_666 = arith.andi %and3A_664, %gt3A_665 : vector<16xi1>
            %or3A_667 = arith.ori %or3A_639, %and3A_666 : vector<16xi1>
            %eq3A_668 = arith.constant 1 : i32
            %eq3A_669 = vector.broadcast %eq3A_668 : i32 to vector<16xi32>
            %eq3A_670 = arith.cmpi eq, %get3A_656, %eq3A_669 : vector<16xi32>
            %and3A_671 = arith.andi %lt3A_660, %eq3A_670 : vector<16xi1>
            %or3A_672 = arith.ori %or3A_644, %and3A_671 : vector<16xi1>
            %add3A_673 = arith.constant 4 : i32
            %add3A_674 = arith.addi %add3A_449, %add3A_673 : i32
            %get3A_675 = arith.index_cast %add3A_674 : i32 to index
            %get3A_676 = tpu.vector_load %arg6[%get3A_675] {strides = array<i32>} : memref<10048xi32, #tpu.memory_space<vmem>>, vector<16xi32>,
            %add3A_677 = arith.constant 4 : i32
            %add3A_678 = arith.addi %add3A_449, %add3A_677 : i32
            %get3A_679 = arith.index_cast %add3A_678 : i32 to index
            %get3A_680 = tpu.vector_load %arg7[%get3A_679] {strides = array<i32>} : memref<10048xi32, #tpu.memory_space<vmem>>, vector<16xi32>,
            %add3A_681 = arith.constant 4 : i32
            %add3A_682 = arith.addi %add3A_449, %add3A_681 : i32
            %get3A_683 = arith.index_cast %add3A_682 : i32 to index
            %get3A_684 = tpu.vector_load %arg8[%get3A_683] {strides = array<i32>} : memref<10048xi32, #tpu.memory_space<vmem>>, vector<16xi32>,
            %sub3A_685 = arith.subi %get3A_676, %get3A_471 : vector<16xi32>
            %lt3A_686 = arith.constant 10 : i32
            %lt3A_687 = vector.broadcast %lt3A_686 : i32 to vector<16xi32>
            %lt3A_688 = arith.cmpi slt, %sub3A_685, %lt3A_687 : vector<16xi32>
            %ne3A_689 = arith.constant 2 : i32
            %ne3A_690 = vector.broadcast %ne3A_689 : i32 to vector<16xi32>
            %ne3A_691 = arith.cmpi ne, %get3A_684, %ne3A_690 : vector<16xi32>
            %and3A_692 = arith.andi %lt3A_688, %ne3A_691 : vector<16xi1>
            %ge3A_693 = arith.cmpi sge, %get3A_680, %get3A_473 : vector<16xi32>
            %and3A_694 = arith.andi %and3A_692, %ge3A_693 : vector<16xi1>
            %or3A_695 = arith.ori %or3A_667, %and3A_694 : vector<16xi1>
            %eq3A_696 = arith.constant 1 : i32
            %eq3A_697 = vector.broadcast %eq3A_696 : i32 to vector<16xi32>
            %eq3A_698 = arith.cmpi eq, %get3A_684, %eq3A_697 : vector<16xi32>
            %and3A_699 = arith.andi %lt3A_688, %eq3A_698 : vector<16xi1>
            %or3A_700 = arith.ori %or3A_672, %and3A_699 : vector<16xi1>
            %eq3A_701 = arith.constant 0 : i32
            %eq3A_702 = vector.broadcast %eq3A_701 : i32 to vector<16xi32>
            %eq3A_703 = arith.cmpi eq, %get3A_451, %eq3A_702 : vector<16xi32>
            %and3A_704 = arith.andi %eq3A_703, %or3A_700 : vector<16xi1>
            %not3A = arith.constant dense<true> : vector<16xi1>
            %not3A_705 = arith.xori %or3A_695, %not3A : vector<16xi1>
            %and3A_706 = arith.andi %eq3A_703, %not3A_705 : vector<16xi1>
            %jit3A = arith.constant 1 : i32
            %broadcast_in_dim3A_707 = vector.broadcast %jit3A : i32 to vector<16xi32>
            %select_n3A = arith.select %and3A_706, %broadcast_in_dim3A_707, %get3A_451 : vector<16xi1>, vector<16xi32>
            %jit3A_708 = arith.constant 2 : i32
            %broadcast_in_dim3A_709 = vector.broadcast %jit3A_708 : i32 to vector<16xi32>
            %select_n3A_710 = arith.select %and3A_704, %broadcast_in_dim3A_709, %select_n3A : vector<16xi1>, vector<16xi32>
            %swap3A_711 = arith.index_cast %add3A_449 : i32 to index
            %swap3A_712 = tpu.vector_load %arg8[%swap3A_711] {strides = array<i32>} : memref<10048xi32, #tpu.memory_space<vmem>>, vector<16xi32>,
            tpu.vector_store %arg8[%swap3A_711], %select_n3A_710 {strides = array<i32>} : memref<10048xi32, #tpu.memory_space<vmem>>, vector<16xi32>,
            %ne3A_713 = arith.cmpi ne, %select_n3A_710, %get3A_451 : vector<16xi32>
            %reduce_or3A_714 = arith.constant 1.000000e+00 : f32
            %reduce_or3A_715 = arith.constant 0.000000e+00 : f32
            %reduce_or3A_716 = vector.broadcast %reduce_or3A_714 : f32 to vector<16xf32>
            %reduce_or3A_717 = vector.broadcast %reduce_or3A_715 : f32 to vector<16xf32>
            %reduce_or3A_718 = arith.select %ne3A_713, %reduce_or3A_716, %reduce_or3A_717 : vector<16xi1>, vector<16xf32>
            %reduce_or3A_719 = arith.constant true
            %reduce_or3A_720 = vector.broadcast %reduce_or3A_719 : i1 to vector<16xi1>
            %reduce_or3A_721 = tpu.scan <max>, %reduce_or3A_718 masked %reduce_or3A_720 : vector<16xf32>, vector<16xi1> -> vector<16xf32>
            %reduce_or3A_722 = vector.extract %reduce_or3A_721[15] : f32 from vector<16xf32>
            %reduce_or3A_723 = arith.constant 0.000000e+00 : f32
            %reduce_or3A_724 = arith.cmpf ogt, %reduce_or3A_722, %reduce_or3A_723 : f32
            %convert_element_type3A_725 = arith.extui %reduce_or3A_724 : i1 to i32
            %or3A_726 = arith.ori %while3A_445, %convert_element_type3A_725 : i32
            scf.yield %or3A_726 : i32
          } else {
            scf.yield %while3A_445 : i32
          }
          scf.yield %cond3A_469 : i32
        }
        scf.yield %while3A_443 : i32
      }
      %while3A_402 = arith.constant 0 : i32
      %while3A_403 = arith.constant 0 : i32
      %while3A_404 = arith.subi %shift_right_arithmetic3A_356, %while3A_402 : i32
      %while3A_405 = arith.addi %while3A_402, %while3A_404 : i32
      %while3A_406 = arith.constant 1 : i32
      %while3A_407 = arith.divsi %while3A_404, %while3A_406 : i32
      %while3A_408 = arith.muli %while3A_407, %while3A_406 : i32
      %while3A_409 = arith.addi %while3A_402, %while3A_408 : i32
      %while3A_410 = arith.constant 1 : i32
      %while3A_411 = scf.for %while3A_431 = %while3A_402 to %while3A_409 step %while3A_410 iter_args(%while3A_432 = %while3A_403) -> (i32)  : i32 {
        %mul3A_433 = arith.constant 16 : i32
        %mul3A_434 = arith.muli %while3A_431, %mul3A_433 : i32
        %add3A_435 = arith.constant 16 : i32
        %add3A_436 = arith.addi %add3A_435, %mul3A_434 : i32
        %get3A_437 = arith.index_cast %add3A_436 : i32 to index
        %get3A_438 = tpu.vector_load %arg8[%get3A_437] {strides = array<i32>} : memref<10048xi32, #tpu.memory_space<vmem>>, vector<16xi32>,
        %eq3A_439 = arith.constant 1 : i32
        %eq3A_440 = vector.broadcast %eq3A_439 : i32 to vector<16xi32>
        %eq3A_441 = arith.cmpi eq, %get3A_438, %eq3A_440 : vector<16xi32>
        %convert_element_type3A_442 = arith.extui %eq3A_441 : vector<16xi1> to vector<16xi32>
        %cumsum3A_443 = arith.constant true
        %cumsum3A_444 = vector.broadcast %cumsum3A_443 : i1 to vector<16xi1>
        %cumsum3A_445 = tpu.scan <sum>, %convert_element_type3A_442 masked %cumsum3A_444 : vector<16xi32>, vector<16xi1> -> vector<16xi32>
        %add3A_446 = vector.broadcast %while3A_432 : i32 to vector<16xi32>
        %add3A_447 = arith.addi %add3A_446, %cumsum3A_445 : vector<16xi32>
        %sub3A_448 = arith.constant 1 : i32
        %sub3A_449 = vector.broadcast %sub3A_448 : i32 to vector<16xi32>
        %sub3A_450 = arith.subi %add3A_447, %sub3A_449 : vector<16xi32>
        %get3A_451 = arith.index_cast %add3A_436 : i32 to index
        %get3A_452 = tpu.vector_load %arg6[%get3A_451] {strides = array<i32>} : memref<10048xi32, #tpu.memory_space<vmem>>, vector<16xi32>,
        tpu.vector_store_idx %arg9[%sub3A_450], %get3A_452 masked %eq3A_441 : memref<2048xi32, #tpu.memory_space<vmem>>[vector<16xi32>], vector<16xi32>, vector<16xi1>
        %get3A_453 = arith.index_cast %add3A_436 : i32 to index
        %get3A_454 = tpu.vector_load %arg7[%get3A_453] {strides = array<i32>} : memref<10048xi32, #tpu.memory_space<vmem>>, vector<16xi32>,
        tpu.vector_store_idx %arg10[%sub3A_450], %get3A_454 masked %eq3A_441 : memref<2048xi32, #tpu.memory_space<vmem>>[vector<16xi32>], vector<16xi32>, vector<16xi1>
        %reduce_sum3A_455 = arith.constant true
        %reduce_sum3A_456 = vector.broadcast %reduce_sum3A_455 : i1 to vector<16xi1>
        %reduce_sum3A_457 = tpu.scan <sum>, %convert_element_type3A_442 masked %reduce_sum3A_456 : vector<16xi32>, vector<16xi1> -> vector<16xi32>
        %reduce_sum3A_458 = vector.extract %reduce_sum3A_457[15] : i32 from vector<16xi32>
        %add3A_459 = arith.addi %while3A_432, %reduce_sum3A_458 : i32
        scf.yield %add3A_459 : i32
      }
      %while3A_412 = arith.constant 1 : i32
      %while3A_413 = scf.for %while3A_431 = %while3A_409 to %while3A_405 step %while3A_412 iter_args(%while3A_432 = %while3A_411) -> (i32)  : i32 {
        %mul3A_433 = arith.constant 16 : i32
        %mul3A_434 = arith.muli %while3A_431, %mul3A_433 : i32
        %add3A_435 = arith.constant 16 : i32
        %add3A_436 = arith.addi %add3A_435, %mul3A_434 : i32
        %get3A_437 = arith.index_cast %add3A_436 : i32 to index
        %get3A_438 = tpu.vector_load %arg8[%get3A_437] {strides = array<i32>} : memref<10048xi32, #tpu.memory_space<vmem>>, vector<16xi32>,
        %eq3A_439 = arith.constant 1 : i32
        %eq3A_440 = vector.broadcast %eq3A_439 : i32 to vector<16xi32>
        %eq3A_441 = arith.cmpi eq, %get3A_438, %eq3A_440 : vector<16xi32>
        %convert_element_type3A_442 = arith.extui %eq3A_441 : vector<16xi1> to vector<16xi32>
        %cumsum3A_443 = arith.constant true
        %cumsum3A_444 = vector.broadcast %cumsum3A_443 : i1 to vector<16xi1>
        %cumsum3A_445 = tpu.scan <sum>, %convert_element_type3A_442 masked %cumsum3A_444 : vector<16xi32>, vector<16xi1> -> vector<16xi32>
        %add3A_446 = vector.broadcast %while3A_432 : i32 to vector<16xi32>
        %add3A_447 = arith.addi %add3A_446, %cumsum3A_445 : vector<16xi32>
        %sub3A_448 = arith.constant 1 : i32
        %sub3A_449 = vector.broadcast %sub3A_448 : i32 to vector<16xi32>
        %sub3A_450 = arith.subi %add3A_447, %sub3A_449 : vector<16xi32>
        %get3A_451 = arith.index_cast %add3A_436 : i32 to index
        %get3A_452 = tpu.vector_load %arg6[%get3A_451] {strides = array<i32>} : memref<10048xi32, #tpu.memory_space<vmem>>, vector<16xi32>,
        tpu.vector_store_idx %arg9[%sub3A_450], %get3A_452 masked %eq3A_441 : memref<2048xi32, #tpu.memory_space<vmem>>[vector<16xi32>], vector<16xi32>, vector<16xi1>
        %get3A_453 = arith.index_cast %add3A_436 : i32 to index
        %get3A_454 = tpu.vector_load %arg7[%get3A_453] {strides = array<i32>} : memref<10048xi32, #tpu.memory_space<vmem>>, vector<16xi32>,
        tpu.vector_store_idx %arg10[%sub3A_450], %get3A_454 masked %eq3A_441 : memref<2048xi32, #tpu.memory_space<vmem>>[vector<16xi32>], vector<16xi32>, vector<16xi1>
        %reduce_sum3A_455 = arith.constant true
        %reduce_sum3A_456 = vector.broadcast %reduce_sum3A_455 : i1 to vector<16xi1>
        %reduce_sum3A_457 = tpu.scan <sum>, %convert_element_type3A_442 masked %reduce_sum3A_456 : vector<16xi32>, vector<16xi1> -> vector<16xi32>
        %reduce_sum3A_458 = vector.extract %reduce_sum3A_457[15] : i32 from vector<16xi32>
        %add3A_459 = arith.addi %while3A_432, %reduce_sum3A_458 : i32
        scf.yield %add3A_459 : i32
      }
      %add3A_414 = arith.constant 15 : i32
      %add3A_415 = arith.addi %while3A_413, %add3A_414 : i32
      %shift_right_arithmetic3A_416 = arith.constant 4 : i32
      %shift_right_arithmetic3A_417 = arith.shrsi %add3A_415, %shift_right_arithmetic3A_416 : i32
      %while3A_418 = arith.constant 0 : i32
      %while3A_419 = arith.constant 0 : i32
      %while3A_420 = arith.subi %shift_right_arithmetic3A_417, %while3A_418 : i32
      %while3A_421 = arith.addi %while3A_418, %while3A_420 : i32
      %while3A_422 = arith.constant 1 : i32
      %while3A_423 = arith.divsi %while3A_420, %while3A_422 : i32
      %while3A_424 = arith.muli %while3A_423, %while3A_422 : i32
      %while3A_425 = arith.addi %while3A_418, %while3A_424 : i32
      %while3A_426 = arith.constant 1 : i32
      %while3A_427 = scf.for %while3A_431 = %while3A_418 to %while3A_425 step %while3A_426 iter_args(%while3A_432 = %while3A_419) -> (i32)  : i32 {
        %iota3A_433 = tpu.iota {dimensions = array<i32: 0>} : vector<16xi32>
        %mul3A_434 = arith.constant 16 : i32
        %mul3A_435 = arith.muli %while3A_431, %mul3A_434 : i32
        %add3A_436 = vector.broadcast %mul3A_435 : i32 to vector<16xi32>
        %add3A_437 = arith.addi %add3A_436, %iota3A_433 : vector<16xi32>
        %lt3A_438 = vector.broadcast %while3A_413 : i32 to vector<16xi32>
        %lt3A_439 = arith.cmpi slt, %add3A_437, %lt3A_438 : vector<16xi32>
        %mul3A_440 = arith.constant 16 : i32
        %mul3A_441 = arith.muli %while3A_431, %mul3A_440 : i32
        %get3A_442 = arith.index_cast %mul3A_441 : i32 to index
        %get3A_443 = tpu.vector_load %arg9[%get3A_442] {strides = array<i32>} : memref<2048xi32, #tpu.memory_space<vmem>>, vector<16xi32>,
        %mul3A_444 = arith.constant 16 : i32
        %mul3A_445 = arith.muli %while3A_431, %mul3A_444 : i32
        %get3A_446 = arith.index_cast %mul3A_445 : i32 to index
        %get3A_447 = tpu.vector_load %arg10[%get3A_446] {strides = array<i32>} : memref<2048xi32, #tpu.memory_space<vmem>>, vector<16xi32>,
        %add3A_448 = arith.constant 16 : i32
        %add3A_449 = vector.broadcast %add3A_448 : i32 to vector<16xi32>
        %add3A_450 = arith.addi %add3A_449, %get3A_443 : vector<16xi32>
        %shift_right_arithmetic3A_451 = arith.constant 6 : i32
        %shift_right_arithmetic3A_452 = vector.broadcast %shift_right_arithmetic3A_451 : i32 to vector<16xi32>
        %shift_right_arithmetic3A_453 = arith.shrsi %add3A_450, %shift_right_arithmetic3A_452 : vector<16xi32>
        %mul3A_454 = arith.constant 64 : i32
        %mul3A_455 = vector.broadcast %mul3A_454 : i32 to vector<16xi32>
        %mul3A_456 = arith.muli %shift_right_arithmetic3A_453, %mul3A_455 : vector<16xi32>
        %broadcast_in_dim3A_457 = arith.constant false
        %broadcast_in_dim3A_458 = vector.broadcast %broadcast_in_dim3A_457 : i1 to vector<16xi1>
        %while3A_459:3 = scf.while (%while3A_539 = %add3A_450, %while3A_540 = %get3A_447, %while3A_541 = %broadcast_in_dim3A_458) : (vector<16xi32>, vector<16xi32>, vector<16xi1>) -> (vector<16xi32>, vector<16xi32>, vector<16xi1>) {
          %ge3A_542 = arith.cmpi sge, %while3A_539, %mul3A_456 : vector<16xi32>
          %not3A_543 = arith.constant dense<true> : vector<16xi1>
          %not3A_544 = arith.xori %while3A_541, %not3A_543 : vector<16xi1>
          %and3A_545 = arith.andi %lt3A_439, %not3A_544 : vector<16xi1>
          %and3A_546 = arith.andi %and3A_545, %ge3A_542 : vector<16xi1>
          %reduce_or3A_547 = arith.constant 1.000000e+00 : f32
          %reduce_or3A_548 = arith.constant 0.000000e+00 : f32
          %reduce_or3A_549 = vector.broadcast %reduce_or3A_547 : f32 to vector<16xf32>
          %reduce_or3A_550 = vector.broadcast %reduce_or3A_548 : f32 to vector<16xf32>
          %reduce_or3A_551 = arith.select %and3A_546, %reduce_or3A_549, %reduce_or3A_550 : vector<16xi1>, vector<16xf32>
          %reduce_or3A_552 = arith.constant true
          %reduce_or3A_553 = vector.broadcast %reduce_or3A_552 : i1 to vector<16xi1>
          %reduce_or3A_554 = tpu.scan <max>, %reduce_or3A_551 masked %reduce_or3A_553 : vector<16xf32>, vector<16xi1> -> vector<16xf32>
          %reduce_or3A_555 = vector.extract %reduce_or3A_554[15] : f32 from vector<16xf32>
          %reduce_or3A_556 = arith.constant 0.000000e+00 : f32
          %reduce_or3A_557 = arith.cmpf ogt, %reduce_or3A_555, %reduce_or3A_556 : f32
          scf.condition(%reduce_or3A_557) %while3A_539, %while3A_540, %while3A_541 : vector<16xi32>, vector<16xi32>, vector<16xi1>
        } do {
        ^bb0(%while3A_539: vector<16xi32>, %while3A_540: vector<16xi32>, %while3A_541: vector<16xi1>):
          %ge3A_542 = arith.cmpi sge, %while3A_539, %mul3A_456 : vector<16xi32>
          %not3A_543 = arith.constant dense<true> : vector<16xi1>
          %not3A_544 = arith.xori %while3A_541, %not3A_543 : vector<16xi1>
          %and3A_545 = arith.andi %lt3A_439, %not3A_544 : vector<16xi1>
          %and3A_546 = arith.andi %and3A_545, %ge3A_542 : vector<16xi1>
          %gather3A = tpu.vector_load_idx %arg4[%while3A_539] masked %and3A_546 : memref<20032xi32, #tpu.memory_space<vmem>>[vector<16xi32>], vector<16xi32>, vector<16xi1>
          %gt3A = arith.cmpi sgt, %gather3A, %get3A_447 : vector<16xi32>
          %not3A_547 = arith.constant dense<true> : vector<16xi1>
          %not3A_548 = arith.xori %gt3A, %not3A_547 : vector<16xi1>
          %and3A_549 = arith.andi %and3A_546, %not3A_548 : vector<16xi1>
          %min3A_550 = arith.minsi %while3A_540, %gather3A : vector<16xi32>
          %select_n3A = arith.select %and3A_549, %min3A_550, %while3A_540 : vector<16xi1>, vector<16xi32>
          %and3A_551 = arith.andi %and3A_546, %gt3A : vector<16xi1>
          %or3A_552 = arith.ori %while3A_541, %and3A_551 : vector<16xi1>
          %not3A_553 = arith.constant dense<true> : vector<16xi1>
          %not3A_554 = arith.xori %gt3A, %not3A_553 : vector<16xi1>
          %and3A_555 = arith.andi %and3A_546, %not3A_554 : vector<16xi1>
          %add3A_556 = arith.constant -1 : i32
          %add3A_557 = vector.broadcast %add3A_556 : i32 to vector<16xi32>
          %add3A_558 = arith.addi %while3A_539, %add3A_557 : vector<16xi32>
          %select_n3A_559 = arith.select %and3A_555, %add3A_558, %while3A_539 : vector<16xi1>, vector<16xi32>
          %ge3A_560 = arith.cmpi sge, %select_n3A_559, %mul3A_456 : vector<16xi32>
          %not3A_561 = arith.constant dense<true> : vector<16xi1>
          %not3A_562 = arith.xori %or3A_552, %not3A_561 : vector<16xi1>
          %and3A_563 = arith.andi %lt3A_439, %not3A_562 : vector<16xi1>
          %and3A_564 = arith.andi %and3A_563, %ge3A_560 : vector<16xi1>
          %gather3A_565 = tpu.vector_load_idx %arg4[%select_n3A_559] masked %and3A_564 : memref<20032xi32, #tpu.memory_space<vmem>>[vector<16xi32>], vector<16xi32>, vector<16xi1>
          %gt3A_566 = arith.cmpi sgt, %gather3A_565, %get3A_447 : vector<16xi32>
          %not3A_567 = arith.constant dense<true> : vector<16xi1>
          %not3A_568 = arith.xori %gt3A_566, %not3A_567 : vector<16xi1>
          %and3A_569 = arith.andi %and3A_564, %not3A_568 : vector<16xi1>
          %min3A_570 = arith.minsi %select_n3A, %gather3A_565 : vector<16xi32>
          %select_n3A_571 = arith.select %and3A_569, %min3A_570, %select_n3A : vector<16xi1>, vector<16xi32>
          %and3A_572 = arith.andi %and3A_564, %gt3A_566 : vector<16xi1>
          %or3A_573 = arith.ori %or3A_552, %and3A_572 : vector<16xi1>
          %not3A_574 = arith.constant dense<true> : vector<16xi1>
          %not3A_575 = arith.xori %gt3A_566, %not3A_574 : vector<16xi1>
          %and3A_576 = arith.andi %and3A_564, %not3A_575 : vector<16xi1>
          %add3A_577 = arith.constant -1 : i32
          %add3A_578 = vector.broadcast %add3A_577 : i32 to vector<16xi32>
          %add3A_579 = arith.addi %select_n3A_559, %add3A_578 : vector<16xi32>
          %select_n3A_580 = arith.select %and3A_576, %add3A_579, %select_n3A_559 : vector<16xi1>, vector<16xi32>
          %ge3A_581 = arith.cmpi sge, %select_n3A_580, %mul3A_456 : vector<16xi32>
          %not3A_582 = arith.constant dense<true> : vector<16xi1>
          %not3A_583 = arith.xori %or3A_573, %not3A_582 : vector<16xi1>
          %and3A_584 = arith.andi %lt3A_439, %not3A_583 : vector<16xi1>
          %and3A_585 = arith.andi %and3A_584, %ge3A_581 : vector<16xi1>
          %gather3A_586 = tpu.vector_load_idx %arg4[%select_n3A_580] masked %and3A_585 : memref<20032xi32, #tpu.memory_space<vmem>>[vector<16xi32>], vector<16xi32>, vector<16xi1>
          %gt3A_587 = arith.cmpi sgt, %gather3A_586, %get3A_447 : vector<16xi32>
          %not3A_588 = arith.constant dense<true> : vector<16xi1>
          %not3A_589 = arith.xori %gt3A_587, %not3A_588 : vector<16xi1>
          %and3A_590 = arith.andi %and3A_585, %not3A_589 : vector<16xi1>
          %min3A_591 = arith.minsi %select_n3A_571, %gather3A_586 : vector<16xi32>
          %select_n3A_592 = arith.select %and3A_590, %min3A_591, %select_n3A_571 : vector<16xi1>, vector<16xi32>
          %and3A_593 = arith.andi %and3A_585, %gt3A_587 : vector<16xi1>
          %or3A_594 = arith.ori %or3A_573, %and3A_593 : vector<16xi1>
          %not3A_595 = arith.constant dense<true> : vector<16xi1>
          %not3A_596 = arith.xori %gt3A_587, %not3A_595 : vector<16xi1>
          %and3A_597 = arith.andi %and3A_585, %not3A_596 : vector<16xi1>
          %add3A_598 = arith.constant -1 : i32
          %add3A_599 = vector.broadcast %add3A_598 : i32 to vector<16xi32>
          %add3A_600 = arith.addi %select_n3A_580, %add3A_599 : vector<16xi32>
          %select_n3A_601 = arith.select %and3A_597, %add3A_600, %select_n3A_580 : vector<16xi1>, vector<16xi32>
          %ge3A_602 = arith.cmpi sge, %select_n3A_601, %mul3A_456 : vector<16xi32>
          %not3A_603 = arith.constant dense<true> : vector<16xi1>
          %not3A_604 = arith.xori %or3A_594, %not3A_603 : vector<16xi1>
          %and3A_605 = arith.andi %lt3A_439, %not3A_604 : vector<16xi1>
          %and3A_606 = arith.andi %and3A_605, %ge3A_602 : vector<16xi1>
          %gather3A_607 = tpu.vector_load_idx %arg4[%select_n3A_601] masked %and3A_606 : memref<20032xi32, #tpu.memory_space<vmem>>[vector<16xi32>], vector<16xi32>, vector<16xi1>
          %gt3A_608 = arith.cmpi sgt, %gather3A_607, %get3A_447 : vector<16xi32>
          %not3A_609 = arith.constant dense<true> : vector<16xi1>
          %not3A_610 = arith.xori %gt3A_608, %not3A_609 : vector<16xi1>
          %and3A_611 = arith.andi %and3A_606, %not3A_610 : vector<16xi1>
          %min3A_612 = arith.minsi %select_n3A_592, %gather3A_607 : vector<16xi32>
          %select_n3A_613 = arith.select %and3A_611, %min3A_612, %select_n3A_592 : vector<16xi1>, vector<16xi32>
          %and3A_614 = arith.andi %and3A_606, %gt3A_608 : vector<16xi1>
          %or3A_615 = arith.ori %or3A_594, %and3A_614 : vector<16xi1>
          %not3A_616 = arith.constant dense<true> : vector<16xi1>
          %not3A_617 = arith.xori %gt3A_608, %not3A_616 : vector<16xi1>
          %and3A_618 = arith.andi %and3A_606, %not3A_617 : vector<16xi1>
          %add3A_619 = arith.constant -1 : i32
          %add3A_620 = vector.broadcast %add3A_619 : i32 to vector<16xi32>
          %add3A_621 = arith.addi %select_n3A_601, %add3A_620 : vector<16xi32>
          %select_n3A_622 = arith.select %and3A_618, %add3A_621, %select_n3A_601 : vector<16xi1>, vector<16xi32>
          scf.yield %select_n3A_622, %select_n3A_613, %or3A_615 : vector<16xi32>, vector<16xi32>, vector<16xi1>
        }
        %shift_right_arithmetic3A_460 = arith.constant 6 : i32
        %shift_right_arithmetic3A_461 = vector.broadcast %shift_right_arithmetic3A_460 : i32 to vector<16xi32>
        %shift_right_arithmetic3A_462 = arith.shrsi %while3A_459#0, %shift_right_arithmetic3A_461 : vector<16xi32>
        %broadcast_in_dim3A_463 = arith.constant false
        %broadcast_in_dim3A_464 = vector.broadcast %broadcast_in_dim3A_463 : i1 to vector<16xi1>
        %while3A_465:3 = scf.while (%while3A_539 = %shift_right_arithmetic3A_462, %while3A_540 = %while3A_459#1, %while3A_541 = %broadcast_in_dim3A_464) : (vector<16xi32>, vector<16xi32>, vector<16xi1>) -> (vector<16xi32>, vector<16xi32>, vector<16xi1>) {
          %not3A_542 = arith.constant dense<true> : vector<16xi1>
          %not3A_543 = arith.xori %while3A_459#2, %not3A_542 : vector<16xi1>
          %and3A_544 = arith.andi %lt3A_439, %not3A_543 : vector<16xi1>
          %not3A_545 = arith.constant dense<true> : vector<16xi1>
          %not3A_546 = arith.xori %while3A_541, %not3A_545 : vector<16xi1>
          %and3A_547 = arith.andi %and3A_544, %not3A_546 : vector<16xi1>
          %reduce_or3A_548 = arith.constant 1.000000e+00 : f32
          %reduce_or3A_549 = arith.constant 0.000000e+00 : f32
          %reduce_or3A_550 = vector.broadcast %reduce_or3A_548 : f32 to vector<16xf32>
          %reduce_or3A_551 = vector.broadcast %reduce_or3A_549 : f32 to vector<16xf32>
          %reduce_or3A_552 = arith.select %and3A_547, %reduce_or3A_550, %reduce_or3A_551 : vector<16xi1>, vector<16xf32>
          %reduce_or3A_553 = arith.constant true
          %reduce_or3A_554 = vector.broadcast %reduce_or3A_553 : i1 to vector<16xi1>
          %reduce_or3A_555 = tpu.scan <max>, %reduce_or3A_552 masked %reduce_or3A_554 : vector<16xf32>, vector<16xi1> -> vector<16xf32>
          %reduce_or3A_556 = vector.extract %reduce_or3A_555[15] : f32 from vector<16xf32>
          %reduce_or3A_557 = arith.constant 0.000000e+00 : f32
          %reduce_or3A_558 = arith.cmpf ogt, %reduce_or3A_556, %reduce_or3A_557 : f32
          scf.condition(%reduce_or3A_558) %while3A_539, %while3A_540, %while3A_541 : vector<16xi32>, vector<16xi32>, vector<16xi1>
        } do {
        ^bb0(%while3A_539: vector<16xi32>, %while3A_540: vector<16xi32>, %while3A_541: vector<16xi1>):
          %not3A_542 = arith.constant dense<true> : vector<16xi1>
          %not3A_543 = arith.xori %while3A_459#2, %not3A_542 : vector<16xi1>
          %and3A_544 = arith.andi %lt3A_439, %not3A_543 : vector<16xi1>
          %not3A_545 = arith.constant dense<true> : vector<16xi1>
          %not3A_546 = arith.xori %while3A_541, %not3A_545 : vector<16xi1>
          %and3A_547 = arith.andi %and3A_544, %not3A_546 : vector<16xi1>
          %gather3A = tpu.vector_load_idx %arg11[%while3A_539] masked %and3A_547 : memref<320xi32, #tpu.memory_space<vmem>>[vector<16xi32>], vector<16xi32>, vector<16xi1>
          %gather3A_548 = tpu.vector_load_idx %arg12[%while3A_539] masked %and3A_547 : memref<320xi32, #tpu.memory_space<vmem>>[vector<16xi32>], vector<16xi32>, vector<16xi1>
          %le3A = arith.cmpi sle, %gather3A, %get3A_447 : vector<16xi32>
          %and3A_549 = arith.andi %and3A_547, %le3A : vector<16xi1>
          %min3A_550 = arith.minsi %while3A_540, %gather3A_548 : vector<16xi32>
          %select_n3A = arith.select %and3A_549, %min3A_550, %while3A_540 : vector<16xi1>, vector<16xi32>
          %and3A_551 = arith.andi %and3A_547, %le3A : vector<16xi1>
          %add3A_552 = arith.constant -1 : i32
          %add3A_553 = vector.broadcast %add3A_552 : i32 to vector<16xi32>
          %add3A_554 = arith.addi %while3A_539, %add3A_553 : vector<16xi32>
          %select_n3A_555 = arith.select %and3A_551, %add3A_554, %while3A_539 : vector<16xi1>, vector<16xi32>
          %not3A_556 = arith.constant dense<true> : vector<16xi1>
          %not3A_557 = arith.xori %le3A, %not3A_556 : vector<16xi1>
          %and3A_558 = arith.andi %and3A_547, %not3A_557 : vector<16xi1>
          %or3A_559 = arith.ori %while3A_541, %and3A_558 : vector<16xi1>
          %not3A_560 = arith.constant dense<true> : vector<16xi1>
          %not3A_561 = arith.xori %while3A_459#2, %not3A_560 : vector<16xi1>
          %and3A_562 = arith.andi %lt3A_439, %not3A_561 : vector<16xi1>
          %not3A_563 = arith.constant dense<true> : vector<16xi1>
          %not3A_564 = arith.xori %or3A_559, %not3A_563 : vector<16xi1>
          %and3A_565 = arith.andi %and3A_562, %not3A_564 : vector<16xi1>
          %gather3A_566 = tpu.vector_load_idx %arg11[%select_n3A_555] masked %and3A_565 : memref<320xi32, #tpu.memory_space<vmem>>[vector<16xi32>], vector<16xi32>, vector<16xi1>
          %gather3A_567 = tpu.vector_load_idx %arg12[%select_n3A_555] masked %and3A_565 : memref<320xi32, #tpu.memory_space<vmem>>[vector<16xi32>], vector<16xi32>, vector<16xi1>
          %le3A_568 = arith.cmpi sle, %gather3A_566, %get3A_447 : vector<16xi32>
          %and3A_569 = arith.andi %and3A_565, %le3A_568 : vector<16xi1>
          %min3A_570 = arith.minsi %select_n3A, %gather3A_567 : vector<16xi32>
          %select_n3A_571 = arith.select %and3A_569, %min3A_570, %select_n3A : vector<16xi1>, vector<16xi32>
          %and3A_572 = arith.andi %and3A_565, %le3A_568 : vector<16xi1>
          %add3A_573 = arith.constant -1 : i32
          %add3A_574 = vector.broadcast %add3A_573 : i32 to vector<16xi32>
          %add3A_575 = arith.addi %select_n3A_555, %add3A_574 : vector<16xi32>
          %select_n3A_576 = arith.select %and3A_572, %add3A_575, %select_n3A_555 : vector<16xi1>, vector<16xi32>
          %not3A_577 = arith.constant dense<true> : vector<16xi1>
          %not3A_578 = arith.xori %le3A_568, %not3A_577 : vector<16xi1>
          %and3A_579 = arith.andi %and3A_565, %not3A_578 : vector<16xi1>
          %or3A_580 = arith.ori %or3A_559, %and3A_579 : vector<16xi1>
          scf.yield %select_n3A_576, %select_n3A_571, %or3A_580 : vector<16xi32>, vector<16xi32>, vector<16xi1>
        }
        %mul3A_466 = arith.constant 64 : i32
        %mul3A_467 = vector.broadcast %mul3A_466 : i32 to vector<16xi32>
        %mul3A_468 = arith.muli %while3A_465#0, %mul3A_467 : vector<16xi32>
        %add3A_469 = arith.constant 63 : i32
        %add3A_470 = vector.broadcast %add3A_469 : i32 to vector<16xi32>
        %add3A_471 = arith.addi %mul3A_468, %add3A_470 : vector<16xi32>
        %not3A = arith.constant dense<true> : vector<16xi1>
        %not3A_472 = arith.xori %while3A_459#2, %not3A : vector<16xi1>
        %and3A_473 = arith.andi %lt3A_439, %not3A_472 : vector<16xi1>
        %while3A_474:3 = scf.while (%while3A_539 = %add3A_471, %while3A_540 = %while3A_465#1, %while3A_541 = %and3A_473) : (vector<16xi32>, vector<16xi32>, vector<16xi1>) -> (vector<16xi32>, vector<16xi32>, vector<16xi1>) {
          %reduce_or3A_542 = arith.constant 1.000000e+00 : f32
          %reduce_or3A_543 = arith.constant 0.000000e+00 : f32
          %reduce_or3A_544 = vector.broadcast %reduce_or3A_542 : f32 to vector<16xf32>
          %reduce_or3A_545 = vector.broadcast %reduce_or3A_543 : f32 to vector<16xf32>
          %reduce_or3A_546 = arith.select %while3A_541, %reduce_or3A_544, %reduce_or3A_545 : vector<16xi1>, vector<16xf32>
          %reduce_or3A_547 = arith.constant true
          %reduce_or3A_548 = vector.broadcast %reduce_or3A_547 : i1 to vector<16xi1>
          %reduce_or3A_549 = tpu.scan <max>, %reduce_or3A_546 masked %reduce_or3A_548 : vector<16xf32>, vector<16xi1> -> vector<16xf32>
          %reduce_or3A_550 = vector.extract %reduce_or3A_549[15] : f32 from vector<16xf32>
          %reduce_or3A_551 = arith.constant 0.000000e+00 : f32
          %reduce_or3A_552 = arith.cmpf ogt, %reduce_or3A_550, %reduce_or3A_551 : f32
          scf.condition(%reduce_or3A_552) %while3A_539, %while3A_540, %while3A_541 : vector<16xi32>, vector<16xi32>, vector<16xi1>
        } do {
        ^bb0(%while3A_539: vector<16xi32>, %while3A_540: vector<16xi32>, %while3A_541: vector<16xi1>):
          %gather3A = tpu.vector_load_idx %arg4[%while3A_539] masked %while3A_541 : memref<20032xi32, #tpu.memory_space<vmem>>[vector<16xi32>], vector<16xi32>, vector<16xi1>
          %gt3A = arith.cmpi sgt, %gather3A, %get3A_447 : vector<16xi32>
          %not3A_542 = arith.constant dense<true> : vector<16xi1>
          %not3A_543 = arith.xori %gt3A, %not3A_542 : vector<16xi1>
          %and3A_544 = arith.andi %while3A_541, %not3A_543 : vector<16xi1>
          %min3A_545 = arith.minsi %while3A_540, %gather3A : vector<16xi32>
          %select_n3A = arith.select %and3A_544, %min3A_545, %while3A_540 : vector<16xi1>, vector<16xi32>
          %not3A_546 = arith.constant dense<true> : vector<16xi1>
          %not3A_547 = arith.xori %gt3A, %not3A_546 : vector<16xi1>
          %and3A_548 = arith.andi %while3A_541, %not3A_547 : vector<16xi1>
          %add3A_549 = arith.constant -1 : i32
          %add3A_550 = vector.broadcast %add3A_549 : i32 to vector<16xi32>
          %add3A_551 = arith.addi %while3A_539, %add3A_550 : vector<16xi32>
          %select_n3A_552 = arith.select %and3A_548, %add3A_551, %while3A_539 : vector<16xi1>, vector<16xi32>
          %not3A_553 = arith.constant dense<true> : vector<16xi1>
          %not3A_554 = arith.xori %gt3A, %not3A_553 : vector<16xi1>
          %and3A_555 = arith.andi %while3A_541, %not3A_554 : vector<16xi1>
          %gather3A_556 = tpu.vector_load_idx %arg4[%select_n3A_552] masked %and3A_555 : memref<20032xi32, #tpu.memory_space<vmem>>[vector<16xi32>], vector<16xi32>, vector<16xi1>
          %gt3A_557 = arith.cmpi sgt, %gather3A_556, %get3A_447 : vector<16xi32>
          %not3A_558 = arith.constant dense<true> : vector<16xi1>
          %not3A_559 = arith.xori %gt3A_557, %not3A_558 : vector<16xi1>
          %and3A_560 = arith.andi %and3A_555, %not3A_559 : vector<16xi1>
          %min3A_561 = arith.minsi %select_n3A, %gather3A_556 : vector<16xi32>
          %select_n3A_562 = arith.select %and3A_560, %min3A_561, %select_n3A : vector<16xi1>, vector<16xi32>
          %not3A_563 = arith.constant dense<true> : vector<16xi1>
          %not3A_564 = arith.xori %gt3A_557, %not3A_563 : vector<16xi1>
          %and3A_565 = arith.andi %and3A_555, %not3A_564 : vector<16xi1>
          %add3A_566 = arith.constant -1 : i32
          %add3A_567 = vector.broadcast %add3A_566 : i32 to vector<16xi32>
          %add3A_568 = arith.addi %select_n3A_552, %add3A_567 : vector<16xi32>
          %select_n3A_569 = arith.select %and3A_565, %add3A_568, %select_n3A_552 : vector<16xi1>, vector<16xi32>
          %not3A_570 = arith.constant dense<true> : vector<16xi1>
          %not3A_571 = arith.xori %gt3A_557, %not3A_570 : vector<16xi1>
          %and3A_572 = arith.andi %and3A_555, %not3A_571 : vector<16xi1>
          %gather3A_573 = tpu.vector_load_idx %arg4[%select_n3A_569] masked %and3A_572 : memref<20032xi32, #tpu.memory_space<vmem>>[vector<16xi32>], vector<16xi32>, vector<16xi1>
          %gt3A_574 = arith.cmpi sgt, %gather3A_573, %get3A_447 : vector<16xi32>
          %not3A_575 = arith.constant dense<true> : vector<16xi1>
          %not3A_576 = arith.xori %gt3A_574, %not3A_575 : vector<16xi1>
          %and3A_577 = arith.andi %and3A_572, %not3A_576 : vector<16xi1>
          %min3A_578 = arith.minsi %select_n3A_562, %gather3A_573 : vector<16xi32>
          %select_n3A_579 = arith.select %and3A_577, %min3A_578, %select_n3A_562 : vector<16xi1>, vector<16xi32>
          %not3A_580 = arith.constant dense<true> : vector<16xi1>
          %not3A_581 = arith.xori %gt3A_574, %not3A_580 : vector<16xi1>
          %and3A_582 = arith.andi %and3A_572, %not3A_581 : vector<16xi1>
          %add3A_583 = arith.constant -1 : i32
          %add3A_584 = vector.broadcast %add3A_583 : i32 to vector<16xi32>
          %add3A_585 = arith.addi %select_n3A_569, %add3A_584 : vector<16xi32>
          %select_n3A_586 = arith.select %and3A_582, %add3A_585, %select_n3A_569 : vector<16xi1>, vector<16xi32>
          %not3A_587 = arith.constant dense<true> : vector<16xi1>
          %not3A_588 = arith.xori %gt3A_574, %not3A_587 : vector<16xi1>
          %and3A_589 = arith.andi %and3A_572, %not3A_588 : vector<16xi1>
          %gather3A_590 = tpu.vector_load_idx %arg4[%select_n3A_586] masked %and3A_589 : memref<20032xi32, #tpu.memory_space<vmem>>[vector<16xi32>], vector<16xi32>, vector<16xi1>
          %gt3A_591 = arith.cmpi sgt, %gather3A_590, %get3A_447 : vector<16xi32>
          %not3A_592 = arith.constant dense<true> : vector<16xi1>
          %not3A_593 = arith.xori %gt3A_591, %not3A_592 : vector<16xi1>
          %and3A_594 = arith.andi %and3A_589, %not3A_593 : vector<16xi1>
          %min3A_595 = arith.minsi %select_n3A_579, %gather3A_590 : vector<16xi32>
          %select_n3A_596 = arith.select %and3A_594, %min3A_595, %select_n3A_579 : vector<16xi1>, vector<16xi32>
          %not3A_597 = arith.constant dense<true> : vector<16xi1>
          %not3A_598 = arith.xori %gt3A_591, %not3A_597 : vector<16xi1>
          %and3A_599 = arith.andi %and3A_589, %not3A_598 : vector<16xi1>
          %add3A_600 = arith.constant -1 : i32
          %add3A_601 = vector.broadcast %add3A_600 : i32 to vector<16xi32>
          %add3A_602 = arith.addi %select_n3A_586, %add3A_601 : vector<16xi32>
          %select_n3A_603 = arith.select %and3A_599, %add3A_602, %select_n3A_586 : vector<16xi1>, vector<16xi32>
          %not3A_604 = arith.constant dense<true> : vector<16xi1>
          %not3A_605 = arith.xori %gt3A_591, %not3A_604 : vector<16xi1>
          %and3A_606 = arith.andi %and3A_589, %not3A_605 : vector<16xi1>
          scf.yield %select_n3A_603, %select_n3A_596, %and3A_606 : vector<16xi32>, vector<16xi32>, vector<16xi1>
        }
        %add3A_475 = arith.constant 16 : i32
        %add3A_476 = vector.broadcast %add3A_475 : i32 to vector<16xi32>
        %add3A_477 = arith.addi %add3A_476, %get3A_443 : vector<16xi32>
        %shift_right_arithmetic3A_478 = arith.constant 6 : i32
        %shift_right_arithmetic3A_479 = vector.broadcast %shift_right_arithmetic3A_478 : i32 to vector<16xi32>
        %shift_right_arithmetic3A_480 = arith.shrsi %add3A_477, %shift_right_arithmetic3A_479 : vector<16xi32>
        %mul3A_481 = arith.constant 64 : i32
        %mul3A_482 = vector.broadcast %mul3A_481 : i32 to vector<16xi32>
        %mul3A_483 = arith.muli %shift_right_arithmetic3A_480, %mul3A_482 : vector<16xi32>
        %add3A_484 = arith.constant 63 : i32
        %add3A_485 = vector.broadcast %add3A_484 : i32 to vector<16xi32>
        %add3A_486 = arith.addi %mul3A_483, %add3A_485 : vector<16xi32>
        %broadcast_in_dim3A_487 = arith.constant false
        %broadcast_in_dim3A_488 = vector.broadcast %broadcast_in_dim3A_487 : i1 to vector<16xi1>
        %while3A_489:3 = scf.while (%while3A_539 = %add3A_477, %while3A_540 = %get3A_447, %while3A_541 = %broadcast_in_dim3A_488) : (vector<16xi32>, vector<16xi32>, vector<16xi1>) -> (vector<16xi32>, vector<16xi32>, vector<16xi1>) {
          %le3A = arith.cmpi sle, %while3A_539, %add3A_486 : vector<16xi32>
          %not3A_542 = arith.constant dense<true> : vector<16xi1>
          %not3A_543 = arith.xori %while3A_541, %not3A_542 : vector<16xi1>
          %and3A_544 = arith.andi %lt3A_439, %not3A_543 : vector<16xi1>
          %and3A_545 = arith.andi %and3A_544, %le3A : vector<16xi1>
          %reduce_or3A_546 = arith.constant 1.000000e+00 : f32
          %reduce_or3A_547 = arith.constant 0.000000e+00 : f32
          %reduce_or3A_548 = vector.broadcast %reduce_or3A_546 : f32 to vector<16xf32>
          %reduce_or3A_549 = vector.broadcast %reduce_or3A_547 : f32 to vector<16xf32>
          %reduce_or3A_550 = arith.select %and3A_545, %reduce_or3A_548, %reduce_or3A_549 : vector<16xi1>, vector<16xf32>
          %reduce_or3A_551 = arith.constant true
          %reduce_or3A_552 = vector.broadcast %reduce_or3A_551 : i1 to vector<16xi1>
          %reduce_or3A_553 = tpu.scan <max>, %reduce_or3A_550 masked %reduce_or3A_552 : vector<16xf32>, vector<16xi1> -> vector<16xf32>
          %reduce_or3A_554 = vector.extract %reduce_or3A_553[15] : f32 from vector<16xf32>
          %reduce_or3A_555 = arith.constant 0.000000e+00 : f32
          %reduce_or3A_556 = arith.cmpf ogt, %reduce_or3A_554, %reduce_or3A_555 : f32
          scf.condition(%reduce_or3A_556) %while3A_539, %while3A_540, %while3A_541 : vector<16xi32>, vector<16xi32>, vector<16xi1>
        } do {
        ^bb0(%while3A_539: vector<16xi32>, %while3A_540: vector<16xi32>, %while3A_541: vector<16xi1>):
          %le3A = arith.cmpi sle, %while3A_539, %add3A_486 : vector<16xi32>
          %not3A_542 = arith.constant dense<true> : vector<16xi1>
          %not3A_543 = arith.xori %while3A_541, %not3A_542 : vector<16xi1>
          %and3A_544 = arith.andi %lt3A_439, %not3A_543 : vector<16xi1>
          %and3A_545 = arith.andi %and3A_544, %le3A : vector<16xi1>
          %gather3A = tpu.vector_load_idx %arg4[%while3A_539] masked %and3A_545 : memref<20032xi32, #tpu.memory_space<vmem>>[vector<16xi32>], vector<16xi32>, vector<16xi1>
          %gt3A = arith.cmpi sgt, %gather3A, %get3A_447 : vector<16xi32>
          %not3A_546 = arith.constant dense<true> : vector<16xi1>
          %not3A_547 = arith.xori %gt3A, %not3A_546 : vector<16xi1>
          %and3A_548 = arith.andi %and3A_545, %not3A_547 : vector<16xi1>
          %min3A_549 = arith.minsi %while3A_540, %gather3A : vector<16xi32>
          %select_n3A = arith.select %and3A_548, %min3A_549, %while3A_540 : vector<16xi1>, vector<16xi32>
          %and3A_550 = arith.andi %and3A_545, %gt3A : vector<16xi1>
          %or3A_551 = arith.ori %while3A_541, %and3A_550 : vector<16xi1>
          %not3A_552 = arith.constant dense<true> : vector<16xi1>
          %not3A_553 = arith.xori %gt3A, %not3A_552 : vector<16xi1>
          %and3A_554 = arith.andi %and3A_545, %not3A_553 : vector<16xi1>
          %add3A_555 = arith.constant 1 : i32
          %add3A_556 = vector.broadcast %add3A_555 : i32 to vector<16xi32>
          %add3A_557 = arith.addi %while3A_539, %add3A_556 : vector<16xi32>
          %select_n3A_558 = arith.select %and3A_554, %add3A_557, %while3A_539 : vector<16xi1>, vector<16xi32>
          %le3A_559 = arith.cmpi sle, %select_n3A_558, %add3A_486 : vector<16xi32>
          %not3A_560 = arith.constant dense<true> : vector<16xi1>
          %not3A_561 = arith.xori %or3A_551, %not3A_560 : vector<16xi1>
          %and3A_562 = arith.andi %lt3A_439, %not3A_561 : vector<16xi1>
          %and3A_563 = arith.andi %and3A_562, %le3A_559 : vector<16xi1>
          %gather3A_564 = tpu.vector_load_idx %arg4[%select_n3A_558] masked %and3A_563 : memref<20032xi32, #tpu.memory_space<vmem>>[vector<16xi32>], vector<16xi32>, vector<16xi1>
          %gt3A_565 = arith.cmpi sgt, %gather3A_564, %get3A_447 : vector<16xi32>
          %not3A_566 = arith.constant dense<true> : vector<16xi1>
          %not3A_567 = arith.xori %gt3A_565, %not3A_566 : vector<16xi1>
          %and3A_568 = arith.andi %and3A_563, %not3A_567 : vector<16xi1>
          %min3A_569 = arith.minsi %select_n3A, %gather3A_564 : vector<16xi32>
          %select_n3A_570 = arith.select %and3A_568, %min3A_569, %select_n3A : vector<16xi1>, vector<16xi32>
          %and3A_571 = arith.andi %and3A_563, %gt3A_565 : vector<16xi1>
          %or3A_572 = arith.ori %or3A_551, %and3A_571 : vector<16xi1>
          %not3A_573 = arith.constant dense<true> : vector<16xi1>
          %not3A_574 = arith.xori %gt3A_565, %not3A_573 : vector<16xi1>
          %and3A_575 = arith.andi %and3A_563, %not3A_574 : vector<16xi1>
          %add3A_576 = arith.constant 1 : i32
          %add3A_577 = vector.broadcast %add3A_576 : i32 to vector<16xi32>
          %add3A_578 = arith.addi %select_n3A_558, %add3A_577 : vector<16xi32>
          %select_n3A_579 = arith.select %and3A_575, %add3A_578, %select_n3A_558 : vector<16xi1>, vector<16xi32>
          %le3A_580 = arith.cmpi sle, %select_n3A_579, %add3A_486 : vector<16xi32>
          %not3A_581 = arith.constant dense<true> : vector<16xi1>
          %not3A_582 = arith.xori %or3A_572, %not3A_581 : vector<16xi1>
          %and3A_583 = arith.andi %lt3A_439, %not3A_582 : vector<16xi1>
          %and3A_584 = arith.andi %and3A_583, %le3A_580 : vector<16xi1>
          %gather3A_585 = tpu.vector_load_idx %arg4[%select_n3A_579] masked %and3A_584 : memref<20032xi32, #tpu.memory_space<vmem>>[vector<16xi32>], vector<16xi32>, vector<16xi1>
          %gt3A_586 = arith.cmpi sgt, %gather3A_585, %get3A_447 : vector<16xi32>
          %not3A_587 = arith.constant dense<true> : vector<16xi1>
          %not3A_588 = arith.xori %gt3A_586, %not3A_587 : vector<16xi1>
          %and3A_589 = arith.andi %and3A_584, %not3A_588 : vector<16xi1>
          %min3A_590 = arith.minsi %select_n3A_570, %gather3A_585 : vector<16xi32>
          %select_n3A_591 = arith.select %and3A_589, %min3A_590, %select_n3A_570 : vector<16xi1>, vector<16xi32>
          %and3A_592 = arith.andi %and3A_584, %gt3A_586 : vector<16xi1>
          %or3A_593 = arith.ori %or3A_572, %and3A_592 : vector<16xi1>
          %not3A_594 = arith.constant dense<true> : vector<16xi1>
          %not3A_595 = arith.xori %gt3A_586, %not3A_594 : vector<16xi1>
          %and3A_596 = arith.andi %and3A_584, %not3A_595 : vector<16xi1>
          %add3A_597 = arith.constant 1 : i32
          %add3A_598 = vector.broadcast %add3A_597 : i32 to vector<16xi32>
          %add3A_599 = arith.addi %select_n3A_579, %add3A_598 : vector<16xi32>
          %select_n3A_600 = arith.select %and3A_596, %add3A_599, %select_n3A_579 : vector<16xi1>, vector<16xi32>
          %le3A_601 = arith.cmpi sle, %select_n3A_600, %add3A_486 : vector<16xi32>
          %not3A_602 = arith.constant dense<true> : vector<16xi1>
          %not3A_603 = arith.xori %or3A_593, %not3A_602 : vector<16xi1>
          %and3A_604 = arith.andi %lt3A_439, %not3A_603 : vector<16xi1>
          %and3A_605 = arith.andi %and3A_604, %le3A_601 : vector<16xi1>
          %gather3A_606 = tpu.vector_load_idx %arg4[%select_n3A_600] masked %and3A_605 : memref<20032xi32, #tpu.memory_space<vmem>>[vector<16xi32>], vector<16xi32>, vector<16xi1>
          %gt3A_607 = arith.cmpi sgt, %gather3A_606, %get3A_447 : vector<16xi32>
          %not3A_608 = arith.constant dense<true> : vector<16xi1>
          %not3A_609 = arith.xori %gt3A_607, %not3A_608 : vector<16xi1>
          %and3A_610 = arith.andi %and3A_605, %not3A_609 : vector<16xi1>
          %min3A_611 = arith.minsi %select_n3A_591, %gather3A_606 : vector<16xi32>
          %select_n3A_612 = arith.select %and3A_610, %min3A_611, %select_n3A_591 : vector<16xi1>, vector<16xi32>
          %and3A_613 = arith.andi %and3A_605, %gt3A_607 : vector<16xi1>
          %or3A_614 = arith.ori %or3A_593, %and3A_613 : vector<16xi1>
          %not3A_615 = arith.constant dense<true> : vector<16xi1>
          %not3A_616 = arith.xori %gt3A_607, %not3A_615 : vector<16xi1>
          %and3A_617 = arith.andi %and3A_605, %not3A_616 : vector<16xi1>
          %add3A_618 = arith.constant 1 : i32
          %add3A_619 = vector.broadcast %add3A_618 : i32 to vector<16xi32>
          %add3A_620 = arith.addi %select_n3A_600, %add3A_619 : vector<16xi32>
          %select_n3A_621 = arith.select %and3A_617, %add3A_620, %select_n3A_600 : vector<16xi1>, vector<16xi32>
          scf.yield %select_n3A_621, %select_n3A_612, %or3A_614 : vector<16xi32>, vector<16xi32>, vector<16xi1>
        }
        %shift_right_arithmetic3A_490 = arith.constant 6 : i32
        %shift_right_arithmetic3A_491 = vector.broadcast %shift_right_arithmetic3A_490 : i32 to vector<16xi32>
        %shift_right_arithmetic3A_492 = arith.shrsi %while3A_489#0, %shift_right_arithmetic3A_491 : vector<16xi32>
        %broadcast_in_dim3A_493 = arith.constant false
        %broadcast_in_dim3A_494 = vector.broadcast %broadcast_in_dim3A_493 : i1 to vector<16xi1>
        %while3A_495:3 = scf.while (%while3A_539 = %shift_right_arithmetic3A_492, %while3A_540 = %while3A_489#1, %while3A_541 = %broadcast_in_dim3A_494) : (vector<16xi32>, vector<16xi32>, vector<16xi1>) -> (vector<16xi32>, vector<16xi32>, vector<16xi1>) {
          %not3A_542 = arith.constant dense<true> : vector<16xi1>
          %not3A_543 = arith.xori %while3A_489#2, %not3A_542 : vector<16xi1>
          %and3A_544 = arith.andi %lt3A_439, %not3A_543 : vector<16xi1>
          %not3A_545 = arith.constant dense<true> : vector<16xi1>
          %not3A_546 = arith.xori %while3A_541, %not3A_545 : vector<16xi1>
          %and3A_547 = arith.andi %and3A_544, %not3A_546 : vector<16xi1>
          %reduce_or3A_548 = arith.constant 1.000000e+00 : f32
          %reduce_or3A_549 = arith.constant 0.000000e+00 : f32
          %reduce_or3A_550 = vector.broadcast %reduce_or3A_548 : f32 to vector<16xf32>
          %reduce_or3A_551 = vector.broadcast %reduce_or3A_549 : f32 to vector<16xf32>
          %reduce_or3A_552 = arith.select %and3A_547, %reduce_or3A_550, %reduce_or3A_551 : vector<16xi1>, vector<16xf32>
          %reduce_or3A_553 = arith.constant true
          %reduce_or3A_554 = vector.broadcast %reduce_or3A_553 : i1 to vector<16xi1>
          %reduce_or3A_555 = tpu.scan <max>, %reduce_or3A_552 masked %reduce_or3A_554 : vector<16xf32>, vector<16xi1> -> vector<16xf32>
          %reduce_or3A_556 = vector.extract %reduce_or3A_555[15] : f32 from vector<16xf32>
          %reduce_or3A_557 = arith.constant 0.000000e+00 : f32
          %reduce_or3A_558 = arith.cmpf ogt, %reduce_or3A_556, %reduce_or3A_557 : f32
          scf.condition(%reduce_or3A_558) %while3A_539, %while3A_540, %while3A_541 : vector<16xi32>, vector<16xi32>, vector<16xi1>
        } do {
        ^bb0(%while3A_539: vector<16xi32>, %while3A_540: vector<16xi32>, %while3A_541: vector<16xi1>):
          %not3A_542 = arith.constant dense<true> : vector<16xi1>
          %not3A_543 = arith.xori %while3A_489#2, %not3A_542 : vector<16xi1>
          %and3A_544 = arith.andi %lt3A_439, %not3A_543 : vector<16xi1>
          %not3A_545 = arith.constant dense<true> : vector<16xi1>
          %not3A_546 = arith.xori %while3A_541, %not3A_545 : vector<16xi1>
          %and3A_547 = arith.andi %and3A_544, %not3A_546 : vector<16xi1>
          %gather3A = tpu.vector_load_idx %arg11[%while3A_539] masked %and3A_547 : memref<320xi32, #tpu.memory_space<vmem>>[vector<16xi32>], vector<16xi32>, vector<16xi1>
          %gather3A_548 = tpu.vector_load_idx %arg12[%while3A_539] masked %and3A_547 : memref<320xi32, #tpu.memory_space<vmem>>[vector<16xi32>], vector<16xi32>, vector<16xi1>
          %le3A = arith.cmpi sle, %gather3A, %get3A_447 : vector<16xi32>
          %and3A_549 = arith.andi %and3A_547, %le3A : vector<16xi1>
          %min3A_550 = arith.minsi %while3A_540, %gather3A_548 : vector<16xi32>
          %select_n3A = arith.select %and3A_549, %min3A_550, %while3A_540 : vector<16xi1>, vector<16xi32>
          %and3A_551 = arith.andi %and3A_547, %le3A : vector<16xi1>
          %add3A_552 = arith.constant 1 : i32
          %add3A_553 = vector.broadcast %add3A_552 : i32 to vector<16xi32>
          %add3A_554 = arith.addi %while3A_539, %add3A_553 : vector<16xi32>
          %select_n3A_555 = arith.select %and3A_551, %add3A_554, %while3A_539 : vector<16xi1>, vector<16xi32>
          %not3A_556 = arith.constant dense<true> : vector<16xi1>
          %not3A_557 = arith.xori %le3A, %not3A_556 : vector<16xi1>
          %and3A_558 = arith.andi %and3A_547, %not3A_557 : vector<16xi1>
          %or3A_559 = arith.ori %while3A_541, %and3A_558 : vector<16xi1>
          %not3A_560 = arith.constant dense<true> : vector<16xi1>
          %not3A_561 = arith.xori %while3A_489#2, %not3A_560 : vector<16xi1>
          %and3A_562 = arith.andi %lt3A_439, %not3A_561 : vector<16xi1>
          %not3A_563 = arith.constant dense<true> : vector<16xi1>
          %not3A_564 = arith.xori %or3A_559, %not3A_563 : vector<16xi1>
          %and3A_565 = arith.andi %and3A_562, %not3A_564 : vector<16xi1>
          %gather3A_566 = tpu.vector_load_idx %arg11[%select_n3A_555] masked %and3A_565 : memref<320xi32, #tpu.memory_space<vmem>>[vector<16xi32>], vector<16xi32>, vector<16xi1>
          %gather3A_567 = tpu.vector_load_idx %arg12[%select_n3A_555] masked %and3A_565 : memref<320xi32, #tpu.memory_space<vmem>>[vector<16xi32>], vector<16xi32>, vector<16xi1>
          %le3A_568 = arith.cmpi sle, %gather3A_566, %get3A_447 : vector<16xi32>
          %and3A_569 = arith.andi %and3A_565, %le3A_568 : vector<16xi1>
          %min3A_570 = arith.minsi %select_n3A, %gather3A_567 : vector<16xi32>
          %select_n3A_571 = arith.select %and3A_569, %min3A_570, %select_n3A : vector<16xi1>, vector<16xi32>
          %and3A_572 = arith.andi %and3A_565, %le3A_568 : vector<16xi1>
          %add3A_573 = arith.constant 1 : i32
          %add3A_574 = vector.broadcast %add3A_573 : i32 to vector<16xi32>
          %add3A_575 = arith.addi %select_n3A_555, %add3A_574 : vector<16xi32>
          %select_n3A_576 = arith.select %and3A_572, %add3A_575, %select_n3A_555 : vector<16xi1>, vector<16xi32>
          %not3A_577 = arith.constant dense<true> : vector<16xi1>
          %not3A_578 = arith.xori %le3A_568, %not3A_577 : vector<16xi1>
          %and3A_579 = arith.andi %and3A_565, %not3A_578 : vector<16xi1>
          %or3A_580 = arith.ori %or3A_559, %and3A_579 : vector<16xi1>
          scf.yield %select_n3A_576, %select_n3A_571, %or3A_580 : vector<16xi32>, vector<16xi32>, vector<16xi1>
        }
        %mul3A_496 = arith.constant 64 : i32
        %mul3A_497 = vector.broadcast %mul3A_496 : i32 to vector<16xi32>
        %mul3A_498 = arith.muli %while3A_495#0, %mul3A_497 : vector<16xi32>
        %add3A_499 = arith.constant 0 : i32
        %add3A_500 = vector.broadcast %add3A_499 : i32 to vector<16xi32>
        %add3A_501 = arith.addi %mul3A_498, %add3A_500 : vector<16xi32>
        %not3A_502 = arith.constant dense<true> : vector<16xi1>
        %not3A_503 = arith.xori %while3A_489#2, %not3A_502 : vector<16xi1>
        %and3A_504 = arith.andi %lt3A_439, %not3A_503 : vector<16xi1>
        %while3A_505:3 = scf.while (%while3A_539 = %add3A_501, %while3A_540 = %while3A_495#1, %while3A_541 = %and3A_504) : (vector<16xi32>, vector<16xi32>, vector<16xi1>) -> (vector<16xi32>, vector<16xi32>, vector<16xi1>) {
          %reduce_or3A_542 = arith.constant 1.000000e+00 : f32
          %reduce_or3A_543 = arith.constant 0.000000e+00 : f32
          %reduce_or3A_544 = vector.broadcast %reduce_or3A_542 : f32 to vector<16xf32>
          %reduce_or3A_545 = vector.broadcast %reduce_or3A_543 : f32 to vector<16xf32>
          %reduce_or3A_546 = arith.select %while3A_541, %reduce_or3A_544, %reduce_or3A_545 : vector<16xi1>, vector<16xf32>
          %reduce_or3A_547 = arith.constant true
          %reduce_or3A_548 = vector.broadcast %reduce_or3A_547 : i1 to vector<16xi1>
          %reduce_or3A_549 = tpu.scan <max>, %reduce_or3A_546 masked %reduce_or3A_548 : vector<16xf32>, vector<16xi1> -> vector<16xf32>
          %reduce_or3A_550 = vector.extract %reduce_or3A_549[15] : f32 from vector<16xf32>
          %reduce_or3A_551 = arith.constant 0.000000e+00 : f32
          %reduce_or3A_552 = arith.cmpf ogt, %reduce_or3A_550, %reduce_or3A_551 : f32
          scf.condition(%reduce_or3A_552) %while3A_539, %while3A_540, %while3A_541 : vector<16xi32>, vector<16xi32>, vector<16xi1>
        } do {
        ^bb0(%while3A_539: vector<16xi32>, %while3A_540: vector<16xi32>, %while3A_541: vector<16xi1>):
          %gather3A = tpu.vector_load_idx %arg4[%while3A_539] masked %while3A_541 : memref<20032xi32, #tpu.memory_space<vmem>>[vector<16xi32>], vector<16xi32>, vector<16xi1>
          %gt3A = arith.cmpi sgt, %gather3A, %get3A_447 : vector<16xi32>
          %not3A_542 = arith.constant dense<true> : vector<16xi1>
          %not3A_543 = arith.xori %gt3A, %not3A_542 : vector<16xi1>
          %and3A_544 = arith.andi %while3A_541, %not3A_543 : vector<16xi1>
          %min3A_545 = arith.minsi %while3A_540, %gather3A : vector<16xi32>
          %select_n3A = arith.select %and3A_544, %min3A_545, %while3A_540 : vector<16xi1>, vector<16xi32>
          %not3A_546 = arith.constant dense<true> : vector<16xi1>
          %not3A_547 = arith.xori %gt3A, %not3A_546 : vector<16xi1>
          %and3A_548 = arith.andi %while3A_541, %not3A_547 : vector<16xi1>
          %add3A_549 = arith.constant 1 : i32
          %add3A_550 = vector.broadcast %add3A_549 : i32 to vector<16xi32>
          %add3A_551 = arith.addi %while3A_539, %add3A_550 : vector<16xi32>
          %select_n3A_552 = arith.select %and3A_548, %add3A_551, %while3A_539 : vector<16xi1>, vector<16xi32>
          %not3A_553 = arith.constant dense<true> : vector<16xi1>
          %not3A_554 = arith.xori %gt3A, %not3A_553 : vector<16xi1>
          %and3A_555 = arith.andi %while3A_541, %not3A_554 : vector<16xi1>
          %gather3A_556 = tpu.vector_load_idx %arg4[%select_n3A_552] masked %and3A_555 : memref<20032xi32, #tpu.memory_space<vmem>>[vector<16xi32>], vector<16xi32>, vector<16xi1>
          %gt3A_557 = arith.cmpi sgt, %gather3A_556, %get3A_447 : vector<16xi32>
          %not3A_558 = arith.constant dense<true> : vector<16xi1>
          %not3A_559 = arith.xori %gt3A_557, %not3A_558 : vector<16xi1>
          %and3A_560 = arith.andi %and3A_555, %not3A_559 : vector<16xi1>
          %min3A_561 = arith.minsi %select_n3A, %gather3A_556 : vector<16xi32>
          %select_n3A_562 = arith.select %and3A_560, %min3A_561, %select_n3A : vector<16xi1>, vector<16xi32>
          %not3A_563 = arith.constant dense<true> : vector<16xi1>
          %not3A_564 = arith.xori %gt3A_557, %not3A_563 : vector<16xi1>
          %and3A_565 = arith.andi %and3A_555, %not3A_564 : vector<16xi1>
          %add3A_566 = arith.constant 1 : i32
          %add3A_567 = vector.broadcast %add3A_566 : i32 to vector<16xi32>
          %add3A_568 = arith.addi %select_n3A_552, %add3A_567 : vector<16xi32>
          %select_n3A_569 = arith.select %and3A_565, %add3A_568, %select_n3A_552 : vector<16xi1>, vector<16xi32>
          %not3A_570 = arith.constant dense<true> : vector<16xi1>
          %not3A_571 = arith.xori %gt3A_557, %not3A_570 : vector<16xi1>
          %and3A_572 = arith.andi %and3A_555, %not3A_571 : vector<16xi1>
          %gather3A_573 = tpu.vector_load_idx %arg4[%select_n3A_569] masked %and3A_572 : memref<20032xi32, #tpu.memory_space<vmem>>[vector<16xi32>], vector<16xi32>, vector<16xi1>
          %gt3A_574 = arith.cmpi sgt, %gather3A_573, %get3A_447 : vector<16xi32>
          %not3A_575 = arith.constant dense<true> : vector<16xi1>
          %not3A_576 = arith.xori %gt3A_574, %not3A_575 : vector<16xi1>
          %and3A_577 = arith.andi %and3A_572, %not3A_576 : vector<16xi1>
          %min3A_578 = arith.minsi %select_n3A_562, %gather3A_573 : vector<16xi32>
          %select_n3A_579 = arith.select %and3A_577, %min3A_578, %select_n3A_562 : vector<16xi1>, vector<16xi32>
          %not3A_580 = arith.constant dense<true> : vector<16xi1>
          %not3A_581 = arith.xori %gt3A_574, %not3A_580 : vector<16xi1>
          %and3A_582 = arith.andi %and3A_572, %not3A_581 : vector<16xi1>
          %add3A_583 = arith.constant 1 : i32
          %add3A_584 = vector.broadcast %add3A_583 : i32 to vector<16xi32>
          %add3A_585 = arith.addi %select_n3A_569, %add3A_584 : vector<16xi32>
          %select_n3A_586 = arith.select %and3A_582, %add3A_585, %select_n3A_569 : vector<16xi1>, vector<16xi32>
          %not3A_587 = arith.constant dense<true> : vector<16xi1>
          %not3A_588 = arith.xori %gt3A_574, %not3A_587 : vector<16xi1>
          %and3A_589 = arith.andi %and3A_572, %not3A_588 : vector<16xi1>
          %gather3A_590 = tpu.vector_load_idx %arg4[%select_n3A_586] masked %and3A_589 : memref<20032xi32, #tpu.memory_space<vmem>>[vector<16xi32>], vector<16xi32>, vector<16xi1>
          %gt3A_591 = arith.cmpi sgt, %gather3A_590, %get3A_447 : vector<16xi32>
          %not3A_592 = arith.constant dense<true> : vector<16xi1>
          %not3A_593 = arith.xori %gt3A_591, %not3A_592 : vector<16xi1>
          %and3A_594 = arith.andi %and3A_589, %not3A_593 : vector<16xi1>
          %min3A_595 = arith.minsi %select_n3A_579, %gather3A_590 : vector<16xi32>
          %select_n3A_596 = arith.select %and3A_594, %min3A_595, %select_n3A_579 : vector<16xi1>, vector<16xi32>
          %not3A_597 = arith.constant dense<true> : vector<16xi1>
          %not3A_598 = arith.xori %gt3A_591, %not3A_597 : vector<16xi1>
          %and3A_599 = arith.andi %and3A_589, %not3A_598 : vector<16xi1>
          %add3A_600 = arith.constant 1 : i32
          %add3A_601 = vector.broadcast %add3A_600 : i32 to vector<16xi32>
          %add3A_602 = arith.addi %select_n3A_586, %add3A_601 : vector<16xi32>
          %select_n3A_603 = arith.select %and3A_599, %add3A_602, %select_n3A_586 : vector<16xi1>, vector<16xi32>
          %not3A_604 = arith.constant dense<true> : vector<16xi1>
          %not3A_605 = arith.xori %gt3A_591, %not3A_604 : vector<16xi1>
          %and3A_606 = arith.andi %and3A_589, %not3A_605 : vector<16xi1>
          scf.yield %select_n3A_603, %select_n3A_596, %and3A_606 : vector<16xi32>, vector<16xi32>, vector<16xi1>
        }
        %shift_right_arithmetic3A_506 = arith.constant 31 : i32
        %shift_right_arithmetic3A_507 = vector.broadcast %shift_right_arithmetic3A_506 : i32 to vector<16xi32>
        %shift_right_arithmetic3A_508 = arith.shrsi %get3A_447, %shift_right_arithmetic3A_507 : vector<16xi32>
        %and3A_509 = arith.constant 2147483647 : i32
        %and3A_510 = vector.broadcast %and3A_509 : i32 to vector<16xi32>
        %and3A_511 = arith.andi %shift_right_arithmetic3A_508, %and3A_510 : vector<16xi32>
        %xor3A_512 = arith.xori %get3A_447, %and3A_511 : vector<16xi32>
        %bitcast3A_513 = vector.bitcast %xor3A_512 : vector<16xi32> to vector<16xf32>
        %shift_right_arithmetic3A_514 = arith.constant 31 : i32
        %shift_right_arithmetic3A_515 = vector.broadcast %shift_right_arithmetic3A_514 : i32 to vector<16xi32>
        %shift_right_arithmetic3A_516 = arith.shrsi %while3A_474#1, %shift_right_arithmetic3A_515 : vector<16xi32>
        %and3A_517 = arith.constant 2147483647 : i32
        %and3A_518 = vector.broadcast %and3A_517 : i32 to vector<16xi32>
        %and3A_519 = arith.andi %shift_right_arithmetic3A_516, %and3A_518 : vector<16xi32>
        %xor3A_520 = arith.xori %while3A_474#1, %and3A_519 : vector<16xi32>
        %bitcast3A_521 = vector.bitcast %xor3A_520 : vector<16xi32> to vector<16xf32>
        %shift_right_arithmetic3A_522 = arith.constant 31 : i32
        %shift_right_arithmetic3A_523 = vector.broadcast %shift_right_arithmetic3A_522 : i32 to vector<16xi32>
        %shift_right_arithmetic3A_524 = arith.shrsi %while3A_505#1, %shift_right_arithmetic3A_523 : vector<16xi32>
        %and3A_525 = arith.constant 2147483647 : i32
        %and3A_526 = vector.broadcast %and3A_525 : i32 to vector<16xi32>
        %and3A_527 = arith.andi %shift_right_arithmetic3A_524, %and3A_526 : vector<16xi32>
        %xor3A_528 = arith.xori %while3A_505#1, %and3A_527 : vector<16xi32>
        %bitcast3A_529 = vector.bitcast %xor3A_528 : vector<16xi32> to vector<16xf32>
        %max3A_530 = arith.maximumf %bitcast3A_521, %bitcast3A_529 : vector<16xf32>
        %sub3A_531 = arith.subf %bitcast3A_513, %max3A_530 : vector<16xf32>
        %ge3A_532 = arith.constant 5.000000e-02 : f32
        %ge3A_533 = vector.broadcast %ge3A_532 : f32 to vector<16xf32>
        %ge3A_534 = arith.cmpf oge, %sub3A_531, %ge3A_533 : vector<16xf32>
        %and3A_535 = arith.andi %lt3A_439, %ge3A_534 : vector<16xi1>
        %broadcast_in_dim3A_536 = arith.constant 1.000000e+00 : f32
        %broadcast_in_dim3A_537 = vector.broadcast %broadcast_in_dim3A_536 : f32 to vector<16xf32>
        tpu.vector_store_idx %arg5[%get3A_443], %broadcast_in_dim3A_537 masked %and3A_535 : memref<20000xf32, #tpu.memory_space<vmem>>[vector<16xi32>], vector<16xf32>, vector<16xi1>
        %while3A_538 = arith.constant 0 : i32
        scf.yield %while3A_538 : i32
      }
      %while3A_428 = arith.constant 1 : i32
      %while3A_429 = scf.for %while3A_431 = %while3A_425 to %while3A_421 step %while3A_428 iter_args(%while3A_432 = %while3A_427) -> (i32)  : i32 {
        %iota3A_433 = tpu.iota {dimensions = array<i32: 0>} : vector<16xi32>
        %mul3A_434 = arith.constant 16 : i32
        %mul3A_435 = arith.muli %while3A_431, %mul3A_434 : i32
        %add3A_436 = vector.broadcast %mul3A_435 : i32 to vector<16xi32>
        %add3A_437 = arith.addi %add3A_436, %iota3A_433 : vector<16xi32>
        %lt3A_438 = vector.broadcast %while3A_413 : i32 to vector<16xi32>
        %lt3A_439 = arith.cmpi slt, %add3A_437, %lt3A_438 : vector<16xi32>
        %mul3A_440 = arith.constant 16 : i32
        %mul3A_441 = arith.muli %while3A_431, %mul3A_440 : i32
        %get3A_442 = arith.index_cast %mul3A_441 : i32 to index
        %get3A_443 = tpu.vector_load %arg9[%get3A_442] {strides = array<i32>} : memref<2048xi32, #tpu.memory_space<vmem>>, vector<16xi32>,
        %mul3A_444 = arith.constant 16 : i32
        %mul3A_445 = arith.muli %while3A_431, %mul3A_444 : i32
        %get3A_446 = arith.index_cast %mul3A_445 : i32 to index
        %get3A_447 = tpu.vector_load %arg10[%get3A_446] {strides = array<i32>} : memref<2048xi32, #tpu.memory_space<vmem>>, vector<16xi32>,
        %add3A_448 = arith.constant 16 : i32
        %add3A_449 = vector.broadcast %add3A_448 : i32 to vector<16xi32>
        %add3A_450 = arith.addi %add3A_449, %get3A_443 : vector<16xi32>
        %shift_right_arithmetic3A_451 = arith.constant 6 : i32
        %shift_right_arithmetic3A_452 = vector.broadcast %shift_right_arithmetic3A_451 : i32 to vector<16xi32>
        %shift_right_arithmetic3A_453 = arith.shrsi %add3A_450, %shift_right_arithmetic3A_452 : vector<16xi32>
        %mul3A_454 = arith.constant 64 : i32
        %mul3A_455 = vector.broadcast %mul3A_454 : i32 to vector<16xi32>
        %mul3A_456 = arith.muli %shift_right_arithmetic3A_453, %mul3A_455 : vector<16xi32>
        %broadcast_in_dim3A_457 = arith.constant false
        %broadcast_in_dim3A_458 = vector.broadcast %broadcast_in_dim3A_457 : i1 to vector<16xi1>
        %while3A_459:3 = scf.while (%while3A_539 = %add3A_450, %while3A_540 = %get3A_447, %while3A_541 = %broadcast_in_dim3A_458) : (vector<16xi32>, vector<16xi32>, vector<16xi1>) -> (vector<16xi32>, vector<16xi32>, vector<16xi1>) {
          %ge3A_542 = arith.cmpi sge, %while3A_539, %mul3A_456 : vector<16xi32>
          %not3A_543 = arith.constant dense<true> : vector<16xi1>
          %not3A_544 = arith.xori %while3A_541, %not3A_543 : vector<16xi1>
          %and3A_545 = arith.andi %lt3A_439, %not3A_544 : vector<16xi1>
          %and3A_546 = arith.andi %and3A_545, %ge3A_542 : vector<16xi1>
          %reduce_or3A_547 = arith.constant 1.000000e+00 : f32
          %reduce_or3A_548 = arith.constant 0.000000e+00 : f32
          %reduce_or3A_549 = vector.broadcast %reduce_or3A_547 : f32 to vector<16xf32>
          %reduce_or3A_550 = vector.broadcast %reduce_or3A_548 : f32 to vector<16xf32>
          %reduce_or3A_551 = arith.select %and3A_546, %reduce_or3A_549, %reduce_or3A_550 : vector<16xi1>, vector<16xf32>
          %reduce_or3A_552 = arith.constant true
          %reduce_or3A_553 = vector.broadcast %reduce_or3A_552 : i1 to vector<16xi1>
          %reduce_or3A_554 = tpu.scan <max>, %reduce_or3A_551 masked %reduce_or3A_553 : vector<16xf32>, vector<16xi1> -> vector<16xf32>
          %reduce_or3A_555 = vector.extract %reduce_or3A_554[15] : f32 from vector<16xf32>
          %reduce_or3A_556 = arith.constant 0.000000e+00 : f32
          %reduce_or3A_557 = arith.cmpf ogt, %reduce_or3A_555, %reduce_or3A_556 : f32
          scf.condition(%reduce_or3A_557) %while3A_539, %while3A_540, %while3A_541 : vector<16xi32>, vector<16xi32>, vector<16xi1>
        } do {
        ^bb0(%while3A_539: vector<16xi32>, %while3A_540: vector<16xi32>, %while3A_541: vector<16xi1>):
          %ge3A_542 = arith.cmpi sge, %while3A_539, %mul3A_456 : vector<16xi32>
          %not3A_543 = arith.constant dense<true> : vector<16xi1>
          %not3A_544 = arith.xori %while3A_541, %not3A_543 : vector<16xi1>
          %and3A_545 = arith.andi %lt3A_439, %not3A_544 : vector<16xi1>
          %and3A_546 = arith.andi %and3A_545, %ge3A_542 : vector<16xi1>
          %gather3A = tpu.vector_load_idx %arg4[%while3A_539] masked %and3A_546 : memref<20032xi32, #tpu.memory_space<vmem>>[vector<16xi32>], vector<16xi32>, vector<16xi1>
          %gt3A = arith.cmpi sgt, %gather3A, %get3A_447 : vector<16xi32>
          %not3A_547 = arith.constant dense<true> : vector<16xi1>
          %not3A_548 = arith.xori %gt3A, %not3A_547 : vector<16xi1>
          %and3A_549 = arith.andi %and3A_546, %not3A_548 : vector<16xi1>
          %min3A_550 = arith.minsi %while3A_540, %gather3A : vector<16xi32>
          %select_n3A = arith.select %and3A_549, %min3A_550, %while3A_540 : vector<16xi1>, vector<16xi32>
          %and3A_551 = arith.andi %and3A_546, %gt3A : vector<16xi1>
          %or3A_552 = arith.ori %while3A_541, %and3A_551 : vector<16xi1>
          %not3A_553 = arith.constant dense<true> : vector<16xi1>
          %not3A_554 = arith.xori %gt3A, %not3A_553 : vector<16xi1>
          %and3A_555 = arith.andi %and3A_546, %not3A_554 : vector<16xi1>
          %add3A_556 = arith.constant -1 : i32
          %add3A_557 = vector.broadcast %add3A_556 : i32 to vector<16xi32>
          %add3A_558 = arith.addi %while3A_539, %add3A_557 : vector<16xi32>
          %select_n3A_559 = arith.select %and3A_555, %add3A_558, %while3A_539 : vector<16xi1>, vector<16xi32>
          %ge3A_560 = arith.cmpi sge, %select_n3A_559, %mul3A_456 : vector<16xi32>
          %not3A_561 = arith.constant dense<true> : vector<16xi1>
          %not3A_562 = arith.xori %or3A_552, %not3A_561 : vector<16xi1>
          %and3A_563 = arith.andi %lt3A_439, %not3A_562 : vector<16xi1>
          %and3A_564 = arith.andi %and3A_563, %ge3A_560 : vector<16xi1>
          %gather3A_565 = tpu.vector_load_idx %arg4[%select_n3A_559] masked %and3A_564 : memref<20032xi32, #tpu.memory_space<vmem>>[vector<16xi32>], vector<16xi32>, vector<16xi1>
          %gt3A_566 = arith.cmpi sgt, %gather3A_565, %get3A_447 : vector<16xi32>
          %not3A_567 = arith.constant dense<true> : vector<16xi1>
          %not3A_568 = arith.xori %gt3A_566, %not3A_567 : vector<16xi1>
          %and3A_569 = arith.andi %and3A_564, %not3A_568 : vector<16xi1>
          %min3A_570 = arith.minsi %select_n3A, %gather3A_565 : vector<16xi32>
          %select_n3A_571 = arith.select %and3A_569, %min3A_570, %select_n3A : vector<16xi1>, vector<16xi32>
          %and3A_572 = arith.andi %and3A_564, %gt3A_566 : vector<16xi1>
          %or3A_573 = arith.ori %or3A_552, %and3A_572 : vector<16xi1>
          %not3A_574 = arith.constant dense<true> : vector<16xi1>
          %not3A_575 = arith.xori %gt3A_566, %not3A_574 : vector<16xi1>
          %and3A_576 = arith.andi %and3A_564, %not3A_575 : vector<16xi1>
          %add3A_577 = arith.constant -1 : i32
          %add3A_578 = vector.broadcast %add3A_577 : i32 to vector<16xi32>
          %add3A_579 = arith.addi %select_n3A_559, %add3A_578 : vector<16xi32>
          %select_n3A_580 = arith.select %and3A_576, %add3A_579, %select_n3A_559 : vector<16xi1>, vector<16xi32>
          %ge3A_581 = arith.cmpi sge, %select_n3A_580, %mul3A_456 : vector<16xi32>
          %not3A_582 = arith.constant dense<true> : vector<16xi1>
          %not3A_583 = arith.xori %or3A_573, %not3A_582 : vector<16xi1>
          %and3A_584 = arith.andi %lt3A_439, %not3A_583 : vector<16xi1>
          %and3A_585 = arith.andi %and3A_584, %ge3A_581 : vector<16xi1>
          %gather3A_586 = tpu.vector_load_idx %arg4[%select_n3A_580] masked %and3A_585 : memref<20032xi32, #tpu.memory_space<vmem>>[vector<16xi32>], vector<16xi32>, vector<16xi1>
          %gt3A_587 = arith.cmpi sgt, %gather3A_586, %get3A_447 : vector<16xi32>
          %not3A_588 = arith.constant dense<true> : vector<16xi1>
          %not3A_589 = arith.xori %gt3A_587, %not3A_588 : vector<16xi1>
          %and3A_590 = arith.andi %and3A_585, %not3A_589 : vector<16xi1>
          %min3A_591 = arith.minsi %select_n3A_571, %gather3A_586 : vector<16xi32>
          %select_n3A_592 = arith.select %and3A_590, %min3A_591, %select_n3A_571 : vector<16xi1>, vector<16xi32>
          %and3A_593 = arith.andi %and3A_585, %gt3A_587 : vector<16xi1>
          %or3A_594 = arith.ori %or3A_573, %and3A_593 : vector<16xi1>
          %not3A_595 = arith.constant dense<true> : vector<16xi1>
          %not3A_596 = arith.xori %gt3A_587, %not3A_595 : vector<16xi1>
          %and3A_597 = arith.andi %and3A_585, %not3A_596 : vector<16xi1>
          %add3A_598 = arith.constant -1 : i32
          %add3A_599 = vector.broadcast %add3A_598 : i32 to vector<16xi32>
          %add3A_600 = arith.addi %select_n3A_580, %add3A_599 : vector<16xi32>
          %select_n3A_601 = arith.select %and3A_597, %add3A_600, %select_n3A_580 : vector<16xi1>, vector<16xi32>
          %ge3A_602 = arith.cmpi sge, %select_n3A_601, %mul3A_456 : vector<16xi32>
          %not3A_603 = arith.constant dense<true> : vector<16xi1>
          %not3A_604 = arith.xori %or3A_594, %not3A_603 : vector<16xi1>
          %and3A_605 = arith.andi %lt3A_439, %not3A_604 : vector<16xi1>
          %and3A_606 = arith.andi %and3A_605, %ge3A_602 : vector<16xi1>
          %gather3A_607 = tpu.vector_load_idx %arg4[%select_n3A_601] masked %and3A_606 : memref<20032xi32, #tpu.memory_space<vmem>>[vector<16xi32>], vector<16xi32>, vector<16xi1>
          %gt3A_608 = arith.cmpi sgt, %gather3A_607, %get3A_447 : vector<16xi32>
          %not3A_609 = arith.constant dense<true> : vector<16xi1>
          %not3A_610 = arith.xori %gt3A_608, %not3A_609 : vector<16xi1>
          %and3A_611 = arith.andi %and3A_606, %not3A_610 : vector<16xi1>
          %min3A_612 = arith.minsi %select_n3A_592, %gather3A_607 : vector<16xi32>
          %select_n3A_613 = arith.select %and3A_611, %min3A_612, %select_n3A_592 : vector<16xi1>, vector<16xi32>
          %and3A_614 = arith.andi %and3A_606, %gt3A_608 : vector<16xi1>
          %or3A_615 = arith.ori %or3A_594, %and3A_614 : vector<16xi1>
          %not3A_616 = arith.constant dense<true> : vector<16xi1>
          %not3A_617 = arith.xori %gt3A_608, %not3A_616 : vector<16xi1>
          %and3A_618 = arith.andi %and3A_606, %not3A_617 : vector<16xi1>
          %add3A_619 = arith.constant -1 : i32
          %add3A_620 = vector.broadcast %add3A_619 : i32 to vector<16xi32>
          %add3A_621 = arith.addi %select_n3A_601, %add3A_620 : vector<16xi32>
          %select_n3A_622 = arith.select %and3A_618, %add3A_621, %select_n3A_601 : vector<16xi1>, vector<16xi32>
          scf.yield %select_n3A_622, %select_n3A_613, %or3A_615 : vector<16xi32>, vector<16xi32>, vector<16xi1>
        }
        %shift_right_arithmetic3A_460 = arith.constant 6 : i32
        %shift_right_arithmetic3A_461 = vector.broadcast %shift_right_arithmetic3A_460 : i32 to vector<16xi32>
        %shift_right_arithmetic3A_462 = arith.shrsi %while3A_459#0, %shift_right_arithmetic3A_461 : vector<16xi32>
        %broadcast_in_dim3A_463 = arith.constant false
        %broadcast_in_dim3A_464 = vector.broadcast %broadcast_in_dim3A_463 : i1 to vector<16xi1>
        %while3A_465:3 = scf.while (%while3A_539 = %shift_right_arithmetic3A_462, %while3A_540 = %while3A_459#1, %while3A_541 = %broadcast_in_dim3A_464) : (vector<16xi32>, vector<16xi32>, vector<16xi1>) -> (vector<16xi32>, vector<16xi32>, vector<16xi1>) {
          %not3A_542 = arith.constant dense<true> : vector<16xi1>
          %not3A_543 = arith.xori %while3A_459#2, %not3A_542 : vector<16xi1>
          %and3A_544 = arith.andi %lt3A_439, %not3A_543 : vector<16xi1>
          %not3A_545 = arith.constant dense<true> : vector<16xi1>
          %not3A_546 = arith.xori %while3A_541, %not3A_545 : vector<16xi1>
          %and3A_547 = arith.andi %and3A_544, %not3A_546 : vector<16xi1>
          %reduce_or3A_548 = arith.constant 1.000000e+00 : f32
          %reduce_or3A_549 = arith.constant 0.000000e+00 : f32
          %reduce_or3A_550 = vector.broadcast %reduce_or3A_548 : f32 to vector<16xf32>
          %reduce_or3A_551 = vector.broadcast %reduce_or3A_549 : f32 to vector<16xf32>
          %reduce_or3A_552 = arith.select %and3A_547, %reduce_or3A_550, %reduce_or3A_551 : vector<16xi1>, vector<16xf32>
          %reduce_or3A_553 = arith.constant true
          %reduce_or3A_554 = vector.broadcast %reduce_or3A_553 : i1 to vector<16xi1>
          %reduce_or3A_555 = tpu.scan <max>, %reduce_or3A_552 masked %reduce_or3A_554 : vector<16xf32>, vector<16xi1> -> vector<16xf32>
          %reduce_or3A_556 = vector.extract %reduce_or3A_555[15] : f32 from vector<16xf32>
          %reduce_or3A_557 = arith.constant 0.000000e+00 : f32
          %reduce_or3A_558 = arith.cmpf ogt, %reduce_or3A_556, %reduce_or3A_557 : f32
          scf.condition(%reduce_or3A_558) %while3A_539, %while3A_540, %while3A_541 : vector<16xi32>, vector<16xi32>, vector<16xi1>
        } do {
        ^bb0(%while3A_539: vector<16xi32>, %while3A_540: vector<16xi32>, %while3A_541: vector<16xi1>):
          %not3A_542 = arith.constant dense<true> : vector<16xi1>
          %not3A_543 = arith.xori %while3A_459#2, %not3A_542 : vector<16xi1>
          %and3A_544 = arith.andi %lt3A_439, %not3A_543 : vector<16xi1>
          %not3A_545 = arith.constant dense<true> : vector<16xi1>
          %not3A_546 = arith.xori %while3A_541, %not3A_545 : vector<16xi1>
          %and3A_547 = arith.andi %and3A_544, %not3A_546 : vector<16xi1>
          %gather3A = tpu.vector_load_idx %arg11[%while3A_539] masked %and3A_547 : memref<320xi32, #tpu.memory_space<vmem>>[vector<16xi32>], vector<16xi32>, vector<16xi1>
          %gather3A_548 = tpu.vector_load_idx %arg12[%while3A_539] masked %and3A_547 : memref<320xi32, #tpu.memory_space<vmem>>[vector<16xi32>], vector<16xi32>, vector<16xi1>
          %le3A = arith.cmpi sle, %gather3A, %get3A_447 : vector<16xi32>
          %and3A_549 = arith.andi %and3A_547, %le3A : vector<16xi1>
          %min3A_550 = arith.minsi %while3A_540, %gather3A_548 : vector<16xi32>
          %select_n3A = arith.select %and3A_549, %min3A_550, %while3A_540 : vector<16xi1>, vector<16xi32>
          %and3A_551 = arith.andi %and3A_547, %le3A : vector<16xi1>
          %add3A_552 = arith.constant -1 : i32
          %add3A_553 = vector.broadcast %add3A_552 : i32 to vector<16xi32>
          %add3A_554 = arith.addi %while3A_539, %add3A_553 : vector<16xi32>
          %select_n3A_555 = arith.select %and3A_551, %add3A_554, %while3A_539 : vector<16xi1>, vector<16xi32>
          %not3A_556 = arith.constant dense<true> : vector<16xi1>
          %not3A_557 = arith.xori %le3A, %not3A_556 : vector<16xi1>
          %and3A_558 = arith.andi %and3A_547, %not3A_557 : vector<16xi1>
          %or3A_559 = arith.ori %while3A_541, %and3A_558 : vector<16xi1>
          %not3A_560 = arith.constant dense<true> : vector<16xi1>
          %not3A_561 = arith.xori %while3A_459#2, %not3A_560 : vector<16xi1>
          %and3A_562 = arith.andi %lt3A_439, %not3A_561 : vector<16xi1>
          %not3A_563 = arith.constant dense<true> : vector<16xi1>
          %not3A_564 = arith.xori %or3A_559, %not3A_563 : vector<16xi1>
          %and3A_565 = arith.andi %and3A_562, %not3A_564 : vector<16xi1>
          %gather3A_566 = tpu.vector_load_idx %arg11[%select_n3A_555] masked %and3A_565 : memref<320xi32, #tpu.memory_space<vmem>>[vector<16xi32>], vector<16xi32>, vector<16xi1>
          %gather3A_567 = tpu.vector_load_idx %arg12[%select_n3A_555] masked %and3A_565 : memref<320xi32, #tpu.memory_space<vmem>>[vector<16xi32>], vector<16xi32>, vector<16xi1>
          %le3A_568 = arith.cmpi sle, %gather3A_566, %get3A_447 : vector<16xi32>
          %and3A_569 = arith.andi %and3A_565, %le3A_568 : vector<16xi1>
          %min3A_570 = arith.minsi %select_n3A, %gather3A_567 : vector<16xi32>
          %select_n3A_571 = arith.select %and3A_569, %min3A_570, %select_n3A : vector<16xi1>, vector<16xi32>
          %and3A_572 = arith.andi %and3A_565, %le3A_568 : vector<16xi1>
          %add3A_573 = arith.constant -1 : i32
          %add3A_574 = vector.broadcast %add3A_573 : i32 to vector<16xi32>
          %add3A_575 = arith.addi %select_n3A_555, %add3A_574 : vector<16xi32>
          %select_n3A_576 = arith.select %and3A_572, %add3A_575, %select_n3A_555 : vector<16xi1>, vector<16xi32>
          %not3A_577 = arith.constant dense<true> : vector<16xi1>
          %not3A_578 = arith.xori %le3A_568, %not3A_577 : vector<16xi1>
          %and3A_579 = arith.andi %and3A_565, %not3A_578 : vector<16xi1>
          %or3A_580 = arith.ori %or3A_559, %and3A_579 : vector<16xi1>
          scf.yield %select_n3A_576, %select_n3A_571, %or3A_580 : vector<16xi32>, vector<16xi32>, vector<16xi1>
        }
        %mul3A_466 = arith.constant 64 : i32
        %mul3A_467 = vector.broadcast %mul3A_466 : i32 to vector<16xi32>
        %mul3A_468 = arith.muli %while3A_465#0, %mul3A_467 : vector<16xi32>
        %add3A_469 = arith.constant 63 : i32
        %add3A_470 = vector.broadcast %add3A_469 : i32 to vector<16xi32>
        %add3A_471 = arith.addi %mul3A_468, %add3A_470 : vector<16xi32>
        %not3A = arith.constant dense<true> : vector<16xi1>
        %not3A_472 = arith.xori %while3A_459#2, %not3A : vector<16xi1>
        %and3A_473 = arith.andi %lt3A_439, %not3A_472 : vector<16xi1>
        %while3A_474:3 = scf.while (%while3A_539 = %add3A_471, %while3A_540 = %while3A_465#1, %while3A_541 = %and3A_473) : (vector<16xi32>, vector<16xi32>, vector<16xi1>) -> (vector<16xi32>, vector<16xi32>, vector<16xi1>) {
          %reduce_or3A_542 = arith.constant 1.000000e+00 : f32
          %reduce_or3A_543 = arith.constant 0.000000e+00 : f32
          %reduce_or3A_544 = vector.broadcast %reduce_or3A_542 : f32 to vector<16xf32>
          %reduce_or3A_545 = vector.broadcast %reduce_or3A_543 : f32 to vector<16xf32>
          %reduce_or3A_546 = arith.select %while3A_541, %reduce_or3A_544, %reduce_or3A_545 : vector<16xi1>, vector<16xf32>
          %reduce_or3A_547 = arith.constant true
          %reduce_or3A_548 = vector.broadcast %reduce_or3A_547 : i1 to vector<16xi1>
          %reduce_or3A_549 = tpu.scan <max>, %reduce_or3A_546 masked %reduce_or3A_548 : vector<16xf32>, vector<16xi1> -> vector<16xf32>
          %reduce_or3A_550 = vector.extract %reduce_or3A_549[15] : f32 from vector<16xf32>
          %reduce_or3A_551 = arith.constant 0.000000e+00 : f32
          %reduce_or3A_552 = arith.cmpf ogt, %reduce_or3A_550, %reduce_or3A_551 : f32
          scf.condition(%reduce_or3A_552) %while3A_539, %while3A_540, %while3A_541 : vector<16xi32>, vector<16xi32>, vector<16xi1>
        } do {
        ^bb0(%while3A_539: vector<16xi32>, %while3A_540: vector<16xi32>, %while3A_541: vector<16xi1>):
          %gather3A = tpu.vector_load_idx %arg4[%while3A_539] masked %while3A_541 : memref<20032xi32, #tpu.memory_space<vmem>>[vector<16xi32>], vector<16xi32>, vector<16xi1>
          %gt3A = arith.cmpi sgt, %gather3A, %get3A_447 : vector<16xi32>
          %not3A_542 = arith.constant dense<true> : vector<16xi1>
          %not3A_543 = arith.xori %gt3A, %not3A_542 : vector<16xi1>
          %and3A_544 = arith.andi %while3A_541, %not3A_543 : vector<16xi1>
          %min3A_545 = arith.minsi %while3A_540, %gather3A : vector<16xi32>
          %select_n3A = arith.select %and3A_544, %min3A_545, %while3A_540 : vector<16xi1>, vector<16xi32>
          %not3A_546 = arith.constant dense<true> : vector<16xi1>
          %not3A_547 = arith.xori %gt3A, %not3A_546 : vector<16xi1>
          %and3A_548 = arith.andi %while3A_541, %not3A_547 : vector<16xi1>
          %add3A_549 = arith.constant -1 : i32
          %add3A_550 = vector.broadcast %add3A_549 : i32 to vector<16xi32>
          %add3A_551 = arith.addi %while3A_539, %add3A_550 : vector<16xi32>
          %select_n3A_552 = arith.select %and3A_548, %add3A_551, %while3A_539 : vector<16xi1>, vector<16xi32>
          %not3A_553 = arith.constant dense<true> : vector<16xi1>
          %not3A_554 = arith.xori %gt3A, %not3A_553 : vector<16xi1>
          %and3A_555 = arith.andi %while3A_541, %not3A_554 : vector<16xi1>
          %gather3A_556 = tpu.vector_load_idx %arg4[%select_n3A_552] masked %and3A_555 : memref<20032xi32, #tpu.memory_space<vmem>>[vector<16xi32>], vector<16xi32>, vector<16xi1>
          %gt3A_557 = arith.cmpi sgt, %gather3A_556, %get3A_447 : vector<16xi32>
          %not3A_558 = arith.constant dense<true> : vector<16xi1>
          %not3A_559 = arith.xori %gt3A_557, %not3A_558 : vector<16xi1>
          %and3A_560 = arith.andi %and3A_555, %not3A_559 : vector<16xi1>
          %min3A_561 = arith.minsi %select_n3A, %gather3A_556 : vector<16xi32>
          %select_n3A_562 = arith.select %and3A_560, %min3A_561, %select_n3A : vector<16xi1>, vector<16xi32>
          %not3A_563 = arith.constant dense<true> : vector<16xi1>
          %not3A_564 = arith.xori %gt3A_557, %not3A_563 : vector<16xi1>
          %and3A_565 = arith.andi %and3A_555, %not3A_564 : vector<16xi1>
          %add3A_566 = arith.constant -1 : i32
          %add3A_567 = vector.broadcast %add3A_566 : i32 to vector<16xi32>
          %add3A_568 = arith.addi %select_n3A_552, %add3A_567 : vector<16xi32>
          %select_n3A_569 = arith.select %and3A_565, %add3A_568, %select_n3A_552 : vector<16xi1>, vector<16xi32>
          %not3A_570 = arith.constant dense<true> : vector<16xi1>
          %not3A_571 = arith.xori %gt3A_557, %not3A_570 : vector<16xi1>
          %and3A_572 = arith.andi %and3A_555, %not3A_571 : vector<16xi1>
          %gather3A_573 = tpu.vector_load_idx %arg4[%select_n3A_569] masked %and3A_572 : memref<20032xi32, #tpu.memory_space<vmem>>[vector<16xi32>], vector<16xi32>, vector<16xi1>
          %gt3A_574 = arith.cmpi sgt, %gather3A_573, %get3A_447 : vector<16xi32>
          %not3A_575 = arith.constant dense<true> : vector<16xi1>
          %not3A_576 = arith.xori %gt3A_574, %not3A_575 : vector<16xi1>
          %and3A_577 = arith.andi %and3A_572, %not3A_576 : vector<16xi1>
          %min3A_578 = arith.minsi %select_n3A_562, %gather3A_573 : vector<16xi32>
          %select_n3A_579 = arith.select %and3A_577, %min3A_578, %select_n3A_562 : vector<16xi1>, vector<16xi32>
          %not3A_580 = arith.constant dense<true> : vector<16xi1>
          %not3A_581 = arith.xori %gt3A_574, %not3A_580 : vector<16xi1>
          %and3A_582 = arith.andi %and3A_572, %not3A_581 : vector<16xi1>
          %add3A_583 = arith.constant -1 : i32
          %add3A_584 = vector.broadcast %add3A_583 : i32 to vector<16xi32>
          %add3A_585 = arith.addi %select_n3A_569, %add3A_584 : vector<16xi32>
          %select_n3A_586 = arith.select %and3A_582, %add3A_585, %select_n3A_569 : vector<16xi1>, vector<16xi32>
          %not3A_587 = arith.constant dense<true> : vector<16xi1>
          %not3A_588 = arith.xori %gt3A_574, %not3A_587 : vector<16xi1>
          %and3A_589 = arith.andi %and3A_572, %not3A_588 : vector<16xi1>
          %gather3A_590 = tpu.vector_load_idx %arg4[%select_n3A_586] masked %and3A_589 : memref<20032xi32, #tpu.memory_space<vmem>>[vector<16xi32>], vector<16xi32>, vector<16xi1>
          %gt3A_591 = arith.cmpi sgt, %gather3A_590, %get3A_447 : vector<16xi32>
          %not3A_592 = arith.constant dense<true> : vector<16xi1>
          %not3A_593 = arith.xori %gt3A_591, %not3A_592 : vector<16xi1>
          %and3A_594 = arith.andi %and3A_589, %not3A_593 : vector<16xi1>
          %min3A_595 = arith.minsi %select_n3A_579, %gather3A_590 : vector<16xi32>
          %select_n3A_596 = arith.select %and3A_594, %min3A_595, %select_n3A_579 : vector<16xi1>, vector<16xi32>
          %not3A_597 = arith.constant dense<true> : vector<16xi1>
          %not3A_598 = arith.xori %gt3A_591, %not3A_597 : vector<16xi1>
          %and3A_599 = arith.andi %and3A_589, %not3A_598 : vector<16xi1>
          %add3A_600 = arith.constant -1 : i32
          %add3A_601 = vector.broadcast %add3A_600 : i32 to vector<16xi32>
          %add3A_602 = arith.addi %select_n3A_586, %add3A_601 : vector<16xi32>
          %select_n3A_603 = arith.select %and3A_599, %add3A_602, %select_n3A_586 : vector<16xi1>, vector<16xi32>
          %not3A_604 = arith.constant dense<true> : vector<16xi1>
          %not3A_605 = arith.xori %gt3A_591, %not3A_604 : vector<16xi1>
          %and3A_606 = arith.andi %and3A_589, %not3A_605 : vector<16xi1>
          scf.yield %select_n3A_603, %select_n3A_596, %and3A_606 : vector<16xi32>, vector<16xi32>, vector<16xi1>
        }
        %add3A_475 = arith.constant 16 : i32
        %add3A_476 = vector.broadcast %add3A_475 : i32 to vector<16xi32>
        %add3A_477 = arith.addi %add3A_476, %get3A_443 : vector<16xi32>
        %shift_right_arithmetic3A_478 = arith.constant 6 : i32
        %shift_right_arithmetic3A_479 = vector.broadcast %shift_right_arithmetic3A_478 : i32 to vector<16xi32>
        %shift_right_arithmetic3A_480 = arith.shrsi %add3A_477, %shift_right_arithmetic3A_479 : vector<16xi32>
        %mul3A_481 = arith.constant 64 : i32
        %mul3A_482 = vector.broadcast %mul3A_481 : i32 to vector<16xi32>
        %mul3A_483 = arith.muli %shift_right_arithmetic3A_480, %mul3A_482 : vector<16xi32>
        %add3A_484 = arith.constant 63 : i32
        %add3A_485 = vector.broadcast %add3A_484 : i32 to vector<16xi32>
        %add3A_486 = arith.addi %mul3A_483, %add3A_485 : vector<16xi32>
        %broadcast_in_dim3A_487 = arith.constant false
        %broadcast_in_dim3A_488 = vector.broadcast %broadcast_in_dim3A_487 : i1 to vector<16xi1>
        %while3A_489:3 = scf.while (%while3A_539 = %add3A_477, %while3A_540 = %get3A_447, %while3A_541 = %broadcast_in_dim3A_488) : (vector<16xi32>, vector<16xi32>, vector<16xi1>) -> (vector<16xi32>, vector<16xi32>, vector<16xi1>) {
          %le3A = arith.cmpi sle, %while3A_539, %add3A_486 : vector<16xi32>
          %not3A_542 = arith.constant dense<true> : vector<16xi1>
          %not3A_543 = arith.xori %while3A_541, %not3A_542 : vector<16xi1>
          %and3A_544 = arith.andi %lt3A_439, %not3A_543 : vector<16xi1>
          %and3A_545 = arith.andi %and3A_544, %le3A : vector<16xi1>
          %reduce_or3A_546 = arith.constant 1.000000e+00 : f32
          %reduce_or3A_547 = arith.constant 0.000000e+00 : f32
          %reduce_or3A_548 = vector.broadcast %reduce_or3A_546 : f32 to vector<16xf32>
          %reduce_or3A_549 = vector.broadcast %reduce_or3A_547 : f32 to vector<16xf32>
          %reduce_or3A_550 = arith.select %and3A_545, %reduce_or3A_548, %reduce_or3A_549 : vector<16xi1>, vector<16xf32>
          %reduce_or3A_551 = arith.constant true
          %reduce_or3A_552 = vector.broadcast %reduce_or3A_551 : i1 to vector<16xi1>
          %reduce_or3A_553 = tpu.scan <max>, %reduce_or3A_550 masked %reduce_or3A_552 : vector<16xf32>, vector<16xi1> -> vector<16xf32>
          %reduce_or3A_554 = vector.extract %reduce_or3A_553[15] : f32 from vector<16xf32>
          %reduce_or3A_555 = arith.constant 0.000000e+00 : f32
          %reduce_or3A_556 = arith.cmpf ogt, %reduce_or3A_554, %reduce_or3A_555 : f32
          scf.condition(%reduce_or3A_556) %while3A_539, %while3A_540, %while3A_541 : vector<16xi32>, vector<16xi32>, vector<16xi1>
        } do {
        ^bb0(%while3A_539: vector<16xi32>, %while3A_540: vector<16xi32>, %while3A_541: vector<16xi1>):
          %le3A = arith.cmpi sle, %while3A_539, %add3A_486 : vector<16xi32>
          %not3A_542 = arith.constant dense<true> : vector<16xi1>
          %not3A_543 = arith.xori %while3A_541, %not3A_542 : vector<16xi1>
          %and3A_544 = arith.andi %lt3A_439, %not3A_543 : vector<16xi1>
          %and3A_545 = arith.andi %and3A_544, %le3A : vector<16xi1>
          %gather3A = tpu.vector_load_idx %arg4[%while3A_539] masked %and3A_545 : memref<20032xi32, #tpu.memory_space<vmem>>[vector<16xi32>], vector<16xi32>, vector<16xi1>
          %gt3A = arith.cmpi sgt, %gather3A, %get3A_447 : vector<16xi32>
          %not3A_546 = arith.constant dense<true> : vector<16xi1>
          %not3A_547 = arith.xori %gt3A, %not3A_546 : vector<16xi1>
          %and3A_548 = arith.andi %and3A_545, %not3A_547 : vector<16xi1>
          %min3A_549 = arith.minsi %while3A_540, %gather3A : vector<16xi32>
          %select_n3A = arith.select %and3A_548, %min3A_549, %while3A_540 : vector<16xi1>, vector<16xi32>
          %and3A_550 = arith.andi %and3A_545, %gt3A : vector<16xi1>
          %or3A_551 = arith.ori %while3A_541, %and3A_550 : vector<16xi1>
          %not3A_552 = arith.constant dense<true> : vector<16xi1>
          %not3A_553 = arith.xori %gt3A, %not3A_552 : vector<16xi1>
          %and3A_554 = arith.andi %and3A_545, %not3A_553 : vector<16xi1>
          %add3A_555 = arith.constant 1 : i32
          %add3A_556 = vector.broadcast %add3A_555 : i32 to vector<16xi32>
          %add3A_557 = arith.addi %while3A_539, %add3A_556 : vector<16xi32>
          %select_n3A_558 = arith.select %and3A_554, %add3A_557, %while3A_539 : vector<16xi1>, vector<16xi32>
          %le3A_559 = arith.cmpi sle, %select_n3A_558, %add3A_486 : vector<16xi32>
          %not3A_560 = arith.constant dense<true> : vector<16xi1>
          %not3A_561 = arith.xori %or3A_551, %not3A_560 : vector<16xi1>
          %and3A_562 = arith.andi %lt3A_439, %not3A_561 : vector<16xi1>
          %and3A_563 = arith.andi %and3A_562, %le3A_559 : vector<16xi1>
          %gather3A_564 = tpu.vector_load_idx %arg4[%select_n3A_558] masked %and3A_563 : memref<20032xi32, #tpu.memory_space<vmem>>[vector<16xi32>], vector<16xi32>, vector<16xi1>
          %gt3A_565 = arith.cmpi sgt, %gather3A_564, %get3A_447 : vector<16xi32>
          %not3A_566 = arith.constant dense<true> : vector<16xi1>
          %not3A_567 = arith.xori %gt3A_565, %not3A_566 : vector<16xi1>
          %and3A_568 = arith.andi %and3A_563, %not3A_567 : vector<16xi1>
          %min3A_569 = arith.minsi %select_n3A, %gather3A_564 : vector<16xi32>
          %select_n3A_570 = arith.select %and3A_568, %min3A_569, %select_n3A : vector<16xi1>, vector<16xi32>
          %and3A_571 = arith.andi %and3A_563, %gt3A_565 : vector<16xi1>
          %or3A_572 = arith.ori %or3A_551, %and3A_571 : vector<16xi1>
          %not3A_573 = arith.constant dense<true> : vector<16xi1>
          %not3A_574 = arith.xori %gt3A_565, %not3A_573 : vector<16xi1>
          %and3A_575 = arith.andi %and3A_563, %not3A_574 : vector<16xi1>
          %add3A_576 = arith.constant 1 : i32
          %add3A_577 = vector.broadcast %add3A_576 : i32 to vector<16xi32>
          %add3A_578 = arith.addi %select_n3A_558, %add3A_577 : vector<16xi32>
          %select_n3A_579 = arith.select %and3A_575, %add3A_578, %select_n3A_558 : vector<16xi1>, vector<16xi32>
          %le3A_580 = arith.cmpi sle, %select_n3A_579, %add3A_486 : vector<16xi32>
          %not3A_581 = arith.constant dense<true> : vector<16xi1>
          %not3A_582 = arith.xori %or3A_572, %not3A_581 : vector<16xi1>
          %and3A_583 = arith.andi %lt3A_439, %not3A_582 : vector<16xi1>
          %and3A_584 = arith.andi %and3A_583, %le3A_580 : vector<16xi1>
          %gather3A_585 = tpu.vector_load_idx %arg4[%select_n3A_579] masked %and3A_584 : memref<20032xi32, #tpu.memory_space<vmem>>[vector<16xi32>], vector<16xi32>, vector<16xi1>
          %gt3A_586 = arith.cmpi sgt, %gather3A_585, %get3A_447 : vector<16xi32>
          %not3A_587 = arith.constant dense<true> : vector<16xi1>
          %not3A_588 = arith.xori %gt3A_586, %not3A_587 : vector<16xi1>
          %and3A_589 = arith.andi %and3A_584, %not3A_588 : vector<16xi1>
          %min3A_590 = arith.minsi %select_n3A_570, %gather3A_585 : vector<16xi32>
          %select_n3A_591 = arith.select %and3A_589, %min3A_590, %select_n3A_570 : vector<16xi1>, vector<16xi32>
          %and3A_592 = arith.andi %and3A_584, %gt3A_586 : vector<16xi1>
          %or3A_593 = arith.ori %or3A_572, %and3A_592 : vector<16xi1>
          %not3A_594 = arith.constant dense<true> : vector<16xi1>
          %not3A_595 = arith.xori %gt3A_586, %not3A_594 : vector<16xi1>
          %and3A_596 = arith.andi %and3A_584, %not3A_595 : vector<16xi1>
          %add3A_597 = arith.constant 1 : i32
          %add3A_598 = vector.broadcast %add3A_597 : i32 to vector<16xi32>
          %add3A_599 = arith.addi %select_n3A_579, %add3A_598 : vector<16xi32>
          %select_n3A_600 = arith.select %and3A_596, %add3A_599, %select_n3A_579 : vector<16xi1>, vector<16xi32>
          %le3A_601 = arith.cmpi sle, %select_n3A_600, %add3A_486 : vector<16xi32>
          %not3A_602 = arith.constant dense<true> : vector<16xi1>
          %not3A_603 = arith.xori %or3A_593, %not3A_602 : vector<16xi1>
          %and3A_604 = arith.andi %lt3A_439, %not3A_603 : vector<16xi1>
          %and3A_605 = arith.andi %and3A_604, %le3A_601 : vector<16xi1>
          %gather3A_606 = tpu.vector_load_idx %arg4[%select_n3A_600] masked %and3A_605 : memref<20032xi32, #tpu.memory_space<vmem>>[vector<16xi32>], vector<16xi32>, vector<16xi1>
          %gt3A_607 = arith.cmpi sgt, %gather3A_606, %get3A_447 : vector<16xi32>
          %not3A_608 = arith.constant dense<true> : vector<16xi1>
          %not3A_609 = arith.xori %gt3A_607, %not3A_608 : vector<16xi1>
          %and3A_610 = arith.andi %and3A_605, %not3A_609 : vector<16xi1>
          %min3A_611 = arith.minsi %select_n3A_591, %gather3A_606 : vector<16xi32>
          %select_n3A_612 = arith.select %and3A_610, %min3A_611, %select_n3A_591 : vector<16xi1>, vector<16xi32>
          %and3A_613 = arith.andi %and3A_605, %gt3A_607 : vector<16xi1>
          %or3A_614 = arith.ori %or3A_593, %and3A_613 : vector<16xi1>
          %not3A_615 = arith.constant dense<true> : vector<16xi1>
          %not3A_616 = arith.xori %gt3A_607, %not3A_615 : vector<16xi1>
          %and3A_617 = arith.andi %and3A_605, %not3A_616 : vector<16xi1>
          %add3A_618 = arith.constant 1 : i32
          %add3A_619 = vector.broadcast %add3A_618 : i32 to vector<16xi32>
          %add3A_620 = arith.addi %select_n3A_600, %add3A_619 : vector<16xi32>
          %select_n3A_621 = arith.select %and3A_617, %add3A_620, %select_n3A_600 : vector<16xi1>, vector<16xi32>
          scf.yield %select_n3A_621, %select_n3A_612, %or3A_614 : vector<16xi32>, vector<16xi32>, vector<16xi1>
        }
        %shift_right_arithmetic3A_490 = arith.constant 6 : i32
        %shift_right_arithmetic3A_491 = vector.broadcast %shift_right_arithmetic3A_490 : i32 to vector<16xi32>
        %shift_right_arithmetic3A_492 = arith.shrsi %while3A_489#0, %shift_right_arithmetic3A_491 : vector<16xi32>
        %broadcast_in_dim3A_493 = arith.constant false
        %broadcast_in_dim3A_494 = vector.broadcast %broadcast_in_dim3A_493 : i1 to vector<16xi1>
        %while3A_495:3 = scf.while (%while3A_539 = %shift_right_arithmetic3A_492, %while3A_540 = %while3A_489#1, %while3A_541 = %broadcast_in_dim3A_494) : (vector<16xi32>, vector<16xi32>, vector<16xi1>) -> (vector<16xi32>, vector<16xi32>, vector<16xi1>) {
          %not3A_542 = arith.constant dense<true> : vector<16xi1>
          %not3A_543 = arith.xori %while3A_489#2, %not3A_542 : vector<16xi1>
          %and3A_544 = arith.andi %lt3A_439, %not3A_543 : vector<16xi1>
          %not3A_545 = arith.constant dense<true> : vector<16xi1>
          %not3A_546 = arith.xori %while3A_541, %not3A_545 : vector<16xi1>
          %and3A_547 = arith.andi %and3A_544, %not3A_546 : vector<16xi1>
          %reduce_or3A_548 = arith.constant 1.000000e+00 : f32
          %reduce_or3A_549 = arith.constant 0.000000e+00 : f32
          %reduce_or3A_550 = vector.broadcast %reduce_or3A_548 : f32 to vector<16xf32>
          %reduce_or3A_551 = vector.broadcast %reduce_or3A_549 : f32 to vector<16xf32>
          %reduce_or3A_552 = arith.select %and3A_547, %reduce_or3A_550, %reduce_or3A_551 : vector<16xi1>, vector<16xf32>
          %reduce_or3A_553 = arith.constant true
          %reduce_or3A_554 = vector.broadcast %reduce_or3A_553 : i1 to vector<16xi1>
          %reduce_or3A_555 = tpu.scan <max>, %reduce_or3A_552 masked %reduce_or3A_554 : vector<16xf32>, vector<16xi1> -> vector<16xf32>
          %reduce_or3A_556 = vector.extract %reduce_or3A_555[15] : f32 from vector<16xf32>
          %reduce_or3A_557 = arith.constant 0.000000e+00 : f32
          %reduce_or3A_558 = arith.cmpf ogt, %reduce_or3A_556, %reduce_or3A_557 : f32
          scf.condition(%reduce_or3A_558) %while3A_539, %while3A_540, %while3A_541 : vector<16xi32>, vector<16xi32>, vector<16xi1>
        } do {
        ^bb0(%while3A_539: vector<16xi32>, %while3A_540: vector<16xi32>, %while3A_541: vector<16xi1>):
          %not3A_542 = arith.constant dense<true> : vector<16xi1>
          %not3A_543 = arith.xori %while3A_489#2, %not3A_542 : vector<16xi1>
          %and3A_544 = arith.andi %lt3A_439, %not3A_543 : vector<16xi1>
          %not3A_545 = arith.constant dense<true> : vector<16xi1>
          %not3A_546 = arith.xori %while3A_541, %not3A_545 : vector<16xi1>
          %and3A_547 = arith.andi %and3A_544, %not3A_546 : vector<16xi1>
          %gather3A = tpu.vector_load_idx %arg11[%while3A_539] masked %and3A_547 : memref<320xi32, #tpu.memory_space<vmem>>[vector<16xi32>], vector<16xi32>, vector<16xi1>
          %gather3A_548 = tpu.vector_load_idx %arg12[%while3A_539] masked %and3A_547 : memref<320xi32, #tpu.memory_space<vmem>>[vector<16xi32>], vector<16xi32>, vector<16xi1>
          %le3A = arith.cmpi sle, %gather3A, %get3A_447 : vector<16xi32>
          %and3A_549 = arith.andi %and3A_547, %le3A : vector<16xi1>
          %min3A_550 = arith.minsi %while3A_540, %gather3A_548 : vector<16xi32>
          %select_n3A = arith.select %and3A_549, %min3A_550, %while3A_540 : vector<16xi1>, vector<16xi32>
          %and3A_551 = arith.andi %and3A_547, %le3A : vector<16xi1>
          %add3A_552 = arith.constant 1 : i32
          %add3A_553 = vector.broadcast %add3A_552 : i32 to vector<16xi32>
          %add3A_554 = arith.addi %while3A_539, %add3A_553 : vector<16xi32>
          %select_n3A_555 = arith.select %and3A_551, %add3A_554, %while3A_539 : vector<16xi1>, vector<16xi32>
          %not3A_556 = arith.constant dense<true> : vector<16xi1>
          %not3A_557 = arith.xori %le3A, %not3A_556 : vector<16xi1>
          %and3A_558 = arith.andi %and3A_547, %not3A_557 : vector<16xi1>
          %or3A_559 = arith.ori %while3A_541, %and3A_558 : vector<16xi1>
          %not3A_560 = arith.constant dense<true> : vector<16xi1>
          %not3A_561 = arith.xori %while3A_489#2, %not3A_560 : vector<16xi1>
          %and3A_562 = arith.andi %lt3A_439, %not3A_561 : vector<16xi1>
          %not3A_563 = arith.constant dense<true> : vector<16xi1>
          %not3A_564 = arith.xori %or3A_559, %not3A_563 : vector<16xi1>
          %and3A_565 = arith.andi %and3A_562, %not3A_564 : vector<16xi1>
          %gather3A_566 = tpu.vector_load_idx %arg11[%select_n3A_555] masked %and3A_565 : memref<320xi32, #tpu.memory_space<vmem>>[vector<16xi32>], vector<16xi32>, vector<16xi1>
          %gather3A_567 = tpu.vector_load_idx %arg12[%select_n3A_555] masked %and3A_565 : memref<320xi32, #tpu.memory_space<vmem>>[vector<16xi32>], vector<16xi32>, vector<16xi1>
          %le3A_568 = arith.cmpi sle, %gather3A_566, %get3A_447 : vector<16xi32>
          %and3A_569 = arith.andi %and3A_565, %le3A_568 : vector<16xi1>
          %min3A_570 = arith.minsi %select_n3A, %gather3A_567 : vector<16xi32>
          %select_n3A_571 = arith.select %and3A_569, %min3A_570, %select_n3A : vector<16xi1>, vector<16xi32>
          %and3A_572 = arith.andi %and3A_565, %le3A_568 : vector<16xi1>
          %add3A_573 = arith.constant 1 : i32
          %add3A_574 = vector.broadcast %add3A_573 : i32 to vector<16xi32>
          %add3A_575 = arith.addi %select_n3A_555, %add3A_574 : vector<16xi32>
          %select_n3A_576 = arith.select %and3A_572, %add3A_575, %select_n3A_555 : vector<16xi1>, vector<16xi32>
          %not3A_577 = arith.constant dense<true> : vector<16xi1>
          %not3A_578 = arith.xori %le3A_568, %not3A_577 : vector<16xi1>
          %and3A_579 = arith.andi %and3A_565, %not3A_578 : vector<16xi1>
          %or3A_580 = arith.ori %or3A_559, %and3A_579 : vector<16xi1>
          scf.yield %select_n3A_576, %select_n3A_571, %or3A_580 : vector<16xi32>, vector<16xi32>, vector<16xi1>
        }
        %mul3A_496 = arith.constant 64 : i32
        %mul3A_497 = vector.broadcast %mul3A_496 : i32 to vector<16xi32>
        %mul3A_498 = arith.muli %while3A_495#0, %mul3A_497 : vector<16xi32>
        %add3A_499 = arith.constant 0 : i32
        %add3A_500 = vector.broadcast %add3A_499 : i32 to vector<16xi32>
        %add3A_501 = arith.addi %mul3A_498, %add3A_500 : vector<16xi32>
        %not3A_502 = arith.constant dense<true> : vector<16xi1>
        %not3A_503 = arith.xori %while3A_489#2, %not3A_502 : vector<16xi1>
        %and3A_504 = arith.andi %lt3A_439, %not3A_503 : vector<16xi1>
        %while3A_505:3 = scf.while (%while3A_539 = %add3A_501, %while3A_540 = %while3A_495#1, %while3A_541 = %and3A_504) : (vector<16xi32>, vector<16xi32>, vector<16xi1>) -> (vector<16xi32>, vector<16xi32>, vector<16xi1>) {
          %reduce_or3A_542 = arith.constant 1.000000e+00 : f32
          %reduce_or3A_543 = arith.constant 0.000000e+00 : f32
          %reduce_or3A_544 = vector.broadcast %reduce_or3A_542 : f32 to vector<16xf32>
          %reduce_or3A_545 = vector.broadcast %reduce_or3A_543 : f32 to vector<16xf32>
          %reduce_or3A_546 = arith.select %while3A_541, %reduce_or3A_544, %reduce_or3A_545 : vector<16xi1>, vector<16xf32>
          %reduce_or3A_547 = arith.constant true
          %reduce_or3A_548 = vector.broadcast %reduce_or3A_547 : i1 to vector<16xi1>
          %reduce_or3A_549 = tpu.scan <max>, %reduce_or3A_546 masked %reduce_or3A_548 : vector<16xf32>, vector<16xi1> -> vector<16xf32>
          %reduce_or3A_550 = vector.extract %reduce_or3A_549[15] : f32 from vector<16xf32>
          %reduce_or3A_551 = arith.constant 0.000000e+00 : f32
          %reduce_or3A_552 = arith.cmpf ogt, %reduce_or3A_550, %reduce_or3A_551 : f32
          scf.condition(%reduce_or3A_552) %while3A_539, %while3A_540, %while3A_541 : vector<16xi32>, vector<16xi32>, vector<16xi1>
        } do {
        ^bb0(%while3A_539: vector<16xi32>, %while3A_540: vector<16xi32>, %while3A_541: vector<16xi1>):
          %gather3A = tpu.vector_load_idx %arg4[%while3A_539] masked %while3A_541 : memref<20032xi32, #tpu.memory_space<vmem>>[vector<16xi32>], vector<16xi32>, vector<16xi1>
          %gt3A = arith.cmpi sgt, %gather3A, %get3A_447 : vector<16xi32>
          %not3A_542 = arith.constant dense<true> : vector<16xi1>
          %not3A_543 = arith.xori %gt3A, %not3A_542 : vector<16xi1>
          %and3A_544 = arith.andi %while3A_541, %not3A_543 : vector<16xi1>
          %min3A_545 = arith.minsi %while3A_540, %gather3A : vector<16xi32>
          %select_n3A = arith.select %and3A_544, %min3A_545, %while3A_540 : vector<16xi1>, vector<16xi32>
          %not3A_546 = arith.constant dense<true> : vector<16xi1>
          %not3A_547 = arith.xori %gt3A, %not3A_546 : vector<16xi1>
          %and3A_548 = arith.andi %while3A_541, %not3A_547 : vector<16xi1>
          %add3A_549 = arith.constant 1 : i32
          %add3A_550 = vector.broadcast %add3A_549 : i32 to vector<16xi32>
          %add3A_551 = arith.addi %while3A_539, %add3A_550 : vector<16xi32>
          %select_n3A_552 = arith.select %and3A_548, %add3A_551, %while3A_539 : vector<16xi1>, vector<16xi32>
          %not3A_553 = arith.constant dense<true> : vector<16xi1>
          %not3A_554 = arith.xori %gt3A, %not3A_553 : vector<16xi1>
          %and3A_555 = arith.andi %while3A_541, %not3A_554 : vector<16xi1>
          %gather3A_556 = tpu.vector_load_idx %arg4[%select_n3A_552] masked %and3A_555 : memref<20032xi32, #tpu.memory_space<vmem>>[vector<16xi32>], vector<16xi32>, vector<16xi1>
          %gt3A_557 = arith.cmpi sgt, %gather3A_556, %get3A_447 : vector<16xi32>
          %not3A_558 = arith.constant dense<true> : vector<16xi1>
          %not3A_559 = arith.xori %gt3A_557, %not3A_558 : vector<16xi1>
          %and3A_560 = arith.andi %and3A_555, %not3A_559 : vector<16xi1>
          %min3A_561 = arith.minsi %select_n3A, %gather3A_556 : vector<16xi32>
          %select_n3A_562 = arith.select %and3A_560, %min3A_561, %select_n3A : vector<16xi1>, vector<16xi32>
          %not3A_563 = arith.constant dense<true> : vector<16xi1>
          %not3A_564 = arith.xori %gt3A_557, %not3A_563 : vector<16xi1>
          %and3A_565 = arith.andi %and3A_555, %not3A_564 : vector<16xi1>
          %add3A_566 = arith.constant 1 : i32
          %add3A_567 = vector.broadcast %add3A_566 : i32 to vector<16xi32>
          %add3A_568 = arith.addi %select_n3A_552, %add3A_567 : vector<16xi32>
          %select_n3A_569 = arith.select %and3A_565, %add3A_568, %select_n3A_552 : vector<16xi1>, vector<16xi32>
          %not3A_570 = arith.constant dense<true> : vector<16xi1>
          %not3A_571 = arith.xori %gt3A_557, %not3A_570 : vector<16xi1>
          %and3A_572 = arith.andi %and3A_555, %not3A_571 : vector<16xi1>
          %gather3A_573 = tpu.vector_load_idx %arg4[%select_n3A_569] masked %and3A_572 : memref<20032xi32, #tpu.memory_space<vmem>>[vector<16xi32>], vector<16xi32>, vector<16xi1>
          %gt3A_574 = arith.cmpi sgt, %gather3A_573, %get3A_447 : vector<16xi32>
          %not3A_575 = arith.constant dense<true> : vector<16xi1>
          %not3A_576 = arith.xori %gt3A_574, %not3A_575 : vector<16xi1>
          %and3A_577 = arith.andi %and3A_572, %not3A_576 : vector<16xi1>
          %min3A_578 = arith.minsi %select_n3A_562, %gather3A_573 : vector<16xi32>
          %select_n3A_579 = arith.select %and3A_577, %min3A_578, %select_n3A_562 : vector<16xi1>, vector<16xi32>
          %not3A_580 = arith.constant dense<true> : vector<16xi1>
          %not3A_581 = arith.xori %gt3A_574, %not3A_580 : vector<16xi1>
          %and3A_582 = arith.andi %and3A_572, %not3A_581 : vector<16xi1>
          %add3A_583 = arith.constant 1 : i32
          %add3A_584 = vector.broadcast %add3A_583 : i32 to vector<16xi32>
          %add3A_585 = arith.addi %select_n3A_569, %add3A_584 : vector<16xi32>
          %select_n3A_586 = arith.select %and3A_582, %add3A_585, %select_n3A_569 : vector<16xi1>, vector<16xi32>
          %not3A_587 = arith.constant dense<true> : vector<16xi1>
          %not3A_588 = arith.xori %gt3A_574, %not3A_587 : vector<16xi1>
          %and3A_589 = arith.andi %and3A_572, %not3A_588 : vector<16xi1>
          %gather3A_590 = tpu.vector_load_idx %arg4[%select_n3A_586] masked %and3A_589 : memref<20032xi32, #tpu.memory_space<vmem>>[vector<16xi32>], vector<16xi32>, vector<16xi1>
          %gt3A_591 = arith.cmpi sgt, %gather3A_590, %get3A_447 : vector<16xi32>
          %not3A_592 = arith.constant dense<true> : vector<16xi1>
          %not3A_593 = arith.xori %gt3A_591, %not3A_592 : vector<16xi1>
          %and3A_594 = arith.andi %and3A_589, %not3A_593 : vector<16xi1>
          %min3A_595 = arith.minsi %select_n3A_579, %gather3A_590 : vector<16xi32>
          %select_n3A_596 = arith.select %and3A_594, %min3A_595, %select_n3A_579 : vector<16xi1>, vector<16xi32>
          %not3A_597 = arith.constant dense<true> : vector<16xi1>
          %not3A_598 = arith.xori %gt3A_591, %not3A_597 : vector<16xi1>
          %and3A_599 = arith.andi %and3A_589, %not3A_598 : vector<16xi1>
          %add3A_600 = arith.constant 1 : i32
          %add3A_601 = vector.broadcast %add3A_600 : i32 to vector<16xi32>
          %add3A_602 = arith.addi %select_n3A_586, %add3A_601 : vector<16xi32>
          %select_n3A_603 = arith.select %and3A_599, %add3A_602, %select_n3A_586 : vector<16xi1>, vector<16xi32>
          %not3A_604 = arith.constant dense<true> : vector<16xi1>
          %not3A_605 = arith.xori %gt3A_591, %not3A_604 : vector<16xi1>
          %and3A_606 = arith.andi %and3A_589, %not3A_605 : vector<16xi1>
          scf.yield %select_n3A_603, %select_n3A_596, %and3A_606 : vector<16xi32>, vector<16xi32>, vector<16xi1>
        }
        %shift_right_arithmetic3A_506 = arith.constant 31 : i32
        %shift_right_arithmetic3A_507 = vector.broadcast %shift_right_arithmetic3A_506 : i32 to vector<16xi32>
        %shift_right_arithmetic3A_508 = arith.shrsi %get3A_447, %shift_right_arithmetic3A_507 : vector<16xi32>
        %and3A_509 = arith.constant 2147483647 : i32
        %and3A_510 = vector.broadcast %and3A_509 : i32 to vector<16xi32>
        %and3A_511 = arith.andi %shift_right_arithmetic3A_508, %and3A_510 : vector<16xi32>
        %xor3A_512 = arith.xori %get3A_447, %and3A_511 : vector<16xi32>
        %bitcast3A_513 = vector.bitcast %xor3A_512 : vector<16xi32> to vector<16xf32>
        %shift_right_arithmetic3A_514 = arith.constant 31 : i32
        %shift_right_arithmetic3A_515 = vector.broadcast %shift_right_arithmetic3A_514 : i32 to vector<16xi32>
        %shift_right_arithmetic3A_516 = arith.shrsi %while3A_474#1, %shift_right_arithmetic3A_515 : vector<16xi32>
        %and3A_517 = arith.constant 2147483647 : i32
        %and3A_518 = vector.broadcast %and3A_517 : i32 to vector<16xi32>
        %and3A_519 = arith.andi %shift_right_arithmetic3A_516, %and3A_518 : vector<16xi32>
        %xor3A_520 = arith.xori %while3A_474#1, %and3A_519 : vector<16xi32>
        %bitcast3A_521 = vector.bitcast %xor3A_520 : vector<16xi32> to vector<16xf32>
        %shift_right_arithmetic3A_522 = arith.constant 31 : i32
        %shift_right_arithmetic3A_523 = vector.broadcast %shift_right_arithmetic3A_522 : i32 to vector<16xi32>
        %shift_right_arithmetic3A_524 = arith.shrsi %while3A_505#1, %shift_right_arithmetic3A_523 : vector<16xi32>
        %and3A_525 = arith.constant 2147483647 : i32
        %and3A_526 = vector.broadcast %and3A_525 : i32 to vector<16xi32>
        %and3A_527 = arith.andi %shift_right_arithmetic3A_524, %and3A_526 : vector<16xi32>
        %xor3A_528 = arith.xori %while3A_505#1, %and3A_527 : vector<16xi32>
        %bitcast3A_529 = vector.bitcast %xor3A_528 : vector<16xi32> to vector<16xf32>
        %max3A_530 = arith.maximumf %bitcast3A_521, %bitcast3A_529 : vector<16xf32>
        %sub3A_531 = arith.subf %bitcast3A_513, %max3A_530 : vector<16xf32>
        %ge3A_532 = arith.constant 5.000000e-02 : f32
        %ge3A_533 = vector.broadcast %ge3A_532 : f32 to vector<16xf32>
        %ge3A_534 = arith.cmpf oge, %sub3A_531, %ge3A_533 : vector<16xf32>
        %and3A_535 = arith.andi %lt3A_439, %ge3A_534 : vector<16xi1>
        %broadcast_in_dim3A_536 = arith.constant 1.000000e+00 : f32
        %broadcast_in_dim3A_537 = vector.broadcast %broadcast_in_dim3A_536 : f32 to vector<16xf32>
        tpu.vector_store_idx %arg5[%get3A_443], %broadcast_in_dim3A_537 masked %and3A_535 : memref<20000xf32, #tpu.memory_space<vmem>>[vector<16xi32>], vector<16xf32>, vector<16xi1>
        %while3A_538 = arith.constant 0 : i32
        scf.yield %while3A_538 : i32
      }
      "tpu.region"() ({
        %run_scoped3A = tpu.sem_alloc : memref<!tpu.dma_semaphore, #tpu.memory_space<semaphore_mem>>
        %dma_start3A = arith.constant 0 : i32
        %dma_start3A_431 = tpu.memref_slice %arg3[%add3A_11, %dma_start3A] : memref<64x20000xf32, #tpu.memory_space<hbm>> -> memref<1x20000xf32, #tpu.memory_space<hbm>>
        %dma_start3A_432 = tpu.memref_squeeze %dma_start3A_431 : memref<1x20000xf32, #tpu.memory_space<hbm>> -> memref<20000xf32, #tpu.memory_space<hbm>>
        %dma_start3A_433 = arith.constant 0 : i32
        %dma_start3A_434 = tpu.memref_slice %arg3[%add3A_11, %dma_start3A_433] : memref<64x20000xf32, #tpu.memory_space<hbm>> -> memref<1x20000xf32, #tpu.memory_space<hbm>>
        %dma_start3A_435 = tpu.memref_squeeze %dma_start3A_434 : memref<1x20000xf32, #tpu.memory_space<hbm>> -> memref<20000xf32, #tpu.memory_space<hbm>>
        tpu.enqueue_dma source(%arg5 : memref<20000xf32, #tpu.memory_space<vmem>>) target(%dma_start3A_435 : memref<20000xf32, #tpu.memory_space<hbm>>) target_semaphore(%run_scoped3A : memref<!tpu.dma_semaphore, #tpu.memory_space<semaphore_mem>>)
        %dma_wait3A = arith.constant 0 : i32
        %dma_wait3A_436 = tpu.memref_slice %arg3[%add3A_11, %dma_wait3A] : memref<64x20000xf32, #tpu.memory_space<hbm>> -> memref<1x20000xf32, #tpu.memory_space<hbm>>
        %dma_wait3A_437 = tpu.memref_squeeze %dma_wait3A_436 : memref<1x20000xf32, #tpu.memory_space<hbm>> -> memref<20000xf32, #tpu.memory_space<hbm>>
        %dma_wait3A_438 = arith.constant 0 : i32
        %dma_wait3A_439 = tpu.memref_slice %arg3[%add3A_11, %dma_wait3A_438] : memref<64x20000xf32, #tpu.memory_space<hbm>> -> memref<1x20000xf32, #tpu.memory_space<hbm>>
        %dma_wait3A_440 = tpu.memref_squeeze %dma_wait3A_439 : memref<1x20000xf32, #tpu.memory_space<hbm>> -> memref<20000xf32, #tpu.memory_space<hbm>>
        tpu.wait_dma2 semaphore(%run_scoped3A : memref<!tpu.dma_semaphore, #tpu.memory_space<semaphore_mem>>) src(%arg5 : memref<20000xf32, #tpu.memory_space<vmem>>) dst(%dma_wait3A_440 : memref<20000xf32, #tpu.memory_space<hbm>>)
        tpu.yield
      }) : () -> ()
      %scan3A_430 = arith.constant 0 : i32
      scf.yield %scan3A_430 : i32
    }
    %scan3A_6 = arith.constant 2 : i32
    return
  }
}

</mosaic_0001>

<sc_bundles>
// kernel: kernel.3.cloned.1.call-start
scs
__scs_entry_jumppad:
0x0: {  	(pc) =	sbr.rel $0x88, $3  }
0x1: {  	(tag) =	ssettag $0x0;
	lr =	simm.s32 $0x1  }
0x2: {  	[smem:$0x3FA0] =	sst lr;
	_ =	strace $0xD0000000  }
0x3: {  	_ = 	snop  }
0x4: {  	_ = 	snop  }
0x5: {  	_ = 	snop  }
0x6: {  	_ = 	snop  }
0x7: {  	_ = 	snop  }
__scs_overlays_trampoline_lowered:
0x8: {  	[smem:$0x3FAF] =	sst s0  }
0x9: {  	[smem:$0x3FB0] =	sst s1  }
0xa: {  	[smem:$0x3FB1] =	sst s2  }
0xb: {  	[smem:$0x3FB2] =	sst s3  }
0xc: {  	[smem:$0x3FB3] =	sst s4  }
0xd: {  	[smem:$0x3FB4] =	sst s5  }
0xe: {  	[smem:$0x3FB5] =	sst s6  }
0xf: {  	[smem:$0x3FB6] =	sst s7  }
0x10: {  	[smem:$0x3FB7] =	sst s8  }
0x11: {  	[smem:$0x3FB8] =	sst s9;
	s0 =	simm.s32 @!p0 $0x0  }
0x12: {  	s1 =	sld [smem:$0x3F9E];
	s0 =	simm.s32 @p0 $0x1  }
0x13: {  	[smem:$0x3FB9] =	sst s0;
	s0 =	simm.s32 @!p1 $0x0  }
0x14: {  	s2 =	sld [smem:$0x3F9D];
	s0 =	simm.s32 @p1 $0x1  }
0x15: {  	[smem:$0x3FBA] =	sst s0;
	s0 =	simm.s32 @!p2 $0x0  }
0x16: {  	s3 =	sld [smem:$0x3FDB];
	s0 =	simm.s32 @p2 $0x1  }
0x17: {  	s4 =	simm.s32 $0x1BF5;
	[smem:$0x3FBC] =	sst s0  }
0x18: {  	s0 =	sld [smem:$0x3F9F];
	_ =	swait.ge [sflag:s4], $0x0  }
0x19: {  	s7 =	sld [smem:$0x3FA0]  }
0x1a: {  	s8 =	sadd.s32 $0xFFFFE003, lr  }
0x1b: {  	s9 =	sadd.s32 $0xFFFFFEF7, lr;
	s5 =	simm.s32 $0xFFFFFFFF;
	p2 =	slt.u32 s8, $0xFFFFF086  }
0x1c: {  	p1 =	slt.u32 s9, $0xF7A;
	s5 =	simm.s32 @!p2 $0x0  }
0x1d: {  	s5 =	simm.s32 @p1 $0x1;
	p0 =	seq.s32 s7, s2  }
0x1e: {  	s7 =	smul.u32 @!p0 $0xF7A, s2;
	p2 =	seq.s32 @!p0 s5, $0x0  }
0x1f: {  	s9 =	smul.u32 $0xF7A, s1;
	s8 =	simm.s32 @!p0 $0x1BF5;
	p2 =	por !p2, p0  }
0x20: {  	[sflag:s8] =	ssyncset.s32 @!p0 $0xFFFFF086;
	s6 =	sadd.s32 @!p0 s3, s7;
	s7 =	simm.s32 @!p0 $0x108  }
0x21: {  	s3 =	sadd.s32 s3, s9;
	s6 =	sadd.s32 @!p0 $0x88, s6;
	s7 =	simm.s32 @p2 $0x1082  }
0x22: {  	[simem:s7], [sflag:s8] =	dma.local @!p0 [hbm:s6], $0xF7A  }
0x23: {  	s9 =	sor.u32 $0xD0000000, s2;
	s6 =	simm.s32 $0x108;
	_ =	swait.ge @!p0 [sflag:s8], $0x0  }
0x24: {  	s3 =	sadd.s32 $0x88, s3;
	s6 =	simm.s32 @!p1 $0x1082;
	[sflag:s4] =	ssyncset.s32 $0xFFFFF086  }
0x25: {  	[simem:s6], [sflag:s4] =	dma.local [hbm:s3], $0xF7A  }
0x26: {  	[smem:$0x3FA0] =	sst s1;
	(tag) =	ssettag s2;
	_ =	strace s9  }
0x27: {  	s1 =	sld [smem:$0x3FB0]  }
0x28: {  	s2 =	sld [smem:$0x3FB1]  }
0x29: {  	s4 =	sld [smem:$0x3FB3]  }
0x2a: {  	p0 =	seq.s32 s5, $0x0;
	s5 =	sld [smem:$0x3FB4]  }
0x2b: {  	s6 =	sld [smem:$0x3FB5]  }
0x2c: {  	s7 =	sld [smem:$0x3FB6]  }
0x2d: {  	s3 =	simm.s32 $0x108;
	s8 =	sld [smem:$0x3FB7]  }
0x2e: {  	s3 =	simm.s32 @!p0 $0x1082;
	s9 =	sld [smem:$0x3FB8]  }
0x2f: {  	lr =	sadd.s32 s0, s3;
	s0 =	sld [smem:$0x3FAF]  }
0x30: {  	s3 =	sld [smem:$0x3FB2]  }
0x31: {  	[smem:$0x3FBB] =	sst s10  }
0x32: {  	s10 =	sld [smem:$0x3FB9];
	_ =	sdelay $0x3  }
0x33: {  	p0 =	seq.s32 s10, $0x1;
	s10 =	sld [smem:$0x3FBB];
	_ =	sdelay $0x3  }
0x34: {  	[smem:$0x3FBB] =	sst s10  }
0x35: {  	s10 =	sld [smem:$0x3FBA];
	_ =	sdelay $0x3  }
0x36: {  	p1 =	seq.s32 s10, $0x1;
	s10 =	sld [smem:$0x3FBB];
	_ =	sdelay $0x3  }
0x37: {  	[smem:$0x3FBB] =	sst s10  }
0x38: {  	s10 =	sld [smem:$0x3FBC]  }
0x39: {  	_ = 	snop;
	(pc) =	sbr.ind lr, $3  }
0x3a: {  	_ = 	snop  }
0x3b: {  	_ = 	snop  }
0x3c: {  	p2 =	seq.s32 s10, $0x1;
	s10 =	sld [smem:$0x3FBB]  }
0x3d: {  	_ =	shalt  }
0x3e: {  	_ =	shalt  }
0x3f: {  	_ =	shalt  }
0x40: {  	_ =	shalt  }
0x41: {  	_ =	shalt  }
0x42: {  	_ =	shalt  }
0x43: {  	_ =	shalt  }
0x44: {  	_ =	shalt  }
0x45: {  	_ =	shalt  }
0x46: {  	_ =	shalt  }
0x47: {  	_ =	shalt  }
0x48: {  	_ =	shalt  }
0x49: {  	_ =	shalt  }
0x4a: {  	_ =	shalt  }
0x4b: {  	_ =	shalt  }
0x4c: {  	_ =	shalt  }
0x4d: {  	_ =	shalt  }
0x4e: {  	_ =	shalt  }
0x4f: {  	_ =	shalt  }
0x50: {  	_ =	shalt  }
0x51: {  	_ =	shalt  }
0x52: {  	_ =	shalt  }
0x53: {  	_ =	shalt  }
0x54: {  	_ =	shalt  }
0x55: {  	_ =	shalt  }
0x56: {  	_ =	shalt  }
0x57: {  	_ =	shalt  }
0x58: {  	_ =	shalt  }
0x59: {  	_ =	shalt  }
0x5a: {  	_ =	shalt  }
0x5b: {  	_ =	shalt  }
0x5c: {  	_ =	shalt  }
0x5d: {  	_ =	shalt  }
0x5e: {  	_ =	shalt  }
0x5f: {  	_ =	shalt  }
0x60: {  	_ =	shalt  }
0x61: {  	_ =	shalt  }
0x62: {  	_ =	shalt  }
0x63: {  	_ =	shalt  }
0x64: {  	_ =	shalt  }
0x65: {  	_ =	shalt  }
0x66: {  	_ =	shalt  }
0x67: {  	_ =	shalt  }
0x68: {  	_ =	shalt  }
0x69: {  	_ =	shalt  }
0x6a: {  	_ =	shalt  }
0x6b: {  	_ =	shalt  }
0x6c: {  	_ =	shalt  }
0x6d: {  	_ =	shalt  }
0x6e: {  	_ =	shalt  }
0x6f: {  	_ =	shalt  }
0x70: {  	_ =	shalt  }
0x71: {  	_ =	shalt  }
0x72: {  	_ =	shalt  }
0x73: {  	_ =	shalt  }
0x74: {  	_ =	shalt  }
0x75: {  	_ =	shalt  }
0x76: {  	_ =	shalt  }
0x77: {  	_ =	shalt  }
0x78: {  	_ =	shalt  }
0x79: {  	_ =	shalt  }
0x7a: {  	_ =	shalt  }
0x7b: {  	_ =	shalt  }
0x7c: {  	_ =	shalt  }
0x7d: {  	_ =	shalt  }
0x7e: {  	_ =	shalt  }
0x7f: {  	_ =	shalt  }
0x80: {  	_ =	shalt  }
0x81: {  	_ =	shalt  }
0x82: {  	_ =	shalt  }
0x83: {  	_ =	shalt  }
0x84: {  	_ =	shalt  }
0x85: {  	_ =	shalt  }
0x86: {  	_ =	shalt  }
0x87: {  	_ =	shalt  }
.Lfunc_end0:
.L_simem_size_0:
called_computation_lowered:
.L_overlay_start_0:
0x88: {  	s2 =	sld [smem:$0x3FD9]  }
0x89: {  	s3 =	sld [smem:$0x3FFE];
	_ =	sdelay $0x1  }
0x8a: {  	s1 =	srdreg.scid  }
0x8b: {  	s0 =	sand.u32 $0x1, s1  }
0x8c: {  	s18 =	sshll.u32 s0, $0xA;
	s2 =	sadd.s32 s3, s2  }
0x8d: {  	s2 =	sadd.s32 s2, s18  }
0x8e: {  	[smem:$0x3FC7] =	sst s2  }
0x8f: {  	_ = 	snop  }
0x90: {  	s2 =	sld [smem:$0x3FC9]  }
0x91: {  	s19 =	sld [smem:$0x3FD0];
	(tm) =	ssettm $0x1  }
0x92: {  	s4 =	sld [smem:$0x3FFB];
	_ =	sdelay $0x3  }
0x93: {  	_ =	strace s4  }
0x94: {  	s4 =	sld [smem:$0x3FFC];
	_ =	sdelay $0x3  }
0x95: {  	_ =	strace s4  }
0x96: {  	s4 =	sld [smem:$0x3FFD];
	_ =	sdelay $0x3  }
0x97: {  	_ =	strace s4  }
0x98: {  	_ =	strace $0x8FFFFFFF  }
0x99: {  	s20 =	sld [smem:$0x3FDB];
	_ =	sdelay $0x1  }
0x9a: {  	s5 =	simm.s32 $_scs_section_size  }
0x9b: {  	s6 =	simm.s32 $_size__tile_overlayer_lowered;
	s7 =	simm.s32 $_tile_overlayer_lowered  }
0x9c: {  	s23 =	simm.s32 $0x1BFF;
	s22 =	sshll.u32 s7, $0x1;
	s4 =	sadd.s32 s5, s20  }
0x9d: {  	s8 =	simm.s32 $0x0;
	s21 =	sshll.u32 s6, $0x1;
	s6 =	sadd.s32 s22, s4  }
0x9e: {  	[timem:s8], [sflag:s23] =	dma.local [hbm:s6], s21  }
0x9f: {  	_ =	swait.ge [sflag:s23], s21  }
0xa0: {  	s5 =	ssub.s32 $0x0, s21;
	[sflag:s23] =	ssyncset.done $0x0  }
0xa1: {  	[sflag:s23] =	ssyncadd.s32 s5;
	_ =	sdelay $0x1  }
0xa2: {  	s24 =	simm.s32 $0x1B8B  }
0xa3: {  	_ =	swait.ge [sflag:s24], $0x1  }
0xa4: {  	[sflag:s24] =	ssyncset.done $0x0  }
0xa5: {  	s25 =	simm.s32 $0x1B8E;
	[sflag:s24] =	ssyncadd.s32 $0xFFFFFFFF  }
0xa6: {  	s26 =	simm.s32 $execute0_lowered;
	[smem:$0x3FD2] =	sst s25  }
0xa7: {  	s5 =	sshll.u32 s26, $0x1;
	_ =	strace $0x80000046;
	[dreg:$0x1] =	wrdreg $0xFFFFFFFF  }
0xa8: {  	s28 =	simm.s32 $_size_execute0_lowered;
	s4 =	sadd.s32 s4, s5;
	[dreg:$0x0] =	wrdreg $0x0  }
0xa9: {  	s5 =	sshll.u32 s28, $0x1;
	[dreg:$0x2] =	wrdreg s4  }
0xaa: {  	[dreg:$0x3] =	wrdreg s5  }
0xab: {  	[dreg:$0x4] =	wrdreg $0xC0  }
0xac: {  	_ =	task [dreg:s8], $0x5FFFF  }
0xad: {  	[dreg:$0x1] =	wrdreg $0xFFFFFFFF  }
0xae: {  	[dreg:$0x0] =	wrdreg $0x60  }
0xaf: {  	[dreg:$0x2] =	wrdreg s2  }
0xb0: {  	[dreg:$0x3] =	wrdreg s19  }
0xb1: {  	[dreg:$0x4] =	wrdreg $0x9  }
0xb2: {  	_ =	task.clear_ibuf [dreg:s8], $0x5FFFF;
	_ =	strace $0x90000046  }
0xb3: {  	s29 =	simm.s32 $0x9;
	_ =	strace $0x80000048  }
0xb4: {  	_ =	swait.ge [sflag:s29], $0x1  }
0xb5: {  	[sflag:s29] =	ssyncadd.s32 $0xFFFFFFFF  }
0xb6: {  	_ =	strace $0x90000048  }
0xb7: {  	_ =	sfence  }
0xb8: {  	s30 =	sld [smem:$0x0];
	_ =	sdelay $0x2  }
0xb9: {  	s31 =	sshll.u32 s1, $0xD;
	s1 =	sshrl.u32 s1, $0x2  }
0xba: {  	s3 =	sand.u32 $0x4000, s31;
	s1 =	sadd.s32 s1, s30  }
0xbb: {  	s0 =	sor.u32 s3, s0;
	s1 =	sshll.u32 s1, $0x11  }
0xbc: {  	s0 =	sor.u32 s1, s0  }
0xbd: {  	s0 =	sadd.s32 $0x8F2B, s0  }
0xbe: {  	[sflag:s0] =	ssyncadd.remote.s32 $0x1  }
0xbf: {  	_ =	sfence.sel $0xFFFF  }
0xc0: {  	[dreg:$0x0] =	wrdreg $0xFFFFFFFF;
	(pc) =	sbr.abs _section_cstart, $3  }
0xc1: {  	[dreg:$0x1] =	wrdreg $0xFFFFFFFF  }
0xc2: {  	_ =	task.clear_ibuf [dreg:s8], $0x2FFFF;
	_ =	strace $0x9FFFFFFF  }
0xc3: {  	(tm) =	ssettm $0x7FFFFFFF  }
tec
execute0_lowered:
.L_overlay_start_1:
0x0: {  	(tag) =	ssettag $0x1  }
0x1: {  	s1 =	rddreg [dreg:$0x0];
	s0 =	srdreg.scid  }
0x2: {  	s2 =	rddreg [dreg:$0x1];
	s4 =	simm.s32 $0x0;
	s3 =	stileid.u32  }
0x3: {  	s10 =	simm.s32 $0x1;
	s11 =	simm.s32 $0x9D00;
	s12 =	simm.s32 $0xC480  }
0x4: {  	s13 =	simm.s32 $0x12380;
	s14 =	simm.s32 $0x12500;
	s15 =	simm.s32 $0x11380  }
0x5: {  	s16 =	simm.s32 $0x11B80;
	s5 =	sand.u32 $0x1, s0;
	s0 =	rddreg [dreg:$0x2]  }
0x6: {  	s17 =	simm.s32 $0x0;
	[smem:$0x7FF] =	sst s4;
	s30 =	sshrl.u32 s3, $0x1  }
.Ltmp0:
0x7: {  	s8 =	sshll.u32 s3, $0x9;
	s6 =	ssub.s32 $0x2, s5;
	(pc) =	sbr.rel .LBB2_1-.Ltmp0, $4  }
0x8: {  	v0 =	vimm.s32 $0x7F800000;
	v1 =	vimm.f32 $0.0e+00;
	v2 =	vlaneseq.u32;
	s9 =	sshll.u32 s5, $0x8;
	s8 =	sand.u32 $0x200, s8;
	s7 =	sshrl.u32 s6, $0x1  }
0x9: {  	v3 =	vimm.s32 $0x0;
	v6 =	vimm.s32 $0x138;
	v7 =	vimm.s32 $0xFFF0BDC0;
	_ =	strace $0x80000047;
	s6 =	ssub.s32 s6, s7;
	s7 =	smul.u32 $0x27400, s30  }
0xa: {  	v8 =	vimm.s32 $0x2;
	v9 =	vimm.s32 $0xF4240;
	v10 =	vimm.f32 $1.000000000e+00;
	s31 =	sor.u32 s9, s8;
	s8 =	simm.s32 $0x400;
	s9 =	simm.s32 $0x4E80  }
0xb: {  	vm0 =	vmxor vm0, vm0;
	v4 =	vor.u32 $0x4E00, v2;
	v5 =	vor.u32 $0x4E10, v2;
	s5 =	smax.u32 s6, $0x1;
	s6 =	sor.u32 s7, s31;
	s7 =	simm.s32 $0x80  }
.LBB2_56:
0xc: {  	s17 =	sadd.s32 $0x1, s17  }
0xd: {  	p0 =	sne.s32 s17, s5  }
.Ltmp1:
0xe: {  	_ = 	snop;
	(pc) =	sbr.rel @!p0 .LBB2_57-.Ltmp1, $1  }
0xf: {  	_ =	sdelay $0x3  }
.LBB2_1:
.Ltmp2:
0x10: {  	(pc) =	sbr.rel .LBB2_2-.Ltmp2, $2  }
0x11: {  	_ =	sdelay $0x2  }
0x12: {  	p1 =	por $0x1, $0x1;
	s18 =	simm.s32 $0x0  }
.LBB2_55:
.Ltmp3:
0x13: {  	s19 =	sadd.s32 s2, s18;
	s18 =	simm.s32 $0x80;
	(pc) =	sbr.rel @!p0 .LBB2_56-.Ltmp3, $4  }
0x14: {  	[hbm4b:s19+s18] =	stream.strided.scatter [tilespmem:s9], [sflag:$0x1], $0x4E80, s8, s18, $0x38;
	[tilespmem:$0x12680] =	vst v63  }
0x15: {  	_ =	swait.ge [sflag:s10], $0x4E80  }
0x16: {  	[sflag:s10] =	ssyncset.done $0x0  }
0x17: {  	p1 =	por $0x0, $0x0;
	[sflag:s10] =	ssyncadd.s32 $0xFFFFB180  }
.LBB2_2:
0x18: {  	s18 =	sor.u32 s6, s18  }
0x19: {  	s18 =	sshrl.u32 s18, $0x3  }
0x1a: {  	s19 =	sadd.s32 s1, s18  }
0x1b: {  	[tilespmem:s9], [sflag:$0x1] =	stream.strided.gather [hbm4b:s19+s7], $0x4E80, s8, s7, $0x38;
	[tilespmem:$0x12680] =	vst v63  }
0x1c: {  	_ =	swait.ge [sflag:s10], $0x4E80  }
0x1d: {  	[sflag:s10] =	ssyncset.done $0x0  }
0x1e: {  	[sflag:s10] =	ssyncadd.s32 $0xFFFFB180  }
0x1f: {  	[tilespmem:$0x0] =	vst v0  }
0x20: {  	s20 =	simm.s32 $0x4EA0;
	[tilespmem:$0x4E30] =	vst v0  }
0x21: {  	v12 =	vld [tilespmem:s20+$0xFFFFFFE0]  }
0x22: {  	v14 =	vld [tilespmem:s20+$0xFFFFFFF0]  }
0x23: {  	v15 =	vld [tilespmem:s20+$0x0];
	_ =	sdelay $0x1  }
0x24: {  	v16 =	vimm.f32 $+Inf;
	v17 =	vimm.f32 $-Inf;
	s19 =	simm.s32 $0x4EE0;
	v13 =	vld [tilespmem:s20+$0x10]  }
0x25: {  	v11 =	vld [tilespmem:s19+$0x0];
	v16 =	vmin.f32 v16, v12;
	v17 =	vmax.f32 v17, v12  }
0x26: {  	v12 =	vld [tilespmem:s19+$0xFFFFFFE0];
	v16 =	vmin.f32 v16, v14;
	v17 =	vmax.f32 v17, v14  }
0x27: {  	p0 =	por p1, p1;
	s21 =	simm.s32 $0x4F20;
	s20 =	simm.s32 $0x4;
	v14 =	vld [tilespmem:s19+$0xFFFFFFF0];
	v16 =	vmin.f32 v16, v15;
	v15 =	vmax.f32 v17, v15  }
.LBB2_3:
0x28: {  	s20 =	sadd.s32 $0x4, s20  }
0x29: {  	v17 =	vld [tilespmem:s21+$0x0];
	v16 =	vmin.f32 v16, v13;
	v15 =	vmax.f32 v15, v13;
	p1 =	slt.u32 s20, $0x4DC  }
.Ltmp4:
0x2a: {  	v13 =	vld [tilespmem:s19+$0x10];
	s19 =	smov.u32 s21;
	(pc) =	sbr.rel @p1 .LBB2_3-.Ltmp4, $4  }
0x2b: {  	_ = 	snop  }
0x2c: {  	v16 =	vmin.f32 v16, v12;
	v15 =	vmax.f32 v15, v12  }
0x2d: {  	v12 =	vld [tilespmem:s21+$0xFFFFFFE0];
	v16 =	vmin.f32 v16, v14;
	v15 =	vmax.f32 v15, v14  }
0x2e: {  	s21 =	sadd.s32 $0x40, s21;
	v14 =	vld [tilespmem:s19+$0xFFFFFFF0];
	v16 =	vmin.f32 v16, v11;
	v15 =	vmax.f32 v15, v11;
	v11 =	vmov v17  }
0x2f: {  	_ = 	snop  }
0x30: {  	v17 =	vld [tilespmem:s19+$0x10]  }
0x31: {  	v16 =	vmin.f32 v16, v13;
	v18 =	vld [tilespmem:$0x9C80]  }
0x32: {  	v13 =	vmax.f32 v15, v13;
	v63 =	vld [tilespmem:$0x9C90];
	v15 =	vmin.f32 v16, v12  }
0x33: {  	v12 =	vmax.f32 v13, v12;
	v13 =	vmin.f32 v15, v14  }
0x34: {  	v12 =	vmax.f32 v12, v14;
	v13 =	vmin.f32 v13, v11  }
0x35: {  	v11 =	vmax.f32 v12, v11;
	v12 =	vmin.f32 v13, v17  }
0x36: {  	v11 =	vmax.f32 v11, v17;
	v12 =	vmin.f32 v12, v18  }
0x37: {  	v11 =	vmax.f32 v11, v18;
	v12 =	vmin.f32 v12, v63  }
0x38: {  	v11 =	vmax.f32 v11, v63;
	(xrf0) =	vmin.scan.msk.f32 $0xffff, v12  }
0x39: {  	(xrf0) =	vmax.scan.msk.f32 $0xffff, v11;
	_ =	sdelay $0x4  }
0x3a: {  	v11, _, _ =	vpop (xrf0)  }
0x3b: {  	v12, _, _ =	vpop (xrf0)  }
0x3c: {  	v12 =	vsub.f32 v12, v11;
	_ =	sdelay $0x1  }
0x3d: {  	v12 =	vadd.f32 $9.999999740e-06, v12;
	_ =	sdelay $0x1  }
0x3e: {  	v12 =	vbroadcast v12, $0xF;
	_ =	sdelay $0x1  }
0x3f: {  	(erf) = vrcp.f32 v12;
	_ =	sdelay $0x1  }
0x40: {  	s20 =	simm.s32 $0x4EA0  }
0x41: {  	v12 =	vld [tilespmem:s20+$0xFFFFFFE0];
	_ =	sdelay $0x2  }
0x42: {  	v11 =	vbroadcast v11, $0xF;
	_ =	sdelay $0x1  }
0x43: {  	v13 =	vsub.f32 v12, v11  }
0x44: {  	v12 =	vpop (erf)  }
0x45: {  	v13 =	vmul.f32 v13, v12  }
0x46: {  	s19 =	simm.s32 $0x20  }
0x47: {  	[tilespmem:s19+$0xFFFFFFF0] =	vst v13  }
0x48: {  	v13 =	vld [tilespmem:s20+$0xFFFFFFF0];
	_ =	sdelay $0x4  }
0x49: {  	v13 =	vsub.f32 v13, v11;
	_ =	sdelay $0x1  }
0x4a: {  	v13 =	vmul.f32 v13, v12;
	_ =	sdelay $0x1  }
0x4b: {  	[tilespmem:s19+$0x0] =	vst v13  }
0x4c: {  	v13 =	vld [tilespmem:s20+$0x0];
	_ =	sdelay $0x4  }
0x4d: {  	v13 =	vsub.f32 v13, v11;
	_ =	sdelay $0x1  }
0x4e: {  	v13 =	vmul.f32 v13, v12;
	_ =	sdelay $0x1  }
0x4f: {  	[tilespmem:s19+$0x10] =	vst v13  }
0x50: {  	v13 =	vld [tilespmem:s20+$0x10];
	_ =	sdelay $0x4  }
0x51: {  	v13 =	vsub.f32 v13, v11;
	_ =	sdelay $0x1  }
0x52: {  	v13 =	vmul.f32 v13, v12;
	_ =	sdelay $0x1  }
0x53: {  	s21 =	simm.s32 $0x4EE0;
	s20 =	simm.s32 $0x0;
	[tilespmem:s19+$0x20] =	vst v13  }
.LBB2_5:
0x54: {  	v13 =	vld [tilespmem:s21+$0xFFFFFFE0];
	s20 =	sadd.s32 $0x4, s20  }
0x55: {  	p1 =	slt.u32 s20, $0x4DC;
	_ =	sdelay $0x3  }
0x56: {  	v13 =	vsub.f32 v13, v11;
	_ =	sdelay $0x1  }
0x57: {  	v13 =	vmul.f32 v13, v12  }
0x58: {  	s19 =	sadd.s32 $0x40, s19  }
0x59: {  	[tilespmem:s19+$0xFFFFFFF0] =	vst v13  }
0x5a: {  	v13 =	vld [tilespmem:s21+$0xFFFFFFF0];
	_ =	sdelay $0x4  }
0x5b: {  	v13 =	vsub.f32 v13, v11;
	_ =	sdelay $0x1  }
0x5c: {  	v13 =	vmul.f32 v13, v12;
	_ =	sdelay $0x1  }
0x5d: {  	[tilespmem:s19+$0x0] =	vst v13  }
0x5e: {  	v13 =	vld [tilespmem:s21+$0x0];
	_ =	sdelay $0x4  }
0x5f: {  	v13 =	vsub.f32 v13, v11;
	_ =	sdelay $0x1  }
0x60: {  	v13 =	vmul.f32 v13, v12;
	_ =	sdelay $0x1  }
0x61: {  	[tilespmem:s19+$0x10] =	vst v13  }
0x62: {  	v13 =	vld [tilespmem:s21+$0x10];
	_ =	sdelay $0x4  }
.Ltmp5:
0x63: {  	v13 =	vsub.f32 v13, v11;
	(pc) =	sbr.rel @p1 .LBB2_5-.Ltmp5, $3  }
0x64: {  	_ = 	snop  }
0x65: {  	v13 =	vmul.f32 v13, v12;
	_ =	sdelay $0x1  }
0x66: {  	s21 =	sadd.s32 $0x40, s21;
	[tilespmem:s19+$0x20] =	vst v13  }
0x67: {  	v13 =	vld [tilespmem:$0x9C80]  }
0x68: {  	v14 =	vld [tilespmem:$0x9C90];
	_ =	sdelay $0x3  }
0x69: {  	v13 =	vsub.f32 v13, v11  }
0x6a: {  	v11 =	vsub.f32 v14, v11  }
0x6b: {  	v13 =	vmul.f32 v13, v12  }
0x6c: {  	v11 =	vmul.f32 v11, v12  }
0x6d: {  	[tilespmem:$0x4E10] =	vst v13  }
0x6e: {  	s20 =	simm.s32 $0x0;
	[tilespmem:$0x4E20] =	vst v11  }
0x6f: {  	v11 =	vld [tilespmem:s20+$0x11]  }
0x70: {  	v12 =	vld [tilespmem:s20+$0x10]  }
0x71: {  	v13 =	vld [tilespmem:s20+$0xF];
	_ =	sdelay $0x4  }
0x72: {  	vm1 =	vlt.f32 v11, v12;
	vm2 =	vlt.f32 v13, v12  }
0x73: {  	vm3 =	veq.f32 v11, v12;
	vm1 =	vmand vm2, vm1;
	vm2 =	vge.f32 v12, $1.000000010e-01  }
0x74: {  	v11 =	vsel vm3, $0x3F800000, v1;
	vm1 =	vmand vm2, vm1  }
0x75: {  	(xrf0) =	vmax.scan.msk.f32 $0xffff, v11;
	v11 =	vsel vm1, $0x1, v3  }
0x76: {  	(xrf0) =	vadd.scan.msk.s32 $0xffff, v11;
	_ =	sdelay $0x1  }
0x77: {  	s21 =	simm.s32 $0x10  }
0x78: {  	v11 =	vmov s21  }
0x79: {  	v11 =	vadd.s32 $0xFFFFFFFF, v11  }
0x7a: {  	v11 =	vbroadcast v11, $0x0;
	v13, _, _ =	vpop (xrf0)  }
0x7b: {  	v14, _, _ =	vpop (xrf0)  }
0x7c: {  	v11 =	vadd.s32 v14, v11;
	_ =	sdelay $0x1  }
0x7d: {  	(v2sf) =	vpush v13, $0xF  }
0x7e: {  	s22 =	simm.s32 $0x0;
	v13 =	vshra.s32 v12, $0x1F;
	(v2sf) =	vpush v14, $0xF  }
0x7f: {  	v13 =	vand.u32 $0x7FFFFFFF, v13;
	v14 =	vor.u32 s22, v2  }
0x80: {  	v12 =	vxor.u32 v12, v13;
	[tilespmem:v11+s11+$0x0] =	vst.idx.msk vm1, v14  }
0x81: {  	[tilespmem:v11+s12+$0x0] =	vst.idx.msk vm1, v12  }
0x82: {  	v11 =	vld [tilespmem:s20+$0x20]  }
0x83: {  	v12 =	vld [tilespmem:s20+$0x1F]  }
0x84: {  	v13 =	vld [tilespmem:s20+$0x21];
	_ =	sdelay $0x4  }
0x85: {  	vm1 =	vlt.f32 v12, v11;
	vm2 =	vlt.f32 v13, v11  }
0x86: {  	vm3 =	veq.f32 v13, v11;
	vm1 =	vmand vm1, vm2;
	vm2 =	vge.f32 v11, $1.000000010e-01  }
0x87: {  	v12 =	vsel vm3, $0x3F800000, v1;
	vm1 =	vmand vm2, vm1  }
0x88: {  	s19 =	spop (v2sf);
	(xrf0) =	vmax.scan.msk.f32 $0xffff, v12;
	v12 =	vsel vm1, $0x1, v3  }
0x89: {  	s23 =	spop (v2sf);
	(xrf0) =	vadd.scan.msk.s32 $0xffff, v12  }
0x8a: {  	s23 =	sadd.s32 $0x0, s23  }
0x8b: {  	s24 =	sadd.s32 $0x10, s23  }
0x8c: {  	v12 =	vmov s24  }
0x8d: {  	v12 =	vadd.s32 $0xFFFFFFFF, v12  }
0x8e: {  	v13, _, _ =	vpop (xrf0);
	v12 =	vbroadcast v12, $0x0  }
0x8f: {  	v14, _, _ =	vpop (xrf0)  }
0x90: {  	v12 =	vadd.s32 v14, v12;
	_ =	sdelay $0x1  }
0x91: {  	(v2sf) =	vpush v13, $0xF  }
0x92: {  	v13 =	vshra.s32 v11, $0x1F;
	(v2sf) =	vpush v14, $0xF  }
0x93: {  	[tilespmem:s20+$0x4E80] =	vst v1;
	v13 =	vand.u32 $0x7FFFFFFF, v13;
	v14 =	vor.u32 s21, v2  }
0x94: {  	v11 =	vxor.u32 v11, v13;
	[tilespmem:v12+s11+$0x0] =	vst.idx.msk vm1, v14  }
0x95: {  	[tilespmem:v12+s12+$0x0] =	vst.idx.msk vm1, v11  }
0x96: {  	v11 =	vld [tilespmem:s20+$0x31]  }
0x97: {  	v12 =	vld [tilespmem:s20+$0x30]  }
0x98: {  	v13 =	vld [tilespmem:s20+$0x2F];
	_ =	sdelay $0x4  }
0x99: {  	vm1 =	vlt.f32 v11, v12;
	vm2 =	vlt.f32 v13, v12  }
0x9a: {  	vm3 =	veq.f32 v11, v12;
	vm1 =	vmand vm2, vm1;
	vm2 =	vge.f32 v12, $1.000000010e-01  }
0x9b: {  	v11 =	vsel vm3, $0x3F800000, v1;
	vm1 =	vmand vm2, vm1  }
0x9c: {  	s24 =	spop (v2sf);
	(xrf0) =	vmax.scan.msk.f32 $0xffff, v11;
	v11 =	vsel vm1, $0x1, v3  }
0x9d: {  	s28 =	spop (v2sf);
	(xrf0) =	vadd.scan.msk.s32 $0xffff, v11  }
0x9e: {  	s21 =	sadd.s32 s23, s28  }
0x9f: {  	s23 =	sadd.s32 $0x10, s21  }
0xa0: {  	v11 =	vmov s23  }
0xa1: {  	v11 =	vadd.s32 $0xFFFFFFFF, v11  }
0xa2: {  	v13, _, _ =	vpop (xrf0);
	v11 =	vbroadcast v11, $0x0  }
0xa3: {  	v14, _, _ =	vpop (xrf0)  }
0xa4: {  	v11 =	vadd.s32 v14, v11;
	_ =	sdelay $0x1  }
0xa5: {  	(v2sf) =	vpush v13, $0xF  }
0xa6: {  	s29 =	simm.s32 $0x20;
	v13 =	vshra.s32 v12, $0x1F;
	(v2sf) =	vpush v14, $0xF  }
0xa7: {  	[tilespmem:s20+$0x4E90] =	vst v1;
	v13 =	vand.u32 $0x7FFFFFFF, v13;
	v14 =	vor.u32 s29, v2  }
0xa8: {  	v12 =	vxor.u32 v12, v13;
	[tilespmem:v11+s11+$0x0] =	vst.idx.msk vm1, v14  }
0xa9: {  	[tilespmem:v11+s12+$0x0] =	vst.idx.msk vm1, v12  }
0xaa: {  	v11 =	vld [tilespmem:s20+$0x40]  }
0xab: {  	v12 =	vld [tilespmem:s20+$0x3F]  }
0xac: {  	v13 =	vld [tilespmem:s20+$0x41];
	_ =	sdelay $0x4  }
0xad: {  	vm1 =	vlt.f32 v12, v11;
	vm2 =	vlt.f32 v13, v11;
	vm3 =	veq.f32 v13, v11  }
0xae: {  	vm1 =	vmand vm1, vm2;
	vm2 =	vge.f32 v11, $1.000000010e-01;
	v12 =	vsel vm3, $0x3F800000, v1  }
0xaf: {  	vm1 =	vmand vm2, vm1;
	(xrf0) =	vmax.scan.msk.f32 $0xffff, v12  }
0xb0: {  	s26 =	spop (v2sf);
	v12 =	vsel vm1, $0x1, v3  }
0xb1: {  	s30 =	spop (v2sf);
	(xrf0) =	vadd.scan.msk.s32 $0xffff, v12  }
0xb2: {  	s25 =	sadd.s32 s21, s30  }
0xb3: {  	s21 =	sadd.s32 $0x10, s25  }
0xb4: {  	v12 =	vmov s21  }
0xb5: {  	v12 =	vadd.s32 $0xFFFFFFFF, v12;
	v13, _, _ =	vpop (xrf0)  }
0xb6: {  	v12 =	vbroadcast v12, $0x0;
	(v2sf) =	vpush v13, $0xF  }
0xb7: {  	v14, _, _ =	vpop (xrf0)  }
0xb8: {  	v12 =	vadd.s32 v14, v12;
	(v2sf) =	vpush v14, $0xF;
	_ =	sdelay $0x2  }
0xb9: {  	s31 =	simm.s32 $0x30;
	v15 =	vshra.s32 v11, $0x1F  }
0xba: {  	v16 =	vor.u32 s31, v2;
	[tilespmem:s20+$0x4EA0] =	vst v1;
	v15 =	vand.u32 $0x7FFFFFFF, v15  }
0xbb: {  	v11 =	vxor.u32 v11, v15;
	[tilespmem:v12+s11+$0x0] =	vst.idx.msk vm1, v16  }
0xbc: {  	s21 =	simm.s32 $0x40;
	[tilespmem:v12+s12+$0x0] =	vst.idx.msk vm1, v11  }
0xbd: {  	v12 =	vld [tilespmem:s21+$0x11];
	[tilespmem:s20+$0x4EB0] =	vst v1  }
0xbe: {  	p1 =	sgt.f32 s24, $0.0e+00;
	s24 =	simm.s32 $0x100;
	v11 =	vld [tilespmem:s21+$0x10]  }
0xbf: {  	s23 =	simm.s32 $0x4;
	p2 =	sgt.f32 s26, $0.0e+00;
	s20 =	simm.s32 $0x0;
	v13 =	vld [tilespmem:s21+$0xF]  }
.LBB2_7:
0xc0: {  	s23 =	sadd.s32 $0x4, s23;
	s22 =	sadd.s32 $0x40, s22  }
0xc1: {  	p4 =	sgt.f32 s19, $0.0e+00;
	p3 =	slt.u32 s23, $0x4DC;
	_ =	sdelay $0x1  }
0xc2: {  	p1 =	por p4, p1;
	vm1 =	vlt.f32 v12, v11;
	vm2 =	veq.f32 v12, v11;
	v12 =	vshra.s32 v11, $0x1F;
	s19 =	spop (v2sf)  }
0xc3: {  	p1 =	por p1, p2;
	vm3 =	vlt.f32 v13, v11;
	v13 =	vsel vm2, $0x3F800000, v1;
	v12 =	vand.u32 $0x7FFFFFFF, v12;
	p2 =	sgt.f32 s19, $0.0e+00  }
0xc4: {  	vm2 =	vge.f32 v11, $1.000000010e-01;
	vm1 =	vmand vm3, vm1;
	v11 =	vxor.u32 v11, v12;
	(xrf0) =	vmax.scan.msk.f32 $0xffff, v13;
	s19 =	spop (v2sf)  }
0xc5: {  	s26 =	simm.s32 $0x1;
	vm1 =	vmand vm2, vm1;
	p1 =	por p1, p2;
	s25 =	sadd.s32 s25, s19  }
0xc6: {  	v12 =	vsel vm1, $0x1, v3;
	s19 =	sadd.s32 $0x10, s25;
	s26 =	simm.s32 @!p1 $0x0  }
0xc7: {  	v13 =	vmov s19;
	(xrf0) =	vadd.scan.msk.s32 $0xffff, v12;
	s20 =	sor.u32 s26, s20  }
0xc8: {  	v12 =	vadd.s32 $0xFFFFFFFF, v13;
	_ =	sdelay $0x1  }
0xc9: {  	v13, _, _ =	vpop (xrf0)  }
0xca: {  	(v2sf) =	vpush v13, $0xF  }
0xcb: {  	v12 =	vbroadcast v12, $0x0  }
0xcc: {  	v13, _, _ =	vpop (xrf0)  }
0xcd: {  	v12 =	vadd.s32 v13, v12;
	(v2sf) =	vpush v13, $0xF;
	_ =	sdelay $0x3  }
0xce: {  	v13 =	vor.u32 s22, v2  }
0xcf: {  	[tilespmem:v12+s11+$0x0] =	vst.idx.msk vm1, v13  }
0xd0: {  	[tilespmem:v12+s12+$0x0] =	vst.idx.msk vm1, v11  }
0xd1: {  	v11 =	vld [tilespmem:s21+$0x20]  }
0xd2: {  	v12 =	vld [tilespmem:s21+$0x1F]  }
0xd3: {  	v13 =	vld [tilespmem:s21+$0x21];
	_ =	sdelay $0x2  }
0xd4: {  	v14 =	vshra.s32 v11, $0x1F;
	s19 =	spop (v2sf)  }
0xd5: {  	vm1 =	vlt.f32 v12, v11;
	v12 =	vand.u32 $0x7FFFFFFF, v14  }
0xd6: {  	vm2 =	vlt.f32 v13, v11;
	vm3 =	veq.f32 v13, v11;
	v12 =	vxor.u32 v11, v12  }
0xd7: {  	vm1 =	vmand vm1, vm2;
	vm2 =	vge.f32 v11, $1.000000010e-01;
	v11 =	vsel vm3, $0x3F800000, v1;
	s26 =	spop (v2sf)  }
0xd8: {  	s25 =	sadd.s32 s25, s26;
	vm1 =	vmand vm2, vm1;
	(xrf0) =	vmax.scan.msk.f32 $0xffff, v11  }
0xd9: {  	v11 =	vsel vm1, $0x1, v3;
	s26 =	sadd.s32 $0x10, s25  }
0xda: {  	v13 =	vmov s26;
	(xrf0) =	vadd.scan.msk.s32 $0xffff, v11  }
0xdb: {  	v11 =	vadd.s32 $0xFFFFFFFF, v13;
	_ =	sdelay $0x2  }
0xdc: {  	v13, _, _ =	vpop (xrf0)  }
0xdd: {  	v11 =	vbroadcast v11, $0x0;
	(v2sf) =	vpush v13, $0xF  }
0xde: {  	v13, _, _ =	vpop (xrf0)  }
0xdf: {  	v11 =	vadd.s32 v13, v11;
	(v2sf) =	vpush v13, $0xF;
	_ =	sdelay $0x2  }
0xe0: {  	s26 =	sadd.s32 $0x10, s22  }
0xe1: {  	v13 =	vor.u32 s26, v2;
	[tilespmem:s21+$0x4E80] =	vst v1  }
0xe2: {  	[tilespmem:v11+s11+$0x0] =	vst.idx.msk vm1, v13  }
0xe3: {  	[tilespmem:v11+s12+$0x0] =	vst.idx.msk vm1, v12  }
0xe4: {  	[tilespmem:s21+$0x4E90] =	vst v1;
	v11 =	vld [tilespmem:s21+$0x31]  }
0xe5: {  	v12 =	vld [tilespmem:s21+$0x30]  }
0xe6: {  	v13 =	vld [tilespmem:s21+$0x2F];
	_ =	sdelay $0x3  }
0xe7: {  	vm1 =	vlt.f32 v11, v12;
	vm2 =	veq.f32 v11, v12;
	v11 =	vshra.s32 v12, $0x1F;
	s26 =	spop (v2sf)  }
0xe8: {  	p1 =	sgt.f32 s26, $0.0e+00;
	vm3 =	vlt.f32 v13, v12;
	v13 =	vsel vm2, $0x3F800000, v1;
	v11 =	vand.u32 $0x7FFFFFFF, v11  }
0xe9: {  	vm2 =	vge.f32 v12, $1.000000010e-01;
	vm1 =	vmand vm3, vm1;
	v11 =	vxor.u32 v12, v11;
	s26 =	spop (v2sf);
	(xrf0) =	vmax.scan.msk.f32 $0xffff, v13  }
0xea: {  	s25 =	sadd.s32 s25, s26;
	vm1 =	vmand vm2, vm1  }
0xeb: {  	v12 =	vsel vm1, $0x1, v3;
	s26 =	sadd.s32 $0x10, s25  }
0xec: {  	v13 =	vmov s26;
	(xrf0) =	vadd.scan.msk.s32 $0xffff, v12  }
0xed: {  	v12 =	vadd.s32 $0xFFFFFFFF, v13;
	_ =	sdelay $0x1  }
0xee: {  	v13, _, _ =	vpop (xrf0)  }
0xef: {  	(v2sf) =	vpush v13, $0xF  }
0xf0: {  	v12 =	vbroadcast v12, $0x0  }
0xf1: {  	v13, _, _ =	vpop (xrf0)  }
0xf2: {  	v12 =	vadd.s32 v13, v12;
	(v2sf) =	vpush v13, $0xF;
	_ =	sdelay $0x2  }
0xf3: {  	s26 =	sadd.s32 $0x20, s22  }
0xf4: {  	v13 =	vor.u32 s26, v2  }
0xf5: {  	[tilespmem:v12+s11+$0x0] =	vst.idx.msk vm1, v13  }
0xf6: {  	[tilespmem:v12+s12+$0x0] =	vst.idx.msk vm1, v11  }
0xf7: {  	[tilespmem:s21+$0x4EA0] =	vst v1;
	v11 =	vld [tilespmem:s21+$0x40]  }
0xf8: {  	v12 =	vld [tilespmem:s21+$0x3F]  }
0xf9: {  	v13 =	vld [tilespmem:s21+$0x41];
	_ =	sdelay $0x2  }
0xfa: {  	v14 =	vshra.s32 v11, $0x1F;
	s26 =	spop (v2sf)  }
0xfb: {  	p2 =	sgt.f32 s26, $0.0e+00;
	vm1 =	vlt.f32 v12, v11;
	v12 =	vand.u32 $0x7FFFFFFF, v14  }
0xfc: {  	vm2 =	vlt.f32 v13, v11;
	vm3 =	veq.f32 v13, v11;
	v12 =	vxor.u32 v11, v12  }
0xfd: {  	vm1 =	vmand vm1, vm2;
	vm2 =	vge.f32 v11, $1.000000010e-01;
	v11 =	vsel vm3, $0x3F800000, v1;
	s26 =	spop (v2sf)  }
0xfe: {  	s25 =	sadd.s32 s25, s26;
	vm1 =	vmand vm2, vm1;
	(xrf0) =	vmax.scan.msk.f32 $0xffff, v11  }
0xff: {  	v11 =	vsel vm1, $0x1, v3;
	s26 =	sadd.s32 $0x10, s25  }
0x100: {  	v13 =	vmov s26;
	(xrf0) =	vadd.scan.msk.s32 $0xffff, v11  }
0x101: {  	v11 =	vadd.s32 $0xFFFFFFFF, v13;
	_ =	sdelay $0x2  }
0x102: {  	v13, _, _ =	vpop (xrf0)  }
0x103: {  	v11 =	vbroadcast v11, $0x0;
	(v2sf) =	vpush v13, $0xF  }
0x104: {  	v13, _, _ =	vpop (xrf0)  }
0x105: {  	v11 =	vadd.s32 v13, v11;
	(v2sf) =	vpush v13, $0xF;
	_ =	sdelay $0x2  }
0x106: {  	s26 =	sadd.s32 $0x30, s22  }
0x107: {  	v13 =	vor.u32 s26, v2  }
.Ltmp6:
0x108: {  	s24 =	sadd.s32 $0x100, s24;
	[tilespmem:v11+s11+$0x0] =	vst.idx.msk vm1, v13;
	(pc) =	sbr.rel @p3 .LBB2_7-.Ltmp6, $4  }
0x109: {  	s26 =	sshra.s32 s24, $0x2;
	[tilespmem:v11+s12+$0x0] =	vst.idx.msk vm1, v12  }
0x10a: {  	v12 =	vld [tilespmem:s26+$0x11];
	[tilespmem:s21+$0x4EB0] =	vst v1;
	s21 =	smov.u32 s26  }
0x10b: {  	v11 =	vld [tilespmem:s21+$0x10]  }
0x10c: {  	v13 =	vld [tilespmem:s21+$0xF]  }
0x10d: {  	_ =	sdelay $0x3  }
0x10e: {  	vm1 =	vlt.f32 v12, v11;
	vm2 =	vlt.f32 v13, v11  }
0x10f: {  	vm3 =	veq.f32 v12, v11;
	vm1 =	vmand vm2, vm1;
	vm2 =	vge.f32 v11, $1.000000010e-01  }
0x110: {  	v12 =	vsel vm3, $0x3F800000, v1;
	vm1 =	vmand vm2, vm1  }
0x111: {  	s24 =	spop (v2sf);
	(xrf0) =	vmax.scan.msk.f32 $0xffff, v12;
	v12 =	vsel vm1, $0x1, v3  }
0x112: {  	s23 =	spop (v2sf);
	(xrf0) =	vadd.scan.msk.s32 $0xffff, v12  }
0x113: {  	s23 =	sadd.s32 s25, s23  }
0x114: {  	s25 =	sadd.s32 $0x10, s23  }
0x115: {  	v12 =	vmov s25  }
0x116: {  	v12 =	vadd.s32 $0xFFFFFFFF, v12  }
0x117: {  	v12 =	vbroadcast v12, $0x0;
	v13, _, _ =	vpop (xrf0)  }
0x118: {  	v14, _, _ =	vpop (xrf0)  }
0x119: {  	v12 =	vadd.s32 v14, v12;
	_ =	sdelay $0x1  }
0x11a: {  	(v2sf) =	vpush v13, $0xF  }
0x11b: {  	s22 =	sadd.s32 $0x40, s22;
	v13 =	vshra.s32 v11, $0x1F;
	(v2sf) =	vpush v14, $0xF  }
0x11c: {  	v13 =	vand.u32 $0x7FFFFFFF, v13;
	v14 =	vor.u32 s22, v2  }
0x11d: {  	v11 =	vxor.u32 v11, v13;
	[tilespmem:v12+s11+$0x0] =	vst.idx.msk vm1, v14  }
0x11e: {  	[tilespmem:v12+s12+$0x0] =	vst.idx.msk vm1, v11  }
0x11f: {  	v11 =	vld [tilespmem:s21+$0x20]  }
0x120: {  	v12 =	vld [tilespmem:s21+$0x1F]  }
0x121: {  	v13 =	vld [tilespmem:s21+$0x21];
	_ =	sdelay $0x4  }
0x122: {  	vm1 =	vlt.f32 v12, v11;
	vm2 =	vlt.f32 v13, v11  }
0x123: {  	vm3 =	veq.f32 v13, v11;
	vm1 =	vmand vm1, vm2;
	vm2 =	vge.f32 v11, $1.000000010e-01  }
0x124: {  	v12 =	vsel vm3, $0x3F800000, v1;
	vm1 =	vmand vm2, vm1  }
0x125: {  	s25 =	spop (v2sf);
	(xrf0) =	vmax.scan.msk.f32 $0xffff, v12;
	v12 =	vsel vm1, $0x1, v3  }
0x126: {  	s26 =	spop (v2sf);
	(xrf0) =	vadd.scan.msk.s32 $0xffff, v12  }
0x127: {  	s23 =	sadd.s32 s23, s26  }
0x128: {  	s26 =	sadd.s32 $0x10, s23  }
0x129: {  	v12 =	vmov s26  }
0x12a: {  	v12 =	vadd.s32 $0xFFFFFFFF, v12  }
0x12b: {  	v13, _, _ =	vpop (xrf0);
	v12 =	vbroadcast v12, $0x0  }
0x12c: {  	v14, _, _ =	vpop (xrf0)  }
0x12d: {  	v12 =	vadd.s32 v14, v12;
	_ =	sdelay $0x1  }
0x12e: {  	(v2sf) =	vpush v13, $0xF  }
0x12f: {  	s28 =	sadd.s32 $0x10, s22;
	v15 =	vshra.s32 v11, $0x1F;
	(v2sf) =	vpush v14, $0xF  }
0x130: {  	[tilespmem:s21+$0x4E80] =	vst v1;
	v13 =	vand.u32 $0x7FFFFFFF, v15;
	v14 =	vor.u32 s28, v2  }
0x131: {  	v11 =	vxor.u32 v11, v13;
	[tilespmem:v12+s11+$0x0] =	vst.idx.msk vm1, v14  }
0x132: {  	[tilespmem:v12+s12+$0x0] =	vst.idx.msk vm1, v11  }
0x133: {  	v11 =	vld [tilespmem:s21+$0x31]  }
0x134: {  	v12 =	vld [tilespmem:s21+$0x30]  }
0x135: {  	v13 =	vld [tilespmem:s21+$0x2F];
	_ =	sdelay $0x4  }
0x136: {  	vm1 =	vlt.f32 v11, v12;
	vm2 =	vlt.f32 v13, v12  }
0x137: {  	vm3 =	veq.f32 v11, v12;
	vm1 =	vmand vm2, vm1;
	vm2 =	vge.f32 v12, $1.000000010e-01  }
0x138: {  	v11 =	vsel vm3, $0x3F800000, v1;
	vm1 =	vmand vm2, vm1  }
0x139: {  	s26 =	spop (v2sf);
	(xrf0) =	vmax.scan.msk.f32 $0xffff, v11;
	v11 =	vsel vm1, $0x1, v3  }
0x13a: {  	s28 =	spop (v2sf);
	(xrf0) =	vadd.scan.msk.s32 $0xffff, v11  }
0x13b: {  	s23 =	sadd.s32 s23, s28  }
0x13c: {  	s28 =	sadd.s32 $0x10, s23  }
0x13d: {  	v11 =	vmov s28  }
0x13e: {  	v11 =	vadd.s32 $0xFFFFFFFF, v11  }
0x13f: {  	v13, _, _ =	vpop (xrf0);
	v11 =	vbroadcast v11, $0x0  }
0x140: {  	v14, _, _ =	vpop (xrf0)  }
0x141: {  	v11 =	vadd.s32 v14, v11;
	_ =	sdelay $0x1  }
0x142: {  	(v2sf) =	vpush v13, $0xF  }
0x143: {  	s29 =	sadd.s32 $0x20, s22;
	v15 =	vshra.s32 v12, $0x1F;
	(v2sf) =	vpush v14, $0xF  }
0x144: {  	[tilespmem:s21+$0x4E90] =	vst v1;
	v13 =	vand.u32 $0x7FFFFFFF, v15;
	v14 =	vor.u32 s29, v2  }
0x145: {  	v12 =	vxor.u32 v12, v13;
	[tilespmem:v11+s11+$0x0] =	vst.idx.msk vm1, v14  }
0x146: {  	[tilespmem:v11+s12+$0x0] =	vst.idx.msk vm1, v12  }
0x147: {  	v11 =	vld [tilespmem:s21+$0x40]  }
0x148: {  	v12 =	vld [tilespmem:s21+$0x3F]  }
0x149: {  	v13 =	vld [tilespmem:s21+$0x41];
	_ =	sdelay $0x4  }
0x14a: {  	vm1 =	vlt.f32 v12, v11;
	vm2 =	vlt.f32 v13, v11  }
0x14b: {  	vm3 =	veq.f32 v13, v11;
	vm1 =	vmand vm1, vm2;
	vm2 =	vge.f32 v11, $1.000000010e-01  }
0x14c: {  	v12 =	vsel vm3, $0x3F800000, v1;
	vm1 =	vmand vm2, vm1  }
0x14d: {  	s28 =	spop (v2sf);
	(xrf0) =	vmax.scan.msk.f32 $0xffff, v12;
	v12 =	vsel vm1, $0x1, v3  }
0x14e: {  	s29 =	spop (v2sf);
	(xrf0) =	vadd.scan.msk.s32 $0xffff, v12  }
0x14f: {  	s23 =	sadd.s32 s23, s29  }
0x150: {  	s29 =	sadd.s32 $0x10, s23  }
0x151: {  	v12 =	vmov s29  }
0x152: {  	v12 =	vadd.s32 $0xFFFFFFFF, v12  }
0x153: {  	v13, _, _ =	vpop (xrf0);
	v12 =	vbroadcast v12, $0x0  }
0x154: {  	v14, _, _ =	vpop (xrf0)  }
0x155: {  	v12 =	vadd.s32 v14, v12;
	_ =	sdelay $0x2  }
0x156: {  	s22 =	sadd.s32 $0x30, s22;
	v15 =	vshra.s32 v11, $0x1F;
	(v2sf) =	vpush v13, $0xF  }
0x157: {  	[tilespmem:s21+$0x4EA0] =	vst v1;
	v13 =	vand.u32 $0x7FFFFFFF, v15;
	(v2sf) =	vpush v14, $0xF;
	v14 =	vor.u32 s22, v2  }
0x158: {  	v11 =	vxor.u32 v11, v13;
	[tilespmem:v12+s11+$0x0] =	vst.idx.msk vm1, v14  }
0x159: {  	[tilespmem:v12+s12+$0x0] =	vst.idx.msk vm1, v11  }
0x15a: {  	[tilespmem:s21+$0x4EB0] =	vst v1  }
0x15b: {  	v11 =	vld [tilespmem:$0x4E10]  }
0x15c: {  	v13 =	vld [tilespmem:$0x4E0F]  }
0x15d: {  	v12 =	vld [tilespmem:$0x4E11];
	_ =	sdelay $0x4  }
0x15e: {  	vm1 =	vlt.f32 v13, v11;
	vm2 =	vlt.f32 v12, v11  }
0x15f: {  	vm1 =	vmand vm1, vm2;
	vm2 =	vge.f32 v11, $1.000000010e-01  }
0x160: {  	vm1 =	vmand vm2, vm1  }
0x161: {  	s29 =	spop (v2sf);
	v13 =	vsel vm1, $0x1, v3  }
0x162: {  	s30 =	spop (v2sf);
	(xrf0) =	vadd.scan.msk.s32 $0xffff, v13  }
0x163: {  	s21 =	sadd.s32 s23, s30  }
0x164: {  	s31 =	sadd.s32 $0x10, s21  }
0x165: {  	v13 =	vmov s31  }
0x166: {  	v13 =	vadd.s32 $0xFFFFFFFF, v13  }
0x167: {  	v13 =	vbroadcast v13, $0x0  }
0x168: {  	v14, _, _ =	vpop (xrf0)  }
0x169: {  	v13 =	vadd.s32 v14, v13;
	_ =	sdelay $0x1  }
0x16a: {  	(v2sf) =	vpush v14, $0xF  }
0x16b: {  	v15 =	vshra.s32 v11, $0x1F  }
0x16c: {  	v14 =	vand.u32 $0x7FFFFFFF, v15  }
0x16d: {  	v14 =	vxor.u32 v11, v14;
	[tilespmem:v13+s11+$0x0] =	vst.idx.msk vm1, v4  }
0x16e: {  	[tilespmem:v13+s12+$0x0] =	vst.idx.msk vm1, v14  }
0x16f: {  	v14 =	vld [tilespmem:$0x4E20]  }
0x170: {  	v13 =	vld [tilespmem:$0x4E1F]  }
0x171: {  	v15 =	vld [tilespmem:$0x4E21];
	_ =	sdelay $0x4  }
0x172: {  	vm1 =	vlt.f32 v13, v14;
	vm2 =	vlt.f32 v15, v14  }
0x173: {  	vm1 =	vmand vm1, vm2;
	vm2 =	vge.f32 v14, $1.000000010e-01  }
0x174: {  	vm1 =	vmand vm2, vm1  }
0x175: {  	v13 =	vsel vm1, $0x1, v3;
	s23 =	spop (v2sf)  }
0x176: {  	(xrf0) =	vadd.scan.msk.s32 $0xffff, v13;
	s21 =	sadd.s32 s21, s23  }
0x177: {  	s22 =	sadd.s32 $0x10, s21  }
0x178: {  	v13 =	vmov s22  }
0x179: {  	v13 =	vadd.s32 $0xFFFFFFFF, v13;
	_ =	sdelay $0x1  }
0x17a: {  	v16 =	vbroadcast v13, $0x0  }
0x17b: {  	v13, _, _ =	vpop (xrf0)  }
0x17c: {  	v16 =	vadd.s32 v13, v16;
	_ =	sdelay $0x2  }
0x17d: {  	v17 =	vshra.s32 v14, $0x1F  }
0x17e: {  	[tilespmem:$0x9C80] =	vst v1;
	v17 =	vand.u32 $0x7FFFFFFF, v17  }
0x17f: {  	v17 =	vxor.u32 v14, v17;
	[tilespmem:v16+s11+$0x0] =	vst.idx.msk vm1, v5  }
0x180: {  	[tilespmem:v16+s12+$0x0] =	vst.idx.msk vm1, v17  }
0x181: {  	s22 =	simm.s32 $0x20;
	[tilespmem:$0x9C90] =	vst v1  }
0x182: {  	v16 =	vld [tilespmem:s22+$0xFFFFFFF0]  }
0x183: {  	v17 =	vld [tilespmem:s22+$0xFFFFFFE0]  }
0x184: {  	v18 =	vld [tilespmem:s22+$0x10]  }
0x185: {  	v19 =	vld [tilespmem:s22+$0x0];
	_ =	sdelay $0x3  }
0x186: {  	v20 =	vshra.s32 v16, $0x1F;
	v21 =	vshra.s32 v17, $0x1F;
	v22 =	vshra.s32 v18, $0x1F  }
0x187: {  	v23 =	vshra.s32 v19, $0x1F;
	v20 =	vand.u32 $0x7FFFFFFF, v20;
	v21 =	vand.u32 $0x7FFFFFFF, v21  }
0x188: {  	v52 =	vand.u32 $0x7FFFFFFF, v22;
	v53 =	vand.u32 $0x7FFFFFFF, v23;
	v16 =	vxor.u32 v16, v20  }
0x189: {  	v17 =	vxor.u32 v17, v21;
	v19 =	vxor.u32 v19, v53;
	v18 =	vxor.u32 v18, v52  }
0x18a: {  	vm1 =	vlt.s32 v17, v16;
	vm2 =	vlt.s32 v19, v18  }
0x18b: {  	v54 =	vsel vm1, v16, v17;
	v55 =	vsel vm2, v18, v19  }
0x18c: {  	v56 =	vsel vm1, v17, v16;
	v57 =	vsel vm2, v19, v18;
	vm1 =	vgt.s32 v54, v55  }
0x18d: {  	vm2 =	vlt.s32 v56, v57;
	v20 =	vsel vm1, v54, v55  }
0x18e: {  	v58 =	vsel vm2, v56, v57;
	v20 =	vxor.u32 $0x80000000, v20  }
0x18f: {  	v21 =	vxor.u32 $0x80000000, v58;
	(xrf0) =	vmax.scan.msk.u32 $0xffff, v20  }
0x190: {  	(xrf0) =	vmin.scan.msk.u32 $0xffff, v21;
	_ =	sdelay $0x4  }
0x191: {  	v20, _, _ =	vpop (xrf0)  }
0x192: {  	(v2sf) =	vpush v20, $0xF;
	v59, _, _ =	vpop (xrf0)  }
0x193: {  	(v2sf) =	vpush v59, $0xF;
	_ =	sdelay $0x7  }
0x194: {  	s30 =	simm.s32 $0x0  }
0x195: {  	v60 =	vmov s30  }
0x196: {  	v20 =	vand.u32 $0xFFFFFFFE, v60  }
0x197: {  	v20 =	vbroadcast v20, $0x0;
	_ =	sdelay $0x1  }
0x198: {  	[tilespmem:s22+$0xFFFFFFF0] =	vst v16  }
0x199: {  	[tilespmem:s22+$0xFFFFFFE0] =	vst v17;
	s31 =	spop (v2sf)  }
0x19a: {  	[tilespmem:s22+$0x10] =	vst v18;
	s23 =	sxor.u32 $0x80000000, s31;
	s30 =	spop (v2sf)  }
0x19b: {  	[tilespmem:s22+$0x0] =	vst v19;
	v16 =	vmov s23;
	s30 =	sxor.u32 $0x80000000, s30  }
0x19c: {  	[tilespmem:v20+s13+$0x0] =	vst.idx.msk $0x1, v16;
	v16 =	vmov s30  }
0x19d: {  	[tilespmem:v20+s14+$0x0] =	vst.idx.msk $0x1, v16  }
0x19e: {  	v16 =	vld [tilespmem:s22+$0x20];
	_ =	sdelay $0x4  }
0x19f: {  	v17 =	vshra.s32 v16, $0x1F  }
0x1a0: {  	v17 =	vand.u32 $0x7FFFFFFF, v17  }
0x1a1: {  	s23 =	simm.s32 $0x40;
	v16 =	vxor.u32 v16, v17  }
0x1a2: {  	s31 =	sor.u32 $0x50, s23;
	[tilespmem:s22+$0x20] =	vst v16  }
0x1a3: {  	v17 =	vld [tilespmem:s31+$0x0];
	_ =	sdelay $0x4  }
0x1a4: {  	v18 =	vshra.s32 v17, $0x1F  }
0x1a5: {  	v18 =	vand.u32 $0x7FFFFFFF, v18  }
0x1a6: {  	v17 =	vxor.u32 v17, v18  }
0x1a7: {  	[tilespmem:s31+$0x0] =	vst v17;
	s31 =	sor.u32 $0x60, s23  }
0x1a8: {  	v18 =	vld [tilespmem:s31+$0x0];
	_ =	sdelay $0x4  }
0x1a9: {  	v19 =	vshra.s32 v18, $0x1F  }
0x1aa: {  	v19 =	vand.u32 $0x7FFFFFFF, v19  }
0x1ab: {  	v18 =	vxor.u32 v18, v19  }
0x1ac: {  	s30 =	sor.u32 $0x70, s23;
	[tilespmem:s31+$0x0] =	vst v18  }
0x1ad: {  	v19 =	vld [tilespmem:s30+$0x0];
	_ =	sdelay $0x4  }
0x1ae: {  	v61 =	vshra.s32 v19, $0x1F  }
0x1af: {  	v20 =	vand.u32 $0x7FFFFFFF, v61  }
0x1b0: {  	v19 =	vxor.u32 v19, v20  }
0x1b1: {  	vm1 =	vlt.s32 v16, v17;
	vm2 =	vlt.s32 v18, v19  }
0x1b2: {  	v62 =	vsel vm1, v17, v16;
	v63 =	vsel vm2, v19, v18  }
0x1b3: {  	v16 =	vsel vm1, v16, v17;
	v17 =	vsel vm2, v18, v19;
	vm1 =	vgt.s32 v62, v63  }
0x1b4: {  	vm2 =	vlt.s32 v16, v17;
	v18 =	vsel vm1, v62, v63  }
0x1b5: {  	v16 =	vsel vm2, v16, v17;
	v17 =	vxor.u32 $0x80000000, v18  }
0x1b6: {  	v16 =	vxor.u32 $0x80000000, v16;
	(xrf0) =	vmax.scan.msk.u32 $0xffff, v17  }
0x1b7: {  	(xrf0) =	vmin.scan.msk.u32 $0xffff, v16;
	_ =	sdelay $0x4  }
0x1b8: {  	v16, _, _ =	vpop (xrf0)  }
0x1b9: {  	(v2sf) =	vpush v16, $0xF;
	v16, _, _ =	vpop (xrf0)  }
0x1ba: {  	(v2sf) =	vpush v16, $0xF;
	_ =	sdelay $0x6  }
0x1bb: {  	p3 =	sgt.f32 s19, $0.0e+00;
	_ =	sdelay $0x1  }
0x1bc: {  	p1 =	por p3, p1;
	p3 =	sgt.f32 s24, $0.0e+00  }
0x1bd: {  	s19 =	simm.s32 $0x1;
	p5 =	sgt.f32 s25, $0.0e+00;
	p4 =	sgt.f32 s26, $0.0e+00  }
0x1be: {  	p1 =	por p1, p2;
	s26 =	simm.s32 $0x1;
	p6 =	sgt.f32 s28, $0.0e+00  }
0x1bf: {  	p1 =	por p1, p3;
	p4 =	por p5, p4;
	p5 =	sgt.f32 s29, $0.0e+00;
	v16 =	vmov s26  }
0x1c0: {  	s24 =	simm.s32 $0x1;
	s19 =	simm.s32 @!p1 $0x0;
	p2 =	por p4, p6  }
0x1c1: {  	s19 =	sor.u32 s19, s20;
	p1 =	por p2, p5;
	s25 =	spop (v2sf)  }
0x1c2: {  	s24 =	simm.s32 @!p1 $0x0;
	s29 =	sxor.u32 $0x80000000, s25;
	s31 =	spop (v2sf)  }
0x1c3: {  	s20 =	simm.s32 $0x2;
	s19 =	sor.u32 s24, s19;
	[tilespmem:s30+$0x0] =	vst v19;
	v17 =	vmov s29;
	s24 =	sxor.u32 $0x80000000, s31  }
.LBB2_9:
0x1c4: {  	p1 =	slt.u32 s20, $0x136;
	[tilespmem:v16+s13+$0x0] =	vst.idx.msk $0x1, v17;
	v17 =	vmov s24;
	s23 =	sadd.s32 $0x80, s23;
	s22 =	sadd.s32 $0x80, s22  }
0x1c5: {  	s24 =	smov.u32 s20;
	s20 =	sadd.s32 $0x2, s20;
	[tilespmem:v16+s14+$0x0] =	vst.idx.msk $0x1, v17  }
0x1c6: {  	v16 =	vld [tilespmem:s22+$0xFFFFFFF0]  }
0x1c7: {  	v17 =	vld [tilespmem:s22+$0xFFFFFFE0]  }
0x1c8: {  	v18 =	vld [tilespmem:s22+$0x10]  }
0x1c9: {  	v19 =	vld [tilespmem:s22+$0x0];
	_ =	sdelay $0x1  }
0x1ca: {  	v20 =	vshra.s32 v16, $0x1F  }
0x1cb: {  	v21 =	vshra.s32 v17, $0x1F;
	v20 =	vand.u32 $0x7FFFFFFF, v20  }
0x1cc: {  	v21 =	vand.u32 $0x7FFFFFFF, v21;
	v16 =	vxor.u32 v16, v20;
	v20 =	vshra.s32 v18, $0x1F  }
0x1cd: {  	v17 =	vxor.u32 v17, v21;
	v21 =	vshra.s32 v19, $0x1F;
	v20 =	vand.u32 $0x7FFFFFFF, v20  }
0x1ce: {  	v21 =	vand.u32 $0x7FFFFFFF, v21;
	vm1 =	vlt.s32 v17, v16  }
0x1cf: {  	v18 =	vxor.u32 v18, v20;
	v19 =	vxor.u32 v19, v21;
	v20 =	vsel vm1, v16, v17  }
0x1d0: {  	v21 =	vsel vm1, v17, v16;
	vm2 =	vlt.s32 v19, v18  }
0x1d1: {  	v22 =	vsel vm2, v18, v19;
	v23 =	vsel vm2, v19, v18  }
0x1d2: {  	vm1 =	vgt.s32 v20, v22;
	vm2 =	vlt.s32 v21, v23  }
0x1d3: {  	v20 =	vsel vm1, v20, v22;
	v21 =	vsel vm2, v21, v23  }
0x1d4: {  	v20 =	vxor.u32 $0x80000000, v20;
	v21 =	vxor.u32 $0x80000000, v21  }
0x1d5: {  	(xrf0) =	vmax.scan.msk.u32 $0xffff, v20  }
0x1d6: {  	(xrf0) =	vmin.scan.msk.u32 $0xffff, v21;
	_ =	sdelay $0x4  }
0x1d7: {  	v20, _, _ =	vpop (xrf0)  }
0x1d8: {  	(v2sf) =	vpush v20, $0xF;
	v20, _, _ =	vpop (xrf0)  }
0x1d9: {  	(v2sf) =	vpush v20, $0xF;
	_ =	sdelay $0x8  }
0x1da: {  	v20 =	vmov s24  }
0x1db: {  	v20 =	vand.u32 $0xFFFFFFFE, v20  }
0x1dc: {  	v20 =	vbroadcast v20, $0x0;
	_ =	sdelay $0x1  }
0x1dd: {  	[tilespmem:s22+$0xFFFFFFF0] =	vst v16  }
0x1de: {  	[tilespmem:s22+$0xFFFFFFE0] =	vst v17;
	s25 =	spop (v2sf)  }
0x1df: {  	[tilespmem:s22+$0x10] =	vst v18;
	s25 =	sxor.u32 $0x80000000, s25;
	s26 =	spop (v2sf)  }
0x1e0: {  	[tilespmem:s22+$0x0] =	vst v19;
	v16 =	vmov s25;
	s25 =	sxor.u32 $0x80000000, s26  }
0x1e1: {  	[tilespmem:v20+s13+$0x0] =	vst.idx.msk $0x1, v16;
	v16 =	vmov s25  }
0x1e2: {  	[tilespmem:v20+s14+$0x0] =	vst.idx.msk $0x1, v16  }
0x1e3: {  	v16 =	vld [tilespmem:s22+$0x20];
	_ =	sdelay $0x4  }
0x1e4: {  	v17 =	vshra.s32 v16, $0x1F  }
0x1e5: {  	v17 =	vand.u32 $0x7FFFFFFF, v17  }
0x1e6: {  	v16 =	vxor.u32 v16, v17  }
0x1e7: {  	s25 =	sor.u32 $0x50, s23;
	[tilespmem:s22+$0x20] =	vst v16  }
0x1e8: {  	v17 =	vld [tilespmem:s25+$0x0];
	_ =	sdelay $0x4  }
0x1e9: {  	v18 =	vshra.s32 v17, $0x1F  }
0x1ea: {  	v18 =	vand.u32 $0x7FFFFFFF, v18  }
0x1eb: {  	v17 =	vxor.u32 v17, v18  }
0x1ec: {  	[tilespmem:s25+$0x0] =	vst v17;
	s25 =	sor.u32 $0x60, s23;
	vm1 =	vlt.s32 v16, v17  }
0x1ed: {  	v18 =	vld [tilespmem:s25+$0x0];
	v19 =	vsel vm1, v17, v16;
	v16 =	vsel vm1, v16, v17;
	_ =	sdelay $0x4  }
0x1ee: {  	v17 =	vshra.s32 v18, $0x1F  }
0x1ef: {  	v17 =	vand.u32 $0x7FFFFFFF, v17  }
0x1f0: {  	v17 =	vxor.u32 v18, v17  }
0x1f1: {  	[tilespmem:s25+$0x0] =	vst v17;
	s25 =	sor.u32 $0x70, s23  }
0x1f2: {  	v18 =	vld [tilespmem:s25+$0x0];
	_ =	sdelay $0x4  }
0x1f3: {  	v20 =	vshra.s32 v18, $0x1F  }
0x1f4: {  	v20 =	vand.u32 $0x7FFFFFFF, v20  }
0x1f5: {  	v18 =	vxor.u32 v18, v20  }
0x1f6: {  	[tilespmem:s25+$0x0] =	vst v18;
	vm1 =	vlt.s32 v17, v18  }
0x1f7: {  	v20 =	vsel vm1, v18, v17;
	v17 =	vsel vm1, v17, v18  }
0x1f8: {  	vm1 =	vgt.s32 v19, v20;
	vm2 =	vlt.s32 v16, v17  }
0x1f9: {  	v18 =	vsel vm1, v19, v20;
	v16 =	vsel vm2, v16, v17  }
0x1fa: {  	v17 =	vxor.u32 $0x80000000, v18;
	v16 =	vxor.u32 $0x80000000, v16  }
0x1fb: {  	(xrf0) =	vmax.scan.msk.u32 $0xffff, v17  }
0x1fc: {  	(xrf0) =	vmin.scan.msk.u32 $0xffff, v16;
	_ =	sdelay $0x4  }
0x1fd: {  	v16, _, _ =	vpop (xrf0)  }
0x1fe: {  	(v2sf) =	vpush v16, $0xF;
	v16, _, _ =	vpop (xrf0)  }
0x1ff: {  	(v2sf) =	vpush v16, $0xF;
	_ =	sdelay $0xa  }
0x200: {  	s24 =	sadd.s32 $0x1, s24  }
.Ltmp7:
0x201: {  	v16 =	vmov s24;
	(pc) =	sbr.rel @p1 .LBB2_9-.Ltmp7, $4  }
0x202: {  	_ = 	snop  }
0x203: {  	s24 =	spop (v2sf)  }
0x204: {  	s24 =	sxor.u32 $0x80000000, s24;
	s25 =	spop (v2sf)  }
0x205: {  	v17 =	vmov s24;
	s24 =	sxor.u32 $0x80000000, s25  }
0x206: {  	_ =	sdelay $0x3  }
0x207: {  	[tilespmem:v16+s13+$0x0] =	vst.idx.msk $0x1, v17;
	v51 =	vmov s24  }
0x208: {  	[tilespmem:v16+s14+$0x0] =	vst.idx.msk $0x1, v51  }
0x209: {  	v16 =	vld [tilespmem:$0x4E00]  }
0x20a: {  	v17 =	vld [tilespmem:$0x4E10]  }
0x20b: {  	v18 =	vld [tilespmem:$0x4E20]  }
0x20c: {  	v19 =	vld [tilespmem:$0x4E30]  }
0x20d: {  	vm1 =	veq.f32 v12, v11  }
0x20e: {  	v56 =	vsel vm1, $0x3F800000, v1;
	vm1 =	veq.f32 v15, v14  }
0x20f: {  	v14 =	vsel vm1, $0x3F800000, v1  }
0x210: {  	v20 =	vshra.s32 v16, $0x1F;
	v52 =	vshra.s32 v17, $0x1F;
	v53 =	vshra.s32 v18, $0x1F  }
0x211: {  	(xrf0) =	vmax.scan.msk.f32 $0xffff, v56;
	v54 =	vshra.s32 v19, $0x1F;
	v20 =	vand.u32 $0x7FFFFFFF, v20;
	v12 =	vand.u32 $0x7FFFFFFF, v52  }
0x212: {  	(xrf0) =	vmax.scan.msk.f32 $0xffff, v14;
	v55 =	vand.u32 $0x7FFFFFFF, v54;
	v11 =	vxor.u32 v16, v20;
	v16 =	vand.u32 $0x7FFFFFFF, v53  }
0x213: {  	v12 =	vxor.u32 v17, v12;
	v17 =	vxor.u32 v19, v55;
	v16 =	vxor.u32 v18, v16  }
0x214: {  	vm2 =	vlt.s32 v11, v12;
	vm3 =	vlt.s32 v16, v17  }
0x215: {  	v57 =	vsel vm2, v12, v11;
	v58 =	vsel vm3, v17, v16  }
0x216: {  	v59 =	vsel vm2, v11, v12;
	v19 =	vsel vm3, v16, v17;
	vm1 =	vgt.s32 v57, v58  }
0x217: {  	v60, _, _ =	vpop (xrf0);
	v15 =	vsel vm1, v57, v58;
	vm1 =	vlt.s32 v59, v19  }
0x218: {  	v61, _, _ =	vpop (xrf0);
	(v2sf) =	vpush v60, $0xF;
	v14 =	vsel vm1, v59, v19;
	v15 =	vxor.u32 $0x80000000, v15  }
0x219: {  	(v2sf) =	vpush v61, $0xF;
	(xrf0) =	vmax.scan.msk.u32 $0xffff, v15;
	v14 =	vxor.u32 $0x80000000, v14  }
0x21a: {  	(xrf0) =	vmin.scan.msk.u32 $0xffff, v14;
	_ =	sdelay $0x4  }
0x21b: {  	(v2sf) =	vpush v13, $0xF;
	v62, _, _ =	vpop (xrf0)  }
0x21c: {  	(v2sf) =	vpush v62, $0xF;
	v63, _, _ =	vpop (xrf0)  }
0x21d: {  	(v2sf) =	vpush v63, $0xF;
	_ =	sdelay $0x5  }
0x21e: {  	s20 =	spop (v2sf)  }
0x21f: {  	s22 =	spop (v2sf)  }
0x220: {  	p1 =	sgt.f32 s20, $0.0e+00;
	p2 =	sgt.f32 s22, $0.0e+00  }
0x221: {  	_ = 	snop  }
0x222: {  	s23 =	simm.s32 $0x1;
	p1 =	por p1, p2  }
0x223: {  	s23 =	simm.s32 @!p1 $0x0  }
0x224: {  	s19 =	sor.u32 s23, s19  }
0x225: {  	[tilespmem:$0x4E00] =	vst v11;
	s20 =	spop (v2sf);
	p1 =	seq.s32 s19, $0x0  }
.Ltmp8:
0x226: {  	[tilespmem:$0x4E10] =	vst v12;
	s29 =	spop (v2sf);
	(pc) =	sbr.rel @p1 .LBB2_11-.Ltmp8, $4  }
0x227: {  	[tilespmem:$0x4E30] =	vst v17;
	s22 =	sxor.u32 $0x80000000, s29;
	s30 =	spop (v2sf)  }
0x228: {  	[tilespmem:$0x4E20] =	vst v16;
	v11 =	vmov s22;
	s31 =	sxor.u32 $0x80000000, s30  }
0x229: {  	[tilespmem:v6+s13+$0x0] =	vst.idx.msk $0x1, v11;
	v11 =	vmov s31  }
0x22a: {  	[tilespmem:v6+s14+$0x0] =	vst.idx.msk $0x1, v11  }
.Ltmp9:
0x22b: {  	(pc) =	sbr.rel .LBB2_13-.Ltmp9, $2  }
0x22c: {  	_ =	sdelay $0x2  }
0x22d: {  	s19 =	simm.s32 $0x1;
	s20 =	simm.s32 $0x0  }
.LBB2_17:
0x22e: {  	s19 =	sadd.s32 $0x1, s19  }
0x22f: {  	p1 =	slt.s32 s19, $0x4E1F  }
.Ltmp10:
0x230: {  	_ = 	snop;
	(pc) =	sbr.rel @!p1 .LBB2_18-.Ltmp10, $1  }
0x231: {  	_ =	sdelay $0x3  }
.LBB2_13:
0x232: {  	v11 =	vld [tilespmem:s19+$0x10]  }
0x233: {  	v12 =	vld [tilespmem:s19+$0xF];
	_ =	sdelay $0x3  }
0x234: {  	(v2sf) =	vpush v11, $0x0  }
0x235: {  	(v2sf) =	vpush v12, $0x0;
	_ =	sdelay $0xd  }
0x236: {  	s22 =	spop (v2sf)  }
0x237: {  	s21 =	spop (v2sf)  }
0x238: {  	p1 =	sge.s32 s21, s22  }
.Ltmp11:
0x239: {  	_ = 	snop;
	(pc) =	sbr.rel @p1 .LBB2_17-.Ltmp11, $1  }
0x23a: {  	_ =	sdelay $0x3  }
0x23b: {  	s21 =	sadd.s32 $0x1, s19  }
.LBB2_15:
0x23c: {  	v12 =	vld [tilespmem:s21+$0x10];
	_ =	sdelay $0x4  }
0x23d: {  	(v2sf) =	vpush v12, $0x0;
	_ =	sdelay $0xe  }
0x23e: {  	s23 =	spop (v2sf)  }
0x23f: {  	p1 =	slt.s32 s21, $0x4E1F;
	p2 =	seq.s32 s23, s22  }
0x240: {  	p1 =	por !p1, !p2  }
0x241: {  	p1 =	por !p1, !p1  }
.Ltmp12:
0x242: {  	_ = 	snop;
	(pc) =	sbr.rel @p1 .LBB2_15-.Ltmp12, $4  }
0x243: {  	_ = 	snop  }
0x244: {  	s23 =	simm.s32 $0x1  }
0x245: {  	s23 =	simm.s32 @!p1 $0x0  }
0x246: {  	s21 =	sadd.s32 s23, s21  }
0x247: {  	v12 =	vld [tilespmem:s21+$0x10];
	_ =	sdelay $0x4  }
0x248: {  	(v2sf) =	vpush v12, $0x0;
	_ =	sdelay $0xe  }
0x249: {  	s23 =	spop (v2sf)  }
0x24a: {  	p2 =	sgt.s32 s22, $0x3DCCCCCC;
	p1 =	slt.s32 s23, s22  }
0x24b: {  	p2 =	por !p2, !p1  }
0x24c: {  	p2 =	por !p2, !p2  }
0x24d: {  	s22 =	sadd.s32 @p2 $0x10, s20  }
0x24e: {  	v12 =	vmov @p2 s22  }
0x24f: {  	s22 =	sadd.s32 @p2 s21, s19  }
.Ltmp13:
0x250: {  	s22 =	sadd.s32 @p2 $0xFFFFFFFF, s22;
	(pc) =	sbr.rel .LBB2_17-.Ltmp13, $4  }
0x251: {  	s22 =	sshra.s32 @p2 s22, $0x1  }
0x252: {  	s23 =	simm.s32 $0x1;
	v11 =	vbroadcast @p2 v11, $0x0;
	v13 =	vmov @p2 s22;
	s22 =	simm.s32 @p2 $0x9D00  }
0x253: {  	s23 =	simm.s32 @!p2 $0x0;
	[tilespmem:v12+s22+$0x0] =	vst.idx.msk @p2 $0x1, v13;
	s22 =	simm.s32 @p2 $0xC480  }
0x254: {  	s19 =	smov.u32 @p1 s21;
	s20 =	sadd.s32 s23, s20;
	[tilespmem:v12+s22+$0x0] =	vst.idx.msk @p2 $0x1, v11  }
.LBB2_11:
0x255: {  	s20 =	sadd.s32 s21, s20  }
.LBB2_18:
0x256: {  	s19 =	sadd.s32 $0xF, s20  }
0x257: {  	s19 =	sshra.s32 s19, $0x4  }
0x258: {  	p1 =	slt.s32 s19, $0x1  }
.Ltmp14:
0x259: {  	_ = 	snop;
	(pc) =	sbr.rel @p1 .LBB2_21-.Ltmp14, $3  }
0x25a: {  	_ =	sdelay $0x1  }
0x25b: {  	[tilespmem:$0x9D00] =	vst v7  }
0x25c: {  	[tilespmem:$0xEC00] =	vst v8;
	s21 =	simm.s32 $0xEC10  }
0x25d: {  	p2 =	sne.s32 s19, $0x1  }
.Ltmp15:
0x25e: {  	_ = 	snop;
	(pc) =	sbr.rel @!p2 .LBB2_21-.Ltmp15, $2  }
0x25f: {  	_ =	sdelay $0x2  }
0x260: {  	s22 =	sadd.s32 $0xFFFFFFFF, s19;
	[tilespmem:s21+$0x0] =	vst v3  }
.LBB2_20:
0x261: {  	p2 =	sne.s32 s22, $0x1  }
.Ltmp16:
0x262: {  	_ = 	snop;
	(pc) =	sbr.rel @p2 .LBB2_20-.Ltmp16, $3  }
0x263: {  	_ =	sdelay $0x1  }
0x264: {  	s22 =	sadd.s32 $0xFFFFFFFF, s22;
	s21 =	sadd.s32 $0x10, s21  }
0x265: {  	[tilespmem:s21+$0x0] =	vst v3  }
.LBB2_21:
.Ltmp17:
0x266: {  	(pc) =	sbr.rel .LBB2_23-.Ltmp17, $4  }
0x267: {  	[tilespmem:s20+$0x9D10] =	vst v9  }
0x268: {  	[tilespmem:s20+$0xEC10] =	vst v8  }
0x269: {  	[tilespmem:s20+$0x9D20] =	vst v9  }
0x26a: {  	[tilespmem:s20+$0xEC20] =	vst v8  }
.LBB2_22:
0x26b: {  	p2 =	seq.s32 s20, $0x0  }
.Ltmp18:
0x26c: {  	_ = 	snop;
	(pc) =	sbr.rel @p2 .LBB2_28-.Ltmp18, $3  }
0x26d: {  	_ =	sdelay $0x1  }
0x26e: {  	s20 =	simm.s32 $0x0  }
0x26f: {  	s23 =	simm.s32 $0xEC10;
	s22 =	simm.s32 $0x9D10;
	s21 =	simm.s32 $0xC490  }
.LBB2_23:
.Ltmp19:
0x270: {  	(pc) =	sbr.rel @p1 .LBB2_55-.Ltmp19, $1  }
0x271: {  	_ =	sdelay $0x3  }
.Ltmp20:
0x272: {  	(pc) =	sbr.rel .LBB2_25-.Ltmp20, $3  }
0x273: {  	_ =	sdelay $0x1  }
0x274: {  	s20 =	simm.s32 $0x0;
	s21 =	simm.s32 $0xEC14  }
0x275: {  	s22 =	simm.s32 $0xC494;
	s23 =	simm.s32 $0x9D14;
	s24 =	smov.u32 s19  }
.LBB2_27:
0x276: {  	s24 =	sadd.s32 $0xFFFFFFFF, s24  }
0x277: {  	p2 =	seq.s32 s24, $0x0  }
.Ltmp21:
0x278: {  	_ = 	snop;
	(pc) =	sbr.rel @p2 .LBB2_22-.Ltmp21, $2  }
0x279: {  	_ =	sdelay $0x2  }
0x27a: {  	s21 =	sadd.s32 $0x10, s21;
	s22 =	sadd.s32 $0x10, s22;
	s23 =	sadd.s32 $0x10, s23  }
.LBB2_25:
0x27b: {  	v11 =	vld [tilespmem:s21+$0xFFFFFFFC];
	_ =	sdelay $0x4  }
0x27c: {  	vm1 =	veq.s32 v11, $0x0  }
0x27d: {  	v12 =	vsel vm1, $0x3F800000, v1  }
0x27e: {  	(xrf0) =	vmax.scan.msk.f32 $0xffff, v12;
	_ =	sdelay $0x5  }
0x27f: {  	v12, _, _ =	vpop (xrf0)  }
0x280: {  	(v2sf) =	vpush v12, $0xF;
	_ =	sdelay $0xe  }
0x281: {  	s25 =	spop (v2sf)  }
0x282: {  	p2 =	sgt.f32 s25, $0.0e+00  }
.Ltmp22:
0x283: {  	_ = 	snop;
	(pc) =	sbr.rel @!p2 .LBB2_27-.Ltmp22, $1  }
0x284: {  	_ =	sdelay $0x3  }
0x285: {  	v12 =	vld [tilespmem:s23+$0xFFFFFFFC]  }
0x286: {  	v13 =	vld [tilespmem:s22+$0xFFFFFFFC]  }
0x287: {  	v14 =	vld [tilespmem:s23+$0xFFFFFFFB]  }
0x288: {  	v15 =	vld [tilespmem:s22+$0xFFFFFFFB]  }
0x289: {  	v16 =	vld [tilespmem:s21+$0xFFFFFFFB]  }
0x28a: {  	v17 =	vld [tilespmem:s23+$0xFFFFFFFD]  }
0x28b: {  	v18 =	vld [tilespmem:s22+$0xFFFFFFFD]  }
0x28c: {  	v19 =	vld [tilespmem:s21+$0xFFFFFFFD]  }
0x28d: {  	v20 =	vld [tilespmem:s23+$0xFFFFFFFA]  }
0x28e: {  	v21 =	vld [tilespmem:s22+$0xFFFFFFFA]  }
0x28f: {  	v44 =	vld [tilespmem:s21+$0xFFFFFFFA]  }
0x290: {  	v48 =	vld [tilespmem:s21+$0xFFFFFFFE]  }
0x291: {  	v50 =	vld [tilespmem:s23+$0xFFFFFFF9]  }
0x292: {  	v53 =	vld [tilespmem:s23+$0xFFFFFFFF]  }
0x293: {  	v56 =	vld [tilespmem:s23+$0xFFFFFFF8]  }
0x294: {  	v14 =	vsub.s32 v12, v14;
	vm2 =	vne.s32 v16, $0x2;
	vm3 =	vgt.s32 v15, v13  }
0x295: {  	v45 =	vld [tilespmem:s23+$0xFFFFFFFE];
	v46 =	vsub.s32 v17, v12;
	vm5 =	vne.s32 v19, $0x2;
	vm6 =	vge.s32 v18, v13  }
0x296: {  	v59 =	vld [tilespmem:s23+$0x0];
	vm14 =	veq.s32 v19, $0x1;
	v49 =	vsub.s32 v12, v20;
	vm15 =	vne.s32 v44, $0x2  }
0x297: {  	vm8 =	vgt.s32 v21, v13;
	vm11 =	veq.s32 v48, $0x1;
	v19 =	vsub.s32 v12, v50  }
0x298: {  	v47 =	vld [tilespmem:s22+$0xFFFFFFFE];
	v17 =	vsub.s32 v53, v12;
	v62 =	vsub.s32 v12, v56;
	vm4 =	vlt.s32 v14, $0xA  }
0x299: {  	vm2 =	vmand vm3, vm2;
	vm3 =	veq.s32 v16, $0x1;
	vm7 =	vlt.s32 v46, $0xA  }
0x29a: {  	v52 =	vld [tilespmem:s21+$0xFFFFFFF9];
	vm5 =	vmand vm6, vm5;
	vm6 =	vmand vm8, vm15;
	v14 =	vsub.s32 v45, v12  }
0x29b: {  	v55 =	vld [tilespmem:s21+$0xFFFFFFFF];
	vm15 =	veq.s32 v44, $0x1;
	v12 =	vsub.s32 v59, v12;
	vm2 =	vmand vm4, vm2  }
0x29c: {  	vm3 =	vmand vm4, vm3;
	vm13 =	vmand vm7, vm5;
	vm5 =	vmand vm7, vm14  }
0x29d: {  	v51 =	vld [tilespmem:s22+$0xFFFFFFF9];
	vm7 =	vlt.s32 v49, $0xA;
	vm14 =	vge.s32 v47, v13;
	vm9 =	vlt.s32 v14, $0xA  }
0x29e: {  	vm2 =	vmor vm2, vm13;
	vm3 =	vmor vm3, vm5;
	vm12 =	vmand vm7, vm6  }
0x29f: {  	v57 =	vld [tilespmem:s22+$0xFFFFFFF8];
	vm13 =	vne.s32 v48, $0x2;
	vm10 =	vmand vm7, vm15;
	vm4 =	vmand vm9, vm11  }
0x2a0: {  	v54 =	vld [tilespmem:s22+$0xFFFFFFFF];
	vm15 =	veq.s32 v52, $0x1;
	vm11 =	vne.s32 v55, $0x2;
	vm5 =	vmand vm14, vm13  }
0x2a1: {  	v60 =	vld [tilespmem:s22+$0x0];
	vm2 =	vmor vm2, vm12;
	vm3 =	vmor vm3, vm10;
	vm12 =	vne.s32 v52, $0x2  }
0x2a2: {  	v61 =	vld [tilespmem:s21+$0x0];
	vm13 =	vgt.s32 v51, v13;
	vm14 =	vlt.s32 v19, $0xA;
	vm5 =	vmand vm9, vm5  }
0x2a3: {  	v58 =	vld [tilespmem:s21+$0xFFFFFFF8];
	vm3 =	vmor vm3, vm4;
	vm9 =	vlt.s32 v17, $0xA;
	vm10 =	vmand vm14, vm15  }
0x2a4: {  	vm15 =	vgt.s32 v57, v13;
	vm2 =	vmor vm2, vm5;
	vm5 =	vmand vm13, vm12  }
0x2a5: {  	vm12 =	vge.s32 v54, v13;
	vm13 =	veq.s32 v55, $0x1;
	vm3 =	vmor vm3, vm10  }
0x2a6: {  	vm10 =	vge.s32 v60, v13;
	vm5 =	vmand vm14, vm5;
	vm6 =	vmand vm12, vm11  }
0x2a7: {  	vm14 =	vlt.s32 v62, $0xA;
	vm4 =	vmand vm9, vm13;
	vm11 =	vne.s32 v61, $0x2  }
0x2a8: {  	vm12 =	vlt.s32 v12, $0xA;
	vm6 =	vmand vm9, vm6;
	vm9 =	vne.s32 v58, $0x2  }
0x2a9: {  	vm2 =	vmor vm2, vm5;
	vm3 =	vmor vm3, vm4;
	vm4 =	vmand vm15, vm9  }
0x2aa: {  	vm2 =	vmor vm2, vm6;
	vm6 =	vmand vm10, vm11;
	vm4 =	vmand vm14, vm4  }
0x2ab: {  	vm13 =	veq.s32 v58, $0x1;
	vm6 =	vmand vm12, vm6;
	vm2 =	vmor vm2, vm4  }
0x2ac: {  	vm4 =	vmand vm14, vm13;
	vm14 =	veq.s32 v61, $0x1;
	vm2 =	vmor vm2, vm6  }
0x2ad: {  	vm3 =	vmor vm3, vm4;
	vm15 =	vmand vm12, vm14;
	vm2 =	vmneg vm2  }
0x2ae: {  	vm3 =	vmor vm3, vm15;
	vm2 =	vmand vm1, vm2  }
0x2af: {  	vm1 =	vmand vm1, vm3;
	v63 =	vsel vm2, $0x1, v11  }
0x2b0: {  	v12 =	vsel vm1, $0x2, v63  }
0x2b1: {  	vm1 =	veq.s32 v12, v11  }
0x2b2: {  	v11 =	vsel vm1, $0x0, v10  }
0x2b3: {  	(xrf0) =	vmax.scan.msk.f32 $0xffff, v11;
	_ =	sdelay $0x5  }
0x2b4: {  	v11, _, _ =	vpop (xrf0)  }
0x2b5: {  	(v2sf) =	vpush v11, $0xF;
	_ =	sdelay $0xe  }
.Ltmp23:
0x2b6: {  	s25 =	spop (v2sf);
	(pc) =	sbr.rel .LBB2_27-.Ltmp23, $4  }
0x2b7: {  	p2 =	sgt.f32 s25, $0.0e+00  }
0x2b8: {  	s25 =	simm.s32 $0x1  }
0x2b9: {  	s25 =	simm.s32 @!p2 $0x0  }
0x2ba: {  	[tilespmem:s21+$0xFFFFFFFC] =	vst v12;
	s20 =	sor.u32 s25, s20  }
.LBB2_28:
0x2bb: {  	p2 =	sne.s32 s19, $0x1  }
.Ltmp24:
0x2bc: {  	_ = 	snop;
	(pc) =	sbr.rel @!p2 .LBB2_29-.Ltmp24, $2  }
0x2bd: {  	_ =	sdelay $0x2  }
0x2be: {  	v11 =	vld [tilespmem:s23+$0x0];
	s19 =	sadd.s32 $0xFFFFFFFF, s19;
	p1 =	por $0x0, $0x0  }
0x2bf: {  	_ =	sdelay $0x3  }
0x2c0: {  	vm1 =	veq.s32 v11, $0x1  }
0x2c1: {  	v11 =	vsel vm1, $0x1, v3  }
0x2c2: {  	(xrf0) =	vadd.scan.msk.s32 $0xffff, v11;
	_ =	sdelay $0x2  }
0x2c3: {  	v11 =	vmov s20  }
0x2c4: {  	v11 =	vadd.s32 $0xFFFFFFFF, v11  }
0x2c5: {  	v11 =	vbroadcast v11, $0x0  }
0x2c6: {  	v12, _, _ =	vpop (xrf0)  }
0x2c7: {  	v13 =	vld [tilespmem:s22+$0x0];
	v11 =	vadd.s32 v12, v11;
	(v2sf) =	vpush v12, $0xF;
	_ =	sdelay $0x4  }
0x2c8: {  	[tilespmem:v11+s15+$0x0] =	vst.idx.msk vm1, v13  }
0x2c9: {  	v13 =	vld [tilespmem:s21+$0x0]  }
0x2ca: {  	p2 =	sne.s32 s19, $0x1  }
.Ltmp25:
0x2cb: {  	_ = 	snop;
	(pc) =	sbr.rel @!p2 .LBB2_31-.Ltmp25, $3  }
0x2cc: {  	_ =	sdelay $0x1  }
0x2cd: {  	s24 =	sadd.s32 $0x10, s23;
	s25 =	sadd.s32 $0xFFFFFFFF, s19;
	s22 =	sadd.s32 $0x10, s22;
	[tilespmem:v11+s16+$0x0] =	vst.idx.msk vm1, v13  }
0x2ce: {  	p1 =	por $0x1, $0x1;
	s23 =	simm.s32 $0x0;
	s19 =	simm.s32 $0xC490;
	v11 =	vld [tilespmem:s24+$0x0]  }
.LBB2_32:
0x2cf: {  	p2 =	sne.s32 s25, $0x1;
	v12 =	vld [tilespmem:s22+$0x0];
	_ =	sdelay $0x1  }
0x2d0: {  	s26 =	spop (v2sf)  }
0x2d1: {  	s23 =	sadd.s32 s23, s26  }
0x2d2: {  	vm1 =	veq.s32 v11, $0x1;
	v11 =	vmov s23  }
0x2d3: {  	v13 =	vsel vm1, $0x1, v3;
	v11 =	vadd.s32 $0xFFFFFFFF, v11  }
0x2d4: {  	v11 =	vbroadcast v11, $0x0;
	(xrf0) =	vadd.scan.msk.s32 $0xffff, v13;
	_ =	sdelay $0x5  }
0x2d5: {  	v13, _, _ =	vpop (xrf0)  }
0x2d6: {  	v11 =	vadd.s32 v13, v11;
	(v2sf) =	vpush v13, $0xF;
	_ =	sdelay $0x4  }
0x2d7: {  	s19 =	sadd.s32 $0x10, s19;
	[tilespmem:v11+s15+$0x0] =	vst.idx.msk vm1, v12  }
0x2d8: {  	v12 =	vld [tilespmem:s19+$0x0];
	_ =	sdelay $0x1  }
.Ltmp26:
0x2d9: {  	(pc) =	sbr.rel @p2 .LBB2_32-.Ltmp26, $3  }
0x2da: {  	_ =	sdelay $0x1  }
0x2db: {  	s24 =	sadd.s32 $0x10, s24;
	[tilespmem:v11+s16+$0x0] =	vst.idx.msk vm1, v12  }
0x2dc: {  	s25 =	sadd.s32 $0xFFFFFFFF, s25;
	s22 =	sadd.s32 $0x10, s22;
	v11 =	vld [tilespmem:s24+$0x0]  }
.LBB2_33:
0x2dd: {  	_ =	sdelay $0x3  }
0x2de: {  	vm1 =	veq.s32 v11, $0x1  }
0x2df: {  	v11 =	vsel vm1, $0x1, v3  }
0x2e0: {  	(xrf0) =	vadd.scan.msk.s32 $0xffff, v11;
	_ =	sdelay $0x5  }
0x2e1: {  	v11, _, _ =	vpop (xrf0)  }
0x2e2: {  	(v2sf) =	vpush v11, $0xF;
	_ =	sdelay $0x5  }
0x2e3: {  	s24 =	spop @p1 (v2sf)  }
0x2e4: {  	s23 =	sadd.s32 @p1 s23, s24  }
0x2e5: {  	s20 =	smov.u32 @p1 s23  }
0x2e6: {  	v12 =	vmov s20  }
0x2e7: {  	v12 =	vadd.s32 $0xFFFFFFFF, v12  }
0x2e8: {  	v12 =	vbroadcast v12, $0x0;
	_ =	sdelay $0x1  }
0x2e9: {  	v13 =	vld [tilespmem:s22+$0x0];
	v11 =	vadd.s32 v11, v12;
	_ =	sdelay $0x1  }
0x2ea: {  	s31 =	spop (v2sf)  }
0x2eb: {  	s19 =	sadd.s32 @p1 $0x10, s19;
	s20 =	sadd.s32 s20, s31  }
0x2ec: {  	s21 =	smov.u32 @p1 s19;
	s19 =	sadd.s32 $0xF, s20  }
0x2ed: {  	[tilespmem:v11+s15+$0x0] =	vst.idx.msk vm1, v13;
	s19 =	sshra.s32 s19, $0x4  }
0x2ee: {  	v63 =	vld [tilespmem:s21+$0x0];
	p1 =	slt.s32 s19, $0x1  }
.Ltmp27:
0x2ef: {  	_ = 	snop;
	(pc) =	sbr.rel @p1 .LBB2_55-.Ltmp27, $2  }
0x2f0: {  	_ =	sdelay $0x2  }
0x2f1: {  	[tilespmem:v11+s16+$0x0] =	vst.idx.msk vm1, v63  }
.Ltmp28:
0x2f2: {  	(pc) =	sbr.rel .LBB2_35-.Ltmp28, $2  }
0x2f3: {  	_ =	sdelay $0x2  }
0x2f4: {  	v11 =	vmov s20;
	s20 =	simm.s32 $0x0  }
.LBB2_54:
0x2f5: {  	v16 =	vshra.s32 v15, $0x1F;
	v18 =	vshra.s32 v17, $0x1F  }
0x2f6: {  	v19 =	vshra.s32 v14, $0x1F;
	v16 =	vand.u32 $0x7FFFFFFF, v16;
	v18 =	vand.u32 $0x7FFFFFFF, v18  }
0x2f7: {  	v62 =	vand.u32 $0x7FFFFFFF, v19;
	v60 =	vxor.u32 v15, v16;
	v61 =	vxor.u32 v17, v18  }
0x2f8: {  	v63 =	vxor.u32 v14, v62;
	v15 =	vmax.f32 v60, v61  }
0x2f9: {  	v14 =	vsub.f32 v63, v15;
	_ =	sdelay $0x1  }
0x2fa: {  	vm1 =	vlt.s32 v12, v11;
	vm2 =	vge.f32 v14, $5.000000070e-02  }
0x2fb: {  	s20 =	sadd.s32 $0x1, s20;
	vm1 =	vmand vm1, vm2  }
0x2fc: {  	p1 =	sne.s32 s20, s19  }
.Ltmp29:
0x2fd: {  	_ = 	snop;
	(pc) =	sbr.rel @!p1 .LBB2_55-.Ltmp29, $2  }
0x2fe: {  	_ =	sdelay $0x2  }
0x2ff: {  	[tilespmem:v13+s9+$0x0] =	vst.idx.msk vm1, v10  }
.LBB2_35:
0x300: {  	s21 =	sshll.u32 s20, $0x4  }
0x301: {  	v12 =	vor.u32 s21, v2  }
0x302: {  	vm1 =	vlt.s32 v12, v11  }
0x303: {  	v13 =	vsel vm1, $0x3F800000, v1  }
0x304: {  	(xrf0) =	vmax.scan.msk.f32 $0xffff, v13;
	_ =	sdelay $0x5  }
0x305: {  	v13, _, _ =	vpop (xrf0)  }
0x306: {  	(v2sf) =	vpush v13, $0xF;
	_ =	sdelay $0xb  }
0x307: {  	v13 =	vld [tilespmem:s21+$0x11380];
	_ =	sdelay $0x2  }
0x308: {  	v14 =	vld [tilespmem:s21+$0x11B80];
	s21 =	spop (v2sf)  }
0x309: {  	p1 =	sgt.f32 s21, $0.0e+00  }
.Ltmp30:
0x30a: {  	v16 =	vadd.s32 $0x10, v13;
	(pc) =	sbr.rel @!p1 .LBB2_39-.Ltmp30, $3  }
0x30b: {  	_ =	sdelay $0x1  }
0x30c: {  	vm2 =	vmmov vm1  }
0x30d: {  	v15 =	vmov v14;
	v18 =	vmov v16;
	s22 =	smov.u32 s21  }
0x30e: {  	vm7 =	vmmov vm1  }
0x30f: {  	v18 =	vmov v16;
	_ =	sdelay $0x3  }
0x310: {  	v17 =	vand.u32 $0xFFFFFFC0, v16;
	vm5 =	vmmov vm0;
	v15 =	vmov v14  }
.LBB2_37:
0x311: {  	v19 =	vld.idx.msk [tilespmem:v18+s4+$0x0], vm7;
	_ =	sdelay $0x4  }
0x312: {  	vm2 =	vle.s32 v19, v14  }
0x313: {  	vm4 =	vgt.s32 v19, v14;
	vm3 =	vmand vm7, vm2  }
0x314: {  	vm2 =	vmand vm7, vm4;
	v20 =	vsel vm3, $0xFFFFFFFF, v3  }
0x315: {  	vm2 =	vmor vm5, vm2;
	v18 =	vadd.s32 v20, v18  }
0x316: {  	vm5 =	vmneg vm2;
	vm4 =	vge.s32 v18, v17  }
0x317: {  	vm4 =	vmand vm4, vm5  }
0x318: {  	vm5 =	vmand vm1, vm4;
	_ =	sdelay $0x5  }
0x319: {  	v20 =	vld.idx.msk [tilespmem:v18+s4+$0x0], vm5;
	_ =	sdelay $0x4  }
0x31a: {  	vm4 =	vle.s32 v20, v14  }
0x31b: {  	vm6 =	vgt.s32 v20, v14;
	vm4 =	vmand vm5, vm4  }
0x31c: {  	vm5 =	vmand vm6, vm5;
	v21 =	vsel vm4, $0xFFFFFFFF, v3  }
0x31d: {  	vm2 =	vmor vm2, vm5;
	v18 =	vadd.s32 v21, v18  }
0x31e: {  	vm6 =	vmneg vm2;
	vm5 =	vge.s32 v18, v17  }
0x31f: {  	vm5 =	vmand vm5, vm6  }
0x320: {  	vm5 =	vmand vm1, vm5;
	_ =	sdelay $0x5  }
0x321: {  	v21 =	vld.idx.msk [tilespmem:v18+s4+$0x0], vm5;
	_ =	sdelay $0x4  }
0x322: {  	vm6 =	vle.s32 v21, v14  }
0x323: {  	vm7 =	vgt.s32 v21, v14;
	vm6 =	vmand vm5, vm6  }
0x324: {  	vm5 =	vmand vm7, vm5;
	v22 =	vsel vm6, $0xFFFFFFFF, v3  }
0x325: {  	vm2 =	vmor vm2, vm5;
	v18 =	vadd.s32 v22, v18  }
0x326: {  	vm7 =	vmneg vm2;
	vm5 =	vge.s32 v18, v17  }
0x327: {  	vm5 =	vmand vm5, vm7  }
0x328: {  	vm5 =	vmand vm1, vm5;
	_ =	sdelay $0x5  }
0x329: {  	v22 =	vld.idx.msk [tilespmem:v18+s4+$0x0], vm5;
	_ =	sdelay $0x4  }
0x32a: {  	vm7 =	vgt.s32 v22, v14;
	vm8 =	vle.s32 v22, v14  }
0x32b: {  	vm8 =	vmand vm5, vm8;
	vm5 =	vmand vm7, vm5  }
0x32c: {  	vm5 =	vmor vm2, vm5;
	v23 =	vsel vm8, $0xFFFFFFFF, v3  }
0x32d: {  	v18 =	vadd.s32 v23, v18;
	vm2 =	vmneg vm5  }
0x32e: {  	vm7 =	vge.s32 v18, v17;
	vm2 =	vmand vm1, vm2  }
0x32f: {  	vm7 =	vmand vm7, vm2  }
0x330: {  	v63 =	vsel vm7, $0x3F800000, v1  }
0x331: {  	(xrf0) =	vmax.scan.msk.f32 $0xffff, v63;
	_ =	sdelay $0x5  }
0x332: {  	v23, _, _ =	vpop (xrf0)  }
0x333: {  	(v2sf) =	vpush v23, $0xF;
	_ =	sdelay $0x9  }
0x334: {  	vm9 =	vlt.s32 v15, v19  }
0x335: {  	v19 =	vsel vm9, v15, v19  }
0x336: {  	v15 =	vsel vm3, v19, v15  }
0x337: {  	vm3 =	vlt.s32 v15, v20  }
0x338: {  	v19 =	vsel vm3, v15, v20  }
0x339: {  	v15 =	vsel vm4, v19, v15;
	s22 =	spop (v2sf)  }
0x33a: {  	vm3 =	vlt.s32 v15, v21;
	p2 =	sgt.f32 s22, $0.0e+00  }
.Ltmp31:
0x33b: {  	v19 =	vsel vm3, v15, v21;
	(pc) =	sbr.rel @p2 .LBB2_37-.Ltmp31, $4  }
0x33c: {  	v15 =	vsel vm6, v19, v15  }
0x33d: {  	vm3 =	vlt.s32 v15, v22  }
0x33e: {  	v19 =	vsel vm3, v15, v22  }
0x33f: {  	v15 =	vsel vm8, v19, v15  }
0x340: {  	v17 =	vsel vm2, $0x3F800000, v1  }
0x341: {  	(xrf0) =	vmax.scan.msk.f32 $0xffff, v17;
	_ =	sdelay $0x5  }
0x342: {  	v17, _, _ =	vpop (xrf0)  }
0x343: {  	(v2sf) =	vpush v17, $0xF;
	_ =	sdelay $0xe  }
0x344: {  	s22 =	spop (v2sf)  }
.LBB2_39:
0x345: {  	p2 =	sgt.f32 s22, $0.0e+00  }
.Ltmp32:
0x346: {  	_ = 	snop;
	(pc) =	sbr.rel @!p2 .LBB2_44-.Ltmp32, $1  }
0x347: {  	_ =	sdelay $0x3  }
0x348: {  	vm3 =	vmmov vm2  }
0x349: {  	v17 =	vshra.s32 v18, $0x6;
	vm4 =	vmmov vm0  }
.LBB2_41:
0x34a: {  	_ =	sdelay $0x3  }
0x34b: {  	v18 =	vld.idx.msk [tilespmem:v17+s13+$0x0], vm3;
	_ =	sdelay $0x4  }
0x34c: {  	vm5 =	vgt.s32 v18, v14  }
0x34d: {  	vm5 =	vmand vm2, vm5  }
0x34e: {  	vm6 =	vle.s32 v18, v14;
	vm4 =	vmor vm4, vm5  }
0x34f: {  	vm5 =	vmand vm3, vm6;
	vm6 =	vmneg vm4  }
0x350: {  	v18 =	vsel vm5, $0xFFFFFFFF, v3;
	vm6 =	vmand vm2, vm6  }
0x351: {  	v18 =	vadd.s32 v18, v17;
	_ =	sdelay $0x4  }
0x352: {  	v19 =	vld.idx.msk [tilespmem:v18+s13+$0x0], vm6;
	_ =	sdelay $0x4  }
0x353: {  	vm7 =	vgt.s32 v19, v14  }
0x354: {  	vm7 =	vmand vm2, vm7  }
0x355: {  	vm4 =	vmor vm4, vm7  }
0x356: {  	v17 =	vld.idx.msk [tilespmem:v17+s14+$0x0], vm3;
	vm3 =	vmneg vm4  }
0x357: {  	vm3 =	vmand vm2, vm3  }
0x358: {  	v20 =	vsel vm3, $0x3F800000, v1  }
0x359: {  	(xrf0) =	vmax.scan.msk.f32 $0xffff, v20;
	_ =	sdelay $0x5  }
0x35a: {  	v20, _, _ =	vpop (xrf0)  }
0x35b: {  	(v2sf) =	vpush v20, $0xF;
	_ =	sdelay $0xd  }
0x35c: {  	v63 =	vld.idx.msk [tilespmem:v18+s14+$0x0], vm6  }
0x35d: {  	s22 =	spop (v2sf)  }
0x35e: {  	vm7 =	vlt.s32 v15, v17;
	p2 =	sgt.f32 s22, $0.0e+00  }
.Ltmp33:
0x35f: {  	v17 =	vsel vm7, v15, v17;
	(pc) =	sbr.rel @p2 .LBB2_41-.Ltmp33, $4  }
0x360: {  	v15 =	vsel vm5, v17, v15;
	vm5 =	vle.s32 v19, v14  }
0x361: {  	vm5 =	vmand vm5, vm6;
	vm6 =	vlt.s32 v15, v63  }
0x362: {  	v17 =	vsel vm6, v15, v63;
	v19 =	vsel vm5, $0xFFFFFFFF, v3  }
0x363: {  	v15 =	vsel vm5, v17, v15;
	v17 =	vadd.s32 v19, v18  }
0x364: {  	v17 =	vshll.u32 v17, $0x6  }
0x365: {  	v17 =	vor.u32 $0x3F, v17  }
.LBB2_43:
0x366: {  	_ =	sdelay $0x3  }
0x367: {  	v18 =	vld.idx.msk [tilespmem:v17+s4+$0x0], vm2;
	_ =	sdelay $0x4  }
0x368: {  	vm3 =	vle.s32 v18, v14  }
0x369: {  	vm3 =	vmand vm2, vm3  }
0x36a: {  	v19 =	vsel vm3, $0xFFFFFFFF, v3  }
0x36b: {  	v17 =	vadd.s32 v19, v17;
	_ =	sdelay $0x4  }
0x36c: {  	v19 =	vld.idx.msk [tilespmem:v17+s4+$0x0], vm3;
	_ =	sdelay $0x4  }
0x36d: {  	vm2 =	vle.s32 v19, v14  }
0x36e: {  	vm4 =	vmand vm3, vm2  }
0x36f: {  	v20 =	vsel vm4, $0xFFFFFFFF, v3  }
0x370: {  	v17 =	vadd.s32 v20, v17;
	_ =	sdelay $0x4  }
0x371: {  	v20 =	vld.idx.msk [tilespmem:v17+s4+$0x0], vm4;
	_ =	sdelay $0x4  }
0x372: {  	vm2 =	vle.s32 v20, v14  }
0x373: {  	vm5 =	vmand vm4, vm2  }
0x374: {  	v21 =	vsel vm5, $0xFFFFFFFF, v3  }
0x375: {  	v17 =	vadd.s32 v21, v17;
	_ =	sdelay $0x4  }
0x376: {  	v21 =	vld.idx.msk [tilespmem:v17+s4+$0x0], vm5;
	_ =	sdelay $0x4  }
0x377: {  	vm2 =	vle.s32 v21, v14  }
0x378: {  	vm2 =	vmand vm5, vm2  }
0x379: {  	v22 =	vsel vm2, $0x3F800000, v1  }
0x37a: {  	(xrf0) =	vmax.scan.msk.f32 $0xffff, v22;
	_ =	sdelay $0x5  }
0x37b: {  	v22, _, _ =	vpop (xrf0)  }
0x37c: {  	(v2sf) =	vpush v22, $0xF;
	_ =	sdelay $0x9  }
0x37d: {  	vm6 =	vlt.s32 v15, v18  }
0x37e: {  	v18 =	vsel vm6, v15, v18  }
0x37f: {  	v15 =	vsel vm3, v18, v15  }
0x380: {  	vm3 =	vlt.s32 v15, v19  }
0x381: {  	v18 =	vsel vm3, v15, v19  }
0x382: {  	v15 =	vsel vm4, v18, v15;
	s22 =	spop (v2sf)  }
0x383: {  	vm3 =	vlt.s32 v15, v20;
	p2 =	sgt.f32 s22, $0.0e+00  }
.Ltmp34:
0x384: {  	v18 =	vsel vm3, v15, v20;
	(pc) =	sbr.rel @p2 .LBB2_43-.Ltmp34, $4  }
0x385: {  	v15 =	vsel vm5, v18, v15  }
0x386: {  	vm3 =	vlt.s32 v15, v21  }
0x387: {  	v18 =	vsel vm3, v15, v21;
	v19 =	vsel vm2, $0xFFFFFFFF, v3  }
0x388: {  	v15 =	vsel vm2, v18, v15;
	v17 =	vadd.s32 v19, v17  }
.LBB2_44:
.Ltmp35:
0x389: {  	(pc) =	sbr.rel @!p1 .LBB2_45-.Ltmp35, $1  }
0x38a: {  	_ =	sdelay $0x3  }
0x38b: {  	vm7 =	vmmov vm1;
	_ =	sdelay $0x4  }
0x38c: {  	v18 =	vor.u32 $0x3F, v16;
	vm5 =	vmmov vm0;
	v17 =	vmov v14  }
.LBB2_47:
0x38d: {  	v19 =	vld.idx.msk [tilespmem:v16+s4+$0x0], vm7;
	_ =	sdelay $0x4  }
0x38e: {  	vm2 =	vle.s32 v19, v14  }
0x38f: {  	vm4 =	vgt.s32 v19, v14;
	vm3 =	vmand vm7, vm2  }
0x390: {  	vm2 =	vmand vm7, vm4;
	v20 =	vsel vm3, $0x1, v3  }
0x391: {  	vm2 =	vmor vm5, vm2;
	v16 =	vadd.s32 v20, v16  }
0x392: {  	vm5 =	vmneg vm2;
	vm4 =	vle.s32 v16, v18  }
0x393: {  	vm4 =	vmand vm4, vm5  }
0x394: {  	vm5 =	vmand vm1, vm4;
	_ =	sdelay $0x5  }
0x395: {  	v20 =	vld.idx.msk [tilespmem:v16+s4+$0x0], vm5;
	_ =	sdelay $0x4  }
0x396: {  	vm4 =	vle.s32 v20, v14  }
0x397: {  	vm6 =	vgt.s32 v20, v14;
	vm4 =	vmand vm5, vm4  }
0x398: {  	vm5 =	vmand vm6, vm5;
	v21 =	vsel vm4, $0x1, v3  }
0x399: {  	vm2 =	vmor vm2, vm5;
	v16 =	vadd.s32 v21, v16  }
0x39a: {  	vm6 =	vmneg vm2;
	vm5 =	vle.s32 v16, v18  }
0x39b: {  	vm5 =	vmand vm5, vm6  }
0x39c: {  	vm5 =	vmand vm1, vm5;
	_ =	sdelay $0x5  }
0x39d: {  	v21 =	vld.idx.msk [tilespmem:v16+s4+$0x0], vm5;
	_ =	sdelay $0x4  }
0x39e: {  	vm6 =	vle.s32 v21, v14  }
0x39f: {  	vm7 =	vgt.s32 v21, v14;
	vm6 =	vmand vm5, vm6  }
0x3a0: {  	vm5 =	vmand vm7, vm5;
	v22 =	vsel vm6, $0x1, v3  }
0x3a1: {  	vm2 =	vmor vm2, vm5;
	v16 =	vadd.s32 v22, v16  }
0x3a2: {  	vm7 =	vmneg vm2;
	vm5 =	vle.s32 v16, v18  }
0x3a3: {  	vm5 =	vmand vm5, vm7  }
0x3a4: {  	vm5 =	vmand vm1, vm5;
	_ =	sdelay $0x5  }
0x3a5: {  	v22 =	vld.idx.msk [tilespmem:v16+s4+$0x0], vm5;
	_ =	sdelay $0x4  }
0x3a6: {  	vm7 =	vgt.s32 v22, v14;
	vm8 =	vle.s32 v22, v14  }
0x3a7: {  	vm8 =	vmand vm5, vm8;
	vm5 =	vmand vm7, vm5  }
0x3a8: {  	vm5 =	vmor vm2, vm5;
	v23 =	vsel vm8, $0x1, v3  }
0x3a9: {  	v16 =	vadd.s32 v23, v16;
	vm2 =	vmneg vm5  }
0x3aa: {  	vm7 =	vle.s32 v16, v18;
	vm2 =	vmand vm1, vm2  }
0x3ab: {  	vm7 =	vmand vm7, vm2  }
0x3ac: {  	v63 =	vsel vm7, $0x3F800000, v1  }
0x3ad: {  	(xrf0) =	vmax.scan.msk.f32 $0xffff, v63;
	_ =	sdelay $0x5  }
0x3ae: {  	v23, _, _ =	vpop (xrf0)  }
0x3af: {  	(v2sf) =	vpush v23, $0xF;
	_ =	sdelay $0x9  }
0x3b0: {  	vm9 =	vlt.s32 v17, v19  }
0x3b1: {  	v19 =	vsel vm9, v17, v19  }
0x3b2: {  	v17 =	vsel vm3, v19, v17  }
0x3b3: {  	vm3 =	vlt.s32 v17, v20  }
0x3b4: {  	v19 =	vsel vm3, v17, v20  }
0x3b5: {  	v17 =	vsel vm4, v19, v17;
	s21 =	spop (v2sf)  }
0x3b6: {  	vm3 =	vlt.s32 v17, v21;
	p1 =	sgt.f32 s21, $0.0e+00  }
.Ltmp36:
0x3b7: {  	v19 =	vsel vm3, v17, v21;
	(pc) =	sbr.rel @p1 .LBB2_47-.Ltmp36, $4  }
0x3b8: {  	v17 =	vsel vm6, v19, v17  }
0x3b9: {  	vm3 =	vlt.s32 v17, v22  }
0x3ba: {  	v19 =	vsel vm3, v17, v22  }
0x3bb: {  	v17 =	vsel vm8, v19, v17  }
0x3bc: {  	v18 =	vsel vm2, $0x3F800000, v1  }
0x3bd: {  	(xrf0) =	vmax.scan.msk.f32 $0xffff, v18;
	_ =	sdelay $0x5  }
0x3be: {  	v18, _, _ =	vpop (xrf0)  }
0x3bf: {  	(v2sf) =	vpush v18, $0xF;
	_ =	sdelay $0xa  }
.Ltmp37:
0x3c0: {  	_ = 	snop;
	(pc) =	sbr.rel .LBB2_49-.Ltmp37, $2  }
0x3c1: {  	_ =	sdelay $0x2  }
0x3c2: {  	s21 =	spop (v2sf)  }
.LBB2_45:
0x3c3: {  	vm2 =	vmmov vm1;
	_ =	sdelay $0x4  }
0x3c4: {  	v17 =	vmov v14  }
.LBB2_49:
0x3c5: {  	p1 =	sgt.f32 s21, $0.0e+00  }
.Ltmp38:
0x3c6: {  	_ = 	snop;
	(pc) =	sbr.rel @!p1 .LBB2_54-.Ltmp38, $1  }
0x3c7: {  	_ =	sdelay $0x3  }
0x3c8: {  	vm1 =	vmmov vm2  }
0x3c9: {  	v16 =	vshra.s32 v16, $0x6;
	vm3 =	vmmov vm0  }
.LBB2_51:
0x3ca: {  	_ =	sdelay $0x3  }
0x3cb: {  	v18 =	vld.idx.msk [tilespmem:v16+s13+$0x0], vm1;
	_ =	sdelay $0x4  }
0x3cc: {  	vm4 =	vgt.s32 v18, v14  }
0x3cd: {  	vm4 =	vmand vm2, vm4  }
0x3ce: {  	vm5 =	vle.s32 v18, v14;
	vm3 =	vmor vm3, vm4  }
0x3cf: {  	vm4 =	vmand vm1, vm5;
	vm5 =	vmneg vm3  }
0x3d0: {  	v18 =	vsel vm4, $0x1, v3;
	vm5 =	vmand vm2, vm5  }
0x3d1: {  	v18 =	vadd.s32 v18, v16;
	_ =	sdelay $0x4  }
0x3d2: {  	v19 =	vld.idx.msk [tilespmem:v18+s13+$0x0], vm5;
	_ =	sdelay $0x4  }
0x3d3: {  	vm6 =	vgt.s32 v19, v14  }
0x3d4: {  	vm6 =	vmand vm2, vm6  }
0x3d5: {  	vm3 =	vmor vm3, vm6  }
0x3d6: {  	v16 =	vld.idx.msk [tilespmem:v16+s14+$0x0], vm1;
	vm1 =	vmneg vm3  }
0x3d7: {  	vm1 =	vmand vm2, vm1  }
0x3d8: {  	v20 =	vsel vm1, $0x3F800000, v1  }
0x3d9: {  	(xrf0) =	vmax.scan.msk.f32 $0xffff, v20;
	_ =	sdelay $0x5  }
0x3da: {  	v20, _, _ =	vpop (xrf0)  }
0x3db: {  	(v2sf) =	vpush v20, $0xF;
	_ =	sdelay $0xd  }
0x3dc: {  	v63 =	vld.idx.msk [tilespmem:v18+s14+$0x0], vm5  }
0x3dd: {  	s21 =	spop (v2sf)  }
0x3de: {  	vm15 =	vlt.s32 v17, v16;
	p1 =	sgt.f32 s21, $0.0e+00  }
.Ltmp39:
0x3df: {  	v16 =	vsel vm15, v17, v16;
	(pc) =	sbr.rel @p1 .LBB2_51-.Ltmp39, $4  }
0x3e0: {  	v16 =	vsel vm4, v16, v17;
	vm4 =	vle.s32 v19, v14  }
0x3e1: {  	vm4 =	vmand vm4, vm5;
	vm5 =	vlt.s32 v16, v63  }
0x3e2: {  	v17 =	vsel vm5, v16, v63;
	v19 =	vsel vm4, $0x1, v3  }
0x3e3: {  	v17 =	vsel vm4, v17, v16;
	v16 =	vadd.s32 v19, v18  }
0x3e4: {  	v16 =	vshll.u32 v16, $0x6  }
.LBB2_53:
0x3e5: {  	v18 =	vld.idx.msk [tilespmem:v16+s4+$0x0], vm2;
	_ =	sdelay $0x4  }
0x3e6: {  	vm1 =	vle.s32 v18, v14  }
0x3e7: {  	vm1 =	vmand vm2, vm1  }
0x3e8: {  	v19 =	vsel vm1, $0x1, v3  }
0x3e9: {  	v16 =	vadd.s32 v19, v16;
	_ =	sdelay $0x4  }
0x3ea: {  	v19 =	vld.idx.msk [tilespmem:v16+s4+$0x0], vm1;
	_ =	sdelay $0x4  }
0x3eb: {  	vm2 =	vle.s32 v19, v14  }
0x3ec: {  	vm3 =	vmand vm1, vm2  }
0x3ed: {  	v20 =	vsel vm3, $0x1, v3  }
0x3ee: {  	v16 =	vadd.s32 v20, v16;
	_ =	sdelay $0x4  }
0x3ef: {  	v20 =	vld.idx.msk [tilespmem:v16+s4+$0x0], vm3;
	_ =	sdelay $0x4  }
0x3f0: {  	vm2 =	vle.s32 v20, v14  }
0x3f1: {  	vm4 =	vmand vm3, vm2  }
0x3f2: {  	v21 =	vsel vm4, $0x1, v3  }
0x3f3: {  	v16 =	vadd.s32 v21, v16;
	_ =	sdelay $0x4  }
0x3f4: {  	v21 =	vld.idx.msk [tilespmem:v16+s4+$0x0], vm4;
	_ =	sdelay $0x4  }
0x3f5: {  	vm2 =	vle.s32 v21, v14  }
0x3f6: {  	vm2 =	vmand vm4, vm2  }
0x3f7: {  	v22 =	vsel vm2, $0x3F800000, v1  }
0x3f8: {  	(xrf0) =	vmax.scan.msk.f32 $0xffff, v22;
	_ =	sdelay $0x5  }
0x3f9: {  	v22, _, _ =	vpop (xrf0)  }
0x3fa: {  	(v2sf) =	vpush v22, $0xF;
	_ =	sdelay $0x9  }
0x3fb: {  	vm5 =	vlt.s32 v17, v18  }
0x3fc: {  	v18 =	vsel vm5, v17, v18  }
0x3fd: {  	v17 =	vsel vm1, v18, v17  }
0x3fe: {  	vm1 =	vlt.s32 v17, v19  }
0x3ff: {  	v18 =	vsel vm1, v17, v19  }
0x400: {  	v17 =	vsel vm3, v18, v17;
	s21 =	spop (v2sf)  }
0x401: {  	vm1 =	vlt.s32 v17, v20;
	p1 =	sgt.f32 s21, $0.0e+00  }
.Ltmp40:
0x402: {  	v18 =	vsel vm1, v17, v20;
	(pc) =	sbr.rel @p1 .LBB2_53-.Ltmp40, $4  }
0x403: {  	v17 =	vsel vm4, v18, v17  }
0x404: {  	vm1 =	vlt.s32 v17, v21  }
0x405: {  	v18 =	vsel vm1, v17, v21;
	v19 =	vsel vm2, $0x1, v3  }
0x406: {  	v17 =	vsel vm2, v18, v17;
	v16 =	vadd.s32 v19, v16  }
.Ltmp41:
0x407: {  	_ = 	snop;
	(pc) =	sbr.rel .LBB2_54-.Ltmp41, $1  }
0x408: {  	_ =	sdelay $0x3  }
.LBB2_29:
.Ltmp42:
0x409: {  	(pc) =	sbr.rel .LBB2_33-.Ltmp42, $2  }
0x40a: {  	_ =	sdelay $0x2  }
0x40b: {  	s23 =	simm.s32 $0x0;
	s19 =	simm.s32 $0xC490  }
.LBB2_31:
.Ltmp43:
0x40c: {  	(pc) =	sbr.rel .LBB2_33-.Ltmp43, $2  }
0x40d: {  	_ =	sdelay $0x2  }
0x40e: {  	s23 =	simm.s32 $0x0;
	s19 =	simm.s32 $0xC490  }
.LBB2_57:
0x40f: {  	_ =	sfence.sel $0x180000  }
0x410: {  	[bflag:$0x0] =	sbarrier.arrive $0xFFFF  }
0x411: {  	p0 =	sne.s32 s3, $0x0;
	_ =	strace $0x90000047  }
0x412: {  	s0 =	sadd.s32 @!p0 $0x100000, s0;
	[bflag:$0x2] =	sbarrier.arrive $0xFFFF  }
0x413: {  	[sflag:s0] =	ssyncadd.tile.s32 @!p0 $0x1;
	_ =	shalt  }
.Lfunc_end2:
_tile_overlayer_lowered:
.L_overlay_start_2:
0x414: {  	(tag) =	ssettag $0x2  }
0x415: {  	s0 =	rddreg [dreg:$0x0];
	s2 =	stileid.u32  }
0x416: {  	s1 =	rddreg [dreg:$0x1];
	p0 =	sne.s32 s2, $0x0  }
0x417: {  	s3 =	rddreg [dreg:$0x2];
	[bflag:$0x3] =	sbarrier.arrive $0xFFFF;
	s2 =	simm.s32 @!p0 $0x1C01  }
0x418: {  	[timem:s3], [sflag:s2] =	dma.local @!p0 [hbm:s0], s1  }
0x419: {  	s0 =	simm.s32 @!p0 $0x1  }
0x41a: {  	_ =	swait.ge @!p0 [sflag:s0], s1  }
0x41b: {  	s1 =	ssub.s32 @!p0 $0x0, s1;
	[sflag:s0] =	ssyncset.done @!p0 $0x0  }
0x41c: {  	[sflag:s0] =	ssyncadd.s32 @!p0 s1  }
0x41d: {  	[bflag:$0x3] =	sbarrier.arrive $0xFFFF  }
0x41e: {  	_ =	shalt  }

</sc_bundles>
